<compile_context>
chip_gen: v7x
topology: tpu7x:2x2x1
jax: 0.10.2.dev20260603
libtpu: 0.0.44.dev20260713+nightly
codegen_flags: <defaults>
</compile_context>

<pallas_src>
import functools

import jax
import jax.numpy as jnp
from jax import lax
from jax.experimental import pallas as pl
from jax.experimental.pallas import tpu as pltpu
from jax.experimental.pallas import tpu_sc as plsc

N_NODES = 100000
DIM = 128
NUM_GRAPHS = 512
NUM_CORES = 2
NUM_SUBCORES = 16
NW = NUM_CORES * NUM_SUBCORES

BLK = 128
NB_FULL = N_NODES // BLK
TAIL = N_NODES - NB_FULL * BLK
MAX_BLKS_PER_W = (NB_FULL + NW - 1) // NW
ROWS_PER_TILE = NUM_GRAPHS // NUM_SUBCORES
HIST = NUM_GRAPHS * 16


def _sc_pool_body(x_hbm, ids_hbm, sums_out, cnt_out,
                  rows0, idx0, rows1, idx1, zrow_v, trows_v, tidx_v,
                  cnt2_v, tmp_v, ocnt_v, in0, in1, acc_sh, slot_sh):
    cid = lax.axis_index("c")
    sid = lax.axis_index("s")
    wid = sid * NUM_CORES + cid
    lanes = lax.iota(jnp.int32, 16)
    one16 = jnp.full((16,), 1.0, dtype=jnp.float32)
    zero16 = jnp.zeros((16,), dtype=jnp.float32)
    sync = pltpu.sync_copy

    def zc(r, carry):
        plsc.store_scatter(cnt2_v, [r * 16 + lanes], zero16)
        return carry
    lax.fori_loop(0, NUM_GRAPHS, zc, 0)
    for r in range(ROWS_PER_TILE):
        for j in range(DIM // 16):
            zrow_v[r, pl.ds(j * 16, 16)] = zero16
    sync(zrow_v, acc_sh.at[pl.ds(sid * ROWS_PER_TILE, ROWS_PER_TILE), :])
    plsc.subcore_barrier()

    def start_in(i, idxb, rowsb, sem):
        b = wid + i * NW

        @pl.when(b < NB_FULL)
        def _():
            r0 = b * BLK
            pltpu.async_copy(ids_hbm.at[pl.ds(r0, BLK)], idxb, sem)
            pltpu.async_copy(x_hbm.at[pl.ds(r0, BLK), :], rowsb, sem)

    def finish(i, idxb, rowsb, sem):
        b = wid + i * NW

        @pl.when(b < NB_FULL)
        def _():
            pltpu.make_async_copy(ids_hbm.at[pl.ds(0, BLK)], idxb, sem).wait()
            pltpu.make_async_copy(x_hbm.at[pl.ds(0, BLK), :], rowsb,
                                  sem).wait()
            sync(rowsb, acc_sh.at[idxb], add=True)
            for k in range(BLK // 16):
                seg = idxb[pl.ds(k * 16, 16)]
                plsc.addupdate_scatter(cnt2_v, [seg * 16 + lanes], one16)

    start_in(0, idx0, rows0, in0)

    def pair(j, carry):
        i0 = 2 * j
        start_in(i0 + 1, idx1, rows1, in1)
        finish(i0, idx0, rows0, in0)
        start_in(i0 + 2, idx0, rows0, in0)
        finish(i0 + 1, idx1, rows1, in1)
        return carry

    lax.fori_loop(0, (MAX_BLKS_PER_W + 1) // 2, pair, 0)

    @pl.when(wid == 0)
    def _():
        r0 = NB_FULL * BLK
        sync(ids_hbm.at[pl.ds(r0, TAIL)], tidx_v)
        sync(x_hbm.at[pl.ds(r0, TAIL), :], trows_v)
        sync(trows_v, acc_sh.at[tidx_v], add=True)
        for k in range(TAIL // 16):
            seg = tidx_v[pl.ds(k * 16, 16)]
            plsc.addupdate_scatter(cnt2_v, [seg * 16 + lanes], one16)

    sync(cnt2_v, slot_sh.at[sid])
    plsc.subcore_barrier()

    base = cid * NUM_GRAPHS + sid * ROWS_PER_TILE
    sync(acc_sh.at[pl.ds(sid * ROWS_PER_TILE, ROWS_PER_TILE), :],
         sums_out.at[pl.ds(base, ROWS_PER_TILE), :])

    sync(slot_sh.at[:, pl.ds(sid * ROWS_PER_TILE * 16, ROWS_PER_TILE * 16)],
         tmp_v)
    for g in range(ROWS_PER_TILE):
        tot = tmp_v[0, pl.ds(g * 16, 16)]
        for t in range(1, NUM_SUBCORES):
            tot = tot + tmp_v[t, pl.ds(g * 16, 16)]
        ocnt_v[pl.ds(g * 16, 16)] = tot
    sync(ocnt_v, cnt_out.at[pl.ds((cid * NUM_GRAPHS + sid * ROWS_PER_TILE) * 16,
                                  ROWS_PER_TILE * 16)])


_sc_pool = functools.partial(
    pl.kernel,
    out_type=[
        jax.ShapeDtypeStruct((NUM_CORES * NUM_GRAPHS, DIM), jnp.float32),
        jax.ShapeDtypeStruct((NUM_CORES * NUM_GRAPHS * 16,), jnp.float32),
    ],
    mesh=plsc.VectorSubcoreMesh(core_axis_name="c", subcore_axis_name="s"),
    compiler_params=pltpu.CompilerParams(needs_layout_passes=False),
    scratch_types=[
        pltpu.VMEM((BLK, DIM), jnp.float32),
        pltpu.VMEM((BLK,), jnp.int32),
        pltpu.VMEM((BLK, DIM), jnp.float32),
        pltpu.VMEM((BLK,), jnp.int32),
        pltpu.VMEM((ROWS_PER_TILE, DIM), jnp.float32),
        pltpu.VMEM((TAIL, DIM), jnp.float32),
        pltpu.VMEM((TAIL,), jnp.int32),
        pltpu.VMEM((HIST,), jnp.float32),
        pltpu.VMEM((NUM_SUBCORES, ROWS_PER_TILE * 16), jnp.float32),
        pltpu.VMEM((ROWS_PER_TILE * 16,), jnp.float32),
        pltpu.SemaphoreType.DMA,
        pltpu.SemaphoreType.DMA,
        pltpu.VMEM_SHARED((NUM_GRAPHS, DIM), jnp.float32),
        pltpu.VMEM_SHARED((NUM_SUBCORES, HIST), jnp.float32),
    ],
)(_sc_pool_body)


def _mlp_body(sums_ref, cnt_ref, u_ref, w1_ref, b1_ref, w2_ref, b2_ref, out_ref):
    s = sums_ref[0:NUM_GRAPHS, :] + sums_ref[NUM_GRAPHS:2 * NUM_GRAPHS, :]
    c16 = cnt_ref[0:NUM_GRAPHS, :] + cnt_ref[NUM_GRAPHS:2 * NUM_GRAPHS, :]
    c = jnp.sum(c16, axis=1, keepdims=True)
    mean = s / jnp.maximum(c, 1.0)
    hp = jnp.dot(mean, w1_ref[0:DIM, :], preferred_element_type=jnp.float32)
    h = jnp.maximum(hp + u_ref[...] * w1_ref[DIM:DIM + 1, :] + b1_ref[...], 0.0)
    out_ref[...] = jnp.dot(h, w2_ref[...],
                           preferred_element_type=jnp.float32) + b2_ref[...]


def kernel(x, segment_ids, u, y, W1, b1, W2, b2):
    ids32 = segment_ids.astype(jnp.int32)
    sums2, counts2 = _sc_pool(x, ids32)
    counts2 = counts2.reshape(NUM_CORES * NUM_GRAPHS, 16)
    pred = pl.pallas_call(
        _mlp_body,
        out_shape=jax.ShapeDtypeStruct((NUM_GRAPHS, 1), jnp.float32),
    )(sums2, counts2, u, W1, b1.reshape(1, -1), W2, b2.reshape(1, 1))
    return (pred, y)

# --- scband reference (transcript-rebuilt; emitter-appended) ---
"""Pipeline reference for scband-graph-head-with-global-feat-83339545412197 (READ-ONLY COPY).

The authoritative reference and input builder live on the scoring server;
editing this copy changes nothing except your own understanding.
"""

import jax, jax.numpy as jnp
import numpy as np

N_NODES = 100000
DIM_IN = 128
NUM_GRAPHS = 512
COMBINED = DIM_IN + 1  # pooled + global feat
DIM_OUT = 1


def setup_inputs(seed: int = 0) -> dict:
    key = jax.random.key(seed)
    k_x, k_seg, k_u, k_y, k_w1, k_b1, k_w2, k_b2 = jax.random.split(key, 8)
    x = jax.random.normal(k_x, (N_NODES, DIM_IN), dtype=jnp.float32)
    segment_ids = jnp.sort(jax.random.randint(k_seg, (N_NODES,), 0, NUM_GRAPHS, dtype=jnp.int64))
    u = jax.random.normal(k_u, (NUM_GRAPHS, 1), dtype=jnp.float32)
    y = jax.random.normal(k_y, (NUM_GRAPHS, DIM_OUT), dtype=jnp.float32)
    # MLP params (layers_post_mp = 2): combined -> combined (relu) -> dim_out
    W1 = jax.random.normal(k_w1, (COMBINED, COMBINED), dtype=jnp.float32) * (1.0 / np.sqrt(COMBINED))
    b1 = jnp.zeros((COMBINED,), dtype=jnp.float32)
    W2 = jax.random.normal(k_w2, (COMBINED, DIM_OUT), dtype=jnp.float32) * (1.0 / np.sqrt(COMBINED))
    b2 = jnp.zeros((DIM_OUT,), dtype=jnp.float32)
    return {"x": x, "segment_ids": segment_ids, "u": u, "y": y,
            "W1": W1, "b1": b1, "W2": W2, "b2": b2}


def reference(x, segment_ids, u, y, W1, b1, W2, b2):
    # pooling_fun: global mean pool over graphs (segment mean)
    sums = jax.ops.segment_sum(x, segment_ids, num_segments=NUM_GRAPHS)
    counts = jax.ops.segment_sum(jnp.ones((x.shape[0], 1), dtype=x.dtype), segment_ids, num_segments=NUM_GRAPHS)
    graph_emb = sums / jnp.maximum(counts, 1.0)
    # concat global feature u (already [num_graphs, 1])
    graph_emb = jnp.concatenate([graph_emb, u.astype(graph_emb.dtype)], axis=1)
    # MLP: linear -> relu -> linear (no final act)
    h = jax.nn.relu(graph_emb @ W1 + b1)
    pred = h @ W2 + b2
    return (pred, y)

if __name__ == "__main__":
    import jax
    _d = setup_inputs()
    print(jax.jit(kernel)(*tuple(_d.values())))

</pallas_src>

<mosaic_0001>
#map = affine_map<(d0, d1) -> (0, 0)>
#map1 = affine_map<(d0, d1) -> (0)>
module attributes {stable_mosaic.version = 14 : i64} {
  func.func @_sc_pool_body(%arg0: i32, %arg1: i32, %arg2: memref<100000x128xf32, #tpu.memory_space<hbm>>, %arg3: memref<100000xi32, #tpu.memory_space<hbm>>, %arg4: memref<1024x128xf32, #tpu.memory_space<hbm>>, %arg5: memref<16384xf32, #tpu.memory_space<hbm>>, %arg6: memref<128x128xf32, #tpu.memory_space<vmem>>, %arg7: memref<128xi32, #tpu.memory_space<vmem>>, %arg8: memref<128x128xf32, #tpu.memory_space<vmem>>, %arg9: memref<128xi32, #tpu.memory_space<vmem>>, %arg10: memref<32x128xf32, #tpu.memory_space<vmem>>, %arg11: memref<32x128xf32, #tpu.memory_space<vmem>>, %arg12: memref<32xi32, #tpu.memory_space<vmem>>, %arg13: memref<8192xf32, #tpu.memory_space<vmem>>, %arg14: memref<16x512xf32, #tpu.memory_space<vmem>>, %arg15: memref<512xf32, #tpu.memory_space<vmem>>, %arg16: memref<!tpu.dma_semaphore, #tpu.memory_space<semaphore_mem>>, %arg17: memref<!tpu.dma_semaphore, #tpu.memory_space<semaphore_mem>>, %arg18: memref<512x128xf32, #tpu.memory_space<vmem_shared>>, %arg19: memref<16x8192xf32, #tpu.memory_space<vmem_shared>>) attributes {dimension_semantics = [#tpu.dimension_semantics<core_parallel>, #tpu.dimension_semantics<subcore_parallel>], iteration_bounds = array<i64: 2, 16>, scalar_prefetch = 0 : i64, scratch_operands = 14 : i64, tpu.core_type = #tpu.core_type<sc_vector_subcore>, window_params = [{transform_indices = #map}, {transform_indices = #map1}, {transform_indices = #map}, {transform_indices = #map1}]} {
    %mul3A = arith.constant 2 : i32
    %mul3A_0 = arith.muli %arg1, %mul3A : i32
    %add3A = arith.addi %mul3A_0, %arg0 : i32
    %iota3A = tpu.iota {dimensions = array<i32: 0>} : vector<16xi32>
    %broadcast_in_dim3A = arith.constant 1.000000e+00 : f32
    %broadcast_in_dim3A_1 = vector.broadcast %broadcast_in_dim3A : f32 to vector<16xf32>
    %broadcast_in_dim3A_2 = arith.constant 0.000000e+00 : f32
    %broadcast_in_dim3A_3 = vector.broadcast %broadcast_in_dim3A_2 : f32 to vector<16xf32>
    %scan3A = arith.constant 0 : i32
    %scan3A_4 = arith.constant 0 : i32
    %scan3A_5 = arith.constant 512 : i32
    %scan3A_6 = arith.addi %scan3A_4, %scan3A_5 : i32
    %scan3A_7 = arith.constant 1 : i32
    scf.for %scan3A_3658 = %scan3A_4 to %scan3A_6 step %scan3A_7  : i32 {
      %mul3A_3659 = arith.constant 16 : i32
      %mul3A_3660 = arith.muli %scan3A_3658, %mul3A_3659 : i32
      %add3A_3661 = vector.broadcast %mul3A_3660 : i32 to vector<16xi32>
      %add3A_3662 = arith.addi %add3A_3661, %iota3A : vector<16xi32>
      tpu.vector_store_idx %arg13[%add3A_3662], %broadcast_in_dim3A_3 : memref<8192xf32, #tpu.memory_space<vmem>>[vector<16xi32>], vector<16xf32>,
    }
    %scan3A_8 = arith.constant 512 : i32
    %swap3A = arith.constant 0 : i32
    %swap3A_9 = arith.index_cast %swap3A : i32 to index
    %swap3A_10 = arith.constant 0 : index
    %swap3A_11 = tpu.vector_load %arg10[%swap3A_9, %swap3A_10] {strides = array<i32>} : memref<32x128xf32, #tpu.memory_space<vmem>>, vector<16xf32>,
    tpu.vector_store %arg10[%swap3A_9, %swap3A_10], %broadcast_in_dim3A_3 {strides = array<i32>} : memref<32x128xf32, #tpu.memory_space<vmem>>, vector<16xf32>,
    %swap3A_12 = arith.constant 0 : i32
    %swap3A_13 = arith.index_cast %swap3A_12 : i32 to index
    %swap3A_14 = arith.constant 16 : index
    %swap3A_15 = tpu.vector_load %arg10[%swap3A_13, %swap3A_14] {strides = array<i32>} : memref<32x128xf32, #tpu.memory_space<vmem>>, vector<16xf32>,
    tpu.vector_store %arg10[%swap3A_13, %swap3A_14], %broadcast_in_dim3A_3 {strides = array<i32>} : memref<32x128xf32, #tpu.memory_space<vmem>>, vector<16xf32>,
    %swap3A_16 = arith.constant 0 : i32
    %swap3A_17 = arith.index_cast %swap3A_16 : i32 to index
    %swap3A_18 = arith.constant 32 : index
    %swap3A_19 = tpu.vector_load %arg10[%swap3A_17, %swap3A_18] {strides = array<i32>} : memref<32x128xf32, #tpu.memory_space<vmem>>, vector<16xf32>,
    tpu.vector_store %arg10[%swap3A_17, %swap3A_18], %broadcast_in_dim3A_3 {strides = array<i32>} : memref<32x128xf32, #tpu.memory_space<vmem>>, vector<16xf32>,
    %swap3A_20 = arith.constant 0 : i32
    %swap3A_21 = arith.index_cast %swap3A_20 : i32 to index
    %swap3A_22 = arith.constant 48 : index
    %swap3A_23 = tpu.vector_load %arg10[%swap3A_21, %swap3A_22] {strides = array<i32>} : memref<32x128xf32, #tpu.memory_space<vmem>>, vector<16xf32>,
    tpu.vector_store %arg10[%swap3A_21, %swap3A_22], %broadcast_in_dim3A_3 {strides = array<i32>} : memref<32x128xf32, #tpu.memory_space<vmem>>, vector<16xf32>,
    %swap3A_24 = arith.constant 0 : i32
    %swap3A_25 = arith.index_cast %swap3A_24 : i32 to index
    %swap3A_26 = arith.constant 64 : index
    %swap3A_27 = tpu.vector_load %arg10[%swap3A_25, %swap3A_26] {strides = array<i32>} : memref<32x128xf32, #tpu.memory_space<vmem>>, vector<16xf32>,
    tpu.vector_store %arg10[%swap3A_25, %swap3A_26], %broadcast_in_dim3A_3 {strides = array<i32>} : memref<32x128xf32, #tpu.memory_space<vmem>>, vector<16xf32>,
    %swap3A_28 = arith.constant 0 : i32
    %swap3A_29 = arith.index_cast %swap3A_28 : i32 to index
    %swap3A_30 = arith.constant 80 : index
    %swap3A_31 = tpu.vector_load %arg10[%swap3A_29, %swap3A_30] {strides = array<i32>} : memref<32x128xf32, #tpu.memory_space<vmem>>, vector<16xf32>,
    tpu.vector_store %arg10[%swap3A_29, %swap3A_30], %broadcast_in_dim3A_3 {strides = array<i32>} : memref<32x128xf32, #tpu.memory_space<vmem>>, vector<16xf32>,
    %swap3A_32 = arith.constant 0 : i32
    %swap3A_33 = arith.index_cast %swap3A_32 : i32 to index
    %swap3A_34 = arith.constant 96 : index
    %swap3A_35 = tpu.vector_load %arg10[%swap3A_33, %swap3A_34] {strides = array<i32>} : memref<32x128xf32, #tpu.memory_space<vmem>>, vector<16xf32>,
    tpu.vector_store %arg10[%swap3A_33, %swap3A_34], %broadcast_in_dim3A_3 {strides = array<i32>} : memref<32x128xf32, #tpu.memory_space<vmem>>, vector<16xf32>,
    %swap3A_36 = arith.constant 0 : i32
    %swap3A_37 = arith.index_cast %swap3A_36 : i32 to index
    %swap3A_38 = arith.constant 112 : index
    %swap3A_39 = tpu.vector_load %arg10[%swap3A_37, %swap3A_38] {strides = array<i32>} : memref<32x128xf32, #tpu.memory_space<vmem>>, vector<16xf32>,
    tpu.vector_store %arg10[%swap3A_37, %swap3A_38], %broadcast_in_dim3A_3 {strides = array<i32>} : memref<32x128xf32, #tpu.memory_space<vmem>>, vector<16xf32>,
    %swap3A_40 = arith.constant 1 : i32
    %swap3A_41 = arith.index_cast %swap3A_40 : i32 to index
    %swap3A_42 = arith.constant 0 : index
    %swap3A_43 = tpu.vector_load %arg10[%swap3A_41, %swap3A_42] {strides = array<i32>} : memref<32x128xf32, #tpu.memory_space<vmem>>, vector<16xf32>,
    tpu.vector_store %arg10[%swap3A_41, %swap3A_42], %broadcast_in_dim3A_3 {strides = array<i32>} : memref<32x128xf32, #tpu.memory_space<vmem>>, vector<16xf32>,
    %swap3A_44 = arith.constant 1 : i32
    %swap3A_45 = arith.index_cast %swap3A_44 : i32 to index
    %swap3A_46 = arith.constant 16 : index
    %swap3A_47 = tpu.vector_load %arg10[%swap3A_45, %swap3A_46] {strides = array<i32>} : memref<32x128xf32, #tpu.memory_space<vmem>>, vector<16xf32>,
    tpu.vector_store %arg10[%swap3A_45, %swap3A_46], %broadcast_in_dim3A_3 {strides = array<i32>} : memref<32x128xf32, #tpu.memory_space<vmem>>, vector<16xf32>,
    %swap3A_48 = arith.constant 1 : i32
    %swap3A_49 = arith.index_cast %swap3A_48 : i32 to index
    %swap3A_50 = arith.constant 32 : index
    %swap3A_51 = tpu.vector_load %arg10[%swap3A_49, %swap3A_50] {strides = array<i32>} : memref<32x128xf32, #tpu.memory_space<vmem>>, vector<16xf32>,
    tpu.vector_store %arg10[%swap3A_49, %swap3A_50], %broadcast_in_dim3A_3 {strides = array<i32>} : memref<32x128xf32, #tpu.memory_space<vmem>>, vector<16xf32>,
    %swap3A_52 = arith.constant 1 : i32
    %swap3A_53 = arith.index_cast %swap3A_52 : i32 to index
    %swap3A_54 = arith.constant 48 : index
    %swap3A_55 = tpu.vector_load %arg10[%swap3A_53, %swap3A_54] {strides = array<i32>} : memref<32x128xf32, #tpu.memory_space<vmem>>, vector<16xf32>,
    tpu.vector_store %arg10[%swap3A_53, %swap3A_54], %broadcast_in_dim3A_3 {strides = array<i32>} : memref<32x128xf32, #tpu.memory_space<vmem>>, vector<16xf32>,
    %swap3A_56 = arith.constant 1 : i32
    %swap3A_57 = arith.index_cast %swap3A_56 : i32 to index
    %swap3A_58 = arith.constant 64 : index
    %swap3A_59 = tpu.vector_load %arg10[%swap3A_57, %swap3A_58] {strides = array<i32>} : memref<32x128xf32, #tpu.memory_space<vmem>>, vector<16xf32>,
    tpu.vector_store %arg10[%swap3A_57, %swap3A_58], %broadcast_in_dim3A_3 {strides = array<i32>} : memref<32x128xf32, #tpu.memory_space<vmem>>, vector<16xf32>,
    %swap3A_60 = arith.constant 1 : i32
    %swap3A_61 = arith.index_cast %swap3A_60 : i32 to index
    %swap3A_62 = arith.constant 80 : index
    %swap3A_63 = tpu.vector_load %arg10[%swap3A_61, %swap3A_62] {strides = array<i32>} : memref<32x128xf32, #tpu.memory_space<vmem>>, vector<16xf32>,
    tpu.vector_store %arg10[%swap3A_61, %swap3A_62], %broadcast_in_dim3A_3 {strides = array<i32>} : memref<32x128xf32, #tpu.memory_space<vmem>>, vector<16xf32>,
    %swap3A_64 = arith.constant 1 : i32
    %swap3A_65 = arith.index_cast %swap3A_64 : i32 to index
    %swap3A_66 = arith.constant 96 : index
    %swap3A_67 = tpu.vector_load %arg10[%swap3A_65, %swap3A_66] {strides = array<i32>} : memref<32x128xf32, #tpu.memory_space<vmem>>, vector<16xf32>,
    tpu.vector_store %arg10[%swap3A_65, %swap3A_66], %broadcast_in_dim3A_3 {strides = array<i32>} : memref<32x128xf32, #tpu.memory_space<vmem>>, vector<16xf32>,
    %swap3A_68 = arith.constant 1 : i32
    %swap3A_69 = arith.index_cast %swap3A_68 : i32 to index
    %swap3A_70 = arith.constant 112 : index
    %swap3A_71 = tpu.vector_load %arg10[%swap3A_69, %swap3A_70] {strides = array<i32>} : memref<32x128xf32, #tpu.memory_space<vmem>>, vector<16xf32>,
    tpu.vector_store %arg10[%swap3A_69, %swap3A_70], %broadcast_in_dim3A_3 {strides = array<i32>} : memref<32x128xf32, #tpu.memory_space<vmem>>, vector<16xf32>,
    %swap3A_72 = arith.constant 2 : i32
    %swap3A_73 = arith.index_cast %swap3A_72 : i32 to index
    %swap3A_74 = arith.constant 0 : index
    %swap3A_75 = tpu.vector_load %arg10[%swap3A_73, %swap3A_74] {strides = array<i32>} : memref<32x128xf32, #tpu.memory_space<vmem>>, vector<16xf32>,
    tpu.vector_store %arg10[%swap3A_73, %swap3A_74], %broadcast_in_dim3A_3 {strides = array<i32>} : memref<32x128xf32, #tpu.memory_space<vmem>>, vector<16xf32>,
    %swap3A_76 = arith.constant 2 : i32
    %swap3A_77 = arith.index_cast %swap3A_76 : i32 to index
    %swap3A_78 = arith.constant 16 : index
    %swap3A_79 = tpu.vector_load %arg10[%swap3A_77, %swap3A_78] {strides = array<i32>} : memref<32x128xf32, #tpu.memory_space<vmem>>, vector<16xf32>,
    tpu.vector_store %arg10[%swap3A_77, %swap3A_78], %broadcast_in_dim3A_3 {strides = array<i32>} : memref<32x128xf32, #tpu.memory_space<vmem>>, vector<16xf32>,
    %swap3A_80 = arith.constant 2 : i32
    %swap3A_81 = arith.index_cast %swap3A_80 : i32 to index
    %swap3A_82 = arith.constant 32 : index
    %swap3A_83 = tpu.vector_load %arg10[%swap3A_81, %swap3A_82] {strides = array<i32>} : memref<32x128xf32, #tpu.memory_space<vmem>>, vector<16xf32>,
    tpu.vector_store %arg10[%swap3A_81, %swap3A_82], %broadcast_in_dim3A_3 {strides = array<i32>} : memref<32x128xf32, #tpu.memory_space<vmem>>, vector<16xf32>,
    %swap3A_84 = arith.constant 2 : i32
    %swap3A_85 = arith.index_cast %swap3A_84 : i32 to index
    %swap3A_86 = arith.constant 48 : index
    %swap3A_87 = tpu.vector_load %arg10[%swap3A_85, %swap3A_86] {strides = array<i32>} : memref<32x128xf32, #tpu.memory_space<vmem>>, vector<16xf32>,
    tpu.vector_store %arg10[%swap3A_85, %swap3A_86], %broadcast_in_dim3A_3 {strides = array<i32>} : memref<32x128xf32, #tpu.memory_space<vmem>>, vector<16xf32>,
    %swap3A_88 = arith.constant 2 : i32
    %swap3A_89 = arith.index_cast %swap3A_88 : i32 to index
    %swap3A_90 = arith.constant 64 : index
    %swap3A_91 = tpu.vector_load %arg10[%swap3A_89, %swap3A_90] {strides = array<i32>} : memref<32x128xf32, #tpu.memory_space<vmem>>, vector<16xf32>,
    tpu.vector_store %arg10[%swap3A_89, %swap3A_90], %broadcast_in_dim3A_3 {strides = array<i32>} : memref<32x128xf32, #tpu.memory_space<vmem>>, vector<16xf32>,
    %swap3A_92 = arith.constant 2 : i32
    %swap3A_93 = arith.index_cast %swap3A_92 : i32 to index
    %swap3A_94 = arith.constant 80 : index
    %swap3A_95 = tpu.vector_load %arg10[%swap3A_93, %swap3A_94] {strides = array<i32>} : memref<32x128xf32, #tpu.memory_space<vmem>>, vector<16xf32>,
    tpu.vector_store %arg10[%swap3A_93, %swap3A_94], %broadcast_in_dim3A_3 {strides = array<i32>} : memref<32x128xf32, #tpu.memory_space<vmem>>, vector<16xf32>,
    %swap3A_96 = arith.constant 2 : i32
    %swap3A_97 = arith.index_cast %swap3A_96 : i32 to index
    %swap3A_98 = arith.constant 96 : index
    %swap3A_99 = tpu.vector_load %arg10[%swap3A_97, %swap3A_98] {strides = array<i32>} : memref<32x128xf32, #tpu.memory_space<vmem>>, vector<16xf32>,
    tpu.vector_store %arg10[%swap3A_97, %swap3A_98], %broadcast_in_dim3A_3 {strides = array<i32>} : memref<32x128xf32, #tpu.memory_space<vmem>>, vector<16xf32>,
    %swap3A_100 = arith.constant 2 : i32
    %swap3A_101 = arith.index_cast %swap3A_100 : i32 to index
    %swap3A_102 = arith.constant 112 : index
    %swap3A_103 = tpu.vector_load %arg10[%swap3A_101, %swap3A_102] {strides = array<i32>} : memref<32x128xf32, #tpu.memory_space<vmem>>, vector<16xf32>,
    tpu.vector_store %arg10[%swap3A_101, %swap3A_102], %broadcast_in_dim3A_3 {strides = array<i32>} : memref<32x128xf32, #tpu.memory_space<vmem>>, vector<16xf32>,
    %swap3A_104 = arith.constant 3 : i32
    %swap3A_105 = arith.index_cast %swap3A_104 : i32 to index
    %swap3A_106 = arith.constant 0 : index
    %swap3A_107 = tpu.vector_load %arg10[%swap3A_105, %swap3A_106] {strides = array<i32>} : memref<32x128xf32, #tpu.memory_space<vmem>>, vector<16xf32>,
    tpu.vector_store %arg10[%swap3A_105, %swap3A_106], %broadcast_in_dim3A_3 {strides = array<i32>} : memref<32x128xf32, #tpu.memory_space<vmem>>, vector<16xf32>,
    %swap3A_108 = arith.constant 3 : i32
    %swap3A_109 = arith.index_cast %swap3A_108 : i32 to index
    %swap3A_110 = arith.constant 16 : index
    %swap3A_111 = tpu.vector_load %arg10[%swap3A_109, %swap3A_110] {strides = array<i32>} : memref<32x128xf32, #tpu.memory_space<vmem>>, vector<16xf32>,
    tpu.vector_store %arg10[%swap3A_109, %swap3A_110], %broadcast_in_dim3A_3 {strides = array<i32>} : memref<32x128xf32, #tpu.memory_space<vmem>>, vector<16xf32>,
    %swap3A_112 = arith.constant 3 : i32
    %swap3A_113 = arith.index_cast %swap3A_112 : i32 to index
    %swap3A_114 = arith.constant 32 : index
    %swap3A_115 = tpu.vector_load %arg10[%swap3A_113, %swap3A_114] {strides = array<i32>} : memref<32x128xf32, #tpu.memory_space<vmem>>, vector<16xf32>,
    tpu.vector_store %arg10[%swap3A_113, %swap3A_114], %broadcast_in_dim3A_3 {strides = array<i32>} : memref<32x128xf32, #tpu.memory_space<vmem>>, vector<16xf32>,
    %swap3A_116 = arith.constant 3 : i32
    %swap3A_117 = arith.index_cast %swap3A_116 : i32 to index
    %swap3A_118 = arith.constant 48 : index
    %swap3A_119 = tpu.vector_load %arg10[%swap3A_117, %swap3A_118] {strides = array<i32>} : memref<32x128xf32, #tpu.memory_space<vmem>>, vector<16xf32>,
    tpu.vector_store %arg10[%swap3A_117, %swap3A_118], %broadcast_in_dim3A_3 {strides = array<i32>} : memref<32x128xf32, #tpu.memory_space<vmem>>, vector<16xf32>,
    %swap3A_120 = arith.constant 3 : i32
    %swap3A_121 = arith.index_cast %swap3A_120 : i32 to index
    %swap3A_122 = arith.constant 64 : index
    %swap3A_123 = tpu.vector_load %arg10[%swap3A_121, %swap3A_122] {strides = array<i32>} : memref<32x128xf32, #tpu.memory_space<vmem>>, vector<16xf32>,
    tpu.vector_store %arg10[%swap3A_121, %swap3A_122], %broadcast_in_dim3A_3 {strides = array<i32>} : memref<32x128xf32, #tpu.memory_space<vmem>>, vector<16xf32>,
    %swap3A_124 = arith.constant 3 : i32
    %swap3A_125 = arith.index_cast %swap3A_124 : i32 to index
    %swap3A_126 = arith.constant 80 : index
    %swap3A_127 = tpu.vector_load %arg10[%swap3A_125, %swap3A_126] {strides = array<i32>} : memref<32x128xf32, #tpu.memory_space<vmem>>, vector<16xf32>,
    tpu.vector_store %arg10[%swap3A_125, %swap3A_126], %broadcast_in_dim3A_3 {strides = array<i32>} : memref<32x128xf32, #tpu.memory_space<vmem>>, vector<16xf32>,
    %swap3A_128 = arith.constant 3 : i32
    %swap3A_129 = arith.index_cast %swap3A_128 : i32 to index
    %swap3A_130 = arith.constant 96 : index
    %swap3A_131 = tpu.vector_load %arg10[%swap3A_129, %swap3A_130] {strides = array<i32>} : memref<32x128xf32, #tpu.memory_space<vmem>>, vector<16xf32>,
    tpu.vector_store %arg10[%swap3A_129, %swap3A_130], %broadcast_in_dim3A_3 {strides = array<i32>} : memref<32x128xf32, #tpu.memory_space<vmem>>, vector<16xf32>,
    %swap3A_132 = arith.constant 3 : i32
    %swap3A_133 = arith.index_cast %swap3A_132 : i32 to index
    %swap3A_134 = arith.constant 112 : index
    %swap3A_135 = tpu.vector_load %arg10[%swap3A_133, %swap3A_134] {strides = array<i32>} : memref<32x128xf32, #tpu.memory_space<vmem>>, vector<16xf32>,
    tpu.vector_store %arg10[%swap3A_133, %swap3A_134], %broadcast_in_dim3A_3 {strides = array<i32>} : memref<32x128xf32, #tpu.memory_space<vmem>>, vector<16xf32>,
    %swap3A_136 = arith.constant 4 : i32
    %swap3A_137 = arith.index_cast %swap3A_136 : i32 to index
    %swap3A_138 = arith.constant 0 : index
    %swap3A_139 = tpu.vector_load %arg10[%swap3A_137, %swap3A_138] {strides = array<i32>} : memref<32x128xf32, #tpu.memory_space<vmem>>, vector<16xf32>,
    tpu.vector_store %arg10[%swap3A_137, %swap3A_138], %broadcast_in_dim3A_3 {strides = array<i32>} : memref<32x128xf32, #tpu.memory_space<vmem>>, vector<16xf32>,
    %swap3A_140 = arith.constant 4 : i32
    %swap3A_141 = arith.index_cast %swap3A_140 : i32 to index
    %swap3A_142 = arith.constant 16 : index
    %swap3A_143 = tpu.vector_load %arg10[%swap3A_141, %swap3A_142] {strides = array<i32>} : memref<32x128xf32, #tpu.memory_space<vmem>>, vector<16xf32>,
    tpu.vector_store %arg10[%swap3A_141, %swap3A_142], %broadcast_in_dim3A_3 {strides = array<i32>} : memref<32x128xf32, #tpu.memory_space<vmem>>, vector<16xf32>,
    %swap3A_144 = arith.constant 4 : i32
    %swap3A_145 = arith.index_cast %swap3A_144 : i32 to index
    %swap3A_146 = arith.constant 32 : index
    %swap3A_147 = tpu.vector_load %arg10[%swap3A_145, %swap3A_146] {strides = array<i32>} : memref<32x128xf32, #tpu.memory_space<vmem>>, vector<16xf32>,
    tpu.vector_store %arg10[%swap3A_145, %swap3A_146], %broadcast_in_dim3A_3 {strides = array<i32>} : memref<32x128xf32, #tpu.memory_space<vmem>>, vector<16xf32>,
    %swap3A_148 = arith.constant 4 : i32
    %swap3A_149 = arith.index_cast %swap3A_148 : i32 to index
    %swap3A_150 = arith.constant 48 : index
    %swap3A_151 = tpu.vector_load %arg10[%swap3A_149, %swap3A_150] {strides = array<i32>} : memref<32x128xf32, #tpu.memory_space<vmem>>, vector<16xf32>,
    tpu.vector_store %arg10[%swap3A_149, %swap3A_150], %broadcast_in_dim3A_3 {strides = array<i32>} : memref<32x128xf32, #tpu.memory_space<vmem>>, vector<16xf32>,
    %swap3A_152 = arith.constant 4 : i32
    %swap3A_153 = arith.index_cast %swap3A_152 : i32 to index
    %swap3A_154 = arith.constant 64 : index
    %swap3A_155 = tpu.vector_load %arg10[%swap3A_153, %swap3A_154] {strides = array<i32>} : memref<32x128xf32, #tpu.memory_space<vmem>>, vector<16xf32>,
    tpu.vector_store %arg10[%swap3A_153, %swap3A_154], %broadcast_in_dim3A_3 {strides = array<i32>} : memref<32x128xf32, #tpu.memory_space<vmem>>, vector<16xf32>,
    %swap3A_156 = arith.constant 4 : i32
    %swap3A_157 = arith.index_cast %swap3A_156 : i32 to index
    %swap3A_158 = arith.constant 80 : index
    %swap3A_159 = tpu.vector_load %arg10[%swap3A_157, %swap3A_158] {strides = array<i32>} : memref<32x128xf32, #tpu.memory_space<vmem>>, vector<16xf32>,
    tpu.vector_store %arg10[%swap3A_157, %swap3A_158], %broadcast_in_dim3A_3 {strides = array<i32>} : memref<32x128xf32, #tpu.memory_space<vmem>>, vector<16xf32>,
    %swap3A_160 = arith.constant 4 : i32
    %swap3A_161 = arith.index_cast %swap3A_160 : i32 to index
    %swap3A_162 = arith.constant 96 : index
    %swap3A_163 = tpu.vector_load %arg10[%swap3A_161, %swap3A_162] {strides = array<i32>} : memref<32x128xf32, #tpu.memory_space<vmem>>, vector<16xf32>,
    tpu.vector_store %arg10[%swap3A_161, %swap3A_162], %broadcast_in_dim3A_3 {strides = array<i32>} : memref<32x128xf32, #tpu.memory_space<vmem>>, vector<16xf32>,
    %swap3A_164 = arith.constant 4 : i32
    %swap3A_165 = arith.index_cast %swap3A_164 : i32 to index
    %swap3A_166 = arith.constant 112 : index
    %swap3A_167 = tpu.vector_load %arg10[%swap3A_165, %swap3A_166] {strides = array<i32>} : memref<32x128xf32, #tpu.memory_space<vmem>>, vector<16xf32>,
    tpu.vector_store %arg10[%swap3A_165, %swap3A_166], %broadcast_in_dim3A_3 {strides = array<i32>} : memref<32x128xf32, #tpu.memory_space<vmem>>, vector<16xf32>,
    %swap3A_168 = arith.constant 5 : i32
    %swap3A_169 = arith.index_cast %swap3A_168 : i32 to index
    %swap3A_170 = arith.constant 0 : index
    %swap3A_171 = tpu.vector_load %arg10[%swap3A_169, %swap3A_170] {strides = array<i32>} : memref<32x128xf32, #tpu.memory_space<vmem>>, vector<16xf32>,
    tpu.vector_store %arg10[%swap3A_169, %swap3A_170], %broadcast_in_dim3A_3 {strides = array<i32>} : memref<32x128xf32, #tpu.memory_space<vmem>>, vector<16xf32>,
    %swap3A_172 = arith.constant 5 : i32
    %swap3A_173 = arith.index_cast %swap3A_172 : i32 to index
    %swap3A_174 = arith.constant 16 : index
    %swap3A_175 = tpu.vector_load %arg10[%swap3A_173, %swap3A_174] {strides = array<i32>} : memref<32x128xf32, #tpu.memory_space<vmem>>, vector<16xf32>,
    tpu.vector_store %arg10[%swap3A_173, %swap3A_174], %broadcast_in_dim3A_3 {strides = array<i32>} : memref<32x128xf32, #tpu.memory_space<vmem>>, vector<16xf32>,
    %swap3A_176 = arith.constant 5 : i32
    %swap3A_177 = arith.index_cast %swap3A_176 : i32 to index
    %swap3A_178 = arith.constant 32 : index
    %swap3A_179 = tpu.vector_load %arg10[%swap3A_177, %swap3A_178] {strides = array<i32>} : memref<32x128xf32, #tpu.memory_space<vmem>>, vector<16xf32>,
    tpu.vector_store %arg10[%swap3A_177, %swap3A_178], %broadcast_in_dim3A_3 {strides = array<i32>} : memref<32x128xf32, #tpu.memory_space<vmem>>, vector<16xf32>,
    %swap3A_180 = arith.constant 5 : i32
    %swap3A_181 = arith.index_cast %swap3A_180 : i32 to index
    %swap3A_182 = arith.constant 48 : index
    %swap3A_183 = tpu.vector_load %arg10[%swap3A_181, %swap3A_182] {strides = array<i32>} : memref<32x128xf32, #tpu.memory_space<vmem>>, vector<16xf32>,
    tpu.vector_store %arg10[%swap3A_181, %swap3A_182], %broadcast_in_dim3A_3 {strides = array<i32>} : memref<32x128xf32, #tpu.memory_space<vmem>>, vector<16xf32>,
    %swap3A_184 = arith.constant 5 : i32
    %swap3A_185 = arith.index_cast %swap3A_184 : i32 to index
    %swap3A_186 = arith.constant 64 : index
    %swap3A_187 = tpu.vector_load %arg10[%swap3A_185, %swap3A_186] {strides = array<i32>} : memref<32x128xf32, #tpu.memory_space<vmem>>, vector<16xf32>,
    tpu.vector_store %arg10[%swap3A_185, %swap3A_186], %broadcast_in_dim3A_3 {strides = array<i32>} : memref<32x128xf32, #tpu.memory_space<vmem>>, vector<16xf32>,
    %swap3A_188 = arith.constant 5 : i32
    %swap3A_189 = arith.index_cast %swap3A_188 : i32 to index
    %swap3A_190 = arith.constant 80 : index
    %swap3A_191 = tpu.vector_load %arg10[%swap3A_189, %swap3A_190] {strides = array<i32>} : memref<32x128xf32, #tpu.memory_space<vmem>>, vector<16xf32>,
    tpu.vector_store %arg10[%swap3A_189, %swap3A_190], %broadcast_in_dim3A_3 {strides = array<i32>} : memref<32x128xf32, #tpu.memory_space<vmem>>, vector<16xf32>,
    %swap3A_192 = arith.constant 5 : i32
    %swap3A_193 = arith.index_cast %swap3A_192 : i32 to index
    %swap3A_194 = arith.constant 96 : index
    %swap3A_195 = tpu.vector_load %arg10[%swap3A_193, %swap3A_194] {strides = array<i32>} : memref<32x128xf32, #tpu.memory_space<vmem>>, vector<16xf32>,
    tpu.vector_store %arg10[%swap3A_193, %swap3A_194], %broadcast_in_dim3A_3 {strides = array<i32>} : memref<32x128xf32, #tpu.memory_space<vmem>>, vector<16xf32>,
    %swap3A_196 = arith.constant 5 : i32
    %swap3A_197 = arith.index_cast %swap3A_196 : i32 to index
    %swap3A_198 = arith.constant 112 : index
    %swap3A_199 = tpu.vector_load %arg10[%swap3A_197, %swap3A_198] {strides = array<i32>} : memref<32x128xf32, #tpu.memory_space<vmem>>, vector<16xf32>,
    tpu.vector_store %arg10[%swap3A_197, %swap3A_198], %broadcast_in_dim3A_3 {strides = array<i32>} : memref<32x128xf32, #tpu.memory_space<vmem>>, vector<16xf32>,
    %swap3A_200 = arith.constant 6 : i32
    %swap3A_201 = arith.index_cast %swap3A_200 : i32 to index
    %swap3A_202 = arith.constant 0 : index
    %swap3A_203 = tpu.vector_load %arg10[%swap3A_201, %swap3A_202] {strides = array<i32>} : memref<32x128xf32, #tpu.memory_space<vmem>>, vector<16xf32>,
    tpu.vector_store %arg10[%swap3A_201, %swap3A_202], %broadcast_in_dim3A_3 {strides = array<i32>} : memref<32x128xf32, #tpu.memory_space<vmem>>, vector<16xf32>,
    %swap3A_204 = arith.constant 6 : i32
    %swap3A_205 = arith.index_cast %swap3A_204 : i32 to index
    %swap3A_206 = arith.constant 16 : index
    %swap3A_207 = tpu.vector_load %arg10[%swap3A_205, %swap3A_206] {strides = array<i32>} : memref<32x128xf32, #tpu.memory_space<vmem>>, vector<16xf32>,
    tpu.vector_store %arg10[%swap3A_205, %swap3A_206], %broadcast_in_dim3A_3 {strides = array<i32>} : memref<32x128xf32, #tpu.memory_space<vmem>>, vector<16xf32>,
    %swap3A_208 = arith.constant 6 : i32
    %swap3A_209 = arith.index_cast %swap3A_208 : i32 to index
    %swap3A_210 = arith.constant 32 : index
    %swap3A_211 = tpu.vector_load %arg10[%swap3A_209, %swap3A_210] {strides = array<i32>} : memref<32x128xf32, #tpu.memory_space<vmem>>, vector<16xf32>,
    tpu.vector_store %arg10[%swap3A_209, %swap3A_210], %broadcast_in_dim3A_3 {strides = array<i32>} : memref<32x128xf32, #tpu.memory_space<vmem>>, vector<16xf32>,
    %swap3A_212 = arith.constant 6 : i32
    %swap3A_213 = arith.index_cast %swap3A_212 : i32 to index
    %swap3A_214 = arith.constant 48 : index
    %swap3A_215 = tpu.vector_load %arg10[%swap3A_213, %swap3A_214] {strides = array<i32>} : memref<32x128xf32, #tpu.memory_space<vmem>>, vector<16xf32>,
    tpu.vector_store %arg10[%swap3A_213, %swap3A_214], %broadcast_in_dim3A_3 {strides = array<i32>} : memref<32x128xf32, #tpu.memory_space<vmem>>, vector<16xf32>,
    %swap3A_216 = arith.constant 6 : i32
    %swap3A_217 = arith.index_cast %swap3A_216 : i32 to index
    %swap3A_218 = arith.constant 64 : index
    %swap3A_219 = tpu.vector_load %arg10[%swap3A_217, %swap3A_218] {strides = array<i32>} : memref<32x128xf32, #tpu.memory_space<vmem>>, vector<16xf32>,
    tpu.vector_store %arg10[%swap3A_217, %swap3A_218], %broadcast_in_dim3A_3 {strides = array<i32>} : memref<32x128xf32, #tpu.memory_space<vmem>>, vector<16xf32>,
    %swap3A_220 = arith.constant 6 : i32
    %swap3A_221 = arith.index_cast %swap3A_220 : i32 to index
    %swap3A_222 = arith.constant 80 : index
    %swap3A_223 = tpu.vector_load %arg10[%swap3A_221, %swap3A_222] {strides = array<i32>} : memref<32x128xf32, #tpu.memory_space<vmem>>, vector<16xf32>,
    tpu.vector_store %arg10[%swap3A_221, %swap3A_222], %broadcast_in_dim3A_3 {strides = array<i32>} : memref<32x128xf32, #tpu.memory_space<vmem>>, vector<16xf32>,
    %swap3A_224 = arith.constant 6 : i32
    %swap3A_225 = arith.index_cast %swap3A_224 : i32 to index
    %swap3A_226 = arith.constant 96 : index
    %swap3A_227 = tpu.vector_load %arg10[%swap3A_225, %swap3A_226] {strides = array<i32>} : memref<32x128xf32, #tpu.memory_space<vmem>>, vector<16xf32>,
    tpu.vector_store %arg10[%swap3A_225, %swap3A_226], %broadcast_in_dim3A_3 {strides = array<i32>} : memref<32x128xf32, #tpu.memory_space<vmem>>, vector<16xf32>,
    %swap3A_228 = arith.constant 6 : i32
    %swap3A_229 = arith.index_cast %swap3A_228 : i32 to index
    %swap3A_230 = arith.constant 112 : index
    %swap3A_231 = tpu.vector_load %arg10[%swap3A_229, %swap3A_230] {strides = array<i32>} : memref<32x128xf32, #tpu.memory_space<vmem>>, vector<16xf32>,
    tpu.vector_store %arg10[%swap3A_229, %swap3A_230], %broadcast_in_dim3A_3 {strides = array<i32>} : memref<32x128xf32, #tpu.memory_space<vmem>>, vector<16xf32>,
    %swap3A_232 = arith.constant 7 : i32
    %swap3A_233 = arith.index_cast %swap3A_232 : i32 to index
    %swap3A_234 = arith.constant 0 : index
    %swap3A_235 = tpu.vector_load %arg10[%swap3A_233, %swap3A_234] {strides = array<i32>} : memref<32x128xf32, #tpu.memory_space<vmem>>, vector<16xf32>,
    tpu.vector_store %arg10[%swap3A_233, %swap3A_234], %broadcast_in_dim3A_3 {strides = array<i32>} : memref<32x128xf32, #tpu.memory_space<vmem>>, vector<16xf32>,
    %swap3A_236 = arith.constant 7 : i32
    %swap3A_237 = arith.index_cast %swap3A_236 : i32 to index
    %swap3A_238 = arith.constant 16 : index
    %swap3A_239 = tpu.vector_load %arg10[%swap3A_237, %swap3A_238] {strides = array<i32>} : memref<32x128xf32, #tpu.memory_space<vmem>>, vector<16xf32>,
    tpu.vector_store %arg10[%swap3A_237, %swap3A_238], %broadcast_in_dim3A_3 {strides = array<i32>} : memref<32x128xf32, #tpu.memory_space<vmem>>, vector<16xf32>,
    %swap3A_240 = arith.constant 7 : i32
    %swap3A_241 = arith.index_cast %swap3A_240 : i32 to index
    %swap3A_242 = arith.constant 32 : index
    %swap3A_243 = tpu.vector_load %arg10[%swap3A_241, %swap3A_242] {strides = array<i32>} : memref<32x128xf32, #tpu.memory_space<vmem>>, vector<16xf32>,
    tpu.vector_store %arg10[%swap3A_241, %swap3A_242], %broadcast_in_dim3A_3 {strides = array<i32>} : memref<32x128xf32, #tpu.memory_space<vmem>>, vector<16xf32>,
    %swap3A_244 = arith.constant 7 : i32
    %swap3A_245 = arith.index_cast %swap3A_244 : i32 to index
    %swap3A_246 = arith.constant 48 : index
    %swap3A_247 = tpu.vector_load %arg10[%swap3A_245, %swap3A_246] {strides = array<i32>} : memref<32x128xf32, #tpu.memory_space<vmem>>, vector<16xf32>,
    tpu.vector_store %arg10[%swap3A_245, %swap3A_246], %broadcast_in_dim3A_3 {strides = array<i32>} : memref<32x128xf32, #tpu.memory_space<vmem>>, vector<16xf32>,
    %swap3A_248 = arith.constant 7 : i32
    %swap3A_249 = arith.index_cast %swap3A_248 : i32 to index
    %swap3A_250 = arith.constant 64 : index
    %swap3A_251 = tpu.vector_load %arg10[%swap3A_249, %swap3A_250] {strides = array<i32>} : memref<32x128xf32, #tpu.memory_space<vmem>>, vector<16xf32>,
    tpu.vector_store %arg10[%swap3A_249, %swap3A_250], %broadcast_in_dim3A_3 {strides = array<i32>} : memref<32x128xf32, #tpu.memory_space<vmem>>, vector<16xf32>,
    %swap3A_252 = arith.constant 7 : i32
    %swap3A_253 = arith.index_cast %swap3A_252 : i32 to index
    %swap3A_254 = arith.constant 80 : index
    %swap3A_255 = tpu.vector_load %arg10[%swap3A_253, %swap3A_254] {strides = array<i32>} : memref<32x128xf32, #tpu.memory_space<vmem>>, vector<16xf32>,
    tpu.vector_store %arg10[%swap3A_253, %swap3A_254], %broadcast_in_dim3A_3 {strides = array<i32>} : memref<32x128xf32, #tpu.memory_space<vmem>>, vector<16xf32>,
    %swap3A_256 = arith.constant 7 : i32
    %swap3A_257 = arith.index_cast %swap3A_256 : i32 to index
    %swap3A_258 = arith.constant 96 : index
    %swap3A_259 = tpu.vector_load %arg10[%swap3A_257, %swap3A_258] {strides = array<i32>} : memref<32x128xf32, #tpu.memory_space<vmem>>, vector<16xf32>,
    tpu.vector_store %arg10[%swap3A_257, %swap3A_258], %broadcast_in_dim3A_3 {strides = array<i32>} : memref<32x128xf32, #tpu.memory_space<vmem>>, vector<16xf32>,
    %swap3A_260 = arith.constant 7 : i32
    %swap3A_261 = arith.index_cast %swap3A_260 : i32 to index
    %swap3A_262 = arith.constant 112 : index
    %swap3A_263 = tpu.vector_load %arg10[%swap3A_261, %swap3A_262] {strides = array<i32>} : memref<32x128xf32, #tpu.memory_space<vmem>>, vector<16xf32>,
    tpu.vector_store %arg10[%swap3A_261, %swap3A_262], %broadcast_in_dim3A_3 {strides = array<i32>} : memref<32x128xf32, #tpu.memory_space<vmem>>, vector<16xf32>,
    %swap3A_264 = arith.constant 8 : i32
    %swap3A_265 = arith.index_cast %swap3A_264 : i32 to index
    %swap3A_266 = arith.constant 0 : index
    %swap3A_267 = tpu.vector_load %arg10[%swap3A_265, %swap3A_266] {strides = array<i32>} : memref<32x128xf32, #tpu.memory_space<vmem>>, vector<16xf32>,
    tpu.vector_store %arg10[%swap3A_265, %swap3A_266], %broadcast_in_dim3A_3 {strides = array<i32>} : memref<32x128xf32, #tpu.memory_space<vmem>>, vector<16xf32>,
    %swap3A_268 = arith.constant 8 : i32
    %swap3A_269 = arith.index_cast %swap3A_268 : i32 to index
    %swap3A_270 = arith.constant 16 : index
    %swap3A_271 = tpu.vector_load %arg10[%swap3A_269, %swap3A_270] {strides = array<i32>} : memref<32x128xf32, #tpu.memory_space<vmem>>, vector<16xf32>,
    tpu.vector_store %arg10[%swap3A_269, %swap3A_270], %broadcast_in_dim3A_3 {strides = array<i32>} : memref<32x128xf32, #tpu.memory_space<vmem>>, vector<16xf32>,
    %swap3A_272 = arith.constant 8 : i32
    %swap3A_273 = arith.index_cast %swap3A_272 : i32 to index
    %swap3A_274 = arith.constant 32 : index
    %swap3A_275 = tpu.vector_load %arg10[%swap3A_273, %swap3A_274] {strides = array<i32>} : memref<32x128xf32, #tpu.memory_space<vmem>>, vector<16xf32>,
    tpu.vector_store %arg10[%swap3A_273, %swap3A_274], %broadcast_in_dim3A_3 {strides = array<i32>} : memref<32x128xf32, #tpu.memory_space<vmem>>, vector<16xf32>,
    %swap3A_276 = arith.constant 8 : i32
    %swap3A_277 = arith.index_cast %swap3A_276 : i32 to index
    %swap3A_278 = arith.constant 48 : index
    %swap3A_279 = tpu.vector_load %arg10[%swap3A_277, %swap3A_278] {strides = array<i32>} : memref<32x128xf32, #tpu.memory_space<vmem>>, vector<16xf32>,
    tpu.vector_store %arg10[%swap3A_277, %swap3A_278], %broadcast_in_dim3A_3 {strides = array<i32>} : memref<32x128xf32, #tpu.memory_space<vmem>>, vector<16xf32>,
    %swap3A_280 = arith.constant 8 : i32
    %swap3A_281 = arith.index_cast %swap3A_280 : i32 to index
    %swap3A_282 = arith.constant 64 : index
    %swap3A_283 = tpu.vector_load %arg10[%swap3A_281, %swap3A_282] {strides = array<i32>} : memref<32x128xf32, #tpu.memory_space<vmem>>, vector<16xf32>,
    tpu.vector_store %arg10[%swap3A_281, %swap3A_282], %broadcast_in_dim3A_3 {strides = array<i32>} : memref<32x128xf32, #tpu.memory_space<vmem>>, vector<16xf32>,
    %swap3A_284 = arith.constant 8 : i32
    %swap3A_285 = arith.index_cast %swap3A_284 : i32 to index
    %swap3A_286 = arith.constant 80 : index
    %swap3A_287 = tpu.vector_load %arg10[%swap3A_285, %swap3A_286] {strides = array<i32>} : memref<32x128xf32, #tpu.memory_space<vmem>>, vector<16xf32>,
    tpu.vector_store %arg10[%swap3A_285, %swap3A_286], %broadcast_in_dim3A_3 {strides = array<i32>} : memref<32x128xf32, #tpu.memory_space<vmem>>, vector<16xf32>,
    %swap3A_288 = arith.constant 8 : i32
    %swap3A_289 = arith.index_cast %swap3A_288 : i32 to index
    %swap3A_290 = arith.constant 96 : index
    %swap3A_291 = tpu.vector_load %arg10[%swap3A_289, %swap3A_290] {strides = array<i32>} : memref<32x128xf32, #tpu.memory_space<vmem>>, vector<16xf32>,
    tpu.vector_store %arg10[%swap3A_289, %swap3A_290], %broadcast_in_dim3A_3 {strides = array<i32>} : memref<32x128xf32, #tpu.memory_space<vmem>>, vector<16xf32>,
    %swap3A_292 = arith.constant 8 : i32
    %swap3A_293 = arith.index_cast %swap3A_292 : i32 to index
    %swap3A_294 = arith.constant 112 : index
    %swap3A_295 = tpu.vector_load %arg10[%swap3A_293, %swap3A_294] {strides = array<i32>} : memref<32x128xf32, #tpu.memory_space<vmem>>, vector<16xf32>,
    tpu.vector_store %arg10[%swap3A_293, %swap3A_294], %broadcast_in_dim3A_3 {strides = array<i32>} : memref<32x128xf32, #tpu.memory_space<vmem>>, vector<16xf32>,
    %swap3A_296 = arith.constant 9 : i32
    %swap3A_297 = arith.index_cast %swap3A_296 : i32 to index
    %swap3A_298 = arith.constant 0 : index
    %swap3A_299 = tpu.vector_load %arg10[%swap3A_297, %swap3A_298] {strides = array<i32>} : memref<32x128xf32, #tpu.memory_space<vmem>>, vector<16xf32>,
    tpu.vector_store %arg10[%swap3A_297, %swap3A_298], %broadcast_in_dim3A_3 {strides = array<i32>} : memref<32x128xf32, #tpu.memory_space<vmem>>, vector<16xf32>,
    %swap3A_300 = arith.constant 9 : i32
    %swap3A_301 = arith.index_cast %swap3A_300 : i32 to index
    %swap3A_302 = arith.constant 16 : index
    %swap3A_303 = tpu.vector_load %arg10[%swap3A_301, %swap3A_302] {strides = array<i32>} : memref<32x128xf32, #tpu.memory_space<vmem>>, vector<16xf32>,
    tpu.vector_store %arg10[%swap3A_301, %swap3A_302], %broadcast_in_dim3A_3 {strides = array<i32>} : memref<32x128xf32, #tpu.memory_space<vmem>>, vector<16xf32>,
    %swap3A_304 = arith.constant 9 : i32
    %swap3A_305 = arith.index_cast %swap3A_304 : i32 to index
    %swap3A_306 = arith.constant 32 : index
    %swap3A_307 = tpu.vector_load %arg10[%swap3A_305, %swap3A_306] {strides = array<i32>} : memref<32x128xf32, #tpu.memory_space<vmem>>, vector<16xf32>,
    tpu.vector_store %arg10[%swap3A_305, %swap3A_306], %broadcast_in_dim3A_3 {strides = array<i32>} : memref<32x128xf32, #tpu.memory_space<vmem>>, vector<16xf32>,
    %swap3A_308 = arith.constant 9 : i32
    %swap3A_309 = arith.index_cast %swap3A_308 : i32 to index
    %swap3A_310 = arith.constant 48 : index
    %swap3A_311 = tpu.vector_load %arg10[%swap3A_309, %swap3A_310] {strides = array<i32>} : memref<32x128xf32, #tpu.memory_space<vmem>>, vector<16xf32>,
    tpu.vector_store %arg10[%swap3A_309, %swap3A_310], %broadcast_in_dim3A_3 {strides = array<i32>} : memref<32x128xf32, #tpu.memory_space<vmem>>, vector<16xf32>,
    %swap3A_312 = arith.constant 9 : i32
    %swap3A_313 = arith.index_cast %swap3A_312 : i32 to index
    %swap3A_314 = arith.constant 64 : index
    %swap3A_315 = tpu.vector_load %arg10[%swap3A_313, %swap3A_314] {strides = array<i32>} : memref<32x128xf32, #tpu.memory_space<vmem>>, vector<16xf32>,
    tpu.vector_store %arg10[%swap3A_313, %swap3A_314], %broadcast_in_dim3A_3 {strides = array<i32>} : memref<32x128xf32, #tpu.memory_space<vmem>>, vector<16xf32>,
    %swap3A_316 = arith.constant 9 : i32
    %swap3A_317 = arith.index_cast %swap3A_316 : i32 to index
    %swap3A_318 = arith.constant 80 : index
    %swap3A_319 = tpu.vector_load %arg10[%swap3A_317, %swap3A_318] {strides = array<i32>} : memref<32x128xf32, #tpu.memory_space<vmem>>, vector<16xf32>,
    tpu.vector_store %arg10[%swap3A_317, %swap3A_318], %broadcast_in_dim3A_3 {strides = array<i32>} : memref<32x128xf32, #tpu.memory_space<vmem>>, vector<16xf32>,
    %swap3A_320 = arith.constant 9 : i32
    %swap3A_321 = arith.index_cast %swap3A_320 : i32 to index
    %swap3A_322 = arith.constant 96 : index
    %swap3A_323 = tpu.vector_load %arg10[%swap3A_321, %swap3A_322] {strides = array<i32>} : memref<32x128xf32, #tpu.memory_space<vmem>>, vector<16xf32>,
    tpu.vector_store %arg10[%swap3A_321, %swap3A_322], %broadcast_in_dim3A_3 {strides = array<i32>} : memref<32x128xf32, #tpu.memory_space<vmem>>, vector<16xf32>,
    %swap3A_324 = arith.constant 9 : i32
    %swap3A_325 = arith.index_cast %swap3A_324 : i32 to index
    %swap3A_326 = arith.constant 112 : index
    %swap3A_327 = tpu.vector_load %arg10[%swap3A_325, %swap3A_326] {strides = array<i32>} : memref<32x128xf32, #tpu.memory_space<vmem>>, vector<16xf32>,
    tpu.vector_store %arg10[%swap3A_325, %swap3A_326], %broadcast_in_dim3A_3 {strides = array<i32>} : memref<32x128xf32, #tpu.memory_space<vmem>>, vector<16xf32>,
    %swap3A_328 = arith.constant 10 : i32
    %swap3A_329 = arith.index_cast %swap3A_328 : i32 to index
    %swap3A_330 = arith.constant 0 : index
    %swap3A_331 = tpu.vector_load %arg10[%swap3A_329, %swap3A_330] {strides = array<i32>} : memref<32x128xf32, #tpu.memory_space<vmem>>, vector<16xf32>,
    tpu.vector_store %arg10[%swap3A_329, %swap3A_330], %broadcast_in_dim3A_3 {strides = array<i32>} : memref<32x128xf32, #tpu.memory_space<vmem>>, vector<16xf32>,
    %swap3A_332 = arith.constant 10 : i32
    %swap3A_333 = arith.index_cast %swap3A_332 : i32 to index
    %swap3A_334 = arith.constant 16 : index
    %swap3A_335 = tpu.vector_load %arg10[%swap3A_333, %swap3A_334] {strides = array<i32>} : memref<32x128xf32, #tpu.memory_space<vmem>>, vector<16xf32>,
    tpu.vector_store %arg10[%swap3A_333, %swap3A_334], %broadcast_in_dim3A_3 {strides = array<i32>} : memref<32x128xf32, #tpu.memory_space<vmem>>, vector<16xf32>,
    %swap3A_336 = arith.constant 10 : i32
    %swap3A_337 = arith.index_cast %swap3A_336 : i32 to index
    %swap3A_338 = arith.constant 32 : index
    %swap3A_339 = tpu.vector_load %arg10[%swap3A_337, %swap3A_338] {strides = array<i32>} : memref<32x128xf32, #tpu.memory_space<vmem>>, vector<16xf32>,
    tpu.vector_store %arg10[%swap3A_337, %swap3A_338], %broadcast_in_dim3A_3 {strides = array<i32>} : memref<32x128xf32, #tpu.memory_space<vmem>>, vector<16xf32>,
    %swap3A_340 = arith.constant 10 : i32
    %swap3A_341 = arith.index_cast %swap3A_340 : i32 to index
    %swap3A_342 = arith.constant 48 : index
    %swap3A_343 = tpu.vector_load %arg10[%swap3A_341, %swap3A_342] {strides = array<i32>} : memref<32x128xf32, #tpu.memory_space<vmem>>, vector<16xf32>,
    tpu.vector_store %arg10[%swap3A_341, %swap3A_342], %broadcast_in_dim3A_3 {strides = array<i32>} : memref<32x128xf32, #tpu.memory_space<vmem>>, vector<16xf32>,
    %swap3A_344 = arith.constant 10 : i32
    %swap3A_345 = arith.index_cast %swap3A_344 : i32 to index
    %swap3A_346 = arith.constant 64 : index
    %swap3A_347 = tpu.vector_load %arg10[%swap3A_345, %swap3A_346] {strides = array<i32>} : memref<32x128xf32, #tpu.memory_space<vmem>>, vector<16xf32>,
    tpu.vector_store %arg10[%swap3A_345, %swap3A_346], %broadcast_in_dim3A_3 {strides = array<i32>} : memref<32x128xf32, #tpu.memory_space<vmem>>, vector<16xf32>,
    %swap3A_348 = arith.constant 10 : i32
    %swap3A_349 = arith.index_cast %swap3A_348 : i32 to index
    %swap3A_350 = arith.constant 80 : index
    %swap3A_351 = tpu.vector_load %arg10[%swap3A_349, %swap3A_350] {strides = array<i32>} : memref<32x128xf32, #tpu.memory_space<vmem>>, vector<16xf32>,
    tpu.vector_store %arg10[%swap3A_349, %swap3A_350], %broadcast_in_dim3A_3 {strides = array<i32>} : memref<32x128xf32, #tpu.memory_space<vmem>>, vector<16xf32>,
    %swap3A_352 = arith.constant 10 : i32
    %swap3A_353 = arith.index_cast %swap3A_352 : i32 to index
    %swap3A_354 = arith.constant 96 : index
    %swap3A_355 = tpu.vector_load %arg10[%swap3A_353, %swap3A_354] {strides = array<i32>} : memref<32x128xf32, #tpu.memory_space<vmem>>, vector<16xf32>,
    tpu.vector_store %arg10[%swap3A_353, %swap3A_354], %broadcast_in_dim3A_3 {strides = array<i32>} : memref<32x128xf32, #tpu.memory_space<vmem>>, vector<16xf32>,
    %swap3A_356 = arith.constant 10 : i32
    %swap3A_357 = arith.index_cast %swap3A_356 : i32 to index
    %swap3A_358 = arith.constant 112 : index
    %swap3A_359 = tpu.vector_load %arg10[%swap3A_357, %swap3A_358] {strides = array<i32>} : memref<32x128xf32, #tpu.memory_space<vmem>>, vector<16xf32>,
    tpu.vector_store %arg10[%swap3A_357, %swap3A_358], %broadcast_in_dim3A_3 {strides = array<i32>} : memref<32x128xf32, #tpu.memory_space<vmem>>, vector<16xf32>,
    %swap3A_360 = arith.constant 11 : i32
    %swap3A_361 = arith.index_cast %swap3A_360 : i32 to index
    %swap3A_362 = arith.constant 0 : index
    %swap3A_363 = tpu.vector_load %arg10[%swap3A_361, %swap3A_362] {strides = array<i32>} : memref<32x128xf32, #tpu.memory_space<vmem>>, vector<16xf32>,
    tpu.vector_store %arg10[%swap3A_361, %swap3A_362], %broadcast_in_dim3A_3 {strides = array<i32>} : memref<32x128xf32, #tpu.memory_space<vmem>>, vector<16xf32>,
    %swap3A_364 = arith.constant 11 : i32
    %swap3A_365 = arith.index_cast %swap3A_364 : i32 to index
    %swap3A_366 = arith.constant 16 : index
    %swap3A_367 = tpu.vector_load %arg10[%swap3A_365, %swap3A_366] {strides = array<i32>} : memref<32x128xf32, #tpu.memory_space<vmem>>, vector<16xf32>,
    tpu.vector_store %arg10[%swap3A_365, %swap3A_366], %broadcast_in_dim3A_3 {strides = array<i32>} : memref<32x128xf32, #tpu.memory_space<vmem>>, vector<16xf32>,
    %swap3A_368 = arith.constant 11 : i32
    %swap3A_369 = arith.index_cast %swap3A_368 : i32 to index
    %swap3A_370 = arith.constant 32 : index
    %swap3A_371 = tpu.vector_load %arg10[%swap3A_369, %swap3A_370] {strides = array<i32>} : memref<32x128xf32, #tpu.memory_space<vmem>>, vector<16xf32>,
    tpu.vector_store %arg10[%swap3A_369, %swap3A_370], %broadcast_in_dim3A_3 {strides = array<i32>} : memref<32x128xf32, #tpu.memory_space<vmem>>, vector<16xf32>,
    %swap3A_372 = arith.constant 11 : i32
    %swap3A_373 = arith.index_cast %swap3A_372 : i32 to index
    %swap3A_374 = arith.constant 48 : index
    %swap3A_375 = tpu.vector_load %arg10[%swap3A_373, %swap3A_374] {strides = array<i32>} : memref<32x128xf32, #tpu.memory_space<vmem>>, vector<16xf32>,
    tpu.vector_store %arg10[%swap3A_373, %swap3A_374], %broadcast_in_dim3A_3 {strides = array<i32>} : memref<32x128xf32, #tpu.memory_space<vmem>>, vector<16xf32>,
    %swap3A_376 = arith.constant 11 : i32
    %swap3A_377 = arith.index_cast %swap3A_376 : i32 to index
    %swap3A_378 = arith.constant 64 : index
    %swap3A_379 = tpu.vector_load %arg10[%swap3A_377, %swap3A_378] {strides = array<i32>} : memref<32x128xf32, #tpu.memory_space<vmem>>, vector<16xf32>,
    tpu.vector_store %arg10[%swap3A_377, %swap3A_378], %broadcast_in_dim3A_3 {strides = array<i32>} : memref<32x128xf32, #tpu.memory_space<vmem>>, vector<16xf32>,
    %swap3A_380 = arith.constant 11 : i32
    %swap3A_381 = arith.index_cast %swap3A_380 : i32 to index
    %swap3A_382 = arith.constant 80 : index
    %swap3A_383 = tpu.vector_load %arg10[%swap3A_381, %swap3A_382] {strides = array<i32>} : memref<32x128xf32, #tpu.memory_space<vmem>>, vector<16xf32>,
    tpu.vector_store %arg10[%swap3A_381, %swap3A_382], %broadcast_in_dim3A_3 {strides = array<i32>} : memref<32x128xf32, #tpu.memory_space<vmem>>, vector<16xf32>,
    %swap3A_384 = arith.constant 11 : i32
    %swap3A_385 = arith.index_cast %swap3A_384 : i32 to index
    %swap3A_386 = arith.constant 96 : index
    %swap3A_387 = tpu.vector_load %arg10[%swap3A_385, %swap3A_386] {strides = array<i32>} : memref<32x128xf32, #tpu.memory_space<vmem>>, vector<16xf32>,
    tpu.vector_store %arg10[%swap3A_385, %swap3A_386], %broadcast_in_dim3A_3 {strides = array<i32>} : memref<32x128xf32, #tpu.memory_space<vmem>>, vector<16xf32>,
    %swap3A_388 = arith.constant 11 : i32
    %swap3A_389 = arith.index_cast %swap3A_388 : i32 to index
    %swap3A_390 = arith.constant 112 : index
    %swap3A_391 = tpu.vector_load %arg10[%swap3A_389, %swap3A_390] {strides = array<i32>} : memref<32x128xf32, #tpu.memory_space<vmem>>, vector<16xf32>,
    tpu.vector_store %arg10[%swap3A_389, %swap3A_390], %broadcast_in_dim3A_3 {strides = array<i32>} : memref<32x128xf32, #tpu.memory_space<vmem>>, vector<16xf32>,
    %swap3A_392 = arith.constant 12 : i32
    %swap3A_393 = arith.index_cast %swap3A_392 : i32 to index
    %swap3A_394 = arith.constant 0 : index
    %swap3A_395 = tpu.vector_load %arg10[%swap3A_393, %swap3A_394] {strides = array<i32>} : memref<32x128xf32, #tpu.memory_space<vmem>>, vector<16xf32>,
    tpu.vector_store %arg10[%swap3A_393, %swap3A_394], %broadcast_in_dim3A_3 {strides = array<i32>} : memref<32x128xf32, #tpu.memory_space<vmem>>, vector<16xf32>,
    %swap3A_396 = arith.constant 12 : i32
    %swap3A_397 = arith.index_cast %swap3A_396 : i32 to index
    %swap3A_398 = arith.constant 16 : index
    %swap3A_399 = tpu.vector_load %arg10[%swap3A_397, %swap3A_398] {strides = array<i32>} : memref<32x128xf32, #tpu.memory_space<vmem>>, vector<16xf32>,
    tpu.vector_store %arg10[%swap3A_397, %swap3A_398], %broadcast_in_dim3A_3 {strides = array<i32>} : memref<32x128xf32, #tpu.memory_space<vmem>>, vector<16xf32>,
    %swap3A_400 = arith.constant 12 : i32
    %swap3A_401 = arith.index_cast %swap3A_400 : i32 to index
    %swap3A_402 = arith.constant 32 : index
    %swap3A_403 = tpu.vector_load %arg10[%swap3A_401, %swap3A_402] {strides = array<i32>} : memref<32x128xf32, #tpu.memory_space<vmem>>, vector<16xf32>,
    tpu.vector_store %arg10[%swap3A_401, %swap3A_402], %broadcast_in_dim3A_3 {strides = array<i32>} : memref<32x128xf32, #tpu.memory_space<vmem>>, vector<16xf32>,
    %swap3A_404 = arith.constant 12 : i32
    %swap3A_405 = arith.index_cast %swap3A_404 : i32 to index
    %swap3A_406 = arith.constant 48 : index
    %swap3A_407 = tpu.vector_load %arg10[%swap3A_405, %swap3A_406] {strides = array<i32>} : memref<32x128xf32, #tpu.memory_space<vmem>>, vector<16xf32>,
    tpu.vector_store %arg10[%swap3A_405, %swap3A_406], %broadcast_in_dim3A_3 {strides = array<i32>} : memref<32x128xf32, #tpu.memory_space<vmem>>, vector<16xf32>,
    %swap3A_408 = arith.constant 12 : i32
    %swap3A_409 = arith.index_cast %swap3A_408 : i32 to index
    %swap3A_410 = arith.constant 64 : index
    %swap3A_411 = tpu.vector_load %arg10[%swap3A_409, %swap3A_410] {strides = array<i32>} : memref<32x128xf32, #tpu.memory_space<vmem>>, vector<16xf32>,
    tpu.vector_store %arg10[%swap3A_409, %swap3A_410], %broadcast_in_dim3A_3 {strides = array<i32>} : memref<32x128xf32, #tpu.memory_space<vmem>>, vector<16xf32>,
    %swap3A_412 = arith.constant 12 : i32
    %swap3A_413 = arith.index_cast %swap3A_412 : i32 to index
    %swap3A_414 = arith.constant 80 : index
    %swap3A_415 = tpu.vector_load %arg10[%swap3A_413, %swap3A_414] {strides = array<i32>} : memref<32x128xf32, #tpu.memory_space<vmem>>, vector<16xf32>,
    tpu.vector_store %arg10[%swap3A_413, %swap3A_414], %broadcast_in_dim3A_3 {strides = array<i32>} : memref<32x128xf32, #tpu.memory_space<vmem>>, vector<16xf32>,
    %swap3A_416 = arith.constant 12 : i32
    %swap3A_417 = arith.index_cast %swap3A_416 : i32 to index
    %swap3A_418 = arith.constant 96 : index
    %swap3A_419 = tpu.vector_load %arg10[%swap3A_417, %swap3A_418] {strides = array<i32>} : memref<32x128xf32, #tpu.memory_space<vmem>>, vector<16xf32>,
    tpu.vector_store %arg10[%swap3A_417, %swap3A_418], %broadcast_in_dim3A_3 {strides = array<i32>} : memref<32x128xf32, #tpu.memory_space<vmem>>, vector<16xf32>,
    %swap3A_420 = arith.constant 12 : i32
    %swap3A_421 = arith.index_cast %swap3A_420 : i32 to index
    %swap3A_422 = arith.constant 112 : index
    %swap3A_423 = tpu.vector_load %arg10[%swap3A_421, %swap3A_422] {strides = array<i32>} : memref<32x128xf32, #tpu.memory_space<vmem>>, vector<16xf32>,
    tpu.vector_store %arg10[%swap3A_421, %swap3A_422], %broadcast_in_dim3A_3 {strides = array<i32>} : memref<32x128xf32, #tpu.memory_space<vmem>>, vector<16xf32>,
    %swap3A_424 = arith.constant 13 : i32
    %swap3A_425 = arith.index_cast %swap3A_424 : i32 to index
    %swap3A_426 = arith.constant 0 : index
    %swap3A_427 = tpu.vector_load %arg10[%swap3A_425, %swap3A_426] {strides = array<i32>} : memref<32x128xf32, #tpu.memory_space<vmem>>, vector<16xf32>,
    tpu.vector_store %arg10[%swap3A_425, %swap3A_426], %broadcast_in_dim3A_3 {strides = array<i32>} : memref<32x128xf32, #tpu.memory_space<vmem>>, vector<16xf32>,
    %swap3A_428 = arith.constant 13 : i32
    %swap3A_429 = arith.index_cast %swap3A_428 : i32 to index
    %swap3A_430 = arith.constant 16 : index
    %swap3A_431 = tpu.vector_load %arg10[%swap3A_429, %swap3A_430] {strides = array<i32>} : memref<32x128xf32, #tpu.memory_space<vmem>>, vector<16xf32>,
    tpu.vector_store %arg10[%swap3A_429, %swap3A_430], %broadcast_in_dim3A_3 {strides = array<i32>} : memref<32x128xf32, #tpu.memory_space<vmem>>, vector<16xf32>,
    %swap3A_432 = arith.constant 13 : i32
    %swap3A_433 = arith.index_cast %swap3A_432 : i32 to index
    %swap3A_434 = arith.constant 32 : index
    %swap3A_435 = tpu.vector_load %arg10[%swap3A_433, %swap3A_434] {strides = array<i32>} : memref<32x128xf32, #tpu.memory_space<vmem>>, vector<16xf32>,
    tpu.vector_store %arg10[%swap3A_433, %swap3A_434], %broadcast_in_dim3A_3 {strides = array<i32>} : memref<32x128xf32, #tpu.memory_space<vmem>>, vector<16xf32>,
    %swap3A_436 = arith.constant 13 : i32
    %swap3A_437 = arith.index_cast %swap3A_436 : i32 to index
    %swap3A_438 = arith.constant 48 : index
    %swap3A_439 = tpu.vector_load %arg10[%swap3A_437, %swap3A_438] {strides = array<i32>} : memref<32x128xf32, #tpu.memory_space<vmem>>, vector<16xf32>,
    tpu.vector_store %arg10[%swap3A_437, %swap3A_438], %broadcast_in_dim3A_3 {strides = array<i32>} : memref<32x128xf32, #tpu.memory_space<vmem>>, vector<16xf32>,
    %swap3A_440 = arith.constant 13 : i32
    %swap3A_441 = arith.index_cast %swap3A_440 : i32 to index
    %swap3A_442 = arith.constant 64 : index
    %swap3A_443 = tpu.vector_load %arg10[%swap3A_441, %swap3A_442] {strides = array<i32>} : memref<32x128xf32, #tpu.memory_space<vmem>>, vector<16xf32>,
    tpu.vector_store %arg10[%swap3A_441, %swap3A_442], %broadcast_in_dim3A_3 {strides = array<i32>} : memref<32x128xf32, #tpu.memory_space<vmem>>, vector<16xf32>,
    %swap3A_444 = arith.constant 13 : i32
    %swap3A_445 = arith.index_cast %swap3A_444 : i32 to index
    %swap3A_446 = arith.constant 80 : index
    %swap3A_447 = tpu.vector_load %arg10[%swap3A_445, %swap3A_446] {strides = array<i32>} : memref<32x128xf32, #tpu.memory_space<vmem>>, vector<16xf32>,
    tpu.vector_store %arg10[%swap3A_445, %swap3A_446], %broadcast_in_dim3A_3 {strides = array<i32>} : memref<32x128xf32, #tpu.memory_space<vmem>>, vector<16xf32>,
    %swap3A_448 = arith.constant 13 : i32
    %swap3A_449 = arith.index_cast %swap3A_448 : i32 to index
    %swap3A_450 = arith.constant 96 : index
    %swap3A_451 = tpu.vector_load %arg10[%swap3A_449, %swap3A_450] {strides = array<i32>} : memref<32x128xf32, #tpu.memory_space<vmem>>, vector<16xf32>,
    tpu.vector_store %arg10[%swap3A_449, %swap3A_450], %broadcast_in_dim3A_3 {strides = array<i32>} : memref<32x128xf32, #tpu.memory_space<vmem>>, vector<16xf32>,
    %swap3A_452 = arith.constant 13 : i32
    %swap3A_453 = arith.index_cast %swap3A_452 : i32 to index
    %swap3A_454 = arith.constant 112 : index
    %swap3A_455 = tpu.vector_load %arg10[%swap3A_453, %swap3A_454] {strides = array<i32>} : memref<32x128xf32, #tpu.memory_space<vmem>>, vector<16xf32>,
    tpu.vector_store %arg10[%swap3A_453, %swap3A_454], %broadcast_in_dim3A_3 {strides = array<i32>} : memref<32x128xf32, #tpu.memory_space<vmem>>, vector<16xf32>,
    %swap3A_456 = arith.constant 14 : i32
    %swap3A_457 = arith.index_cast %swap3A_456 : i32 to index
    %swap3A_458 = arith.constant 0 : index
    %swap3A_459 = tpu.vector_load %arg10[%swap3A_457, %swap3A_458] {strides = array<i32>} : memref<32x128xf32, #tpu.memory_space<vmem>>, vector<16xf32>,
    tpu.vector_store %arg10[%swap3A_457, %swap3A_458], %broadcast_in_dim3A_3 {strides = array<i32>} : memref<32x128xf32, #tpu.memory_space<vmem>>, vector<16xf32>,
    %swap3A_460 = arith.constant 14 : i32
    %swap3A_461 = arith.index_cast %swap3A_460 : i32 to index
    %swap3A_462 = arith.constant 16 : index
    %swap3A_463 = tpu.vector_load %arg10[%swap3A_461, %swap3A_462] {strides = array<i32>} : memref<32x128xf32, #tpu.memory_space<vmem>>, vector<16xf32>,
    tpu.vector_store %arg10[%swap3A_461, %swap3A_462], %broadcast_in_dim3A_3 {strides = array<i32>} : memref<32x128xf32, #tpu.memory_space<vmem>>, vector<16xf32>,
    %swap3A_464 = arith.constant 14 : i32
    %swap3A_465 = arith.index_cast %swap3A_464 : i32 to index
    %swap3A_466 = arith.constant 32 : index
    %swap3A_467 = tpu.vector_load %arg10[%swap3A_465, %swap3A_466] {strides = array<i32>} : memref<32x128xf32, #tpu.memory_space<vmem>>, vector<16xf32>,
    tpu.vector_store %arg10[%swap3A_465, %swap3A_466], %broadcast_in_dim3A_3 {strides = array<i32>} : memref<32x128xf32, #tpu.memory_space<vmem>>, vector<16xf32>,
    %swap3A_468 = arith.constant 14 : i32
    %swap3A_469 = arith.index_cast %swap3A_468 : i32 to index
    %swap3A_470 = arith.constant 48 : index
    %swap3A_471 = tpu.vector_load %arg10[%swap3A_469, %swap3A_470] {strides = array<i32>} : memref<32x128xf32, #tpu.memory_space<vmem>>, vector<16xf32>,
    tpu.vector_store %arg10[%swap3A_469, %swap3A_470], %broadcast_in_dim3A_3 {strides = array<i32>} : memref<32x128xf32, #tpu.memory_space<vmem>>, vector<16xf32>,
    %swap3A_472 = arith.constant 14 : i32
    %swap3A_473 = arith.index_cast %swap3A_472 : i32 to index
    %swap3A_474 = arith.constant 64 : index
    %swap3A_475 = tpu.vector_load %arg10[%swap3A_473, %swap3A_474] {strides = array<i32>} : memref<32x128xf32, #tpu.memory_space<vmem>>, vector<16xf32>,
    tpu.vector_store %arg10[%swap3A_473, %swap3A_474], %broadcast_in_dim3A_3 {strides = array<i32>} : memref<32x128xf32, #tpu.memory_space<vmem>>, vector<16xf32>,
    %swap3A_476 = arith.constant 14 : i32
    %swap3A_477 = arith.index_cast %swap3A_476 : i32 to index
    %swap3A_478 = arith.constant 80 : index
    %swap3A_479 = tpu.vector_load %arg10[%swap3A_477, %swap3A_478] {strides = array<i32>} : memref<32x128xf32, #tpu.memory_space<vmem>>, vector<16xf32>,
    tpu.vector_store %arg10[%swap3A_477, %swap3A_478], %broadcast_in_dim3A_3 {strides = array<i32>} : memref<32x128xf32, #tpu.memory_space<vmem>>, vector<16xf32>,
    %swap3A_480 = arith.constant 14 : i32
    %swap3A_481 = arith.index_cast %swap3A_480 : i32 to index
    %swap3A_482 = arith.constant 96 : index
    %swap3A_483 = tpu.vector_load %arg10[%swap3A_481, %swap3A_482] {strides = array<i32>} : memref<32x128xf32, #tpu.memory_space<vmem>>, vector<16xf32>,
    tpu.vector_store %arg10[%swap3A_481, %swap3A_482], %broadcast_in_dim3A_3 {strides = array<i32>} : memref<32x128xf32, #tpu.memory_space<vmem>>, vector<16xf32>,
    %swap3A_484 = arith.constant 14 : i32
    %swap3A_485 = arith.index_cast %swap3A_484 : i32 to index
    %swap3A_486 = arith.constant 112 : index
    %swap3A_487 = tpu.vector_load %arg10[%swap3A_485, %swap3A_486] {strides = array<i32>} : memref<32x128xf32, #tpu.memory_space<vmem>>, vector<16xf32>,
    tpu.vector_store %arg10[%swap3A_485, %swap3A_486], %broadcast_in_dim3A_3 {strides = array<i32>} : memref<32x128xf32, #tpu.memory_space<vmem>>, vector<16xf32>,
    %swap3A_488 = arith.constant 15 : i32
    %swap3A_489 = arith.index_cast %swap3A_488 : i32 to index
    %swap3A_490 = arith.constant 0 : index
    %swap3A_491 = tpu.vector_load %arg10[%swap3A_489, %swap3A_490] {strides = array<i32>} : memref<32x128xf32, #tpu.memory_space<vmem>>, vector<16xf32>,
    tpu.vector_store %arg10[%swap3A_489, %swap3A_490], %broadcast_in_dim3A_3 {strides = array<i32>} : memref<32x128xf32, #tpu.memory_space<vmem>>, vector<16xf32>,
    %swap3A_492 = arith.constant 15 : i32
    %swap3A_493 = arith.index_cast %swap3A_492 : i32 to index
    %swap3A_494 = arith.constant 16 : index
    %swap3A_495 = tpu.vector_load %arg10[%swap3A_493, %swap3A_494] {strides = array<i32>} : memref<32x128xf32, #tpu.memory_space<vmem>>, vector<16xf32>,
    tpu.vector_store %arg10[%swap3A_493, %swap3A_494], %broadcast_in_dim3A_3 {strides = array<i32>} : memref<32x128xf32, #tpu.memory_space<vmem>>, vector<16xf32>,
    %swap3A_496 = arith.constant 15 : i32
    %swap3A_497 = arith.index_cast %swap3A_496 : i32 to index
    %swap3A_498 = arith.constant 32 : index
    %swap3A_499 = tpu.vector_load %arg10[%swap3A_497, %swap3A_498] {strides = array<i32>} : memref<32x128xf32, #tpu.memory_space<vmem>>, vector<16xf32>,
    tpu.vector_store %arg10[%swap3A_497, %swap3A_498], %broadcast_in_dim3A_3 {strides = array<i32>} : memref<32x128xf32, #tpu.memory_space<vmem>>, vector<16xf32>,
    %swap3A_500 = arith.constant 15 : i32
    %swap3A_501 = arith.index_cast %swap3A_500 : i32 to index
    %swap3A_502 = arith.constant 48 : index
    %swap3A_503 = tpu.vector_load %arg10[%swap3A_501, %swap3A_502] {strides = array<i32>} : memref<32x128xf32, #tpu.memory_space<vmem>>, vector<16xf32>,
    tpu.vector_store %arg10[%swap3A_501, %swap3A_502], %broadcast_in_dim3A_3 {strides = array<i32>} : memref<32x128xf32, #tpu.memory_space<vmem>>, vector<16xf32>,
    %swap3A_504 = arith.constant 15 : i32
    %swap3A_505 = arith.index_cast %swap3A_504 : i32 to index
    %swap3A_506 = arith.constant 64 : index
    %swap3A_507 = tpu.vector_load %arg10[%swap3A_505, %swap3A_506] {strides = array<i32>} : memref<32x128xf32, #tpu.memory_space<vmem>>, vector<16xf32>,
    tpu.vector_store %arg10[%swap3A_505, %swap3A_506], %broadcast_in_dim3A_3 {strides = array<i32>} : memref<32x128xf32, #tpu.memory_space<vmem>>, vector<16xf32>,
    %swap3A_508 = arith.constant 15 : i32
    %swap3A_509 = arith.index_cast %swap3A_508 : i32 to index
    %swap3A_510 = arith.constant 80 : index
    %swap3A_511 = tpu.vector_load %arg10[%swap3A_509, %swap3A_510] {strides = array<i32>} : memref<32x128xf32, #tpu.memory_space<vmem>>, vector<16xf32>,
    tpu.vector_store %arg10[%swap3A_509, %swap3A_510], %broadcast_in_dim3A_3 {strides = array<i32>} : memref<32x128xf32, #tpu.memory_space<vmem>>, vector<16xf32>,
    %swap3A_512 = arith.constant 15 : i32
    %swap3A_513 = arith.index_cast %swap3A_512 : i32 to index
    %swap3A_514 = arith.constant 96 : index
    %swap3A_515 = tpu.vector_load %arg10[%swap3A_513, %swap3A_514] {strides = array<i32>} : memref<32x128xf32, #tpu.memory_space<vmem>>, vector<16xf32>,
    tpu.vector_store %arg10[%swap3A_513, %swap3A_514], %broadcast_in_dim3A_3 {strides = array<i32>} : memref<32x128xf32, #tpu.memory_space<vmem>>, vector<16xf32>,
    %swap3A_516 = arith.constant 15 : i32
    %swap3A_517 = arith.index_cast %swap3A_516 : i32 to index
    %swap3A_518 = arith.constant 112 : index
    %swap3A_519 = tpu.vector_load %arg10[%swap3A_517, %swap3A_518] {strides = array<i32>} : memref<32x128xf32, #tpu.memory_space<vmem>>, vector<16xf32>,
    tpu.vector_store %arg10[%swap3A_517, %swap3A_518], %broadcast_in_dim3A_3 {strides = array<i32>} : memref<32x128xf32, #tpu.memory_space<vmem>>, vector<16xf32>,
    %swap3A_520 = arith.constant 16 : i32
    %swap3A_521 = arith.index_cast %swap3A_520 : i32 to index
    %swap3A_522 = arith.constant 0 : index
    %swap3A_523 = tpu.vector_load %arg10[%swap3A_521, %swap3A_522] {strides = array<i32>} : memref<32x128xf32, #tpu.memory_space<vmem>>, vector<16xf32>,
    tpu.vector_store %arg10[%swap3A_521, %swap3A_522], %broadcast_in_dim3A_3 {strides = array<i32>} : memref<32x128xf32, #tpu.memory_space<vmem>>, vector<16xf32>,
    %swap3A_524 = arith.constant 16 : i32
    %swap3A_525 = arith.index_cast %swap3A_524 : i32 to index
    %swap3A_526 = arith.constant 16 : index
    %swap3A_527 = tpu.vector_load %arg10[%swap3A_525, %swap3A_526] {strides = array<i32>} : memref<32x128xf32, #tpu.memory_space<vmem>>, vector<16xf32>,
    tpu.vector_store %arg10[%swap3A_525, %swap3A_526], %broadcast_in_dim3A_3 {strides = array<i32>} : memref<32x128xf32, #tpu.memory_space<vmem>>, vector<16xf32>,
    %swap3A_528 = arith.constant 16 : i32
    %swap3A_529 = arith.index_cast %swap3A_528 : i32 to index
    %swap3A_530 = arith.constant 32 : index
    %swap3A_531 = tpu.vector_load %arg10[%swap3A_529, %swap3A_530] {strides = array<i32>} : memref<32x128xf32, #tpu.memory_space<vmem>>, vector<16xf32>,
    tpu.vector_store %arg10[%swap3A_529, %swap3A_530], %broadcast_in_dim3A_3 {strides = array<i32>} : memref<32x128xf32, #tpu.memory_space<vmem>>, vector<16xf32>,
    %swap3A_532 = arith.constant 16 : i32
    %swap3A_533 = arith.index_cast %swap3A_532 : i32 to index
    %swap3A_534 = arith.constant 48 : index
    %swap3A_535 = tpu.vector_load %arg10[%swap3A_533, %swap3A_534] {strides = array<i32>} : memref<32x128xf32, #tpu.memory_space<vmem>>, vector<16xf32>,
    tpu.vector_store %arg10[%swap3A_533, %swap3A_534], %broadcast_in_dim3A_3 {strides = array<i32>} : memref<32x128xf32, #tpu.memory_space<vmem>>, vector<16xf32>,
    %swap3A_536 = arith.constant 16 : i32
    %swap3A_537 = arith.index_cast %swap3A_536 : i32 to index
    %swap3A_538 = arith.constant 64 : index
    %swap3A_539 = tpu.vector_load %arg10[%swap3A_537, %swap3A_538] {strides = array<i32>} : memref<32x128xf32, #tpu.memory_space<vmem>>, vector<16xf32>,
    tpu.vector_store %arg10[%swap3A_537, %swap3A_538], %broadcast_in_dim3A_3 {strides = array<i32>} : memref<32x128xf32, #tpu.memory_space<vmem>>, vector<16xf32>,
    %swap3A_540 = arith.constant 16 : i32
    %swap3A_541 = arith.index_cast %swap3A_540 : i32 to index
    %swap3A_542 = arith.constant 80 : index
    %swap3A_543 = tpu.vector_load %arg10[%swap3A_541, %swap3A_542] {strides = array<i32>} : memref<32x128xf32, #tpu.memory_space<vmem>>, vector<16xf32>,
    tpu.vector_store %arg10[%swap3A_541, %swap3A_542], %broadcast_in_dim3A_3 {strides = array<i32>} : memref<32x128xf32, #tpu.memory_space<vmem>>, vector<16xf32>,
    %swap3A_544 = arith.constant 16 : i32
    %swap3A_545 = arith.index_cast %swap3A_544 : i32 to index
    %swap3A_546 = arith.constant 96 : index
    %swap3A_547 = tpu.vector_load %arg10[%swap3A_545, %swap3A_546] {strides = array<i32>} : memref<32x128xf32, #tpu.memory_space<vmem>>, vector<16xf32>,
    tpu.vector_store %arg10[%swap3A_545, %swap3A_546], %broadcast_in_dim3A_3 {strides = array<i32>} : memref<32x128xf32, #tpu.memory_space<vmem>>, vector<16xf32>,
    %swap3A_548 = arith.constant 16 : i32
    %swap3A_549 = arith.index_cast %swap3A_548 : i32 to index
    %swap3A_550 = arith.constant 112 : index
    %swap3A_551 = tpu.vector_load %arg10[%swap3A_549, %swap3A_550] {strides = array<i32>} : memref<32x128xf32, #tpu.memory_space<vmem>>, vector<16xf32>,
    tpu.vector_store %arg10[%swap3A_549, %swap3A_550], %broadcast_in_dim3A_3 {strides = array<i32>} : memref<32x128xf32, #tpu.memory_space<vmem>>, vector<16xf32>,
    %swap3A_552 = arith.constant 17 : i32
    %swap3A_553 = arith.index_cast %swap3A_552 : i32 to index
    %swap3A_554 = arith.constant 0 : index
    %swap3A_555 = tpu.vector_load %arg10[%swap3A_553, %swap3A_554] {strides = array<i32>} : memref<32x128xf32, #tpu.memory_space<vmem>>, vector<16xf32>,
    tpu.vector_store %arg10[%swap3A_553, %swap3A_554], %broadcast_in_dim3A_3 {strides = array<i32>} : memref<32x128xf32, #tpu.memory_space<vmem>>, vector<16xf32>,
    %swap3A_556 = arith.constant 17 : i32
    %swap3A_557 = arith.index_cast %swap3A_556 : i32 to index
    %swap3A_558 = arith.constant 16 : index
    %swap3A_559 = tpu.vector_load %arg10[%swap3A_557, %swap3A_558] {strides = array<i32>} : memref<32x128xf32, #tpu.memory_space<vmem>>, vector<16xf32>,
    tpu.vector_store %arg10[%swap3A_557, %swap3A_558], %broadcast_in_dim3A_3 {strides = array<i32>} : memref<32x128xf32, #tpu.memory_space<vmem>>, vector<16xf32>,
    %swap3A_560 = arith.constant 17 : i32
    %swap3A_561 = arith.index_cast %swap3A_560 : i32 to index
    %swap3A_562 = arith.constant 32 : index
    %swap3A_563 = tpu.vector_load %arg10[%swap3A_561, %swap3A_562] {strides = array<i32>} : memref<32x128xf32, #tpu.memory_space<vmem>>, vector<16xf32>,
    tpu.vector_store %arg10[%swap3A_561, %swap3A_562], %broadcast_in_dim3A_3 {strides = array<i32>} : memref<32x128xf32, #tpu.memory_space<vmem>>, vector<16xf32>,
    %swap3A_564 = arith.constant 17 : i32
    %swap3A_565 = arith.index_cast %swap3A_564 : i32 to index
    %swap3A_566 = arith.constant 48 : index
    %swap3A_567 = tpu.vector_load %arg10[%swap3A_565, %swap3A_566] {strides = array<i32>} : memref<32x128xf32, #tpu.memory_space<vmem>>, vector<16xf32>,
    tpu.vector_store %arg10[%swap3A_565, %swap3A_566], %broadcast_in_dim3A_3 {strides = array<i32>} : memref<32x128xf32, #tpu.memory_space<vmem>>, vector<16xf32>,
    %swap3A_568 = arith.constant 17 : i32
    %swap3A_569 = arith.index_cast %swap3A_568 : i32 to index
    %swap3A_570 = arith.constant 64 : index
    %swap3A_571 = tpu.vector_load %arg10[%swap3A_569, %swap3A_570] {strides = array<i32>} : memref<32x128xf32, #tpu.memory_space<vmem>>, vector<16xf32>,
    tpu.vector_store %arg10[%swap3A_569, %swap3A_570], %broadcast_in_dim3A_3 {strides = array<i32>} : memref<32x128xf32, #tpu.memory_space<vmem>>, vector<16xf32>,
    %swap3A_572 = arith.constant 17 : i32
    %swap3A_573 = arith.index_cast %swap3A_572 : i32 to index
    %swap3A_574 = arith.constant 80 : index
    %swap3A_575 = tpu.vector_load %arg10[%swap3A_573, %swap3A_574] {strides = array<i32>} : memref<32x128xf32, #tpu.memory_space<vmem>>, vector<16xf32>,
    tpu.vector_store %arg10[%swap3A_573, %swap3A_574], %broadcast_in_dim3A_3 {strides = array<i32>} : memref<32x128xf32, #tpu.memory_space<vmem>>, vector<16xf32>,
    %swap3A_576 = arith.constant 17 : i32
    %swap3A_577 = arith.index_cast %swap3A_576 : i32 to index
    %swap3A_578 = arith.constant 96 : index
    %swap3A_579 = tpu.vector_load %arg10[%swap3A_577, %swap3A_578] {strides = array<i32>} : memref<32x128xf32, #tpu.memory_space<vmem>>, vector<16xf32>,
    tpu.vector_store %arg10[%swap3A_577, %swap3A_578], %broadcast_in_dim3A_3 {strides = array<i32>} : memref<32x128xf32, #tpu.memory_space<vmem>>, vector<16xf32>,
    %swap3A_580 = arith.constant 17 : i32
    %swap3A_581 = arith.index_cast %swap3A_580 : i32 to index
    %swap3A_582 = arith.constant 112 : index
    %swap3A_583 = tpu.vector_load %arg10[%swap3A_581, %swap3A_582] {strides = array<i32>} : memref<32x128xf32, #tpu.memory_space<vmem>>, vector<16xf32>,
    tpu.vector_store %arg10[%swap3A_581, %swap3A_582], %broadcast_in_dim3A_3 {strides = array<i32>} : memref<32x128xf32, #tpu.memory_space<vmem>>, vector<16xf32>,
    %swap3A_584 = arith.constant 18 : i32
    %swap3A_585 = arith.index_cast %swap3A_584 : i32 to index
    %swap3A_586 = arith.constant 0 : index
    %swap3A_587 = tpu.vector_load %arg10[%swap3A_585, %swap3A_586] {strides = array<i32>} : memref<32x128xf32, #tpu.memory_space<vmem>>, vector<16xf32>,
    tpu.vector_store %arg10[%swap3A_585, %swap3A_586], %broadcast_in_dim3A_3 {strides = array<i32>} : memref<32x128xf32, #tpu.memory_space<vmem>>, vector<16xf32>,
    %swap3A_588 = arith.constant 18 : i32
    %swap3A_589 = arith.index_cast %swap3A_588 : i32 to index
    %swap3A_590 = arith.constant 16 : index
    %swap3A_591 = tpu.vector_load %arg10[%swap3A_589, %swap3A_590] {strides = array<i32>} : memref<32x128xf32, #tpu.memory_space<vmem>>, vector<16xf32>,
    tpu.vector_store %arg10[%swap3A_589, %swap3A_590], %broadcast_in_dim3A_3 {strides = array<i32>} : memref<32x128xf32, #tpu.memory_space<vmem>>, vector<16xf32>,
    %swap3A_592 = arith.constant 18 : i32
    %swap3A_593 = arith.index_cast %swap3A_592 : i32 to index
    %swap3A_594 = arith.constant 32 : index
    %swap3A_595 = tpu.vector_load %arg10[%swap3A_593, %swap3A_594] {strides = array<i32>} : memref<32x128xf32, #tpu.memory_space<vmem>>, vector<16xf32>,
    tpu.vector_store %arg10[%swap3A_593, %swap3A_594], %broadcast_in_dim3A_3 {strides = array<i32>} : memref<32x128xf32, #tpu.memory_space<vmem>>, vector<16xf32>,
    %swap3A_596 = arith.constant 18 : i32
    %swap3A_597 = arith.index_cast %swap3A_596 : i32 to index
    %swap3A_598 = arith.constant 48 : index
    %swap3A_599 = tpu.vector_load %arg10[%swap3A_597, %swap3A_598] {strides = array<i32>} : memref<32x128xf32, #tpu.memory_space<vmem>>, vector<16xf32>,
    tpu.vector_store %arg10[%swap3A_597, %swap3A_598], %broadcast_in_dim3A_3 {strides = array<i32>} : memref<32x128xf32, #tpu.memory_space<vmem>>, vector<16xf32>,
    %swap3A_600 = arith.constant 18 : i32
    %swap3A_601 = arith.index_cast %swap3A_600 : i32 to index
    %swap3A_602 = arith.constant 64 : index
    %swap3A_603 = tpu.vector_load %arg10[%swap3A_601, %swap3A_602] {strides = array<i32>} : memref<32x128xf32, #tpu.memory_space<vmem>>, vector<16xf32>,
    tpu.vector_store %arg10[%swap3A_601, %swap3A_602], %broadcast_in_dim3A_3 {strides = array<i32>} : memref<32x128xf32, #tpu.memory_space<vmem>>, vector<16xf32>,
    %swap3A_604 = arith.constant 18 : i32
    %swap3A_605 = arith.index_cast %swap3A_604 : i32 to index
    %swap3A_606 = arith.constant 80 : index
    %swap3A_607 = tpu.vector_load %arg10[%swap3A_605, %swap3A_606] {strides = array<i32>} : memref<32x128xf32, #tpu.memory_space<vmem>>, vector<16xf32>,
    tpu.vector_store %arg10[%swap3A_605, %swap3A_606], %broadcast_in_dim3A_3 {strides = array<i32>} : memref<32x128xf32, #tpu.memory_space<vmem>>, vector<16xf32>,
    %swap3A_608 = arith.constant 18 : i32
    %swap3A_609 = arith.index_cast %swap3A_608 : i32 to index
    %swap3A_610 = arith.constant 96 : index
    %swap3A_611 = tpu.vector_load %arg10[%swap3A_609, %swap3A_610] {strides = array<i32>} : memref<32x128xf32, #tpu.memory_space<vmem>>, vector<16xf32>,
    tpu.vector_store %arg10[%swap3A_609, %swap3A_610], %broadcast_in_dim3A_3 {strides = array<i32>} : memref<32x128xf32, #tpu.memory_space<vmem>>, vector<16xf32>,
    %swap3A_612 = arith.constant 18 : i32
    %swap3A_613 = arith.index_cast %swap3A_612 : i32 to index
    %swap3A_614 = arith.constant 112 : index
    %swap3A_615 = tpu.vector_load %arg10[%swap3A_613, %swap3A_614] {strides = array<i32>} : memref<32x128xf32, #tpu.memory_space<vmem>>, vector<16xf32>,
    tpu.vector_store %arg10[%swap3A_613, %swap3A_614], %broadcast_in_dim3A_3 {strides = array<i32>} : memref<32x128xf32, #tpu.memory_space<vmem>>, vector<16xf32>,
    %swap3A_616 = arith.constant 19 : i32
    %swap3A_617 = arith.index_cast %swap3A_616 : i32 to index
    %swap3A_618 = arith.constant 0 : index
    %swap3A_619 = tpu.vector_load %arg10[%swap3A_617, %swap3A_618] {strides = array<i32>} : memref<32x128xf32, #tpu.memory_space<vmem>>, vector<16xf32>,
    tpu.vector_store %arg10[%swap3A_617, %swap3A_618], %broadcast_in_dim3A_3 {strides = array<i32>} : memref<32x128xf32, #tpu.memory_space<vmem>>, vector<16xf32>,
    %swap3A_620 = arith.constant 19 : i32
    %swap3A_621 = arith.index_cast %swap3A_620 : i32 to index
    %swap3A_622 = arith.constant 16 : index
    %swap3A_623 = tpu.vector_load %arg10[%swap3A_621, %swap3A_622] {strides = array<i32>} : memref<32x128xf32, #tpu.memory_space<vmem>>, vector<16xf32>,
    tpu.vector_store %arg10[%swap3A_621, %swap3A_622], %broadcast_in_dim3A_3 {strides = array<i32>} : memref<32x128xf32, #tpu.memory_space<vmem>>, vector<16xf32>,
    %swap3A_624 = arith.constant 19 : i32
    %swap3A_625 = arith.index_cast %swap3A_624 : i32 to index
    %swap3A_626 = arith.constant 32 : index
    %swap3A_627 = tpu.vector_load %arg10[%swap3A_625, %swap3A_626] {strides = array<i32>} : memref<32x128xf32, #tpu.memory_space<vmem>>, vector<16xf32>,
    tpu.vector_store %arg10[%swap3A_625, %swap3A_626], %broadcast_in_dim3A_3 {strides = array<i32>} : memref<32x128xf32, #tpu.memory_space<vmem>>, vector<16xf32>,
    %swap3A_628 = arith.constant 19 : i32
    %swap3A_629 = arith.index_cast %swap3A_628 : i32 to index
    %swap3A_630 = arith.constant 48 : index
    %swap3A_631 = tpu.vector_load %arg10[%swap3A_629, %swap3A_630] {strides = array<i32>} : memref<32x128xf32, #tpu.memory_space<vmem>>, vector<16xf32>,
    tpu.vector_store %arg10[%swap3A_629, %swap3A_630], %broadcast_in_dim3A_3 {strides = array<i32>} : memref<32x128xf32, #tpu.memory_space<vmem>>, vector<16xf32>,
    %swap3A_632 = arith.constant 19 : i32
    %swap3A_633 = arith.index_cast %swap3A_632 : i32 to index
    %swap3A_634 = arith.constant 64 : index
    %swap3A_635 = tpu.vector_load %arg10[%swap3A_633, %swap3A_634] {strides = array<i32>} : memref<32x128xf32, #tpu.memory_space<vmem>>, vector<16xf32>,
    tpu.vector_store %arg10[%swap3A_633, %swap3A_634], %broadcast_in_dim3A_3 {strides = array<i32>} : memref<32x128xf32, #tpu.memory_space<vmem>>, vector<16xf32>,
    %swap3A_636 = arith.constant 19 : i32
    %swap3A_637 = arith.index_cast %swap3A_636 : i32 to index
    %swap3A_638 = arith.constant 80 : index
    %swap3A_639 = tpu.vector_load %arg10[%swap3A_637, %swap3A_638] {strides = array<i32>} : memref<32x128xf32, #tpu.memory_space<vmem>>, vector<16xf32>,
    tpu.vector_store %arg10[%swap3A_637, %swap3A_638], %broadcast_in_dim3A_3 {strides = array<i32>} : memref<32x128xf32, #tpu.memory_space<vmem>>, vector<16xf32>,
    %swap3A_640 = arith.constant 19 : i32
    %swap3A_641 = arith.index_cast %swap3A_640 : i32 to index
    %swap3A_642 = arith.constant 96 : index
    %swap3A_643 = tpu.vector_load %arg10[%swap3A_641, %swap3A_642] {strides = array<i32>} : memref<32x128xf32, #tpu.memory_space<vmem>>, vector<16xf32>,
    tpu.vector_store %arg10[%swap3A_641, %swap3A_642], %broadcast_in_dim3A_3 {strides = array<i32>} : memref<32x128xf32, #tpu.memory_space<vmem>>, vector<16xf32>,
    %swap3A_644 = arith.constant 19 : i32
    %swap3A_645 = arith.index_cast %swap3A_644 : i32 to index
    %swap3A_646 = arith.constant 112 : index
    %swap3A_647 = tpu.vector_load %arg10[%swap3A_645, %swap3A_646] {strides = array<i32>} : memref<32x128xf32, #tpu.memory_space<vmem>>, vector<16xf32>,
    tpu.vector_store %arg10[%swap3A_645, %swap3A_646], %broadcast_in_dim3A_3 {strides = array<i32>} : memref<32x128xf32, #tpu.memory_space<vmem>>, vector<16xf32>,
    %swap3A_648 = arith.constant 20 : i32
    %swap3A_649 = arith.index_cast %swap3A_648 : i32 to index
    %swap3A_650 = arith.constant 0 : index
    %swap3A_651 = tpu.vector_load %arg10[%swap3A_649, %swap3A_650] {strides = array<i32>} : memref<32x128xf32, #tpu.memory_space<vmem>>, vector<16xf32>,
    tpu.vector_store %arg10[%swap3A_649, %swap3A_650], %broadcast_in_dim3A_3 {strides = array<i32>} : memref<32x128xf32, #tpu.memory_space<vmem>>, vector<16xf32>,
    %swap3A_652 = arith.constant 20 : i32
    %swap3A_653 = arith.index_cast %swap3A_652 : i32 to index
    %swap3A_654 = arith.constant 16 : index
    %swap3A_655 = tpu.vector_load %arg10[%swap3A_653, %swap3A_654] {strides = array<i32>} : memref<32x128xf32, #tpu.memory_space<vmem>>, vector<16xf32>,
    tpu.vector_store %arg10[%swap3A_653, %swap3A_654], %broadcast_in_dim3A_3 {strides = array<i32>} : memref<32x128xf32, #tpu.memory_space<vmem>>, vector<16xf32>,
    %swap3A_656 = arith.constant 20 : i32
    %swap3A_657 = arith.index_cast %swap3A_656 : i32 to index
    %swap3A_658 = arith.constant 32 : index
    %swap3A_659 = tpu.vector_load %arg10[%swap3A_657, %swap3A_658] {strides = array<i32>} : memref<32x128xf32, #tpu.memory_space<vmem>>, vector<16xf32>,
    tpu.vector_store %arg10[%swap3A_657, %swap3A_658], %broadcast_in_dim3A_3 {strides = array<i32>} : memref<32x128xf32, #tpu.memory_space<vmem>>, vector<16xf32>,
    %swap3A_660 = arith.constant 20 : i32
    %swap3A_661 = arith.index_cast %swap3A_660 : i32 to index
    %swap3A_662 = arith.constant 48 : index
    %swap3A_663 = tpu.vector_load %arg10[%swap3A_661, %swap3A_662] {strides = array<i32>} : memref<32x128xf32, #tpu.memory_space<vmem>>, vector<16xf32>,
    tpu.vector_store %arg10[%swap3A_661, %swap3A_662], %broadcast_in_dim3A_3 {strides = array<i32>} : memref<32x128xf32, #tpu.memory_space<vmem>>, vector<16xf32>,
    %swap3A_664 = arith.constant 20 : i32
    %swap3A_665 = arith.index_cast %swap3A_664 : i32 to index
    %swap3A_666 = arith.constant 64 : index
    %swap3A_667 = tpu.vector_load %arg10[%swap3A_665, %swap3A_666] {strides = array<i32>} : memref<32x128xf32, #tpu.memory_space<vmem>>, vector<16xf32>,
    tpu.vector_store %arg10[%swap3A_665, %swap3A_666], %broadcast_in_dim3A_3 {strides = array<i32>} : memref<32x128xf32, #tpu.memory_space<vmem>>, vector<16xf32>,
    %swap3A_668 = arith.constant 20 : i32
    %swap3A_669 = arith.index_cast %swap3A_668 : i32 to index
    %swap3A_670 = arith.constant 80 : index
    %swap3A_671 = tpu.vector_load %arg10[%swap3A_669, %swap3A_670] {strides = array<i32>} : memref<32x128xf32, #tpu.memory_space<vmem>>, vector<16xf32>,
    tpu.vector_store %arg10[%swap3A_669, %swap3A_670], %broadcast_in_dim3A_3 {strides = array<i32>} : memref<32x128xf32, #tpu.memory_space<vmem>>, vector<16xf32>,
    %swap3A_672 = arith.constant 20 : i32
    %swap3A_673 = arith.index_cast %swap3A_672 : i32 to index
    %swap3A_674 = arith.constant 96 : index
    %swap3A_675 = tpu.vector_load %arg10[%swap3A_673, %swap3A_674] {strides = array<i32>} : memref<32x128xf32, #tpu.memory_space<vmem>>, vector<16xf32>,
    tpu.vector_store %arg10[%swap3A_673, %swap3A_674], %broadcast_in_dim3A_3 {strides = array<i32>} : memref<32x128xf32, #tpu.memory_space<vmem>>, vector<16xf32>,
    %swap3A_676 = arith.constant 20 : i32
    %swap3A_677 = arith.index_cast %swap3A_676 : i32 to index
    %swap3A_678 = arith.constant 112 : index
    %swap3A_679 = tpu.vector_load %arg10[%swap3A_677, %swap3A_678] {strides = array<i32>} : memref<32x128xf32, #tpu.memory_space<vmem>>, vector<16xf32>,
    tpu.vector_store %arg10[%swap3A_677, %swap3A_678], %broadcast_in_dim3A_3 {strides = array<i32>} : memref<32x128xf32, #tpu.memory_space<vmem>>, vector<16xf32>,
    %swap3A_680 = arith.constant 21 : i32
    %swap3A_681 = arith.index_cast %swap3A_680 : i32 to index
    %swap3A_682 = arith.constant 0 : index
    %swap3A_683 = tpu.vector_load %arg10[%swap3A_681, %swap3A_682] {strides = array<i32>} : memref<32x128xf32, #tpu.memory_space<vmem>>, vector<16xf32>,
    tpu.vector_store %arg10[%swap3A_681, %swap3A_682], %broadcast_in_dim3A_3 {strides = array<i32>} : memref<32x128xf32, #tpu.memory_space<vmem>>, vector<16xf32>,
    %swap3A_684 = arith.constant 21 : i32
    %swap3A_685 = arith.index_cast %swap3A_684 : i32 to index
    %swap3A_686 = arith.constant 16 : index
    %swap3A_687 = tpu.vector_load %arg10[%swap3A_685, %swap3A_686] {strides = array<i32>} : memref<32x128xf32, #tpu.memory_space<vmem>>, vector<16xf32>,
    tpu.vector_store %arg10[%swap3A_685, %swap3A_686], %broadcast_in_dim3A_3 {strides = array<i32>} : memref<32x128xf32, #tpu.memory_space<vmem>>, vector<16xf32>,
    %swap3A_688 = arith.constant 21 : i32
    %swap3A_689 = arith.index_cast %swap3A_688 : i32 to index
    %swap3A_690 = arith.constant 32 : index
    %swap3A_691 = tpu.vector_load %arg10[%swap3A_689, %swap3A_690] {strides = array<i32>} : memref<32x128xf32, #tpu.memory_space<vmem>>, vector<16xf32>,
    tpu.vector_store %arg10[%swap3A_689, %swap3A_690], %broadcast_in_dim3A_3 {strides = array<i32>} : memref<32x128xf32, #tpu.memory_space<vmem>>, vector<16xf32>,
    %swap3A_692 = arith.constant 21 : i32
    %swap3A_693 = arith.index_cast %swap3A_692 : i32 to index
    %swap3A_694 = arith.constant 48 : index
    %swap3A_695 = tpu.vector_load %arg10[%swap3A_693, %swap3A_694] {strides = array<i32>} : memref<32x128xf32, #tpu.memory_space<vmem>>, vector<16xf32>,
    tpu.vector_store %arg10[%swap3A_693, %swap3A_694], %broadcast_in_dim3A_3 {strides = array<i32>} : memref<32x128xf32, #tpu.memory_space<vmem>>, vector<16xf32>,
    %swap3A_696 = arith.constant 21 : i32
    %swap3A_697 = arith.index_cast %swap3A_696 : i32 to index
    %swap3A_698 = arith.constant 64 : index
    %swap3A_699 = tpu.vector_load %arg10[%swap3A_697, %swap3A_698] {strides = array<i32>} : memref<32x128xf32, #tpu.memory_space<vmem>>, vector<16xf32>,
    tpu.vector_store %arg10[%swap3A_697, %swap3A_698], %broadcast_in_dim3A_3 {strides = array<i32>} : memref<32x128xf32, #tpu.memory_space<vmem>>, vector<16xf32>,
    %swap3A_700 = arith.constant 21 : i32
    %swap3A_701 = arith.index_cast %swap3A_700 : i32 to index
    %swap3A_702 = arith.constant 80 : index
    %swap3A_703 = tpu.vector_load %arg10[%swap3A_701, %swap3A_702] {strides = array<i32>} : memref<32x128xf32, #tpu.memory_space<vmem>>, vector<16xf32>,
    tpu.vector_store %arg10[%swap3A_701, %swap3A_702], %broadcast_in_dim3A_3 {strides = array<i32>} : memref<32x128xf32, #tpu.memory_space<vmem>>, vector<16xf32>,
    %swap3A_704 = arith.constant 21 : i32
    %swap3A_705 = arith.index_cast %swap3A_704 : i32 to index
    %swap3A_706 = arith.constant 96 : index
    %swap3A_707 = tpu.vector_load %arg10[%swap3A_705, %swap3A_706] {strides = array<i32>} : memref<32x128xf32, #tpu.memory_space<vmem>>, vector<16xf32>,
    tpu.vector_store %arg10[%swap3A_705, %swap3A_706], %broadcast_in_dim3A_3 {strides = array<i32>} : memref<32x128xf32, #tpu.memory_space<vmem>>, vector<16xf32>,
    %swap3A_708 = arith.constant 21 : i32
    %swap3A_709 = arith.index_cast %swap3A_708 : i32 to index
    %swap3A_710 = arith.constant 112 : index
    %swap3A_711 = tpu.vector_load %arg10[%swap3A_709, %swap3A_710] {strides = array<i32>} : memref<32x128xf32, #tpu.memory_space<vmem>>, vector<16xf32>,
    tpu.vector_store %arg10[%swap3A_709, %swap3A_710], %broadcast_in_dim3A_3 {strides = array<i32>} : memref<32x128xf32, #tpu.memory_space<vmem>>, vector<16xf32>,
    %swap3A_712 = arith.constant 22 : i32
    %swap3A_713 = arith.index_cast %swap3A_712 : i32 to index
    %swap3A_714 = arith.constant 0 : index
    %swap3A_715 = tpu.vector_load %arg10[%swap3A_713, %swap3A_714] {strides = array<i32>} : memref<32x128xf32, #tpu.memory_space<vmem>>, vector<16xf32>,
    tpu.vector_store %arg10[%swap3A_713, %swap3A_714], %broadcast_in_dim3A_3 {strides = array<i32>} : memref<32x128xf32, #tpu.memory_space<vmem>>, vector<16xf32>,
    %swap3A_716 = arith.constant 22 : i32
    %swap3A_717 = arith.index_cast %swap3A_716 : i32 to index
    %swap3A_718 = arith.constant 16 : index
    %swap3A_719 = tpu.vector_load %arg10[%swap3A_717, %swap3A_718] {strides = array<i32>} : memref<32x128xf32, #tpu.memory_space<vmem>>, vector<16xf32>,
    tpu.vector_store %arg10[%swap3A_717, %swap3A_718], %broadcast_in_dim3A_3 {strides = array<i32>} : memref<32x128xf32, #tpu.memory_space<vmem>>, vector<16xf32>,
    %swap3A_720 = arith.constant 22 : i32
    %swap3A_721 = arith.index_cast %swap3A_720 : i32 to index
    %swap3A_722 = arith.constant 32 : index
    %swap3A_723 = tpu.vector_load %arg10[%swap3A_721, %swap3A_722] {strides = array<i32>} : memref<32x128xf32, #tpu.memory_space<vmem>>, vector<16xf32>,
    tpu.vector_store %arg10[%swap3A_721, %swap3A_722], %broadcast_in_dim3A_3 {strides = array<i32>} : memref<32x128xf32, #tpu.memory_space<vmem>>, vector<16xf32>,
    %swap3A_724 = arith.constant 22 : i32
    %swap3A_725 = arith.index_cast %swap3A_724 : i32 to index
    %swap3A_726 = arith.constant 48 : index
    %swap3A_727 = tpu.vector_load %arg10[%swap3A_725, %swap3A_726] {strides = array<i32>} : memref<32x128xf32, #tpu.memory_space<vmem>>, vector<16xf32>,
    tpu.vector_store %arg10[%swap3A_725, %swap3A_726], %broadcast_in_dim3A_3 {strides = array<i32>} : memref<32x128xf32, #tpu.memory_space<vmem>>, vector<16xf32>,
    %swap3A_728 = arith.constant 22 : i32
    %swap3A_729 = arith.index_cast %swap3A_728 : i32 to index
    %swap3A_730 = arith.constant 64 : index
    %swap3A_731 = tpu.vector_load %arg10[%swap3A_729, %swap3A_730] {strides = array<i32>} : memref<32x128xf32, #tpu.memory_space<vmem>>, vector<16xf32>,
    tpu.vector_store %arg10[%swap3A_729, %swap3A_730], %broadcast_in_dim3A_3 {strides = array<i32>} : memref<32x128xf32, #tpu.memory_space<vmem>>, vector<16xf32>,
    %swap3A_732 = arith.constant 22 : i32
    %swap3A_733 = arith.index_cast %swap3A_732 : i32 to index
    %swap3A_734 = arith.constant 80 : index
    %swap3A_735 = tpu.vector_load %arg10[%swap3A_733, %swap3A_734] {strides = array<i32>} : memref<32x128xf32, #tpu.memory_space<vmem>>, vector<16xf32>,
    tpu.vector_store %arg10[%swap3A_733, %swap3A_734], %broadcast_in_dim3A_3 {strides = array<i32>} : memref<32x128xf32, #tpu.memory_space<vmem>>, vector<16xf32>,
    %swap3A_736 = arith.constant 22 : i32
    %swap3A_737 = arith.index_cast %swap3A_736 : i32 to index
    %swap3A_738 = arith.constant 96 : index
    %swap3A_739 = tpu.vector_load %arg10[%swap3A_737, %swap3A_738] {strides = array<i32>} : memref<32x128xf32, #tpu.memory_space<vmem>>, vector<16xf32>,
    tpu.vector_store %arg10[%swap3A_737, %swap3A_738], %broadcast_in_dim3A_3 {strides = array<i32>} : memref<32x128xf32, #tpu.memory_space<vmem>>, vector<16xf32>,
    %swap3A_740 = arith.constant 22 : i32
    %swap3A_741 = arith.index_cast %swap3A_740 : i32 to index
    %swap3A_742 = arith.constant 112 : index
    %swap3A_743 = tpu.vector_load %arg10[%swap3A_741, %swap3A_742] {strides = array<i32>} : memref<32x128xf32, #tpu.memory_space<vmem>>, vector<16xf32>,
    tpu.vector_store %arg10[%swap3A_741, %swap3A_742], %broadcast_in_dim3A_3 {strides = array<i32>} : memref<32x128xf32, #tpu.memory_space<vmem>>, vector<16xf32>,
    %swap3A_744 = arith.constant 23 : i32
    %swap3A_745 = arith.index_cast %swap3A_744 : i32 to index
    %swap3A_746 = arith.constant 0 : index
    %swap3A_747 = tpu.vector_load %arg10[%swap3A_745, %swap3A_746] {strides = array<i32>} : memref<32x128xf32, #tpu.memory_space<vmem>>, vector<16xf32>,
    tpu.vector_store %arg10[%swap3A_745, %swap3A_746], %broadcast_in_dim3A_3 {strides = array<i32>} : memref<32x128xf32, #tpu.memory_space<vmem>>, vector<16xf32>,
    %swap3A_748 = arith.constant 23 : i32
    %swap3A_749 = arith.index_cast %swap3A_748 : i32 to index
    %swap3A_750 = arith.constant 16 : index
    %swap3A_751 = tpu.vector_load %arg10[%swap3A_749, %swap3A_750] {strides = array<i32>} : memref<32x128xf32, #tpu.memory_space<vmem>>, vector<16xf32>,
    tpu.vector_store %arg10[%swap3A_749, %swap3A_750], %broadcast_in_dim3A_3 {strides = array<i32>} : memref<32x128xf32, #tpu.memory_space<vmem>>, vector<16xf32>,
    %swap3A_752 = arith.constant 23 : i32
    %swap3A_753 = arith.index_cast %swap3A_752 : i32 to index
    %swap3A_754 = arith.constant 32 : index
    %swap3A_755 = tpu.vector_load %arg10[%swap3A_753, %swap3A_754] {strides = array<i32>} : memref<32x128xf32, #tpu.memory_space<vmem>>, vector<16xf32>,
    tpu.vector_store %arg10[%swap3A_753, %swap3A_754], %broadcast_in_dim3A_3 {strides = array<i32>} : memref<32x128xf32, #tpu.memory_space<vmem>>, vector<16xf32>,
    %swap3A_756 = arith.constant 23 : i32
    %swap3A_757 = arith.index_cast %swap3A_756 : i32 to index
    %swap3A_758 = arith.constant 48 : index
    %swap3A_759 = tpu.vector_load %arg10[%swap3A_757, %swap3A_758] {strides = array<i32>} : memref<32x128xf32, #tpu.memory_space<vmem>>, vector<16xf32>,
    tpu.vector_store %arg10[%swap3A_757, %swap3A_758], %broadcast_in_dim3A_3 {strides = array<i32>} : memref<32x128xf32, #tpu.memory_space<vmem>>, vector<16xf32>,
    %swap3A_760 = arith.constant 23 : i32
    %swap3A_761 = arith.index_cast %swap3A_760 : i32 to index
    %swap3A_762 = arith.constant 64 : index
    %swap3A_763 = tpu.vector_load %arg10[%swap3A_761, %swap3A_762] {strides = array<i32>} : memref<32x128xf32, #tpu.memory_space<vmem>>, vector<16xf32>,
    tpu.vector_store %arg10[%swap3A_761, %swap3A_762], %broadcast_in_dim3A_3 {strides = array<i32>} : memref<32x128xf32, #tpu.memory_space<vmem>>, vector<16xf32>,
    %swap3A_764 = arith.constant 23 : i32
    %swap3A_765 = arith.index_cast %swap3A_764 : i32 to index
    %swap3A_766 = arith.constant 80 : index
    %swap3A_767 = tpu.vector_load %arg10[%swap3A_765, %swap3A_766] {strides = array<i32>} : memref<32x128xf32, #tpu.memory_space<vmem>>, vector<16xf32>,
    tpu.vector_store %arg10[%swap3A_765, %swap3A_766], %broadcast_in_dim3A_3 {strides = array<i32>} : memref<32x128xf32, #tpu.memory_space<vmem>>, vector<16xf32>,
    %swap3A_768 = arith.constant 23 : i32
    %swap3A_769 = arith.index_cast %swap3A_768 : i32 to index
    %swap3A_770 = arith.constant 96 : index
    %swap3A_771 = tpu.vector_load %arg10[%swap3A_769, %swap3A_770] {strides = array<i32>} : memref<32x128xf32, #tpu.memory_space<vmem>>, vector<16xf32>,
    tpu.vector_store %arg10[%swap3A_769, %swap3A_770], %broadcast_in_dim3A_3 {strides = array<i32>} : memref<32x128xf32, #tpu.memory_space<vmem>>, vector<16xf32>,
    %swap3A_772 = arith.constant 23 : i32
    %swap3A_773 = arith.index_cast %swap3A_772 : i32 to index
    %swap3A_774 = arith.constant 112 : index
    %swap3A_775 = tpu.vector_load %arg10[%swap3A_773, %swap3A_774] {strides = array<i32>} : memref<32x128xf32, #tpu.memory_space<vmem>>, vector<16xf32>,
    tpu.vector_store %arg10[%swap3A_773, %swap3A_774], %broadcast_in_dim3A_3 {strides = array<i32>} : memref<32x128xf32, #tpu.memory_space<vmem>>, vector<16xf32>,
    %swap3A_776 = arith.constant 24 : i32
    %swap3A_777 = arith.index_cast %swap3A_776 : i32 to index
    %swap3A_778 = arith.constant 0 : index
    %swap3A_779 = tpu.vector_load %arg10[%swap3A_777, %swap3A_778] {strides = array<i32>} : memref<32x128xf32, #tpu.memory_space<vmem>>, vector<16xf32>,
    tpu.vector_store %arg10[%swap3A_777, %swap3A_778], %broadcast_in_dim3A_3 {strides = array<i32>} : memref<32x128xf32, #tpu.memory_space<vmem>>, vector<16xf32>,
    %swap3A_780 = arith.constant 24 : i32
    %swap3A_781 = arith.index_cast %swap3A_780 : i32 to index
    %swap3A_782 = arith.constant 16 : index
    %swap3A_783 = tpu.vector_load %arg10[%swap3A_781, %swap3A_782] {strides = array<i32>} : memref<32x128xf32, #tpu.memory_space<vmem>>, vector<16xf32>,
    tpu.vector_store %arg10[%swap3A_781, %swap3A_782], %broadcast_in_dim3A_3 {strides = array<i32>} : memref<32x128xf32, #tpu.memory_space<vmem>>, vector<16xf32>,
    %swap3A_784 = arith.constant 24 : i32
    %swap3A_785 = arith.index_cast %swap3A_784 : i32 to index
    %swap3A_786 = arith.constant 32 : index
    %swap3A_787 = tpu.vector_load %arg10[%swap3A_785, %swap3A_786] {strides = array<i32>} : memref<32x128xf32, #tpu.memory_space<vmem>>, vector<16xf32>,
    tpu.vector_store %arg10[%swap3A_785, %swap3A_786], %broadcast_in_dim3A_3 {strides = array<i32>} : memref<32x128xf32, #tpu.memory_space<vmem>>, vector<16xf32>,
    %swap3A_788 = arith.constant 24 : i32
    %swap3A_789 = arith.index_cast %swap3A_788 : i32 to index
    %swap3A_790 = arith.constant 48 : index
    %swap3A_791 = tpu.vector_load %arg10[%swap3A_789, %swap3A_790] {strides = array<i32>} : memref<32x128xf32, #tpu.memory_space<vmem>>, vector<16xf32>,
    tpu.vector_store %arg10[%swap3A_789, %swap3A_790], %broadcast_in_dim3A_3 {strides = array<i32>} : memref<32x128xf32, #tpu.memory_space<vmem>>, vector<16xf32>,
    %swap3A_792 = arith.constant 24 : i32
    %swap3A_793 = arith.index_cast %swap3A_792 : i32 to index
    %swap3A_794 = arith.constant 64 : index
    %swap3A_795 = tpu.vector_load %arg10[%swap3A_793, %swap3A_794] {strides = array<i32>} : memref<32x128xf32, #tpu.memory_space<vmem>>, vector<16xf32>,
    tpu.vector_store %arg10[%swap3A_793, %swap3A_794], %broadcast_in_dim3A_3 {strides = array<i32>} : memref<32x128xf32, #tpu.memory_space<vmem>>, vector<16xf32>,
    %swap3A_796 = arith.constant 24 : i32
    %swap3A_797 = arith.index_cast %swap3A_796 : i32 to index
    %swap3A_798 = arith.constant 80 : index
    %swap3A_799 = tpu.vector_load %arg10[%swap3A_797, %swap3A_798] {strides = array<i32>} : memref<32x128xf32, #tpu.memory_space<vmem>>, vector<16xf32>,
    tpu.vector_store %arg10[%swap3A_797, %swap3A_798], %broadcast_in_dim3A_3 {strides = array<i32>} : memref<32x128xf32, #tpu.memory_space<vmem>>, vector<16xf32>,
    %swap3A_800 = arith.constant 24 : i32
    %swap3A_801 = arith.index_cast %swap3A_800 : i32 to index
    %swap3A_802 = arith.constant 96 : index
    %swap3A_803 = tpu.vector_load %arg10[%swap3A_801, %swap3A_802] {strides = array<i32>} : memref<32x128xf32, #tpu.memory_space<vmem>>, vector<16xf32>,
    tpu.vector_store %arg10[%swap3A_801, %swap3A_802], %broadcast_in_dim3A_3 {strides = array<i32>} : memref<32x128xf32, #tpu.memory_space<vmem>>, vector<16xf32>,
    %swap3A_804 = arith.constant 24 : i32
    %swap3A_805 = arith.index_cast %swap3A_804 : i32 to index
    %swap3A_806 = arith.constant 112 : index
    %swap3A_807 = tpu.vector_load %arg10[%swap3A_805, %swap3A_806] {strides = array<i32>} : memref<32x128xf32, #tpu.memory_space<vmem>>, vector<16xf32>,
    tpu.vector_store %arg10[%swap3A_805, %swap3A_806], %broadcast_in_dim3A_3 {strides = array<i32>} : memref<32x128xf32, #tpu.memory_space<vmem>>, vector<16xf32>,
    %swap3A_808 = arith.constant 25 : i32
    %swap3A_809 = arith.index_cast %swap3A_808 : i32 to index
    %swap3A_810 = arith.constant 0 : index
    %swap3A_811 = tpu.vector_load %arg10[%swap3A_809, %swap3A_810] {strides = array<i32>} : memref<32x128xf32, #tpu.memory_space<vmem>>, vector<16xf32>,
    tpu.vector_store %arg10[%swap3A_809, %swap3A_810], %broadcast_in_dim3A_3 {strides = array<i32>} : memref<32x128xf32, #tpu.memory_space<vmem>>, vector<16xf32>,
    %swap3A_812 = arith.constant 25 : i32
    %swap3A_813 = arith.index_cast %swap3A_812 : i32 to index
    %swap3A_814 = arith.constant 16 : index
    %swap3A_815 = tpu.vector_load %arg10[%swap3A_813, %swap3A_814] {strides = array<i32>} : memref<32x128xf32, #tpu.memory_space<vmem>>, vector<16xf32>,
    tpu.vector_store %arg10[%swap3A_813, %swap3A_814], %broadcast_in_dim3A_3 {strides = array<i32>} : memref<32x128xf32, #tpu.memory_space<vmem>>, vector<16xf32>,
    %swap3A_816 = arith.constant 25 : i32
    %swap3A_817 = arith.index_cast %swap3A_816 : i32 to index
    %swap3A_818 = arith.constant 32 : index
    %swap3A_819 = tpu.vector_load %arg10[%swap3A_817, %swap3A_818] {strides = array<i32>} : memref<32x128xf32, #tpu.memory_space<vmem>>, vector<16xf32>,
    tpu.vector_store %arg10[%swap3A_817, %swap3A_818], %broadcast_in_dim3A_3 {strides = array<i32>} : memref<32x128xf32, #tpu.memory_space<vmem>>, vector<16xf32>,
    %swap3A_820 = arith.constant 25 : i32
    %swap3A_821 = arith.index_cast %swap3A_820 : i32 to index
    %swap3A_822 = arith.constant 48 : index
    %swap3A_823 = tpu.vector_load %arg10[%swap3A_821, %swap3A_822] {strides = array<i32>} : memref<32x128xf32, #tpu.memory_space<vmem>>, vector<16xf32>,
    tpu.vector_store %arg10[%swap3A_821, %swap3A_822], %broadcast_in_dim3A_3 {strides = array<i32>} : memref<32x128xf32, #tpu.memory_space<vmem>>, vector<16xf32>,
    %swap3A_824 = arith.constant 25 : i32
    %swap3A_825 = arith.index_cast %swap3A_824 : i32 to index
    %swap3A_826 = arith.constant 64 : index
    %swap3A_827 = tpu.vector_load %arg10[%swap3A_825, %swap3A_826] {strides = array<i32>} : memref<32x128xf32, #tpu.memory_space<vmem>>, vector<16xf32>,
    tpu.vector_store %arg10[%swap3A_825, %swap3A_826], %broadcast_in_dim3A_3 {strides = array<i32>} : memref<32x128xf32, #tpu.memory_space<vmem>>, vector<16xf32>,
    %swap3A_828 = arith.constant 25 : i32
    %swap3A_829 = arith.index_cast %swap3A_828 : i32 to index
    %swap3A_830 = arith.constant 80 : index
    %swap3A_831 = tpu.vector_load %arg10[%swap3A_829, %swap3A_830] {strides = array<i32>} : memref<32x128xf32, #tpu.memory_space<vmem>>, vector<16xf32>,
    tpu.vector_store %arg10[%swap3A_829, %swap3A_830], %broadcast_in_dim3A_3 {strides = array<i32>} : memref<32x128xf32, #tpu.memory_space<vmem>>, vector<16xf32>,
    %swap3A_832 = arith.constant 25 : i32
    %swap3A_833 = arith.index_cast %swap3A_832 : i32 to index
    %swap3A_834 = arith.constant 96 : index
    %swap3A_835 = tpu.vector_load %arg10[%swap3A_833, %swap3A_834] {strides = array<i32>} : memref<32x128xf32, #tpu.memory_space<vmem>>, vector<16xf32>,
    tpu.vector_store %arg10[%swap3A_833, %swap3A_834], %broadcast_in_dim3A_3 {strides = array<i32>} : memref<32x128xf32, #tpu.memory_space<vmem>>, vector<16xf32>,
    %swap3A_836 = arith.constant 25 : i32
    %swap3A_837 = arith.index_cast %swap3A_836 : i32 to index
    %swap3A_838 = arith.constant 112 : index
    %swap3A_839 = tpu.vector_load %arg10[%swap3A_837, %swap3A_838] {strides = array<i32>} : memref<32x128xf32, #tpu.memory_space<vmem>>, vector<16xf32>,
    tpu.vector_store %arg10[%swap3A_837, %swap3A_838], %broadcast_in_dim3A_3 {strides = array<i32>} : memref<32x128xf32, #tpu.memory_space<vmem>>, vector<16xf32>,
    %swap3A_840 = arith.constant 26 : i32
    %swap3A_841 = arith.index_cast %swap3A_840 : i32 to index
    %swap3A_842 = arith.constant 0 : index
    %swap3A_843 = tpu.vector_load %arg10[%swap3A_841, %swap3A_842] {strides = array<i32>} : memref<32x128xf32, #tpu.memory_space<vmem>>, vector<16xf32>,
    tpu.vector_store %arg10[%swap3A_841, %swap3A_842], %broadcast_in_dim3A_3 {strides = array<i32>} : memref<32x128xf32, #tpu.memory_space<vmem>>, vector<16xf32>,
    %swap3A_844 = arith.constant 26 : i32
    %swap3A_845 = arith.index_cast %swap3A_844 : i32 to index
    %swap3A_846 = arith.constant 16 : index
    %swap3A_847 = tpu.vector_load %arg10[%swap3A_845, %swap3A_846] {strides = array<i32>} : memref<32x128xf32, #tpu.memory_space<vmem>>, vector<16xf32>,
    tpu.vector_store %arg10[%swap3A_845, %swap3A_846], %broadcast_in_dim3A_3 {strides = array<i32>} : memref<32x128xf32, #tpu.memory_space<vmem>>, vector<16xf32>,
    %swap3A_848 = arith.constant 26 : i32
    %swap3A_849 = arith.index_cast %swap3A_848 : i32 to index
    %swap3A_850 = arith.constant 32 : index
    %swap3A_851 = tpu.vector_load %arg10[%swap3A_849, %swap3A_850] {strides = array<i32>} : memref<32x128xf32, #tpu.memory_space<vmem>>, vector<16xf32>,
    tpu.vector_store %arg10[%swap3A_849, %swap3A_850], %broadcast_in_dim3A_3 {strides = array<i32>} : memref<32x128xf32, #tpu.memory_space<vmem>>, vector<16xf32>,
    %swap3A_852 = arith.constant 26 : i32
    %swap3A_853 = arith.index_cast %swap3A_852 : i32 to index
    %swap3A_854 = arith.constant 48 : index
    %swap3A_855 = tpu.vector_load %arg10[%swap3A_853, %swap3A_854] {strides = array<i32>} : memref<32x128xf32, #tpu.memory_space<vmem>>, vector<16xf32>,
    tpu.vector_store %arg10[%swap3A_853, %swap3A_854], %broadcast_in_dim3A_3 {strides = array<i32>} : memref<32x128xf32, #tpu.memory_space<vmem>>, vector<16xf32>,
    %swap3A_856 = arith.constant 26 : i32
    %swap3A_857 = arith.index_cast %swap3A_856 : i32 to index
    %swap3A_858 = arith.constant 64 : index
    %swap3A_859 = tpu.vector_load %arg10[%swap3A_857, %swap3A_858] {strides = array<i32>} : memref<32x128xf32, #tpu.memory_space<vmem>>, vector<16xf32>,
    tpu.vector_store %arg10[%swap3A_857, %swap3A_858], %broadcast_in_dim3A_3 {strides = array<i32>} : memref<32x128xf32, #tpu.memory_space<vmem>>, vector<16xf32>,
    %swap3A_860 = arith.constant 26 : i32
    %swap3A_861 = arith.index_cast %swap3A_860 : i32 to index
    %swap3A_862 = arith.constant 80 : index
    %swap3A_863 = tpu.vector_load %arg10[%swap3A_861, %swap3A_862] {strides = array<i32>} : memref<32x128xf32, #tpu.memory_space<vmem>>, vector<16xf32>,
    tpu.vector_store %arg10[%swap3A_861, %swap3A_862], %broadcast_in_dim3A_3 {strides = array<i32>} : memref<32x128xf32, #tpu.memory_space<vmem>>, vector<16xf32>,
    %swap3A_864 = arith.constant 26 : i32
    %swap3A_865 = arith.index_cast %swap3A_864 : i32 to index
    %swap3A_866 = arith.constant 96 : index
    %swap3A_867 = tpu.vector_load %arg10[%swap3A_865, %swap3A_866] {strides = array<i32>} : memref<32x128xf32, #tpu.memory_space<vmem>>, vector<16xf32>,
    tpu.vector_store %arg10[%swap3A_865, %swap3A_866], %broadcast_in_dim3A_3 {strides = array<i32>} : memref<32x128xf32, #tpu.memory_space<vmem>>, vector<16xf32>,
    %swap3A_868 = arith.constant 26 : i32
    %swap3A_869 = arith.index_cast %swap3A_868 : i32 to index
    %swap3A_870 = arith.constant 112 : index
    %swap3A_871 = tpu.vector_load %arg10[%swap3A_869, %swap3A_870] {strides = array<i32>} : memref<32x128xf32, #tpu.memory_space<vmem>>, vector<16xf32>,
    tpu.vector_store %arg10[%swap3A_869, %swap3A_870], %broadcast_in_dim3A_3 {strides = array<i32>} : memref<32x128xf32, #tpu.memory_space<vmem>>, vector<16xf32>,
    %swap3A_872 = arith.constant 27 : i32
    %swap3A_873 = arith.index_cast %swap3A_872 : i32 to index
    %swap3A_874 = arith.constant 0 : index
    %swap3A_875 = tpu.vector_load %arg10[%swap3A_873, %swap3A_874] {strides = array<i32>} : memref<32x128xf32, #tpu.memory_space<vmem>>, vector<16xf32>,
    tpu.vector_store %arg10[%swap3A_873, %swap3A_874], %broadcast_in_dim3A_3 {strides = array<i32>} : memref<32x128xf32, #tpu.memory_space<vmem>>, vector<16xf32>,
    %swap3A_876 = arith.constant 27 : i32
    %swap3A_877 = arith.index_cast %swap3A_876 : i32 to index
    %swap3A_878 = arith.constant 16 : index
    %swap3A_879 = tpu.vector_load %arg10[%swap3A_877, %swap3A_878] {strides = array<i32>} : memref<32x128xf32, #tpu.memory_space<vmem>>, vector<16xf32>,
    tpu.vector_store %arg10[%swap3A_877, %swap3A_878], %broadcast_in_dim3A_3 {strides = array<i32>} : memref<32x128xf32, #tpu.memory_space<vmem>>, vector<16xf32>,
    %swap3A_880 = arith.constant 27 : i32
    %swap3A_881 = arith.index_cast %swap3A_880 : i32 to index
    %swap3A_882 = arith.constant 32 : index
    %swap3A_883 = tpu.vector_load %arg10[%swap3A_881, %swap3A_882] {strides = array<i32>} : memref<32x128xf32, #tpu.memory_space<vmem>>, vector<16xf32>,
    tpu.vector_store %arg10[%swap3A_881, %swap3A_882], %broadcast_in_dim3A_3 {strides = array<i32>} : memref<32x128xf32, #tpu.memory_space<vmem>>, vector<16xf32>,
    %swap3A_884 = arith.constant 27 : i32
    %swap3A_885 = arith.index_cast %swap3A_884 : i32 to index
    %swap3A_886 = arith.constant 48 : index
    %swap3A_887 = tpu.vector_load %arg10[%swap3A_885, %swap3A_886] {strides = array<i32>} : memref<32x128xf32, #tpu.memory_space<vmem>>, vector<16xf32>,
    tpu.vector_store %arg10[%swap3A_885, %swap3A_886], %broadcast_in_dim3A_3 {strides = array<i32>} : memref<32x128xf32, #tpu.memory_space<vmem>>, vector<16xf32>,
    %swap3A_888 = arith.constant 27 : i32
    %swap3A_889 = arith.index_cast %swap3A_888 : i32 to index
    %swap3A_890 = arith.constant 64 : index
    %swap3A_891 = tpu.vector_load %arg10[%swap3A_889, %swap3A_890] {strides = array<i32>} : memref<32x128xf32, #tpu.memory_space<vmem>>, vector<16xf32>,
    tpu.vector_store %arg10[%swap3A_889, %swap3A_890], %broadcast_in_dim3A_3 {strides = array<i32>} : memref<32x128xf32, #tpu.memory_space<vmem>>, vector<16xf32>,
    %swap3A_892 = arith.constant 27 : i32
    %swap3A_893 = arith.index_cast %swap3A_892 : i32 to index
    %swap3A_894 = arith.constant 80 : index
    %swap3A_895 = tpu.vector_load %arg10[%swap3A_893, %swap3A_894] {strides = array<i32>} : memref<32x128xf32, #tpu.memory_space<vmem>>, vector<16xf32>,
    tpu.vector_store %arg10[%swap3A_893, %swap3A_894], %broadcast_in_dim3A_3 {strides = array<i32>} : memref<32x128xf32, #tpu.memory_space<vmem>>, vector<16xf32>,
    %swap3A_896 = arith.constant 27 : i32
    %swap3A_897 = arith.index_cast %swap3A_896 : i32 to index
    %swap3A_898 = arith.constant 96 : index
    %swap3A_899 = tpu.vector_load %arg10[%swap3A_897, %swap3A_898] {strides = array<i32>} : memref<32x128xf32, #tpu.memory_space<vmem>>, vector<16xf32>,
    tpu.vector_store %arg10[%swap3A_897, %swap3A_898], %broadcast_in_dim3A_3 {strides = array<i32>} : memref<32x128xf32, #tpu.memory_space<vmem>>, vector<16xf32>,
    %swap3A_900 = arith.constant 27 : i32
    %swap3A_901 = arith.index_cast %swap3A_900 : i32 to index
    %swap3A_902 = arith.constant 112 : index
    %swap3A_903 = tpu.vector_load %arg10[%swap3A_901, %swap3A_902] {strides = array<i32>} : memref<32x128xf32, #tpu.memory_space<vmem>>, vector<16xf32>,
    tpu.vector_store %arg10[%swap3A_901, %swap3A_902], %broadcast_in_dim3A_3 {strides = array<i32>} : memref<32x128xf32, #tpu.memory_space<vmem>>, vector<16xf32>,
    %swap3A_904 = arith.constant 28 : i32
    %swap3A_905 = arith.index_cast %swap3A_904 : i32 to index
    %swap3A_906 = arith.constant 0 : index
    %swap3A_907 = tpu.vector_load %arg10[%swap3A_905, %swap3A_906] {strides = array<i32>} : memref<32x128xf32, #tpu.memory_space<vmem>>, vector<16xf32>,
    tpu.vector_store %arg10[%swap3A_905, %swap3A_906], %broadcast_in_dim3A_3 {strides = array<i32>} : memref<32x128xf32, #tpu.memory_space<vmem>>, vector<16xf32>,
    %swap3A_908 = arith.constant 28 : i32
    %swap3A_909 = arith.index_cast %swap3A_908 : i32 to index
    %swap3A_910 = arith.constant 16 : index
    %swap3A_911 = tpu.vector_load %arg10[%swap3A_909, %swap3A_910] {strides = array<i32>} : memref<32x128xf32, #tpu.memory_space<vmem>>, vector<16xf32>,
    tpu.vector_store %arg10[%swap3A_909, %swap3A_910], %broadcast_in_dim3A_3 {strides = array<i32>} : memref<32x128xf32, #tpu.memory_space<vmem>>, vector<16xf32>,
    %swap3A_912 = arith.constant 28 : i32
    %swap3A_913 = arith.index_cast %swap3A_912 : i32 to index
    %swap3A_914 = arith.constant 32 : index
    %swap3A_915 = tpu.vector_load %arg10[%swap3A_913, %swap3A_914] {strides = array<i32>} : memref<32x128xf32, #tpu.memory_space<vmem>>, vector<16xf32>,
    tpu.vector_store %arg10[%swap3A_913, %swap3A_914], %broadcast_in_dim3A_3 {strides = array<i32>} : memref<32x128xf32, #tpu.memory_space<vmem>>, vector<16xf32>,
    %swap3A_916 = arith.constant 28 : i32
    %swap3A_917 = arith.index_cast %swap3A_916 : i32 to index
    %swap3A_918 = arith.constant 48 : index
    %swap3A_919 = tpu.vector_load %arg10[%swap3A_917, %swap3A_918] {strides = array<i32>} : memref<32x128xf32, #tpu.memory_space<vmem>>, vector<16xf32>,
    tpu.vector_store %arg10[%swap3A_917, %swap3A_918], %broadcast_in_dim3A_3 {strides = array<i32>} : memref<32x128xf32, #tpu.memory_space<vmem>>, vector<16xf32>,
    %swap3A_920 = arith.constant 28 : i32
    %swap3A_921 = arith.index_cast %swap3A_920 : i32 to index
    %swap3A_922 = arith.constant 64 : index
    %swap3A_923 = tpu.vector_load %arg10[%swap3A_921, %swap3A_922] {strides = array<i32>} : memref<32x128xf32, #tpu.memory_space<vmem>>, vector<16xf32>,
    tpu.vector_store %arg10[%swap3A_921, %swap3A_922], %broadcast_in_dim3A_3 {strides = array<i32>} : memref<32x128xf32, #tpu.memory_space<vmem>>, vector<16xf32>,
    %swap3A_924 = arith.constant 28 : i32
    %swap3A_925 = arith.index_cast %swap3A_924 : i32 to index
    %swap3A_926 = arith.constant 80 : index
    %swap3A_927 = tpu.vector_load %arg10[%swap3A_925, %swap3A_926] {strides = array<i32>} : memref<32x128xf32, #tpu.memory_space<vmem>>, vector<16xf32>,
    tpu.vector_store %arg10[%swap3A_925, %swap3A_926], %broadcast_in_dim3A_3 {strides = array<i32>} : memref<32x128xf32, #tpu.memory_space<vmem>>, vector<16xf32>,
    %swap3A_928 = arith.constant 28 : i32
    %swap3A_929 = arith.index_cast %swap3A_928 : i32 to index
    %swap3A_930 = arith.constant 96 : index
    %swap3A_931 = tpu.vector_load %arg10[%swap3A_929, %swap3A_930] {strides = array<i32>} : memref<32x128xf32, #tpu.memory_space<vmem>>, vector<16xf32>,
    tpu.vector_store %arg10[%swap3A_929, %swap3A_930], %broadcast_in_dim3A_3 {strides = array<i32>} : memref<32x128xf32, #tpu.memory_space<vmem>>, vector<16xf32>,
    %swap3A_932 = arith.constant 28 : i32
    %swap3A_933 = arith.index_cast %swap3A_932 : i32 to index
    %swap3A_934 = arith.constant 112 : index
    %swap3A_935 = tpu.vector_load %arg10[%swap3A_933, %swap3A_934] {strides = array<i32>} : memref<32x128xf32, #tpu.memory_space<vmem>>, vector<16xf32>,
    tpu.vector_store %arg10[%swap3A_933, %swap3A_934], %broadcast_in_dim3A_3 {strides = array<i32>} : memref<32x128xf32, #tpu.memory_space<vmem>>, vector<16xf32>,
    %swap3A_936 = arith.constant 29 : i32
    %swap3A_937 = arith.index_cast %swap3A_936 : i32 to index
    %swap3A_938 = arith.constant 0 : index
    %swap3A_939 = tpu.vector_load %arg10[%swap3A_937, %swap3A_938] {strides = array<i32>} : memref<32x128xf32, #tpu.memory_space<vmem>>, vector<16xf32>,
    tpu.vector_store %arg10[%swap3A_937, %swap3A_938], %broadcast_in_dim3A_3 {strides = array<i32>} : memref<32x128xf32, #tpu.memory_space<vmem>>, vector<16xf32>,
    %swap3A_940 = arith.constant 29 : i32
    %swap3A_941 = arith.index_cast %swap3A_940 : i32 to index
    %swap3A_942 = arith.constant 16 : index
    %swap3A_943 = tpu.vector_load %arg10[%swap3A_941, %swap3A_942] {strides = array<i32>} : memref<32x128xf32, #tpu.memory_space<vmem>>, vector<16xf32>,
    tpu.vector_store %arg10[%swap3A_941, %swap3A_942], %broadcast_in_dim3A_3 {strides = array<i32>} : memref<32x128xf32, #tpu.memory_space<vmem>>, vector<16xf32>,
    %swap3A_944 = arith.constant 29 : i32
    %swap3A_945 = arith.index_cast %swap3A_944 : i32 to index
    %swap3A_946 = arith.constant 32 : index
    %swap3A_947 = tpu.vector_load %arg10[%swap3A_945, %swap3A_946] {strides = array<i32>} : memref<32x128xf32, #tpu.memory_space<vmem>>, vector<16xf32>,
    tpu.vector_store %arg10[%swap3A_945, %swap3A_946], %broadcast_in_dim3A_3 {strides = array<i32>} : memref<32x128xf32, #tpu.memory_space<vmem>>, vector<16xf32>,
    %swap3A_948 = arith.constant 29 : i32
    %swap3A_949 = arith.index_cast %swap3A_948 : i32 to index
    %swap3A_950 = arith.constant 48 : index
    %swap3A_951 = tpu.vector_load %arg10[%swap3A_949, %swap3A_950] {strides = array<i32>} : memref<32x128xf32, #tpu.memory_space<vmem>>, vector<16xf32>,
    tpu.vector_store %arg10[%swap3A_949, %swap3A_950], %broadcast_in_dim3A_3 {strides = array<i32>} : memref<32x128xf32, #tpu.memory_space<vmem>>, vector<16xf32>,
    %swap3A_952 = arith.constant 29 : i32
    %swap3A_953 = arith.index_cast %swap3A_952 : i32 to index
    %swap3A_954 = arith.constant 64 : index
    %swap3A_955 = tpu.vector_load %arg10[%swap3A_953, %swap3A_954] {strides = array<i32>} : memref<32x128xf32, #tpu.memory_space<vmem>>, vector<16xf32>,
    tpu.vector_store %arg10[%swap3A_953, %swap3A_954], %broadcast_in_dim3A_3 {strides = array<i32>} : memref<32x128xf32, #tpu.memory_space<vmem>>, vector<16xf32>,
    %swap3A_956 = arith.constant 29 : i32
    %swap3A_957 = arith.index_cast %swap3A_956 : i32 to index
    %swap3A_958 = arith.constant 80 : index
    %swap3A_959 = tpu.vector_load %arg10[%swap3A_957, %swap3A_958] {strides = array<i32>} : memref<32x128xf32, #tpu.memory_space<vmem>>, vector<16xf32>,
    tpu.vector_store %arg10[%swap3A_957, %swap3A_958], %broadcast_in_dim3A_3 {strides = array<i32>} : memref<32x128xf32, #tpu.memory_space<vmem>>, vector<16xf32>,
    %swap3A_960 = arith.constant 29 : i32
    %swap3A_961 = arith.index_cast %swap3A_960 : i32 to index
    %swap3A_962 = arith.constant 96 : index
    %swap3A_963 = tpu.vector_load %arg10[%swap3A_961, %swap3A_962] {strides = array<i32>} : memref<32x128xf32, #tpu.memory_space<vmem>>, vector<16xf32>,
    tpu.vector_store %arg10[%swap3A_961, %swap3A_962], %broadcast_in_dim3A_3 {strides = array<i32>} : memref<32x128xf32, #tpu.memory_space<vmem>>, vector<16xf32>,
    %swap3A_964 = arith.constant 29 : i32
    %swap3A_965 = arith.index_cast %swap3A_964 : i32 to index
    %swap3A_966 = arith.constant 112 : index
    %swap3A_967 = tpu.vector_load %arg10[%swap3A_965, %swap3A_966] {strides = array<i32>} : memref<32x128xf32, #tpu.memory_space<vmem>>, vector<16xf32>,
    tpu.vector_store %arg10[%swap3A_965, %swap3A_966], %broadcast_in_dim3A_3 {strides = array<i32>} : memref<32x128xf32, #tpu.memory_space<vmem>>, vector<16xf32>,
    %swap3A_968 = arith.constant 30 : i32
    %swap3A_969 = arith.index_cast %swap3A_968 : i32 to index
    %swap3A_970 = arith.constant 0 : index
    %swap3A_971 = tpu.vector_load %arg10[%swap3A_969, %swap3A_970] {strides = array<i32>} : memref<32x128xf32, #tpu.memory_space<vmem>>, vector<16xf32>,
    tpu.vector_store %arg10[%swap3A_969, %swap3A_970], %broadcast_in_dim3A_3 {strides = array<i32>} : memref<32x128xf32, #tpu.memory_space<vmem>>, vector<16xf32>,
    %swap3A_972 = arith.constant 30 : i32
    %swap3A_973 = arith.index_cast %swap3A_972 : i32 to index
    %swap3A_974 = arith.constant 16 : index
    %swap3A_975 = tpu.vector_load %arg10[%swap3A_973, %swap3A_974] {strides = array<i32>} : memref<32x128xf32, #tpu.memory_space<vmem>>, vector<16xf32>,
    tpu.vector_store %arg10[%swap3A_973, %swap3A_974], %broadcast_in_dim3A_3 {strides = array<i32>} : memref<32x128xf32, #tpu.memory_space<vmem>>, vector<16xf32>,
    %swap3A_976 = arith.constant 30 : i32
    %swap3A_977 = arith.index_cast %swap3A_976 : i32 to index
    %swap3A_978 = arith.constant 32 : index
    %swap3A_979 = tpu.vector_load %arg10[%swap3A_977, %swap3A_978] {strides = array<i32>} : memref<32x128xf32, #tpu.memory_space<vmem>>, vector<16xf32>,
    tpu.vector_store %arg10[%swap3A_977, %swap3A_978], %broadcast_in_dim3A_3 {strides = array<i32>} : memref<32x128xf32, #tpu.memory_space<vmem>>, vector<16xf32>,
    %swap3A_980 = arith.constant 30 : i32
    %swap3A_981 = arith.index_cast %swap3A_980 : i32 to index
    %swap3A_982 = arith.constant 48 : index
    %swap3A_983 = tpu.vector_load %arg10[%swap3A_981, %swap3A_982] {strides = array<i32>} : memref<32x128xf32, #tpu.memory_space<vmem>>, vector<16xf32>,
    tpu.vector_store %arg10[%swap3A_981, %swap3A_982], %broadcast_in_dim3A_3 {strides = array<i32>} : memref<32x128xf32, #tpu.memory_space<vmem>>, vector<16xf32>,
    %swap3A_984 = arith.constant 30 : i32
    %swap3A_985 = arith.index_cast %swap3A_984 : i32 to index
    %swap3A_986 = arith.constant 64 : index
    %swap3A_987 = tpu.vector_load %arg10[%swap3A_985, %swap3A_986] {strides = array<i32>} : memref<32x128xf32, #tpu.memory_space<vmem>>, vector<16xf32>,
    tpu.vector_store %arg10[%swap3A_985, %swap3A_986], %broadcast_in_dim3A_3 {strides = array<i32>} : memref<32x128xf32, #tpu.memory_space<vmem>>, vector<16xf32>,
    %swap3A_988 = arith.constant 30 : i32
    %swap3A_989 = arith.index_cast %swap3A_988 : i32 to index
    %swap3A_990 = arith.constant 80 : index
    %swap3A_991 = tpu.vector_load %arg10[%swap3A_989, %swap3A_990] {strides = array<i32>} : memref<32x128xf32, #tpu.memory_space<vmem>>, vector<16xf32>,
    tpu.vector_store %arg10[%swap3A_989, %swap3A_990], %broadcast_in_dim3A_3 {strides = array<i32>} : memref<32x128xf32, #tpu.memory_space<vmem>>, vector<16xf32>,
    %swap3A_992 = arith.constant 30 : i32
    %swap3A_993 = arith.index_cast %swap3A_992 : i32 to index
    %swap3A_994 = arith.constant 96 : index
    %swap3A_995 = tpu.vector_load %arg10[%swap3A_993, %swap3A_994] {strides = array<i32>} : memref<32x128xf32, #tpu.memory_space<vmem>>, vector<16xf32>,
    tpu.vector_store %arg10[%swap3A_993, %swap3A_994], %broadcast_in_dim3A_3 {strides = array<i32>} : memref<32x128xf32, #tpu.memory_space<vmem>>, vector<16xf32>,
    %swap3A_996 = arith.constant 30 : i32
    %swap3A_997 = arith.index_cast %swap3A_996 : i32 to index
    %swap3A_998 = arith.constant 112 : index
    %swap3A_999 = tpu.vector_load %arg10[%swap3A_997, %swap3A_998] {strides = array<i32>} : memref<32x128xf32, #tpu.memory_space<vmem>>, vector<16xf32>,
    tpu.vector_store %arg10[%swap3A_997, %swap3A_998], %broadcast_in_dim3A_3 {strides = array<i32>} : memref<32x128xf32, #tpu.memory_space<vmem>>, vector<16xf32>,
    %swap3A_1000 = arith.constant 31 : i32
    %swap3A_1001 = arith.index_cast %swap3A_1000 : i32 to index
    %swap3A_1002 = arith.constant 0 : index
    %swap3A_1003 = tpu.vector_load %arg10[%swap3A_1001, %swap3A_1002] {strides = array<i32>} : memref<32x128xf32, #tpu.memory_space<vmem>>, vector<16xf32>,
    tpu.vector_store %arg10[%swap3A_1001, %swap3A_1002], %broadcast_in_dim3A_3 {strides = array<i32>} : memref<32x128xf32, #tpu.memory_space<vmem>>, vector<16xf32>,
    %swap3A_1004 = arith.constant 31 : i32
    %swap3A_1005 = arith.index_cast %swap3A_1004 : i32 to index
    %swap3A_1006 = arith.constant 16 : index
    %swap3A_1007 = tpu.vector_load %arg10[%swap3A_1005, %swap3A_1006] {strides = array<i32>} : memref<32x128xf32, #tpu.memory_space<vmem>>, vector<16xf32>,
    tpu.vector_store %arg10[%swap3A_1005, %swap3A_1006], %broadcast_in_dim3A_3 {strides = array<i32>} : memref<32x128xf32, #tpu.memory_space<vmem>>, vector<16xf32>,
    %swap3A_1008 = arith.constant 31 : i32
    %swap3A_1009 = arith.index_cast %swap3A_1008 : i32 to index
    %swap3A_1010 = arith.constant 32 : index
    %swap3A_1011 = tpu.vector_load %arg10[%swap3A_1009, %swap3A_1010] {strides = array<i32>} : memref<32x128xf32, #tpu.memory_space<vmem>>, vector<16xf32>,
    tpu.vector_store %arg10[%swap3A_1009, %swap3A_1010], %broadcast_in_dim3A_3 {strides = array<i32>} : memref<32x128xf32, #tpu.memory_space<vmem>>, vector<16xf32>,
    %swap3A_1012 = arith.constant 31 : i32
    %swap3A_1013 = arith.index_cast %swap3A_1012 : i32 to index
    %swap3A_1014 = arith.constant 48 : index
    %swap3A_1015 = tpu.vector_load %arg10[%swap3A_1013, %swap3A_1014] {strides = array<i32>} : memref<32x128xf32, #tpu.memory_space<vmem>>, vector<16xf32>,
    tpu.vector_store %arg10[%swap3A_1013, %swap3A_1014], %broadcast_in_dim3A_3 {strides = array<i32>} : memref<32x128xf32, #tpu.memory_space<vmem>>, vector<16xf32>,
    %swap3A_1016 = arith.constant 31 : i32
    %swap3A_1017 = arith.index_cast %swap3A_1016 : i32 to index
    %swap3A_1018 = arith.constant 64 : index
    %swap3A_1019 = tpu.vector_load %arg10[%swap3A_1017, %swap3A_1018] {strides = array<i32>} : memref<32x128xf32, #tpu.memory_space<vmem>>, vector<16xf32>,
    tpu.vector_store %arg10[%swap3A_1017, %swap3A_1018], %broadcast_in_dim3A_3 {strides = array<i32>} : memref<32x128xf32, #tpu.memory_space<vmem>>, vector<16xf32>,
    %swap3A_1020 = arith.constant 31 : i32
    %swap3A_1021 = arith.index_cast %swap3A_1020 : i32 to index
    %swap3A_1022 = arith.constant 80 : index
    %swap3A_1023 = tpu.vector_load %arg10[%swap3A_1021, %swap3A_1022] {strides = array<i32>} : memref<32x128xf32, #tpu.memory_space<vmem>>, vector<16xf32>,
    tpu.vector_store %arg10[%swap3A_1021, %swap3A_1022], %broadcast_in_dim3A_3 {strides = array<i32>} : memref<32x128xf32, #tpu.memory_space<vmem>>, vector<16xf32>,
    %swap3A_1024 = arith.constant 31 : i32
    %swap3A_1025 = arith.index_cast %swap3A_1024 : i32 to index
    %swap3A_1026 = arith.constant 96 : index
    %swap3A_1027 = tpu.vector_load %arg10[%swap3A_1025, %swap3A_1026] {strides = array<i32>} : memref<32x128xf32, #tpu.memory_space<vmem>>, vector<16xf32>,
    tpu.vector_store %arg10[%swap3A_1025, %swap3A_1026], %broadcast_in_dim3A_3 {strides = array<i32>} : memref<32x128xf32, #tpu.memory_space<vmem>>, vector<16xf32>,
    %swap3A_1028 = arith.constant 31 : i32
    %swap3A_1029 = arith.index_cast %swap3A_1028 : i32 to index
    %swap3A_1030 = arith.constant 112 : index
    %swap3A_1031 = tpu.vector_load %arg10[%swap3A_1029, %swap3A_1030] {strides = array<i32>} : memref<32x128xf32, #tpu.memory_space<vmem>>, vector<16xf32>,
    tpu.vector_store %arg10[%swap3A_1029, %swap3A_1030], %broadcast_in_dim3A_3 {strides = array<i32>} : memref<32x128xf32, #tpu.memory_space<vmem>>, vector<16xf32>,
    %mul3A_1032 = arith.constant 32 : i32
    %mul3A_1033 = arith.muli %arg1, %mul3A_1032 : i32
    "tpu.region"() ({
      %run_scoped3A = tpu.sem_alloc : memref<!tpu.dma_semaphore, #tpu.memory_space<semaphore_mem>>
      %dma_start3A = arith.constant 0 : i32
      %dma_start3A_3658 = tpu.memref_slice %arg18[%mul3A_1033, %dma_start3A] : memref<512x128xf32, #tpu.memory_space<vmem_shared>> -> memref<32x128xf32, #tpu.memory_space<vmem_shared>>
      %dma_start3A_3659 = arith.constant 0 : i32
      %dma_start3A_3660 = tpu.memref_slice %arg18[%mul3A_1033, %dma_start3A_3659] : memref<512x128xf32, #tpu.memory_space<vmem_shared>> -> memref<32x128xf32, #tpu.memory_space<vmem_shared>>
      tpu.enqueue_dma source(%arg10 : memref<32x128xf32, #tpu.memory_space<vmem>>) target(%dma_start3A_3660 : memref<32x128xf32, #tpu.memory_space<vmem_shared>>) target_semaphore(%run_scoped3A : memref<!tpu.dma_semaphore, #tpu.memory_space<semaphore_mem>>)
      %dma_wait3A = arith.constant 0 : i32
      %dma_wait3A_3661 = tpu.memref_slice %arg18[%mul3A_1033, %dma_wait3A] : memref<512x128xf32, #tpu.memory_space<vmem_shared>> -> memref<32x128xf32, #tpu.memory_space<vmem_shared>>
      %dma_wait3A_3662 = arith.constant 0 : i32
      %dma_wait3A_3663 = tpu.memref_slice %arg18[%mul3A_1033, %dma_wait3A_3662] : memref<512x128xf32, #tpu.memory_space<vmem_shared>> -> memref<32x128xf32, #tpu.memory_space<vmem_shared>>
      tpu.wait_dma2 semaphore(%run_scoped3A : memref<!tpu.dma_semaphore, #tpu.memory_space<semaphore_mem>>) src(%arg10 : memref<32x128xf32, #tpu.memory_space<vmem>>) dst(%dma_wait3A_3663 : memref<32x128xf32, #tpu.memory_space<vmem_shared>>)
      tpu.yield
    }) : () -> ()
    %barrier3A = arith.constant 0 : index
    tpu.barrier barrier_id(%barrier3A)
    %add3A_1034 = arith.constant 0 : i32
    %add3A_1035 = arith.addi %add3A, %add3A_1034 : i32
    %lt3A = arith.constant 781 : i32
    %lt3A_1036 = arith.cmpi slt, %add3A_1035, %lt3A : i32
    %convert_element_type3A = arith.extui %lt3A_1036 : i1 to i32
    %cond3A = arith.constant 0 : i32
    %cond3A_1037 = arith.cmpi ne, %convert_element_type3A, %cond3A : i32
    scf.if %cond3A_1037 {
      %mul3A_3658 = arith.constant 128 : i32
      %mul3A_3659 = arith.muli %add3A_1035, %mul3A_3658 : i32
      %dma_start3A = tpu.memref_slice %arg3[%mul3A_3659] : memref<100000xi32, #tpu.memory_space<hbm>> -> memref<128xi32, #tpu.memory_space<hbm>>
      %dma_start3A_3660 = tpu.memref_slice %arg3[%mul3A_3659] : memref<100000xi32, #tpu.memory_space<hbm>> -> memref<128xi32, #tpu.memory_space<hbm>>
      tpu.enqueue_dma source(%dma_start3A_3660 : memref<128xi32, #tpu.memory_space<hbm>>) target(%arg7 : memref<128xi32, #tpu.memory_space<vmem>>) target_semaphore(%arg16 : memref<!tpu.dma_semaphore, #tpu.memory_space<semaphore_mem>>)
      %dma_start3A_3661 = arith.constant 0 : i32
      %dma_start3A_3662 = tpu.memref_slice %arg2[%mul3A_3659, %dma_start3A_3661] : memref<100000x128xf32, #tpu.memory_space<hbm>> -> memref<128x128xf32, #tpu.memory_space<hbm>>
      %dma_start3A_3663 = arith.constant 0 : i32
      %dma_start3A_3664 = tpu.memref_slice %arg2[%mul3A_3659, %dma_start3A_3663] : memref<100000x128xf32, #tpu.memory_space<hbm>> -> memref<128x128xf32, #tpu.memory_space<hbm>>
      tpu.enqueue_dma source(%dma_start3A_3664 : memref<128x128xf32, #tpu.memory_space<hbm>>) target(%arg6 : memref<128x128xf32, #tpu.memory_space<vmem>>) target_semaphore(%arg16 : memref<!tpu.dma_semaphore, #tpu.memory_space<semaphore_mem>>)
    } else {
    }
    %scan3A_1038 = arith.constant 0 : i32
    %scan3A_1039 = arith.constant 0 : i32
    %scan3A_1040 = arith.constant 13 : i32
    %scan3A_1041 = arith.addi %scan3A_1039, %scan3A_1040 : i32
    %scan3A_1042 = arith.constant 1 : i32
    scf.for %scan3A_3658 = %scan3A_1039 to %scan3A_1041 step %scan3A_1042  : i32 {
      %mul3A_3659 = arith.constant 2 : i32
      %mul3A_3660 = arith.muli %mul3A_3659, %scan3A_3658 : i32
      %add3A_3661 = arith.constant 1 : i32
      %add3A_3662 = arith.addi %mul3A_3660, %add3A_3661 : i32
      %mul3A_3663 = arith.constant 32 : i32
      %mul3A_3664 = arith.muli %add3A_3662, %mul3A_3663 : i32
      %add3A_3665 = arith.addi %add3A, %mul3A_3664 : i32
      %lt3A_3666 = arith.constant 781 : i32
      %lt3A_3667 = arith.cmpi slt, %add3A_3665, %lt3A_3666 : i32
      %convert_element_type3A_3668 = arith.extui %lt3A_3667 : i1 to i32
      %cond3A_3669 = arith.constant 0 : i32
      %cond3A_3670 = arith.cmpi ne, %convert_element_type3A_3668, %cond3A_3669 : i32
      scf.if %cond3A_3670 {
        %mul3A_3699 = arith.constant 128 : i32
        %mul3A_3700 = arith.muli %add3A_3665, %mul3A_3699 : i32
        %dma_start3A = tpu.memref_slice %arg3[%mul3A_3700] : memref<100000xi32, #tpu.memory_space<hbm>> -> memref<128xi32, #tpu.memory_space<hbm>>
        %dma_start3A_3701 = tpu.memref_slice %arg3[%mul3A_3700] : memref<100000xi32, #tpu.memory_space<hbm>> -> memref<128xi32, #tpu.memory_space<hbm>>
        tpu.enqueue_dma source(%dma_start3A_3701 : memref<128xi32, #tpu.memory_space<hbm>>) target(%arg9 : memref<128xi32, #tpu.memory_space<vmem>>) target_semaphore(%arg17 : memref<!tpu.dma_semaphore, #tpu.memory_space<semaphore_mem>>)
        %dma_start3A_3702 = arith.constant 0 : i32
        %dma_start3A_3703 = tpu.memref_slice %arg2[%mul3A_3700, %dma_start3A_3702] : memref<100000x128xf32, #tpu.memory_space<hbm>> -> memref<128x128xf32, #tpu.memory_space<hbm>>
        %dma_start3A_3704 = arith.constant 0 : i32
        %dma_start3A_3705 = tpu.memref_slice %arg2[%mul3A_3700, %dma_start3A_3704] : memref<100000x128xf32, #tpu.memory_space<hbm>> -> memref<128x128xf32, #tpu.memory_space<hbm>>
        tpu.enqueue_dma source(%dma_start3A_3705 : memref<128x128xf32, #tpu.memory_space<hbm>>) target(%arg8 : memref<128x128xf32, #tpu.memory_space<vmem>>) target_semaphore(%arg17 : memref<!tpu.dma_semaphore, #tpu.memory_space<semaphore_mem>>)
      } else {
      }
      %mul3A_3671 = arith.constant 32 : i32
      %mul3A_3672 = arith.muli %mul3A_3660, %mul3A_3671 : i32
      %add3A_3673 = arith.addi %add3A, %mul3A_3672 : i32
      %lt3A_3674 = arith.constant 781 : i32
      %lt3A_3675 = arith.cmpi slt, %add3A_3673, %lt3A_3674 : i32
      %convert_element_type3A_3676 = arith.extui %lt3A_3675 : i1 to i32
      %cond3A_3677 = arith.constant 0 : i32
      %cond3A_3678 = arith.cmpi ne, %convert_element_type3A_3676, %cond3A_3677 : i32
      scf.if %cond3A_3678 {
        %dma_wait3A = arith.constant 0 : i32
        %dma_wait3A_3699 = tpu.memref_slice %arg3[%dma_wait3A] : memref<100000xi32, #tpu.memory_space<hbm>> -> memref<128xi32, #tpu.memory_space<hbm>>
        %dma_wait3A_3700 = arith.constant 0 : i32
        %dma_wait3A_3701 = tpu.memref_slice %arg3[%dma_wait3A_3700] : memref<100000xi32, #tpu.memory_space<hbm>> -> memref<128xi32, #tpu.memory_space<hbm>>
        tpu.wait_dma2 semaphore(%arg16 : memref<!tpu.dma_semaphore, #tpu.memory_space<semaphore_mem>>) src(%dma_wait3A_3701 : memref<128xi32, #tpu.memory_space<hbm>>) dst(%arg7 : memref<128xi32, #tpu.memory_space<vmem>>)
        %dma_wait3A_3702 = arith.constant 0 : i32
        %dma_wait3A_3703 = arith.constant 0 : i32
        %dma_wait3A_3704 = tpu.memref_slice %arg2[%dma_wait3A_3702, %dma_wait3A_3703] : memref<100000x128xf32, #tpu.memory_space<hbm>> -> memref<128x128xf32, #tpu.memory_space<hbm>>
        %dma_wait3A_3705 = arith.constant 0 : i32
        %dma_wait3A_3706 = arith.constant 0 : i32
        %dma_wait3A_3707 = tpu.memref_slice %arg2[%dma_wait3A_3705, %dma_wait3A_3706] : memref<100000x128xf32, #tpu.memory_space<hbm>> -> memref<128x128xf32, #tpu.memory_space<hbm>>
        tpu.wait_dma2 semaphore(%arg16 : memref<!tpu.dma_semaphore, #tpu.memory_space<semaphore_mem>>) src(%dma_wait3A_3707 : memref<128x128xf32, #tpu.memory_space<hbm>>) dst(%arg6 : memref<128x128xf32, #tpu.memory_space<vmem>>)
        "tpu.region"() ({
          %run_scoped3A = tpu.sem_alloc : memref<!tpu.dma_semaphore, #tpu.memory_space<semaphore_mem>>
          %dma_start3A = arith.constant 0 : i32
          %dma_start3A_3756 = arith.constant 0 : i32
          %dma_start3A_3757 = tpu.memref_slice %arg18[%dma_start3A, %dma_start3A_3756] : memref<512x128xf32, #tpu.memory_space<vmem_shared>> -> memref<512x128xf32, #tpu.memory_space<vmem_shared>>
          tpu.enqueue_indirect_dma source(%arg6 : memref<128x128xf32, #tpu.memory_space<vmem>>) target(%dma_start3A_3757 : memref<512x128xf32, #tpu.memory_space<vmem_shared>>) offsets(%arg7 : memref<128xi32, #tpu.memory_space<vmem>>) semaphore(%run_scoped3A : memref<!tpu.dma_semaphore, #tpu.memory_space<semaphore_mem>>) {add = true}
          %dma_wait3A_3758 = arith.constant 0 : i32
          %dma_wait3A_3759 = arith.constant 0 : i32
          %dma_wait3A_3760 = tpu.memref_slice %arg18[%dma_wait3A_3758, %dma_wait3A_3759] : memref<512x128xf32, #tpu.memory_space<vmem_shared>> -> memref<512x128xf32, #tpu.memory_space<vmem_shared>>
          tpu.wait_indirect_dma semaphore(%run_scoped3A : memref<!tpu.dma_semaphore, #tpu.memory_space<semaphore_mem>>) src(%arg6 : memref<128x128xf32, #tpu.memory_space<vmem>>) dst(%dma_wait3A_3760 : memref<512x128xf32, #tpu.memory_space<vmem_shared>>)
          tpu.yield
        }) : () -> ()
        %get3A_3708 = arith.constant 0 : index
        %get3A_3709 = tpu.vector_load %arg7[%get3A_3708] {strides = array<i32>} : memref<128xi32, #tpu.memory_space<vmem>>, vector<16xi32>,
        %mul3A_3710 = arith.constant 16 : i32
        %mul3A_3711 = vector.broadcast %mul3A_3710 : i32 to vector<16xi32>
        %mul3A_3712 = arith.muli %get3A_3709, %mul3A_3711 : vector<16xi32>
        %add3A_3713 = arith.addi %mul3A_3712, %iota3A : vector<16xi32>
        tpu.vector_store_idx %arg13[%add3A_3713], %broadcast_in_dim3A_1 {add = true} : memref<8192xf32, #tpu.memory_space<vmem>>[vector<16xi32>], vector<16xf32>,
        %get3A_3714 = arith.constant 16 : index
        %get3A_3715 = tpu.vector_load %arg7[%get3A_3714] {strides = array<i32>} : memref<128xi32, #tpu.memory_space<vmem>>, vector<16xi32>,
        %mul3A_3716 = arith.constant 16 : i32
        %mul3A_3717 = vector.broadcast %mul3A_3716 : i32 to vector<16xi32>
        %mul3A_3718 = arith.muli %get3A_3715, %mul3A_3717 : vector<16xi32>
        %add3A_3719 = arith.addi %mul3A_3718, %iota3A : vector<16xi32>
        tpu.vector_store_idx %arg13[%add3A_3719], %broadcast_in_dim3A_1 {add = true} : memref<8192xf32, #tpu.memory_space<vmem>>[vector<16xi32>], vector<16xf32>,
        %get3A_3720 = arith.constant 32 : index
        %get3A_3721 = tpu.vector_load %arg7[%get3A_3720] {strides = array<i32>} : memref<128xi32, #tpu.memory_space<vmem>>, vector<16xi32>,
        %mul3A_3722 = arith.constant 16 : i32
        %mul3A_3723 = vector.broadcast %mul3A_3722 : i32 to vector<16xi32>
        %mul3A_3724 = arith.muli %get3A_3721, %mul3A_3723 : vector<16xi32>
        %add3A_3725 = arith.addi %mul3A_3724, %iota3A : vector<16xi32>
        tpu.vector_store_idx %arg13[%add3A_3725], %broadcast_in_dim3A_1 {add = true} : memref<8192xf32, #tpu.memory_space<vmem>>[vector<16xi32>], vector<16xf32>,
        %get3A_3726 = arith.constant 48 : index
        %get3A_3727 = tpu.vector_load %arg7[%get3A_3726] {strides = array<i32>} : memref<128xi32, #tpu.memory_space<vmem>>, vector<16xi32>,
        %mul3A_3728 = arith.constant 16 : i32
        %mul3A_3729 = vector.broadcast %mul3A_3728 : i32 to vector<16xi32>
        %mul3A_3730 = arith.muli %get3A_3727, %mul3A_3729 : vector<16xi32>
        %add3A_3731 = arith.addi %mul3A_3730, %iota3A : vector<16xi32>
        tpu.vector_store_idx %arg13[%add3A_3731], %broadcast_in_dim3A_1 {add = true} : memref<8192xf32, #tpu.memory_space<vmem>>[vector<16xi32>], vector<16xf32>,
        %get3A_3732 = arith.constant 64 : index
        %get3A_3733 = tpu.vector_load %arg7[%get3A_3732] {strides = array<i32>} : memref<128xi32, #tpu.memory_space<vmem>>, vector<16xi32>,
        %mul3A_3734 = arith.constant 16 : i32
        %mul3A_3735 = vector.broadcast %mul3A_3734 : i32 to vector<16xi32>
        %mul3A_3736 = arith.muli %get3A_3733, %mul3A_3735 : vector<16xi32>
        %add3A_3737 = arith.addi %mul3A_3736, %iota3A : vector<16xi32>
        tpu.vector_store_idx %arg13[%add3A_3737], %broadcast_in_dim3A_1 {add = true} : memref<8192xf32, #tpu.memory_space<vmem>>[vector<16xi32>], vector<16xf32>,
        %get3A_3738 = arith.constant 80 : index
        %get3A_3739 = tpu.vector_load %arg7[%get3A_3738] {strides = array<i32>} : memref<128xi32, #tpu.memory_space<vmem>>, vector<16xi32>,
        %mul3A_3740 = arith.constant 16 : i32
        %mul3A_3741 = vector.broadcast %mul3A_3740 : i32 to vector<16xi32>
        %mul3A_3742 = arith.muli %get3A_3739, %mul3A_3741 : vector<16xi32>
        %add3A_3743 = arith.addi %mul3A_3742, %iota3A : vector<16xi32>
        tpu.vector_store_idx %arg13[%add3A_3743], %broadcast_in_dim3A_1 {add = true} : memref<8192xf32, #tpu.memory_space<vmem>>[vector<16xi32>], vector<16xf32>,
        %get3A_3744 = arith.constant 96 : index
        %get3A_3745 = tpu.vector_load %arg7[%get3A_3744] {strides = array<i32>} : memref<128xi32, #tpu.memory_space<vmem>>, vector<16xi32>,
        %mul3A_3746 = arith.constant 16 : i32
        %mul3A_3747 = vector.broadcast %mul3A_3746 : i32 to vector<16xi32>
        %mul3A_3748 = arith.muli %get3A_3745, %mul3A_3747 : vector<16xi32>
        %add3A_3749 = arith.addi %mul3A_3748, %iota3A : vector<16xi32>
        tpu.vector_store_idx %arg13[%add3A_3749], %broadcast_in_dim3A_1 {add = true} : memref<8192xf32, #tpu.memory_space<vmem>>[vector<16xi32>], vector<16xf32>,
        %get3A_3750 = arith.constant 112 : index
        %get3A_3751 = tpu.vector_load %arg7[%get3A_3750] {strides = array<i32>} : memref<128xi32, #tpu.memory_space<vmem>>, vector<16xi32>,
        %mul3A_3752 = arith.constant 16 : i32
        %mul3A_3753 = vector.broadcast %mul3A_3752 : i32 to vector<16xi32>
        %mul3A_3754 = arith.muli %get3A_3751, %mul3A_3753 : vector<16xi32>
        %add3A_3755 = arith.addi %mul3A_3754, %iota3A : vector<16xi32>
        tpu.vector_store_idx %arg13[%add3A_3755], %broadcast_in_dim3A_1 {add = true} : memref<8192xf32, #tpu.memory_space<vmem>>[vector<16xi32>], vector<16xf32>,
      } else {
      }
      %add3A_3679 = arith.constant 2 : i32
      %add3A_3680 = arith.addi %mul3A_3660, %add3A_3679 : i32
      %mul3A_3681 = arith.constant 32 : i32
      %mul3A_3682 = arith.muli %add3A_3680, %mul3A_3681 : i32
      %add3A_3683 = arith.addi %add3A, %mul3A_3682 : i32
      %lt3A_3684 = arith.constant 781 : i32
      %lt3A_3685 = arith.cmpi slt, %add3A_3683, %lt3A_3684 : i32
      %convert_element_type3A_3686 = arith.extui %lt3A_3685 : i1 to i32
      %cond3A_3687 = arith.constant 0 : i32
      %cond3A_3688 = arith.cmpi ne, %convert_element_type3A_3686, %cond3A_3687 : i32
      scf.if %cond3A_3688 {
        %mul3A_3699 = arith.constant 128 : i32
        %mul3A_3700 = arith.muli %add3A_3683, %mul3A_3699 : i32
        %dma_start3A = tpu.memref_slice %arg3[%mul3A_3700] : memref<100000xi32, #tpu.memory_space<hbm>> -> memref<128xi32, #tpu.memory_space<hbm>>
        %dma_start3A_3701 = tpu.memref_slice %arg3[%mul3A_3700] : memref<100000xi32, #tpu.memory_space<hbm>> -> memref<128xi32, #tpu.memory_space<hbm>>
        tpu.enqueue_dma source(%dma_start3A_3701 : memref<128xi32, #tpu.memory_space<hbm>>) target(%arg7 : memref<128xi32, #tpu.memory_space<vmem>>) target_semaphore(%arg16 : memref<!tpu.dma_semaphore, #tpu.memory_space<semaphore_mem>>)
        %dma_start3A_3702 = arith.constant 0 : i32
        %dma_start3A_3703 = tpu.memref_slice %arg2[%mul3A_3700, %dma_start3A_3702] : memref<100000x128xf32, #tpu.memory_space<hbm>> -> memref<128x128xf32, #tpu.memory_space<hbm>>
        %dma_start3A_3704 = arith.constant 0 : i32
        %dma_start3A_3705 = tpu.memref_slice %arg2[%mul3A_3700, %dma_start3A_3704] : memref<100000x128xf32, #tpu.memory_space<hbm>> -> memref<128x128xf32, #tpu.memory_space<hbm>>
        tpu.enqueue_dma source(%dma_start3A_3705 : memref<128x128xf32, #tpu.memory_space<hbm>>) target(%arg6 : memref<128x128xf32, #tpu.memory_space<vmem>>) target_semaphore(%arg16 : memref<!tpu.dma_semaphore, #tpu.memory_space<semaphore_mem>>)
      } else {
      }
      %add3A_3689 = arith.constant 1 : i32
      %add3A_3690 = arith.addi %mul3A_3660, %add3A_3689 : i32
      %mul3A_3691 = arith.constant 32 : i32
      %mul3A_3692 = arith.muli %add3A_3690, %mul3A_3691 : i32
      %add3A_3693 = arith.addi %add3A, %mul3A_3692 : i32
      %lt3A_3694 = arith.constant 781 : i32
      %lt3A_3695 = arith.cmpi slt, %add3A_3693, %lt3A_3694 : i32
      %convert_element_type3A_3696 = arith.extui %lt3A_3695 : i1 to i32
      %cond3A_3697 = arith.constant 0 : i32
      %cond3A_3698 = arith.cmpi ne, %convert_element_type3A_3696, %cond3A_3697 : i32
      scf.if %cond3A_3698 {
        %dma_wait3A = arith.constant 0 : i32
        %dma_wait3A_3699 = tpu.memref_slice %arg3[%dma_wait3A] : memref<100000xi32, #tpu.memory_space<hbm>> -> memref<128xi32, #tpu.memory_space<hbm>>
        %dma_wait3A_3700 = arith.constant 0 : i32
        %dma_wait3A_3701 = tpu.memref_slice %arg3[%dma_wait3A_3700] : memref<100000xi32, #tpu.memory_space<hbm>> -> memref<128xi32, #tpu.memory_space<hbm>>
        tpu.wait_dma2 semaphore(%arg17 : memref<!tpu.dma_semaphore, #tpu.memory_space<semaphore_mem>>) src(%dma_wait3A_3701 : memref<128xi32, #tpu.memory_space<hbm>>) dst(%arg9 : memref<128xi32, #tpu.memory_space<vmem>>)
        %dma_wait3A_3702 = arith.constant 0 : i32
        %dma_wait3A_3703 = arith.constant 0 : i32
        %dma_wait3A_3704 = tpu.memref_slice %arg2[%dma_wait3A_3702, %dma_wait3A_3703] : memref<100000x128xf32, #tpu.memory_space<hbm>> -> memref<128x128xf32, #tpu.memory_space<hbm>>
        %dma_wait3A_3705 = arith.constant 0 : i32
        %dma_wait3A_3706 = arith.constant 0 : i32
        %dma_wait3A_3707 = tpu.memref_slice %arg2[%dma_wait3A_3705, %dma_wait3A_3706] : memref<100000x128xf32, #tpu.memory_space<hbm>> -> memref<128x128xf32, #tpu.memory_space<hbm>>
        tpu.wait_dma2 semaphore(%arg17 : memref<!tpu.dma_semaphore, #tpu.memory_space<semaphore_mem>>) src(%dma_wait3A_3707 : memref<128x128xf32, #tpu.memory_space<hbm>>) dst(%arg8 : memref<128x128xf32, #tpu.memory_space<vmem>>)
        "tpu.region"() ({
          %run_scoped3A = tpu.sem_alloc : memref<!tpu.dma_semaphore, #tpu.memory_space<semaphore_mem>>
          %dma_start3A = arith.constant 0 : i32
          %dma_start3A_3756 = arith.constant 0 : i32
          %dma_start3A_3757 = tpu.memref_slice %arg18[%dma_start3A, %dma_start3A_3756] : memref<512x128xf32, #tpu.memory_space<vmem_shared>> -> memref<512x128xf32, #tpu.memory_space<vmem_shared>>
          tpu.enqueue_indirect_dma source(%arg8 : memref<128x128xf32, #tpu.memory_space<vmem>>) target(%dma_start3A_3757 : memref<512x128xf32, #tpu.memory_space<vmem_shared>>) offsets(%arg9 : memref<128xi32, #tpu.memory_space<vmem>>) semaphore(%run_scoped3A : memref<!tpu.dma_semaphore, #tpu.memory_space<semaphore_mem>>) {add = true}
          %dma_wait3A_3758 = arith.constant 0 : i32
          %dma_wait3A_3759 = arith.constant 0 : i32
          %dma_wait3A_3760 = tpu.memref_slice %arg18[%dma_wait3A_3758, %dma_wait3A_3759] : memref<512x128xf32, #tpu.memory_space<vmem_shared>> -> memref<512x128xf32, #tpu.memory_space<vmem_shared>>
          tpu.wait_indirect_dma semaphore(%run_scoped3A : memref<!tpu.dma_semaphore, #tpu.memory_space<semaphore_mem>>) src(%arg8 : memref<128x128xf32, #tpu.memory_space<vmem>>) dst(%dma_wait3A_3760 : memref<512x128xf32, #tpu.memory_space<vmem_shared>>)
          tpu.yield
        }) : () -> ()
        %get3A_3708 = arith.constant 0 : index
        %get3A_3709 = tpu.vector_load %arg9[%get3A_3708] {strides = array<i32>} : memref<128xi32, #tpu.memory_space<vmem>>, vector<16xi32>,
        %mul3A_3710 = arith.constant 16 : i32
        %mul3A_3711 = vector.broadcast %mul3A_3710 : i32 to vector<16xi32>
        %mul3A_3712 = arith.muli %get3A_3709, %mul3A_3711 : vector<16xi32>
        %add3A_3713 = arith.addi %mul3A_3712, %iota3A : vector<16xi32>
        tpu.vector_store_idx %arg13[%add3A_3713], %broadcast_in_dim3A_1 {add = true} : memref<8192xf32, #tpu.memory_space<vmem>>[vector<16xi32>], vector<16xf32>,
        %get3A_3714 = arith.constant 16 : index
        %get3A_3715 = tpu.vector_load %arg9[%get3A_3714] {strides = array<i32>} : memref<128xi32, #tpu.memory_space<vmem>>, vector<16xi32>,
        %mul3A_3716 = arith.constant 16 : i32
        %mul3A_3717 = vector.broadcast %mul3A_3716 : i32 to vector<16xi32>
        %mul3A_3718 = arith.muli %get3A_3715, %mul3A_3717 : vector<16xi32>
        %add3A_3719 = arith.addi %mul3A_3718, %iota3A : vector<16xi32>
        tpu.vector_store_idx %arg13[%add3A_3719], %broadcast_in_dim3A_1 {add = true} : memref<8192xf32, #tpu.memory_space<vmem>>[vector<16xi32>], vector<16xf32>,
        %get3A_3720 = arith.constant 32 : index
        %get3A_3721 = tpu.vector_load %arg9[%get3A_3720] {strides = array<i32>} : memref<128xi32, #tpu.memory_space<vmem>>, vector<16xi32>,
        %mul3A_3722 = arith.constant 16 : i32
        %mul3A_3723 = vector.broadcast %mul3A_3722 : i32 to vector<16xi32>
        %mul3A_3724 = arith.muli %get3A_3721, %mul3A_3723 : vector<16xi32>
        %add3A_3725 = arith.addi %mul3A_3724, %iota3A : vector<16xi32>
        tpu.vector_store_idx %arg13[%add3A_3725], %broadcast_in_dim3A_1 {add = true} : memref<8192xf32, #tpu.memory_space<vmem>>[vector<16xi32>], vector<16xf32>,
        %get3A_3726 = arith.constant 48 : index
        %get3A_3727 = tpu.vector_load %arg9[%get3A_3726] {strides = array<i32>} : memref<128xi32, #tpu.memory_space<vmem>>, vector<16xi32>,
        %mul3A_3728 = arith.constant 16 : i32
        %mul3A_3729 = vector.broadcast %mul3A_3728 : i32 to vector<16xi32>
        %mul3A_3730 = arith.muli %get3A_3727, %mul3A_3729 : vector<16xi32>
        %add3A_3731 = arith.addi %mul3A_3730, %iota3A : vector<16xi32>
        tpu.vector_store_idx %arg13[%add3A_3731], %broadcast_in_dim3A_1 {add = true} : memref<8192xf32, #tpu.memory_space<vmem>>[vector<16xi32>], vector<16xf32>,
        %get3A_3732 = arith.constant 64 : index
        %get3A_3733 = tpu.vector_load %arg9[%get3A_3732] {strides = array<i32>} : memref<128xi32, #tpu.memory_space<vmem>>, vector<16xi32>,
        %mul3A_3734 = arith.constant 16 : i32
        %mul3A_3735 = vector.broadcast %mul3A_3734 : i32 to vector<16xi32>
        %mul3A_3736 = arith.muli %get3A_3733, %mul3A_3735 : vector<16xi32>
        %add3A_3737 = arith.addi %mul3A_3736, %iota3A : vector<16xi32>
        tpu.vector_store_idx %arg13[%add3A_3737], %broadcast_in_dim3A_1 {add = true} : memref<8192xf32, #tpu.memory_space<vmem>>[vector<16xi32>], vector<16xf32>,
        %get3A_3738 = arith.constant 80 : index
        %get3A_3739 = tpu.vector_load %arg9[%get3A_3738] {strides = array<i32>} : memref<128xi32, #tpu.memory_space<vmem>>, vector<16xi32>,
        %mul3A_3740 = arith.constant 16 : i32
        %mul3A_3741 = vector.broadcast %mul3A_3740 : i32 to vector<16xi32>
        %mul3A_3742 = arith.muli %get3A_3739, %mul3A_3741 : vector<16xi32>
        %add3A_3743 = arith.addi %mul3A_3742, %iota3A : vector<16xi32>
        tpu.vector_store_idx %arg13[%add3A_3743], %broadcast_in_dim3A_1 {add = true} : memref<8192xf32, #tpu.memory_space<vmem>>[vector<16xi32>], vector<16xf32>,
        %get3A_3744 = arith.constant 96 : index
        %get3A_3745 = tpu.vector_load %arg9[%get3A_3744] {strides = array<i32>} : memref<128xi32, #tpu.memory_space<vmem>>, vector<16xi32>,
        %mul3A_3746 = arith.constant 16 : i32
        %mul3A_3747 = vector.broadcast %mul3A_3746 : i32 to vector<16xi32>
        %mul3A_3748 = arith.muli %get3A_3745, %mul3A_3747 : vector<16xi32>
        %add3A_3749 = arith.addi %mul3A_3748, %iota3A : vector<16xi32>
        tpu.vector_store_idx %arg13[%add3A_3749], %broadcast_in_dim3A_1 {add = true} : memref<8192xf32, #tpu.memory_space<vmem>>[vector<16xi32>], vector<16xf32>,
        %get3A_3750 = arith.constant 112 : index
        %get3A_3751 = tpu.vector_load %arg9[%get3A_3750] {strides = array<i32>} : memref<128xi32, #tpu.memory_space<vmem>>, vector<16xi32>,
        %mul3A_3752 = arith.constant 16 : i32
        %mul3A_3753 = vector.broadcast %mul3A_3752 : i32 to vector<16xi32>
        %mul3A_3754 = arith.muli %get3A_3751, %mul3A_3753 : vector<16xi32>
        %add3A_3755 = arith.addi %mul3A_3754, %iota3A : vector<16xi32>
        tpu.vector_store_idx %arg13[%add3A_3755], %broadcast_in_dim3A_1 {add = true} : memref<8192xf32, #tpu.memory_space<vmem>>[vector<16xi32>], vector<16xf32>,
      } else {
      }
    }
    %scan3A_1043 = arith.constant 13 : i32
    %eq3A = arith.constant 0 : i32
    %eq3A_1044 = arith.cmpi eq, %add3A, %eq3A : i32
    %convert_element_type3A_1045 = arith.extui %eq3A_1044 : i1 to i32
    %cond3A_1046 = arith.constant 0 : i32
    %cond3A_1047 = arith.cmpi ne, %convert_element_type3A_1045, %cond3A_1046 : i32
    scf.if %cond3A_1047 {
      "tpu.region"() ({
        %run_scoped3A = tpu.sem_alloc : memref<!tpu.dma_semaphore, #tpu.memory_space<semaphore_mem>>
        %dma_start3A = arith.constant 99968 : i32
        %dma_start3A_3670 = tpu.memref_slice %arg3[%dma_start3A] : memref<100000xi32, #tpu.memory_space<hbm>> -> memref<32xi32, #tpu.memory_space<hbm>>
        %dma_start3A_3671 = arith.constant 99968 : i32
        %dma_start3A_3672 = tpu.memref_slice %arg3[%dma_start3A_3671] : memref<100000xi32, #tpu.memory_space<hbm>> -> memref<32xi32, #tpu.memory_space<hbm>>
        tpu.enqueue_dma source(%dma_start3A_3672 : memref<32xi32, #tpu.memory_space<hbm>>) target(%arg12 : memref<32xi32, #tpu.memory_space<vmem>>) target_semaphore(%run_scoped3A : memref<!tpu.dma_semaphore, #tpu.memory_space<semaphore_mem>>)
        %dma_wait3A = arith.constant 99968 : i32
        %dma_wait3A_3673 = tpu.memref_slice %arg3[%dma_wait3A] : memref<100000xi32, #tpu.memory_space<hbm>> -> memref<32xi32, #tpu.memory_space<hbm>>
        %dma_wait3A_3674 = arith.constant 99968 : i32
        %dma_wait3A_3675 = tpu.memref_slice %arg3[%dma_wait3A_3674] : memref<100000xi32, #tpu.memory_space<hbm>> -> memref<32xi32, #tpu.memory_space<hbm>>
        tpu.wait_dma2 semaphore(%run_scoped3A : memref<!tpu.dma_semaphore, #tpu.memory_space<semaphore_mem>>) src(%dma_wait3A_3675 : memref<32xi32, #tpu.memory_space<hbm>>) dst(%arg12 : memref<32xi32, #tpu.memory_space<vmem>>)
        tpu.yield
      }) : () -> ()
      "tpu.region"() ({
        %run_scoped3A = tpu.sem_alloc : memref<!tpu.dma_semaphore, #tpu.memory_space<semaphore_mem>>
        %dma_start3A = arith.constant 99968 : i32
        %dma_start3A_3670 = arith.constant 0 : i32
        %dma_start3A_3671 = tpu.memref_slice %arg2[%dma_start3A, %dma_start3A_3670] : memref<100000x128xf32, #tpu.memory_space<hbm>> -> memref<32x128xf32, #tpu.memory_space<hbm>>
        %dma_start3A_3672 = arith.constant 99968 : i32
        %dma_start3A_3673 = arith.constant 0 : i32
        %dma_start3A_3674 = tpu.memref_slice %arg2[%dma_start3A_3672, %dma_start3A_3673] : memref<100000x128xf32, #tpu.memory_space<hbm>> -> memref<32x128xf32, #tpu.memory_space<hbm>>
        tpu.enqueue_dma source(%dma_start3A_3674 : memref<32x128xf32, #tpu.memory_space<hbm>>) target(%arg11 : memref<32x128xf32, #tpu.memory_space<vmem>>) target_semaphore(%run_scoped3A : memref<!tpu.dma_semaphore, #tpu.memory_space<semaphore_mem>>)
        %dma_wait3A = arith.constant 99968 : i32
        %dma_wait3A_3675 = arith.constant 0 : i32
        %dma_wait3A_3676 = tpu.memref_slice %arg2[%dma_wait3A, %dma_wait3A_3675] : memref<100000x128xf32, #tpu.memory_space<hbm>> -> memref<32x128xf32, #tpu.memory_space<hbm>>
        %dma_wait3A_3677 = arith.constant 99968 : i32
        %dma_wait3A_3678 = arith.constant 0 : i32
        %dma_wait3A_3679 = tpu.memref_slice %arg2[%dma_wait3A_3677, %dma_wait3A_3678] : memref<100000x128xf32, #tpu.memory_space<hbm>> -> memref<32x128xf32, #tpu.memory_space<hbm>>
        tpu.wait_dma2 semaphore(%run_scoped3A : memref<!tpu.dma_semaphore, #tpu.memory_space<semaphore_mem>>) src(%dma_wait3A_3679 : memref<32x128xf32, #tpu.memory_space<hbm>>) dst(%arg11 : memref<32x128xf32, #tpu.memory_space<vmem>>)
        tpu.yield
      }) : () -> ()
      "tpu.region"() ({
        %run_scoped3A = tpu.sem_alloc : memref<!tpu.dma_semaphore, #tpu.memory_space<semaphore_mem>>
        %dma_start3A = arith.constant 0 : i32
        %dma_start3A_3670 = arith.constant 0 : i32
        %dma_start3A_3671 = tpu.memref_slice %arg18[%dma_start3A, %dma_start3A_3670] : memref<512x128xf32, #tpu.memory_space<vmem_shared>> -> memref<512x128xf32, #tpu.memory_space<vmem_shared>>
        tpu.enqueue_indirect_dma source(%arg11 : memref<32x128xf32, #tpu.memory_space<vmem>>) target(%dma_start3A_3671 : memref<512x128xf32, #tpu.memory_space<vmem_shared>>) offsets(%arg12 : memref<32xi32, #tpu.memory_space<vmem>>) semaphore(%run_scoped3A : memref<!tpu.dma_semaphore, #tpu.memory_space<semaphore_mem>>) {add = true}
        %dma_wait3A = arith.constant 0 : i32
        %dma_wait3A_3672 = arith.constant 0 : i32
        %dma_wait3A_3673 = tpu.memref_slice %arg18[%dma_wait3A, %dma_wait3A_3672] : memref<512x128xf32, #tpu.memory_space<vmem_shared>> -> memref<512x128xf32, #tpu.memory_space<vmem_shared>>
        tpu.wait_indirect_dma semaphore(%run_scoped3A : memref<!tpu.dma_semaphore, #tpu.memory_space<semaphore_mem>>) src(%arg11 : memref<32x128xf32, #tpu.memory_space<vmem>>) dst(%dma_wait3A_3673 : memref<512x128xf32, #tpu.memory_space<vmem_shared>>)
        tpu.yield
      }) : () -> ()
      %get3A_3658 = arith.constant 0 : index
      %get3A_3659 = tpu.vector_load %arg12[%get3A_3658] {strides = array<i32>} : memref<32xi32, #tpu.memory_space<vmem>>, vector<16xi32>,
      %mul3A_3660 = arith.constant 16 : i32
      %mul3A_3661 = vector.broadcast %mul3A_3660 : i32 to vector<16xi32>
      %mul3A_3662 = arith.muli %get3A_3659, %mul3A_3661 : vector<16xi32>
      %add3A_3663 = arith.addi %mul3A_3662, %iota3A : vector<16xi32>
      tpu.vector_store_idx %arg13[%add3A_3663], %broadcast_in_dim3A_1 {add = true} : memref<8192xf32, #tpu.memory_space<vmem>>[vector<16xi32>], vector<16xf32>,
      %get3A_3664 = arith.constant 16 : index
      %get3A_3665 = tpu.vector_load %arg12[%get3A_3664] {strides = array<i32>} : memref<32xi32, #tpu.memory_space<vmem>>, vector<16xi32>,
      %mul3A_3666 = arith.constant 16 : i32
      %mul3A_3667 = vector.broadcast %mul3A_3666 : i32 to vector<16xi32>
      %mul3A_3668 = arith.muli %get3A_3665, %mul3A_3667 : vector<16xi32>
      %add3A_3669 = arith.addi %mul3A_3668, %iota3A : vector<16xi32>
      tpu.vector_store_idx %arg13[%add3A_3669], %broadcast_in_dim3A_1 {add = true} : memref<8192xf32, #tpu.memory_space<vmem>>[vector<16xi32>], vector<16xf32>,
    } else {
    }
    "tpu.region"() ({
      %run_scoped3A = tpu.sem_alloc : memref<!tpu.dma_semaphore, #tpu.memory_space<semaphore_mem>>
      %dma_start3A = arith.constant 0 : i32
      %dma_start3A_3658 = tpu.memref_slice %arg19[%arg1, %dma_start3A] : memref<16x8192xf32, #tpu.memory_space<vmem_shared>> -> memref<1x8192xf32, #tpu.memory_space<vmem_shared>>
      %dma_start3A_3659 = tpu.memref_squeeze %dma_start3A_3658 : memref<1x8192xf32, #tpu.memory_space<vmem_shared>> -> memref<8192xf32, #tpu.memory_space<vmem_shared>>
      %dma_start3A_3660 = arith.constant 0 : i32
      %dma_start3A_3661 = tpu.memref_slice %arg19[%arg1, %dma_start3A_3660] : memref<16x8192xf32, #tpu.memory_space<vmem_shared>> -> memref<1x8192xf32, #tpu.memory_space<vmem_shared>>
      %dma_start3A_3662 = tpu.memref_squeeze %dma_start3A_3661 : memref<1x8192xf32, #tpu.memory_space<vmem_shared>> -> memref<8192xf32, #tpu.memory_space<vmem_shared>>
      tpu.enqueue_dma source(%arg13 : memref<8192xf32, #tpu.memory_space<vmem>>) target(%dma_start3A_3662 : memref<8192xf32, #tpu.memory_space<vmem_shared>>) target_semaphore(%run_scoped3A : memref<!tpu.dma_semaphore, #tpu.memory_space<semaphore_mem>>)
      %dma_wait3A = arith.constant 0 : i32
      %dma_wait3A_3663 = tpu.memref_slice %arg19[%arg1, %dma_wait3A] : memref<16x8192xf32, #tpu.memory_space<vmem_shared>> -> memref<1x8192xf32, #tpu.memory_space<vmem_shared>>
      %dma_wait3A_3664 = tpu.memref_squeeze %dma_wait3A_3663 : memref<1x8192xf32, #tpu.memory_space<vmem_shared>> -> memref<8192xf32, #tpu.memory_space<vmem_shared>>
      %dma_wait3A_3665 = arith.constant 0 : i32
      %dma_wait3A_3666 = tpu.memref_slice %arg19[%arg1, %dma_wait3A_3665] : memref<16x8192xf32, #tpu.memory_space<vmem_shared>> -> memref<1x8192xf32, #tpu.memory_space<vmem_shared>>
      %dma_wait3A_3667 = tpu.memref_squeeze %dma_wait3A_3666 : memref<1x8192xf32, #tpu.memory_space<vmem_shared>> -> memref<8192xf32, #tpu.memory_space<vmem_shared>>
      tpu.wait_dma2 semaphore(%run_scoped3A : memref<!tpu.dma_semaphore, #tpu.memory_space<semaphore_mem>>) src(%arg13 : memref<8192xf32, #tpu.memory_space<vmem>>) dst(%dma_wait3A_3667 : memref<8192xf32, #tpu.memory_space<vmem_shared>>)
      tpu.yield
    }) : () -> ()
    %barrier3A_1048 = arith.constant 0 : index
    tpu.barrier barrier_id(%barrier3A_1048)
    %mul3A_1049 = arith.constant 512 : i32
    %mul3A_1050 = arith.muli %arg0, %mul3A_1049 : i32
    %mul3A_1051 = arith.constant 32 : i32
    %mul3A_1052 = arith.muli %arg1, %mul3A_1051 : i32
    %add3A_1053 = arith.addi %mul3A_1050, %mul3A_1052 : i32
    %mul3A_1054 = arith.constant 32 : i32
    %mul3A_1055 = arith.muli %arg1, %mul3A_1054 : i32
    "tpu.region"() ({
      %run_scoped3A = tpu.sem_alloc : memref<!tpu.dma_semaphore, #tpu.memory_space<semaphore_mem>>
      %dma_start3A = arith.constant 0 : i32
      %dma_start3A_3658 = tpu.memref_slice %arg4[%add3A_1053, %dma_start3A] : memref<1024x128xf32, #tpu.memory_space<hbm>> -> memref<32x128xf32, #tpu.memory_space<hbm>>
      %dma_start3A_3659 = arith.constant 0 : i32
      %dma_start3A_3660 = tpu.memref_slice %arg18[%mul3A_1055, %dma_start3A_3659] : memref<512x128xf32, #tpu.memory_space<vmem_shared>> -> memref<32x128xf32, #tpu.memory_space<vmem_shared>>
      tpu.enqueue_dma source(%dma_start3A_3660 : memref<32x128xf32, #tpu.memory_space<vmem_shared>>) target(%dma_start3A_3658 : memref<32x128xf32, #tpu.memory_space<hbm>>) target_semaphore(%run_scoped3A : memref<!tpu.dma_semaphore, #tpu.memory_space<semaphore_mem>>)
      %dma_wait3A = arith.constant 0 : i32
      %dma_wait3A_3661 = tpu.memref_slice %arg4[%add3A_1053, %dma_wait3A] : memref<1024x128xf32, #tpu.memory_space<hbm>> -> memref<32x128xf32, #tpu.memory_space<hbm>>
      %dma_wait3A_3662 = arith.constant 0 : i32
      %dma_wait3A_3663 = tpu.memref_slice %arg18[%mul3A_1055, %dma_wait3A_3662] : memref<512x128xf32, #tpu.memory_space<vmem_shared>> -> memref<32x128xf32, #tpu.memory_space<vmem_shared>>
      tpu.wait_dma2 semaphore(%run_scoped3A : memref<!tpu.dma_semaphore, #tpu.memory_space<semaphore_mem>>) src(%dma_wait3A_3663 : memref<32x128xf32, #tpu.memory_space<vmem_shared>>) dst(%dma_wait3A_3661 : memref<32x128xf32, #tpu.memory_space<hbm>>)
      tpu.yield
    }) : () -> ()
    %mul3A_1056 = arith.constant 32 : i32
    %mul3A_1057 = arith.muli %arg1, %mul3A_1056 : i32
    %mul3A_1058 = arith.constant 16 : i32
    %mul3A_1059 = arith.muli %mul3A_1057, %mul3A_1058 : i32
    "tpu.region"() ({
      %run_scoped3A = tpu.sem_alloc : memref<!tpu.dma_semaphore, #tpu.memory_space<semaphore_mem>>
      %dma_start3A = arith.constant 0 : i32
      %dma_start3A_3658 = tpu.memref_slice %arg19[%dma_start3A, %mul3A_1059] : memref<16x8192xf32, #tpu.memory_space<vmem_shared>> -> memref<16x512xf32, #tpu.memory_space<vmem_shared>>
      %dma_start3A_3659 = arith.constant 0 : i32
      %dma_start3A_3660 = tpu.memref_slice %arg19[%dma_start3A_3659, %mul3A_1059] : memref<16x8192xf32, #tpu.memory_space<vmem_shared>> -> memref<16x512xf32, #tpu.memory_space<vmem_shared>>
      tpu.enqueue_dma source(%dma_start3A_3660 : memref<16x512xf32, #tpu.memory_space<vmem_shared>>) target(%arg14 : memref<16x512xf32, #tpu.memory_space<vmem>>) target_semaphore(%run_scoped3A : memref<!tpu.dma_semaphore, #tpu.memory_space<semaphore_mem>>)
      %dma_wait3A = arith.constant 0 : i32
      %dma_wait3A_3661 = tpu.memref_slice %arg19[%dma_wait3A, %mul3A_1059] : memref<16x8192xf32, #tpu.memory_space<vmem_shared>> -> memref<16x512xf32, #tpu.memory_space<vmem_shared>>
      %dma_wait3A_3662 = arith.constant 0 : i32
      %dma_wait3A_3663 = tpu.memref_slice %arg19[%dma_wait3A_3662, %mul3A_1059] : memref<16x8192xf32, #tpu.memory_space<vmem_shared>> -> memref<16x512xf32, #tpu.memory_space<vmem_shared>>
      tpu.wait_dma2 semaphore(%run_scoped3A : memref<!tpu.dma_semaphore, #tpu.memory_space<semaphore_mem>>) src(%dma_wait3A_3663 : memref<16x512xf32, #tpu.memory_space<vmem_shared>>) dst(%arg14 : memref<16x512xf32, #tpu.memory_space<vmem>>)
      tpu.yield
    }) : () -> ()
    %get3A = arith.constant 0 : i32
    %get3A_1060 = arith.index_cast %get3A : i32 to index
    %get3A_1061 = arith.constant 0 : index
    %get3A_1062 = tpu.vector_load %arg14[%get3A_1060, %get3A_1061] {strides = array<i32>} : memref<16x512xf32, #tpu.memory_space<vmem>>, vector<16xf32>,
    %get3A_1063 = arith.constant 1 : i32
    %get3A_1064 = arith.index_cast %get3A_1063 : i32 to index
    %get3A_1065 = arith.constant 0 : index
    %get3A_1066 = tpu.vector_load %arg14[%get3A_1064, %get3A_1065] {strides = array<i32>} : memref<16x512xf32, #tpu.memory_space<vmem>>, vector<16xf32>,
    %add3A_1067 = arith.addf %get3A_1062, %get3A_1066 : vector<16xf32>
    %get3A_1068 = arith.constant 2 : i32
    %get3A_1069 = arith.index_cast %get3A_1068 : i32 to index
    %get3A_1070 = arith.constant 0 : index
    %get3A_1071 = tpu.vector_load %arg14[%get3A_1069, %get3A_1070] {strides = array<i32>} : memref<16x512xf32, #tpu.memory_space<vmem>>, vector<16xf32>,
    %add3A_1072 = arith.addf %add3A_1067, %get3A_1071 : vector<16xf32>
    %get3A_1073 = arith.constant 3 : i32
    %get3A_1074 = arith.index_cast %get3A_1073 : i32 to index
    %get3A_1075 = arith.constant 0 : index
    %get3A_1076 = tpu.vector_load %arg14[%get3A_1074, %get3A_1075] {strides = array<i32>} : memref<16x512xf32, #tpu.memory_space<vmem>>, vector<16xf32>,
    %add3A_1077 = arith.addf %add3A_1072, %get3A_1076 : vector<16xf32>
    %get3A_1078 = arith.constant 4 : i32
    %get3A_1079 = arith.index_cast %get3A_1078 : i32 to index
    %get3A_1080 = arith.constant 0 : index
    %get3A_1081 = tpu.vector_load %arg14[%get3A_1079, %get3A_1080] {strides = array<i32>} : memref<16x512xf32, #tpu.memory_space<vmem>>, vector<16xf32>,
    %add3A_1082 = arith.addf %add3A_1077, %get3A_1081 : vector<16xf32>
    %get3A_1083 = arith.constant 5 : i32
    %get3A_1084 = arith.index_cast %get3A_1083 : i32 to index
    %get3A_1085 = arith.constant 0 : index
    %get3A_1086 = tpu.vector_load %arg14[%get3A_1084, %get3A_1085] {strides = array<i32>} : memref<16x512xf32, #tpu.memory_space<vmem>>, vector<16xf32>,
    %add3A_1087 = arith.addf %add3A_1082, %get3A_1086 : vector<16xf32>
    %get3A_1088 = arith.constant 6 : i32
    %get3A_1089 = arith.index_cast %get3A_1088 : i32 to index
    %get3A_1090 = arith.constant 0 : index
    %get3A_1091 = tpu.vector_load %arg14[%get3A_1089, %get3A_1090] {strides = array<i32>} : memref<16x512xf32, #tpu.memory_space<vmem>>, vector<16xf32>,
    %add3A_1092 = arith.addf %add3A_1087, %get3A_1091 : vector<16xf32>
    %get3A_1093 = arith.constant 7 : i32
    %get3A_1094 = arith.index_cast %get3A_1093 : i32 to index
    %get3A_1095 = arith.constant 0 : index
    %get3A_1096 = tpu.vector_load %arg14[%get3A_1094, %get3A_1095] {strides = array<i32>} : memref<16x512xf32, #tpu.memory_space<vmem>>, vector<16xf32>,
    %add3A_1097 = arith.addf %add3A_1092, %get3A_1096 : vector<16xf32>
    %get3A_1098 = arith.constant 8 : i32
    %get3A_1099 = arith.index_cast %get3A_1098 : i32 to index
    %get3A_1100 = arith.constant 0 : index
    %get3A_1101 = tpu.vector_load %arg14[%get3A_1099, %get3A_1100] {strides = array<i32>} : memref<16x512xf32, #tpu.memory_space<vmem>>, vector<16xf32>,
    %add3A_1102 = arith.addf %add3A_1097, %get3A_1101 : vector<16xf32>
    %get3A_1103 = arith.constant 9 : i32
    %get3A_1104 = arith.index_cast %get3A_1103 : i32 to index
    %get3A_1105 = arith.constant 0 : index
    %get3A_1106 = tpu.vector_load %arg14[%get3A_1104, %get3A_1105] {strides = array<i32>} : memref<16x512xf32, #tpu.memory_space<vmem>>, vector<16xf32>,
    %add3A_1107 = arith.addf %add3A_1102, %get3A_1106 : vector<16xf32>
    %get3A_1108 = arith.constant 10 : i32
    %get3A_1109 = arith.index_cast %get3A_1108 : i32 to index
    %get3A_1110 = arith.constant 0 : index
    %get3A_1111 = tpu.vector_load %arg14[%get3A_1109, %get3A_1110] {strides = array<i32>} : memref<16x512xf32, #tpu.memory_space<vmem>>, vector<16xf32>,
    %add3A_1112 = arith.addf %add3A_1107, %get3A_1111 : vector<16xf32>
    %get3A_1113 = arith.constant 11 : i32
    %get3A_1114 = arith.index_cast %get3A_1113 : i32 to index
    %get3A_1115 = arith.constant 0 : index
    %get3A_1116 = tpu.vector_load %arg14[%get3A_1114, %get3A_1115] {strides = array<i32>} : memref<16x512xf32, #tpu.memory_space<vmem>>, vector<16xf32>,
    %add3A_1117 = arith.addf %add3A_1112, %get3A_1116 : vector<16xf32>
    %get3A_1118 = arith.constant 12 : i32
    %get3A_1119 = arith.index_cast %get3A_1118 : i32 to index
    %get3A_1120 = arith.constant 0 : index
    %get3A_1121 = tpu.vector_load %arg14[%get3A_1119, %get3A_1120] {strides = array<i32>} : memref<16x512xf32, #tpu.memory_space<vmem>>, vector<16xf32>,
    %add3A_1122 = arith.addf %add3A_1117, %get3A_1121 : vector<16xf32>
    %get3A_1123 = arith.constant 13 : i32
    %get3A_1124 = arith.index_cast %get3A_1123 : i32 to index
    %get3A_1125 = arith.constant 0 : index
    %get3A_1126 = tpu.vector_load %arg14[%get3A_1124, %get3A_1125] {strides = array<i32>} : memref<16x512xf32, #tpu.memory_space<vmem>>, vector<16xf32>,
    %add3A_1127 = arith.addf %add3A_1122, %get3A_1126 : vector<16xf32>
    %get3A_1128 = arith.constant 14 : i32
    %get3A_1129 = arith.index_cast %get3A_1128 : i32 to index
    %get3A_1130 = arith.constant 0 : index
    %get3A_1131 = tpu.vector_load %arg14[%get3A_1129, %get3A_1130] {strides = array<i32>} : memref<16x512xf32, #tpu.memory_space<vmem>>, vector<16xf32>,
    %add3A_1132 = arith.addf %add3A_1127, %get3A_1131 : vector<16xf32>
    %get3A_1133 = arith.constant 15 : i32
    %get3A_1134 = arith.index_cast %get3A_1133 : i32 to index
    %get3A_1135 = arith.constant 0 : index
    %get3A_1136 = tpu.vector_load %arg14[%get3A_1134, %get3A_1135] {strides = array<i32>} : memref<16x512xf32, #tpu.memory_space<vmem>>, vector<16xf32>,
    %add3A_1137 = arith.addf %add3A_1132, %get3A_1136 : vector<16xf32>
    %swap3A_1138 = arith.constant 0 : index
    %swap3A_1139 = tpu.vector_load %arg15[%swap3A_1138] {strides = array<i32>} : memref<512xf32, #tpu.memory_space<vmem>>, vector<16xf32>,
    tpu.vector_store %arg15[%swap3A_1138], %add3A_1137 {strides = array<i32>} : memref<512xf32, #tpu.memory_space<vmem>>, vector<16xf32>,
    %get3A_1140 = arith.constant 0 : i32
    %get3A_1141 = arith.index_cast %get3A_1140 : i32 to index
    %get3A_1142 = arith.constant 16 : index
    %get3A_1143 = tpu.vector_load %arg14[%get3A_1141, %get3A_1142] {strides = array<i32>} : memref<16x512xf32, #tpu.memory_space<vmem>>, vector<16xf32>,
    %get3A_1144 = arith.constant 1 : i32
    %get3A_1145 = arith.index_cast %get3A_1144 : i32 to index
    %get3A_1146 = arith.constant 16 : index
    %get3A_1147 = tpu.vector_load %arg14[%get3A_1145, %get3A_1146] {strides = array<i32>} : memref<16x512xf32, #tpu.memory_space<vmem>>, vector<16xf32>,
    %add3A_1148 = arith.addf %get3A_1143, %get3A_1147 : vector<16xf32>
    %get3A_1149 = arith.constant 2 : i32
    %get3A_1150 = arith.index_cast %get3A_1149 : i32 to index
    %get3A_1151 = arith.constant 16 : index
    %get3A_1152 = tpu.vector_load %arg14[%get3A_1150, %get3A_1151] {strides = array<i32>} : memref<16x512xf32, #tpu.memory_space<vmem>>, vector<16xf32>,
    %add3A_1153 = arith.addf %add3A_1148, %get3A_1152 : vector<16xf32>
    %get3A_1154 = arith.constant 3 : i32
    %get3A_1155 = arith.index_cast %get3A_1154 : i32 to index
    %get3A_1156 = arith.constant 16 : index
    %get3A_1157 = tpu.vector_load %arg14[%get3A_1155, %get3A_1156] {strides = array<i32>} : memref<16x512xf32, #tpu.memory_space<vmem>>, vector<16xf32>,
    %add3A_1158 = arith.addf %add3A_1153, %get3A_1157 : vector<16xf32>
    %get3A_1159 = arith.constant 4 : i32
    %get3A_1160 = arith.index_cast %get3A_1159 : i32 to index
    %get3A_1161 = arith.constant 16 : index
    %get3A_1162 = tpu.vector_load %arg14[%get3A_1160, %get3A_1161] {strides = array<i32>} : memref<16x512xf32, #tpu.memory_space<vmem>>, vector<16xf32>,
    %add3A_1163 = arith.addf %add3A_1158, %get3A_1162 : vector<16xf32>
    %get3A_1164 = arith.constant 5 : i32
    %get3A_1165 = arith.index_cast %get3A_1164 : i32 to index
    %get3A_1166 = arith.constant 16 : index
    %get3A_1167 = tpu.vector_load %arg14[%get3A_1165, %get3A_1166] {strides = array<i32>} : memref<16x512xf32, #tpu.memory_space<vmem>>, vector<16xf32>,
    %add3A_1168 = arith.addf %add3A_1163, %get3A_1167 : vector<16xf32>
    %get3A_1169 = arith.constant 6 : i32
    %get3A_1170 = arith.index_cast %get3A_1169 : i32 to index
    %get3A_1171 = arith.constant 16 : index
    %get3A_1172 = tpu.vector_load %arg14[%get3A_1170, %get3A_1171] {strides = array<i32>} : memref<16x512xf32, #tpu.memory_space<vmem>>, vector<16xf32>,
    %add3A_1173 = arith.addf %add3A_1168, %get3A_1172 : vector<16xf32>
    %get3A_1174 = arith.constant 7 : i32
    %get3A_1175 = arith.index_cast %get3A_1174 : i32 to index
    %get3A_1176 = arith.constant 16 : index
    %get3A_1177 = tpu.vector_load %arg14[%get3A_1175, %get3A_1176] {strides = array<i32>} : memref<16x512xf32, #tpu.memory_space<vmem>>, vector<16xf32>,
    %add3A_1178 = arith.addf %add3A_1173, %get3A_1177 : vector<16xf32>
    %get3A_1179 = arith.constant 8 : i32
    %get3A_1180 = arith.index_cast %get3A_1179 : i32 to index
    %get3A_1181 = arith.constant 16 : index
    %get3A_1182 = tpu.vector_load %arg14[%get3A_1180, %get3A_1181] {strides = array<i32>} : memref<16x512xf32, #tpu.memory_space<vmem>>, vector<16xf32>,
    %add3A_1183 = arith.addf %add3A_1178, %get3A_1182 : vector<16xf32>
    %get3A_1184 = arith.constant 9 : i32
    %get3A_1185 = arith.index_cast %get3A_1184 : i32 to index
    %get3A_1186 = arith.constant 16 : index
    %get3A_1187 = tpu.vector_load %arg14[%get3A_1185, %get3A_1186] {strides = array<i32>} : memref<16x512xf32, #tpu.memory_space<vmem>>, vector<16xf32>,
    %add3A_1188 = arith.addf %add3A_1183, %get3A_1187 : vector<16xf32>
    %get3A_1189 = arith.constant 10 : i32
    %get3A_1190 = arith.index_cast %get3A_1189 : i32 to index
    %get3A_1191 = arith.constant 16 : index
    %get3A_1192 = tpu.vector_load %arg14[%get3A_1190, %get3A_1191] {strides = array<i32>} : memref<16x512xf32, #tpu.memory_space<vmem>>, vector<16xf32>,
    %add3A_1193 = arith.addf %add3A_1188, %get3A_1192 : vector<16xf32>
    %get3A_1194 = arith.constant 11 : i32
    %get3A_1195 = arith.index_cast %get3A_1194 : i32 to index
    %get3A_1196 = arith.constant 16 : index
    %get3A_1197 = tpu.vector_load %arg14[%get3A_1195, %get3A_1196] {strides = array<i32>} : memref<16x512xf32, #tpu.memory_space<vmem>>, vector<16xf32>,
    %add3A_1198 = arith.addf %add3A_1193, %get3A_1197 : vector<16xf32>
    %get3A_1199 = arith.constant 12 : i32
    %get3A_1200 = arith.index_cast %get3A_1199 : i32 to index
    %get3A_1201 = arith.constant 16 : index
    %get3A_1202 = tpu.vector_load %arg14[%get3A_1200, %get3A_1201] {strides = array<i32>} : memref<16x512xf32, #tpu.memory_space<vmem>>, vector<16xf32>,
    %add3A_1203 = arith.addf %add3A_1198, %get3A_1202 : vector<16xf32>
    %get3A_1204 = arith.constant 13 : i32
    %get3A_1205 = arith.index_cast %get3A_1204 : i32 to index
    %get3A_1206 = arith.constant 16 : index
    %get3A_1207 = tpu.vector_load %arg14[%get3A_1205, %get3A_1206] {strides = array<i32>} : memref<16x512xf32, #tpu.memory_space<vmem>>, vector<16xf32>,
    %add3A_1208 = arith.addf %add3A_1203, %get3A_1207 : vector<16xf32>
    %get3A_1209 = arith.constant 14 : i32
    %get3A_1210 = arith.index_cast %get3A_1209 : i32 to index
    %get3A_1211 = arith.constant 16 : index
    %get3A_1212 = tpu.vector_load %arg14[%get3A_1210, %get3A_1211] {strides = array<i32>} : memref<16x512xf32, #tpu.memory_space<vmem>>, vector<16xf32>,
    %add3A_1213 = arith.addf %add3A_1208, %get3A_1212 : vector<16xf32>
    %get3A_1214 = arith.constant 15 : i32
    %get3A_1215 = arith.index_cast %get3A_1214 : i32 to index
    %get3A_1216 = arith.constant 16 : index
    %get3A_1217 = tpu.vector_load %arg14[%get3A_1215, %get3A_1216] {strides = array<i32>} : memref<16x512xf32, #tpu.memory_space<vmem>>, vector<16xf32>,
    %add3A_1218 = arith.addf %add3A_1213, %get3A_1217 : vector<16xf32>
    %swap3A_1219 = arith.constant 16 : index
    %swap3A_1220 = tpu.vector_load %arg15[%swap3A_1219] {strides = array<i32>} : memref<512xf32, #tpu.memory_space<vmem>>, vector<16xf32>,
    tpu.vector_store %arg15[%swap3A_1219], %add3A_1218 {strides = array<i32>} : memref<512xf32, #tpu.memory_space<vmem>>, vector<16xf32>,
    %get3A_1221 = arith.constant 0 : i32
    %get3A_1222 = arith.index_cast %get3A_1221 : i32 to index
    %get3A_1223 = arith.constant 32 : index
    %get3A_1224 = tpu.vector_load %arg14[%get3A_1222, %get3A_1223] {strides = array<i32>} : memref<16x512xf32, #tpu.memory_space<vmem>>, vector<16xf32>,
    %get3A_1225 = arith.constant 1 : i32
    %get3A_1226 = arith.index_cast %get3A_1225 : i32 to index
    %get3A_1227 = arith.constant 32 : index
    %get3A_1228 = tpu.vector_load %arg14[%get3A_1226, %get3A_1227] {strides = array<i32>} : memref<16x512xf32, #tpu.memory_space<vmem>>, vector<16xf32>,
    %add3A_1229 = arith.addf %get3A_1224, %get3A_1228 : vector<16xf32>
    %get3A_1230 = arith.constant 2 : i32
    %get3A_1231 = arith.index_cast %get3A_1230 : i32 to index
    %get3A_1232 = arith.constant 32 : index
    %get3A_1233 = tpu.vector_load %arg14[%get3A_1231, %get3A_1232] {strides = array<i32>} : memref<16x512xf32, #tpu.memory_space<vmem>>, vector<16xf32>,
    %add3A_1234 = arith.addf %add3A_1229, %get3A_1233 : vector<16xf32>
    %get3A_1235 = arith.constant 3 : i32
    %get3A_1236 = arith.index_cast %get3A_1235 : i32 to index
    %get3A_1237 = arith.constant 32 : index
    %get3A_1238 = tpu.vector_load %arg14[%get3A_1236, %get3A_1237] {strides = array<i32>} : memref<16x512xf32, #tpu.memory_space<vmem>>, vector<16xf32>,
    %add3A_1239 = arith.addf %add3A_1234, %get3A_1238 : vector<16xf32>
    %get3A_1240 = arith.constant 4 : i32
    %get3A_1241 = arith.index_cast %get3A_1240 : i32 to index
    %get3A_1242 = arith.constant 32 : index
    %get3A_1243 = tpu.vector_load %arg14[%get3A_1241, %get3A_1242] {strides = array<i32>} : memref<16x512xf32, #tpu.memory_space<vmem>>, vector<16xf32>,
    %add3A_1244 = arith.addf %add3A_1239, %get3A_1243 : vector<16xf32>
    %get3A_1245 = arith.constant 5 : i32
    %get3A_1246 = arith.index_cast %get3A_1245 : i32 to index
    %get3A_1247 = arith.constant 32 : index
    %get3A_1248 = tpu.vector_load %arg14[%get3A_1246, %get3A_1247] {strides = array<i32>} : memref<16x512xf32, #tpu.memory_space<vmem>>, vector<16xf32>,
    %add3A_1249 = arith.addf %add3A_1244, %get3A_1248 : vector<16xf32>
    %get3A_1250 = arith.constant 6 : i32
    %get3A_1251 = arith.index_cast %get3A_1250 : i32 to index
    %get3A_1252 = arith.constant 32 : index
    %get3A_1253 = tpu.vector_load %arg14[%get3A_1251, %get3A_1252] {strides = array<i32>} : memref<16x512xf32, #tpu.memory_space<vmem>>, vector<16xf32>,
    %add3A_1254 = arith.addf %add3A_1249, %get3A_1253 : vector<16xf32>
    %get3A_1255 = arith.constant 7 : i32
    %get3A_1256 = arith.index_cast %get3A_1255 : i32 to index
    %get3A_1257 = arith.constant 32 : index
    %get3A_1258 = tpu.vector_load %arg14[%get3A_1256, %get3A_1257] {strides = array<i32>} : memref<16x512xf32, #tpu.memory_space<vmem>>, vector<16xf32>,
    %add3A_1259 = arith.addf %add3A_1254, %get3A_1258 : vector<16xf32>
    %get3A_1260 = arith.constant 8 : i32
    %get3A_1261 = arith.index_cast %get3A_1260 : i32 to index
    %get3A_1262 = arith.constant 32 : index
    %get3A_1263 = tpu.vector_load %arg14[%get3A_1261, %get3A_1262] {strides = array<i32>} : memref<16x512xf32, #tpu.memory_space<vmem>>, vector<16xf32>,
    %add3A_1264 = arith.addf %add3A_1259, %get3A_1263 : vector<16xf32>
    %get3A_1265 = arith.constant 9 : i32
    %get3A_1266 = arith.index_cast %get3A_1265 : i32 to index
    %get3A_1267 = arith.constant 32 : index
    %get3A_1268 = tpu.vector_load %arg14[%get3A_1266, %get3A_1267] {strides = array<i32>} : memref<16x512xf32, #tpu.memory_space<vmem>>, vector<16xf32>,
    %add3A_1269 = arith.addf %add3A_1264, %get3A_1268 : vector<16xf32>
    %get3A_1270 = arith.constant 10 : i32
    %get3A_1271 = arith.index_cast %get3A_1270 : i32 to index
    %get3A_1272 = arith.constant 32 : index
    %get3A_1273 = tpu.vector_load %arg14[%get3A_1271, %get3A_1272] {strides = array<i32>} : memref<16x512xf32, #tpu.memory_space<vmem>>, vector<16xf32>,
    %add3A_1274 = arith.addf %add3A_1269, %get3A_1273 : vector<16xf32>
    %get3A_1275 = arith.constant 11 : i32
    %get3A_1276 = arith.index_cast %get3A_1275 : i32 to index
    %get3A_1277 = arith.constant 32 : index
    %get3A_1278 = tpu.vector_load %arg14[%get3A_1276, %get3A_1277] {strides = array<i32>} : memref<16x512xf32, #tpu.memory_space<vmem>>, vector<16xf32>,
    %add3A_1279 = arith.addf %add3A_1274, %get3A_1278 : vector<16xf32>
    %get3A_1280 = arith.constant 12 : i32
    %get3A_1281 = arith.index_cast %get3A_1280 : i32 to index
    %get3A_1282 = arith.constant 32 : index
    %get3A_1283 = tpu.vector_load %arg14[%get3A_1281, %get3A_1282] {strides = array<i32>} : memref<16x512xf32, #tpu.memory_space<vmem>>, vector<16xf32>,
    %add3A_1284 = arith.addf %add3A_1279, %get3A_1283 : vector<16xf32>
    %get3A_1285 = arith.constant 13 : i32
    %get3A_1286 = arith.index_cast %get3A_1285 : i32 to index
    %get3A_1287 = arith.constant 32 : index
    %get3A_1288 = tpu.vector_load %arg14[%get3A_1286, %get3A_1287] {strides = array<i32>} : memref<16x512xf32, #tpu.memory_space<vmem>>, vector<16xf32>,
    %add3A_1289 = arith.addf %add3A_1284, %get3A_1288 : vector<16xf32>
    %get3A_1290 = arith.constant 14 : i32
    %get3A_1291 = arith.index_cast %get3A_1290 : i32 to index
    %get3A_1292 = arith.constant 32 : index
    %get3A_1293 = tpu.vector_load %arg14[%get3A_1291, %get3A_1292] {strides = array<i32>} : memref<16x512xf32, #tpu.memory_space<vmem>>, vector<16xf32>,
    %add3A_1294 = arith.addf %add3A_1289, %get3A_1293 : vector<16xf32>
    %get3A_1295 = arith.constant 15 : i32
    %get3A_1296 = arith.index_cast %get3A_1295 : i32 to index
    %get3A_1297 = arith.constant 32 : index
    %get3A_1298 = tpu.vector_load %arg14[%get3A_1296, %get3A_1297] {strides = array<i32>} : memref<16x512xf32, #tpu.memory_space<vmem>>, vector<16xf32>,
    %add3A_1299 = arith.addf %add3A_1294, %get3A_1298 : vector<16xf32>
    %swap3A_1300 = arith.constant 32 : index
    %swap3A_1301 = tpu.vector_load %arg15[%swap3A_1300] {strides = array<i32>} : memref<512xf32, #tpu.memory_space<vmem>>, vector<16xf32>,
    tpu.vector_store %arg15[%swap3A_1300], %add3A_1299 {strides = array<i32>} : memref<512xf32, #tpu.memory_space<vmem>>, vector<16xf32>,
    %get3A_1302 = arith.constant 0 : i32
    %get3A_1303 = arith.index_cast %get3A_1302 : i32 to index
    %get3A_1304 = arith.constant 48 : index
    %get3A_1305 = tpu.vector_load %arg14[%get3A_1303, %get3A_1304] {strides = array<i32>} : memref<16x512xf32, #tpu.memory_space<vmem>>, vector<16xf32>,
    %get3A_1306 = arith.constant 1 : i32
    %get3A_1307 = arith.index_cast %get3A_1306 : i32 to index
    %get3A_1308 = arith.constant 48 : index
    %get3A_1309 = tpu.vector_load %arg14[%get3A_1307, %get3A_1308] {strides = array<i32>} : memref<16x512xf32, #tpu.memory_space<vmem>>, vector<16xf32>,
    %add3A_1310 = arith.addf %get3A_1305, %get3A_1309 : vector<16xf32>
    %get3A_1311 = arith.constant 2 : i32
    %get3A_1312 = arith.index_cast %get3A_1311 : i32 to index
    %get3A_1313 = arith.constant 48 : index
    %get3A_1314 = tpu.vector_load %arg14[%get3A_1312, %get3A_1313] {strides = array<i32>} : memref<16x512xf32, #tpu.memory_space<vmem>>, vector<16xf32>,
    %add3A_1315 = arith.addf %add3A_1310, %get3A_1314 : vector<16xf32>
    %get3A_1316 = arith.constant 3 : i32
    %get3A_1317 = arith.index_cast %get3A_1316 : i32 to index
    %get3A_1318 = arith.constant 48 : index
    %get3A_1319 = tpu.vector_load %arg14[%get3A_1317, %get3A_1318] {strides = array<i32>} : memref<16x512xf32, #tpu.memory_space<vmem>>, vector<16xf32>,
    %add3A_1320 = arith.addf %add3A_1315, %get3A_1319 : vector<16xf32>
    %get3A_1321 = arith.constant 4 : i32
    %get3A_1322 = arith.index_cast %get3A_1321 : i32 to index
    %get3A_1323 = arith.constant 48 : index
    %get3A_1324 = tpu.vector_load %arg14[%get3A_1322, %get3A_1323] {strides = array<i32>} : memref<16x512xf32, #tpu.memory_space<vmem>>, vector<16xf32>,
    %add3A_1325 = arith.addf %add3A_1320, %get3A_1324 : vector<16xf32>
    %get3A_1326 = arith.constant 5 : i32
    %get3A_1327 = arith.index_cast %get3A_1326 : i32 to index
    %get3A_1328 = arith.constant 48 : index
    %get3A_1329 = tpu.vector_load %arg14[%get3A_1327, %get3A_1328] {strides = array<i32>} : memref<16x512xf32, #tpu.memory_space<vmem>>, vector<16xf32>,
    %add3A_1330 = arith.addf %add3A_1325, %get3A_1329 : vector<16xf32>
    %get3A_1331 = arith.constant 6 : i32
    %get3A_1332 = arith.index_cast %get3A_1331 : i32 to index
    %get3A_1333 = arith.constant 48 : index
    %get3A_1334 = tpu.vector_load %arg14[%get3A_1332, %get3A_1333] {strides = array<i32>} : memref<16x512xf32, #tpu.memory_space<vmem>>, vector<16xf32>,
    %add3A_1335 = arith.addf %add3A_1330, %get3A_1334 : vector<16xf32>
    %get3A_1336 = arith.constant 7 : i32
    %get3A_1337 = arith.index_cast %get3A_1336 : i32 to index
    %get3A_1338 = arith.constant 48 : index
    %get3A_1339 = tpu.vector_load %arg14[%get3A_1337, %get3A_1338] {strides = array<i32>} : memref<16x512xf32, #tpu.memory_space<vmem>>, vector<16xf32>,
    %add3A_1340 = arith.addf %add3A_1335, %get3A_1339 : vector<16xf32>
    %get3A_1341 = arith.constant 8 : i32
    %get3A_1342 = arith.index_cast %get3A_1341 : i32 to index
    %get3A_1343 = arith.constant 48 : index
    %get3A_1344 = tpu.vector_load %arg14[%get3A_1342, %get3A_1343] {strides = array<i32>} : memref<16x512xf32, #tpu.memory_space<vmem>>, vector<16xf32>,
    %add3A_1345 = arith.addf %add3A_1340, %get3A_1344 : vector<16xf32>
    %get3A_1346 = arith.constant 9 : i32
    %get3A_1347 = arith.index_cast %get3A_1346 : i32 to index
    %get3A_1348 = arith.constant 48 : index
    %get3A_1349 = tpu.vector_load %arg14[%get3A_1347, %get3A_1348] {strides = array<i32>} : memref<16x512xf32, #tpu.memory_space<vmem>>, vector<16xf32>,
    %add3A_1350 = arith.addf %add3A_1345, %get3A_1349 : vector<16xf32>
    %get3A_1351 = arith.constant 10 : i32
    %get3A_1352 = arith.index_cast %get3A_1351 : i32 to index
    %get3A_1353 = arith.constant 48 : index
    %get3A_1354 = tpu.vector_load %arg14[%get3A_1352, %get3A_1353] {strides = array<i32>} : memref<16x512xf32, #tpu.memory_space<vmem>>, vector<16xf32>,
    %add3A_1355 = arith.addf %add3A_1350, %get3A_1354 : vector<16xf32>
    %get3A_1356 = arith.constant 11 : i32
    %get3A_1357 = arith.index_cast %get3A_1356 : i32 to index
    %get3A_1358 = arith.constant 48 : index
    %get3A_1359 = tpu.vector_load %arg14[%get3A_1357, %get3A_1358] {strides = array<i32>} : memref<16x512xf32, #tpu.memory_space<vmem>>, vector<16xf32>,
    %add3A_1360 = arith.addf %add3A_1355, %get3A_1359 : vector<16xf32>
    %get3A_1361 = arith.constant 12 : i32
    %get3A_1362 = arith.index_cast %get3A_1361 : i32 to index
    %get3A_1363 = arith.constant 48 : index
    %get3A_1364 = tpu.vector_load %arg14[%get3A_1362, %get3A_1363] {strides = array<i32>} : memref<16x512xf32, #tpu.memory_space<vmem>>, vector<16xf32>,
    %add3A_1365 = arith.addf %add3A_1360, %get3A_1364 : vector<16xf32>
    %get3A_1366 = arith.constant 13 : i32
    %get3A_1367 = arith.index_cast %get3A_1366 : i32 to index
    %get3A_1368 = arith.constant 48 : index
    %get3A_1369 = tpu.vector_load %arg14[%get3A_1367, %get3A_1368] {strides = array<i32>} : memref<16x512xf32, #tpu.memory_space<vmem>>, vector<16xf32>,
    %add3A_1370 = arith.addf %add3A_1365, %get3A_1369 : vector<16xf32>
    %get3A_1371 = arith.constant 14 : i32
    %get3A_1372 = arith.index_cast %get3A_1371 : i32 to index
    %get3A_1373 = arith.constant 48 : index
    %get3A_1374 = tpu.vector_load %arg14[%get3A_1372, %get3A_1373] {strides = array<i32>} : memref<16x512xf32, #tpu.memory_space<vmem>>, vector<16xf32>,
    %add3A_1375 = arith.addf %add3A_1370, %get3A_1374 : vector<16xf32>
    %get3A_1376 = arith.constant 15 : i32
    %get3A_1377 = arith.index_cast %get3A_1376 : i32 to index
    %get3A_1378 = arith.constant 48 : index
    %get3A_1379 = tpu.vector_load %arg14[%get3A_1377, %get3A_1378] {strides = array<i32>} : memref<16x512xf32, #tpu.memory_space<vmem>>, vector<16xf32>,
    %add3A_1380 = arith.addf %add3A_1375, %get3A_1379 : vector<16xf32>
    %swap3A_1381 = arith.constant 48 : index
    %swap3A_1382 = tpu.vector_load %arg15[%swap3A_1381] {strides = array<i32>} : memref<512xf32, #tpu.memory_space<vmem>>, vector<16xf32>,
    tpu.vector_store %arg15[%swap3A_1381], %add3A_1380 {strides = array<i32>} : memref<512xf32, #tpu.memory_space<vmem>>, vector<16xf32>,
    %get3A_1383 = arith.constant 0 : i32
    %get3A_1384 = arith.index_cast %get3A_1383 : i32 to index
    %get3A_1385 = arith.constant 64 : index
    %get3A_1386 = tpu.vector_load %arg14[%get3A_1384, %get3A_1385] {strides = array<i32>} : memref<16x512xf32, #tpu.memory_space<vmem>>, vector<16xf32>,
    %get3A_1387 = arith.constant 1 : i32
    %get3A_1388 = arith.index_cast %get3A_1387 : i32 to index
    %get3A_1389 = arith.constant 64 : index
    %get3A_1390 = tpu.vector_load %arg14[%get3A_1388, %get3A_1389] {strides = array<i32>} : memref<16x512xf32, #tpu.memory_space<vmem>>, vector<16xf32>,
    %add3A_1391 = arith.addf %get3A_1386, %get3A_1390 : vector<16xf32>
    %get3A_1392 = arith.constant 2 : i32
    %get3A_1393 = arith.index_cast %get3A_1392 : i32 to index
    %get3A_1394 = arith.constant 64 : index
    %get3A_1395 = tpu.vector_load %arg14[%get3A_1393, %get3A_1394] {strides = array<i32>} : memref<16x512xf32, #tpu.memory_space<vmem>>, vector<16xf32>,
    %add3A_1396 = arith.addf %add3A_1391, %get3A_1395 : vector<16xf32>
    %get3A_1397 = arith.constant 3 : i32
    %get3A_1398 = arith.index_cast %get3A_1397 : i32 to index
    %get3A_1399 = arith.constant 64 : index
    %get3A_1400 = tpu.vector_load %arg14[%get3A_1398, %get3A_1399] {strides = array<i32>} : memref<16x512xf32, #tpu.memory_space<vmem>>, vector<16xf32>,
    %add3A_1401 = arith.addf %add3A_1396, %get3A_1400 : vector<16xf32>
    %get3A_1402 = arith.constant 4 : i32
    %get3A_1403 = arith.index_cast %get3A_1402 : i32 to index
    %get3A_1404 = arith.constant 64 : index
    %get3A_1405 = tpu.vector_load %arg14[%get3A_1403, %get3A_1404] {strides = array<i32>} : memref<16x512xf32, #tpu.memory_space<vmem>>, vector<16xf32>,
    %add3A_1406 = arith.addf %add3A_1401, %get3A_1405 : vector<16xf32>
    %get3A_1407 = arith.constant 5 : i32
    %get3A_1408 = arith.index_cast %get3A_1407 : i32 to index
    %get3A_1409 = arith.constant 64 : index
    %get3A_1410 = tpu.vector_load %arg14[%get3A_1408, %get3A_1409] {strides = array<i32>} : memref<16x512xf32, #tpu.memory_space<vmem>>, vector<16xf32>,
    %add3A_1411 = arith.addf %add3A_1406, %get3A_1410 : vector<16xf32>
    %get3A_1412 = arith.constant 6 : i32
    %get3A_1413 = arith.index_cast %get3A_1412 : i32 to index
    %get3A_1414 = arith.constant 64 : index
    %get3A_1415 = tpu.vector_load %arg14[%get3A_1413, %get3A_1414] {strides = array<i32>} : memref<16x512xf32, #tpu.memory_space<vmem>>, vector<16xf32>,
    %add3A_1416 = arith.addf %add3A_1411, %get3A_1415 : vector<16xf32>
    %get3A_1417 = arith.constant 7 : i32
    %get3A_1418 = arith.index_cast %get3A_1417 : i32 to index
    %get3A_1419 = arith.constant 64 : index
    %get3A_1420 = tpu.vector_load %arg14[%get3A_1418, %get3A_1419] {strides = array<i32>} : memref<16x512xf32, #tpu.memory_space<vmem>>, vector<16xf32>,
    %add3A_1421 = arith.addf %add3A_1416, %get3A_1420 : vector<16xf32>
    %get3A_1422 = arith.constant 8 : i32
    %get3A_1423 = arith.index_cast %get3A_1422 : i32 to index
    %get3A_1424 = arith.constant 64 : index
    %get3A_1425 = tpu.vector_load %arg14[%get3A_1423, %get3A_1424] {strides = array<i32>} : memref<16x512xf32, #tpu.memory_space<vmem>>, vector<16xf32>,
    %add3A_1426 = arith.addf %add3A_1421, %get3A_1425 : vector<16xf32>
    %get3A_1427 = arith.constant 9 : i32
    %get3A_1428 = arith.index_cast %get3A_1427 : i32 to index
    %get3A_1429 = arith.constant 64 : index
    %get3A_1430 = tpu.vector_load %arg14[%get3A_1428, %get3A_1429] {strides = array<i32>} : memref<16x512xf32, #tpu.memory_space<vmem>>, vector<16xf32>,
    %add3A_1431 = arith.addf %add3A_1426, %get3A_1430 : vector<16xf32>
    %get3A_1432 = arith.constant 10 : i32
    %get3A_1433 = arith.index_cast %get3A_1432 : i32 to index
    %get3A_1434 = arith.constant 64 : index
    %get3A_1435 = tpu.vector_load %arg14[%get3A_1433, %get3A_1434] {strides = array<i32>} : memref<16x512xf32, #tpu.memory_space<vmem>>, vector<16xf32>,
    %add3A_1436 = arith.addf %add3A_1431, %get3A_1435 : vector<16xf32>
    %get3A_1437 = arith.constant 11 : i32
    %get3A_1438 = arith.index_cast %get3A_1437 : i32 to index
    %get3A_1439 = arith.constant 64 : index
    %get3A_1440 = tpu.vector_load %arg14[%get3A_1438, %get3A_1439] {strides = array<i32>} : memref<16x512xf32, #tpu.memory_space<vmem>>, vector<16xf32>,
    %add3A_1441 = arith.addf %add3A_1436, %get3A_1440 : vector<16xf32>
    %get3A_1442 = arith.constant 12 : i32
    %get3A_1443 = arith.index_cast %get3A_1442 : i32 to index
    %get3A_1444 = arith.constant 64 : index
    %get3A_1445 = tpu.vector_load %arg14[%get3A_1443, %get3A_1444] {strides = array<i32>} : memref<16x512xf32, #tpu.memory_space<vmem>>, vector<16xf32>,
    %add3A_1446 = arith.addf %add3A_1441, %get3A_1445 : vector<16xf32>
    %get3A_1447 = arith.constant 13 : i32
    %get3A_1448 = arith.index_cast %get3A_1447 : i32 to index
    %get3A_1449 = arith.constant 64 : index
    %get3A_1450 = tpu.vector_load %arg14[%get3A_1448, %get3A_1449] {strides = array<i32>} : memref<16x512xf32, #tpu.memory_space<vmem>>, vector<16xf32>,
    %add3A_1451 = arith.addf %add3A_1446, %get3A_1450 : vector<16xf32>
    %get3A_1452 = arith.constant 14 : i32
    %get3A_1453 = arith.index_cast %get3A_1452 : i32 to index
    %get3A_1454 = arith.constant 64 : index
    %get3A_1455 = tpu.vector_load %arg14[%get3A_1453, %get3A_1454] {strides = array<i32>} : memref<16x512xf32, #tpu.memory_space<vmem>>, vector<16xf32>,
    %add3A_1456 = arith.addf %add3A_1451, %get3A_1455 : vector<16xf32>
    %get3A_1457 = arith.constant 15 : i32
    %get3A_1458 = arith.index_cast %get3A_1457 : i32 to index
    %get3A_1459 = arith.constant 64 : index
    %get3A_1460 = tpu.vector_load %arg14[%get3A_1458, %get3A_1459] {strides = array<i32>} : memref<16x512xf32, #tpu.memory_space<vmem>>, vector<16xf32>,
    %add3A_1461 = arith.addf %add3A_1456, %get3A_1460 : vector<16xf32>
    %swap3A_1462 = arith.constant 64 : index
    %swap3A_1463 = tpu.vector_load %arg15[%swap3A_1462] {strides = array<i32>} : memref<512xf32, #tpu.memory_space<vmem>>, vector<16xf32>,
    tpu.vector_store %arg15[%swap3A_1462], %add3A_1461 {strides = array<i32>} : memref<512xf32, #tpu.memory_space<vmem>>, vector<16xf32>,
    %get3A_1464 = arith.constant 0 : i32
    %get3A_1465 = arith.index_cast %get3A_1464 : i32 to index
    %get3A_1466 = arith.constant 80 : index
    %get3A_1467 = tpu.vector_load %arg14[%get3A_1465, %get3A_1466] {strides = array<i32>} : memref<16x512xf32, #tpu.memory_space<vmem>>, vector<16xf32>,
    %get3A_1468 = arith.constant 1 : i32
    %get3A_1469 = arith.index_cast %get3A_1468 : i32 to index
    %get3A_1470 = arith.constant 80 : index
    %get3A_1471 = tpu.vector_load %arg14[%get3A_1469, %get3A_1470] {strides = array<i32>} : memref<16x512xf32, #tpu.memory_space<vmem>>, vector<16xf32>,
    %add3A_1472 = arith.addf %get3A_1467, %get3A_1471 : vector<16xf32>
    %get3A_1473 = arith.constant 2 : i32
    %get3A_1474 = arith.index_cast %get3A_1473 : i32 to index
    %get3A_1475 = arith.constant 80 : index
    %get3A_1476 = tpu.vector_load %arg14[%get3A_1474, %get3A_1475] {strides = array<i32>} : memref<16x512xf32, #tpu.memory_space<vmem>>, vector<16xf32>,
    %add3A_1477 = arith.addf %add3A_1472, %get3A_1476 : vector<16xf32>
    %get3A_1478 = arith.constant 3 : i32
    %get3A_1479 = arith.index_cast %get3A_1478 : i32 to index
    %get3A_1480 = arith.constant 80 : index
    %get3A_1481 = tpu.vector_load %arg14[%get3A_1479, %get3A_1480] {strides = array<i32>} : memref<16x512xf32, #tpu.memory_space<vmem>>, vector<16xf32>,
    %add3A_1482 = arith.addf %add3A_1477, %get3A_1481 : vector<16xf32>
    %get3A_1483 = arith.constant 4 : i32
    %get3A_1484 = arith.index_cast %get3A_1483 : i32 to index
    %get3A_1485 = arith.constant 80 : index
    %get3A_1486 = tpu.vector_load %arg14[%get3A_1484, %get3A_1485] {strides = array<i32>} : memref<16x512xf32, #tpu.memory_space<vmem>>, vector<16xf32>,
    %add3A_1487 = arith.addf %add3A_1482, %get3A_1486 : vector<16xf32>
    %get3A_1488 = arith.constant 5 : i32
    %get3A_1489 = arith.index_cast %get3A_1488 : i32 to index
    %get3A_1490 = arith.constant 80 : index
    %get3A_1491 = tpu.vector_load %arg14[%get3A_1489, %get3A_1490] {strides = array<i32>} : memref<16x512xf32, #tpu.memory_space<vmem>>, vector<16xf32>,
    %add3A_1492 = arith.addf %add3A_1487, %get3A_1491 : vector<16xf32>
    %get3A_1493 = arith.constant 6 : i32
    %get3A_1494 = arith.index_cast %get3A_1493 : i32 to index
    %get3A_1495 = arith.constant 80 : index
    %get3A_1496 = tpu.vector_load %arg14[%get3A_1494, %get3A_1495] {strides = array<i32>} : memref<16x512xf32, #tpu.memory_space<vmem>>, vector<16xf32>,
    %add3A_1497 = arith.addf %add3A_1492, %get3A_1496 : vector<16xf32>
    %get3A_1498 = arith.constant 7 : i32
    %get3A_1499 = arith.index_cast %get3A_1498 : i32 to index
    %get3A_1500 = arith.constant 80 : index
    %get3A_1501 = tpu.vector_load %arg14[%get3A_1499, %get3A_1500] {strides = array<i32>} : memref<16x512xf32, #tpu.memory_space<vmem>>, vector<16xf32>,
    %add3A_1502 = arith.addf %add3A_1497, %get3A_1501 : vector<16xf32>
    %get3A_1503 = arith.constant 8 : i32
    %get3A_1504 = arith.index_cast %get3A_1503 : i32 to index
    %get3A_1505 = arith.constant 80 : index
    %get3A_1506 = tpu.vector_load %arg14[%get3A_1504, %get3A_1505] {strides = array<i32>} : memref<16x512xf32, #tpu.memory_space<vmem>>, vector<16xf32>,
    %add3A_1507 = arith.addf %add3A_1502, %get3A_1506 : vector<16xf32>
    %get3A_1508 = arith.constant 9 : i32
    %get3A_1509 = arith.index_cast %get3A_1508 : i32 to index
    %get3A_1510 = arith.constant 80 : index
    %get3A_1511 = tpu.vector_load %arg14[%get3A_1509, %get3A_1510] {strides = array<i32>} : memref<16x512xf32, #tpu.memory_space<vmem>>, vector<16xf32>,
    %add3A_1512 = arith.addf %add3A_1507, %get3A_1511 : vector<16xf32>
    %get3A_1513 = arith.constant 10 : i32
    %get3A_1514 = arith.index_cast %get3A_1513 : i32 to index
    %get3A_1515 = arith.constant 80 : index
    %get3A_1516 = tpu.vector_load %arg14[%get3A_1514, %get3A_1515] {strides = array<i32>} : memref<16x512xf32, #tpu.memory_space<vmem>>, vector<16xf32>,
    %add3A_1517 = arith.addf %add3A_1512, %get3A_1516 : vector<16xf32>
    %get3A_1518 = arith.constant 11 : i32
    %get3A_1519 = arith.index_cast %get3A_1518 : i32 to index
    %get3A_1520 = arith.constant 80 : index
    %get3A_1521 = tpu.vector_load %arg14[%get3A_1519, %get3A_1520] {strides = array<i32>} : memref<16x512xf32, #tpu.memory_space<vmem>>, vector<16xf32>,
    %add3A_1522 = arith.addf %add3A_1517, %get3A_1521 : vector<16xf32>
    %get3A_1523 = arith.constant 12 : i32
    %get3A_1524 = arith.index_cast %get3A_1523 : i32 to index
    %get3A_1525 = arith.constant 80 : index
    %get3A_1526 = tpu.vector_load %arg14[%get3A_1524, %get3A_1525] {strides = array<i32>} : memref<16x512xf32, #tpu.memory_space<vmem>>, vector<16xf32>,
    %add3A_1527 = arith.addf %add3A_1522, %get3A_1526 : vector<16xf32>
    %get3A_1528 = arith.constant 13 : i32
    %get3A_1529 = arith.index_cast %get3A_1528 : i32 to index
    %get3A_1530 = arith.constant 80 : index
    %get3A_1531 = tpu.vector_load %arg14[%get3A_1529, %get3A_1530] {strides = array<i32>} : memref<16x512xf32, #tpu.memory_space<vmem>>, vector<16xf32>,
    %add3A_1532 = arith.addf %add3A_1527, %get3A_1531 : vector<16xf32>
    %get3A_1533 = arith.constant 14 : i32
    %get3A_1534 = arith.index_cast %get3A_1533 : i32 to index
    %get3A_1535 = arith.constant 80 : index
    %get3A_1536 = tpu.vector_load %arg14[%get3A_1534, %get3A_1535] {strides = array<i32>} : memref<16x512xf32, #tpu.memory_space<vmem>>, vector<16xf32>,
    %add3A_1537 = arith.addf %add3A_1532, %get3A_1536 : vector<16xf32>
    %get3A_1538 = arith.constant 15 : i32
    %get3A_1539 = arith.index_cast %get3A_1538 : i32 to index
    %get3A_1540 = arith.constant 80 : index
    %get3A_1541 = tpu.vector_load %arg14[%get3A_1539, %get3A_1540] {strides = array<i32>} : memref<16x512xf32, #tpu.memory_space<vmem>>, vector<16xf32>,
    %add3A_1542 = arith.addf %add3A_1537, %get3A_1541 : vector<16xf32>
    %swap3A_1543 = arith.constant 80 : index
    %swap3A_1544 = tpu.vector_load %arg15[%swap3A_1543] {strides = array<i32>} : memref<512xf32, #tpu.memory_space<vmem>>, vector<16xf32>,
    tpu.vector_store %arg15[%swap3A_1543], %add3A_1542 {strides = array<i32>} : memref<512xf32, #tpu.memory_space<vmem>>, vector<16xf32>,
    %get3A_1545 = arith.constant 0 : i32
    %get3A_1546 = arith.index_cast %get3A_1545 : i32 to index
    %get3A_1547 = arith.constant 96 : index
    %get3A_1548 = tpu.vector_load %arg14[%get3A_1546, %get3A_1547] {strides = array<i32>} : memref<16x512xf32, #tpu.memory_space<vmem>>, vector<16xf32>,
    %get3A_1549 = arith.constant 1 : i32
    %get3A_1550 = arith.index_cast %get3A_1549 : i32 to index
    %get3A_1551 = arith.constant 96 : index
    %get3A_1552 = tpu.vector_load %arg14[%get3A_1550, %get3A_1551] {strides = array<i32>} : memref<16x512xf32, #tpu.memory_space<vmem>>, vector<16xf32>,
    %add3A_1553 = arith.addf %get3A_1548, %get3A_1552 : vector<16xf32>
    %get3A_1554 = arith.constant 2 : i32
    %get3A_1555 = arith.index_cast %get3A_1554 : i32 to index
    %get3A_1556 = arith.constant 96 : index
    %get3A_1557 = tpu.vector_load %arg14[%get3A_1555, %get3A_1556] {strides = array<i32>} : memref<16x512xf32, #tpu.memory_space<vmem>>, vector<16xf32>,
    %add3A_1558 = arith.addf %add3A_1553, %get3A_1557 : vector<16xf32>
    %get3A_1559 = arith.constant 3 : i32
    %get3A_1560 = arith.index_cast %get3A_1559 : i32 to index
    %get3A_1561 = arith.constant 96 : index
    %get3A_1562 = tpu.vector_load %arg14[%get3A_1560, %get3A_1561] {strides = array<i32>} : memref<16x512xf32, #tpu.memory_space<vmem>>, vector<16xf32>,
    %add3A_1563 = arith.addf %add3A_1558, %get3A_1562 : vector<16xf32>
    %get3A_1564 = arith.constant 4 : i32
    %get3A_1565 = arith.index_cast %get3A_1564 : i32 to index
    %get3A_1566 = arith.constant 96 : index
    %get3A_1567 = tpu.vector_load %arg14[%get3A_1565, %get3A_1566] {strides = array<i32>} : memref<16x512xf32, #tpu.memory_space<vmem>>, vector<16xf32>,
    %add3A_1568 = arith.addf %add3A_1563, %get3A_1567 : vector<16xf32>
    %get3A_1569 = arith.constant 5 : i32
    %get3A_1570 = arith.index_cast %get3A_1569 : i32 to index
    %get3A_1571 = arith.constant 96 : index
    %get3A_1572 = tpu.vector_load %arg14[%get3A_1570, %get3A_1571] {strides = array<i32>} : memref<16x512xf32, #tpu.memory_space<vmem>>, vector<16xf32>,
    %add3A_1573 = arith.addf %add3A_1568, %get3A_1572 : vector<16xf32>
    %get3A_1574 = arith.constant 6 : i32
    %get3A_1575 = arith.index_cast %get3A_1574 : i32 to index
    %get3A_1576 = arith.constant 96 : index
    %get3A_1577 = tpu.vector_load %arg14[%get3A_1575, %get3A_1576] {strides = array<i32>} : memref<16x512xf32, #tpu.memory_space<vmem>>, vector<16xf32>,
    %add3A_1578 = arith.addf %add3A_1573, %get3A_1577 : vector<16xf32>
    %get3A_1579 = arith.constant 7 : i32
    %get3A_1580 = arith.index_cast %get3A_1579 : i32 to index
    %get3A_1581 = arith.constant 96 : index
    %get3A_1582 = tpu.vector_load %arg14[%get3A_1580, %get3A_1581] {strides = array<i32>} : memref<16x512xf32, #tpu.memory_space<vmem>>, vector<16xf32>,
    %add3A_1583 = arith.addf %add3A_1578, %get3A_1582 : vector<16xf32>
    %get3A_1584 = arith.constant 8 : i32
    %get3A_1585 = arith.index_cast %get3A_1584 : i32 to index
    %get3A_1586 = arith.constant 96 : index
    %get3A_1587 = tpu.vector_load %arg14[%get3A_1585, %get3A_1586] {strides = array<i32>} : memref<16x512xf32, #tpu.memory_space<vmem>>, vector<16xf32>,
    %add3A_1588 = arith.addf %add3A_1583, %get3A_1587 : vector<16xf32>
    %get3A_1589 = arith.constant 9 : i32
    %get3A_1590 = arith.index_cast %get3A_1589 : i32 to index
    %get3A_1591 = arith.constant 96 : index
    %get3A_1592 = tpu.vector_load %arg14[%get3A_1590, %get3A_1591] {strides = array<i32>} : memref<16x512xf32, #tpu.memory_space<vmem>>, vector<16xf32>,
    %add3A_1593 = arith.addf %add3A_1588, %get3A_1592 : vector<16xf32>
    %get3A_1594 = arith.constant 10 : i32
    %get3A_1595 = arith.index_cast %get3A_1594 : i32 to index
    %get3A_1596 = arith.constant 96 : index
    %get3A_1597 = tpu.vector_load %arg14[%get3A_1595, %get3A_1596] {strides = array<i32>} : memref<16x512xf32, #tpu.memory_space<vmem>>, vector<16xf32>,
    %add3A_1598 = arith.addf %add3A_1593, %get3A_1597 : vector<16xf32>
    %get3A_1599 = arith.constant 11 : i32
    %get3A_1600 = arith.index_cast %get3A_1599 : i32 to index
    %get3A_1601 = arith.constant 96 : index
    %get3A_1602 = tpu.vector_load %arg14[%get3A_1600, %get3A_1601] {strides = array<i32>} : memref<16x512xf32, #tpu.memory_space<vmem>>, vector<16xf32>,
    %add3A_1603 = arith.addf %add3A_1598, %get3A_1602 : vector<16xf32>
    %get3A_1604 = arith.constant 12 : i32
    %get3A_1605 = arith.index_cast %get3A_1604 : i32 to index
    %get3A_1606 = arith.constant 96 : index
    %get3A_1607 = tpu.vector_load %arg14[%get3A_1605, %get3A_1606] {strides = array<i32>} : memref<16x512xf32, #tpu.memory_space<vmem>>, vector<16xf32>,
    %add3A_1608 = arith.addf %add3A_1603, %get3A_1607 : vector<16xf32>
    %get3A_1609 = arith.constant 13 : i32
    %get3A_1610 = arith.index_cast %get3A_1609 : i32 to index
    %get3A_1611 = arith.constant 96 : index
    %get3A_1612 = tpu.vector_load %arg14[%get3A_1610, %get3A_1611] {strides = array<i32>} : memref<16x512xf32, #tpu.memory_space<vmem>>, vector<16xf32>,
    %add3A_1613 = arith.addf %add3A_1608, %get3A_1612 : vector<16xf32>
    %get3A_1614 = arith.constant 14 : i32
    %get3A_1615 = arith.index_cast %get3A_1614 : i32 to index
    %get3A_1616 = arith.constant 96 : index
    %get3A_1617 = tpu.vector_load %arg14[%get3A_1615, %get3A_1616] {strides = array<i32>} : memref<16x512xf32, #tpu.memory_space<vmem>>, vector<16xf32>,
    %add3A_1618 = arith.addf %add3A_1613, %get3A_1617 : vector<16xf32>
    %get3A_1619 = arith.constant 15 : i32
    %get3A_1620 = arith.index_cast %get3A_1619 : i32 to index
    %get3A_1621 = arith.constant 96 : index
    %get3A_1622 = tpu.vector_load %arg14[%get3A_1620, %get3A_1621] {strides = array<i32>} : memref<16x512xf32, #tpu.memory_space<vmem>>, vector<16xf32>,
    %add3A_1623 = arith.addf %add3A_1618, %get3A_1622 : vector<16xf32>
    %swap3A_1624 = arith.constant 96 : index
    %swap3A_1625 = tpu.vector_load %arg15[%swap3A_1624] {strides = array<i32>} : memref<512xf32, #tpu.memory_space<vmem>>, vector<16xf32>,
    tpu.vector_store %arg15[%swap3A_1624], %add3A_1623 {strides = array<i32>} : memref<512xf32, #tpu.memory_space<vmem>>, vector<16xf32>,
    %get3A_1626 = arith.constant 0 : i32
    %get3A_1627 = arith.index_cast %get3A_1626 : i32 to index
    %get3A_1628 = arith.constant 112 : index
    %get3A_1629 = tpu.vector_load %arg14[%get3A_1627, %get3A_1628] {strides = array<i32>} : memref<16x512xf32, #tpu.memory_space<vmem>>, vector<16xf32>,
    %get3A_1630 = arith.constant 1 : i32
    %get3A_1631 = arith.index_cast %get3A_1630 : i32 to index
    %get3A_1632 = arith.constant 112 : index
    %get3A_1633 = tpu.vector_load %arg14[%get3A_1631, %get3A_1632] {strides = array<i32>} : memref<16x512xf32, #tpu.memory_space<vmem>>, vector<16xf32>,
    %add3A_1634 = arith.addf %get3A_1629, %get3A_1633 : vector<16xf32>
    %get3A_1635 = arith.constant 2 : i32
    %get3A_1636 = arith.index_cast %get3A_1635 : i32 to index
    %get3A_1637 = arith.constant 112 : index
    %get3A_1638 = tpu.vector_load %arg14[%get3A_1636, %get3A_1637] {strides = array<i32>} : memref<16x512xf32, #tpu.memory_space<vmem>>, vector<16xf32>,
    %add3A_1639 = arith.addf %add3A_1634, %get3A_1638 : vector<16xf32>
    %get3A_1640 = arith.constant 3 : i32
    %get3A_1641 = arith.index_cast %get3A_1640 : i32 to index
    %get3A_1642 = arith.constant 112 : index
    %get3A_1643 = tpu.vector_load %arg14[%get3A_1641, %get3A_1642] {strides = array<i32>} : memref<16x512xf32, #tpu.memory_space<vmem>>, vector<16xf32>,
    %add3A_1644 = arith.addf %add3A_1639, %get3A_1643 : vector<16xf32>
    %get3A_1645 = arith.constant 4 : i32
    %get3A_1646 = arith.index_cast %get3A_1645 : i32 to index
    %get3A_1647 = arith.constant 112 : index
    %get3A_1648 = tpu.vector_load %arg14[%get3A_1646, %get3A_1647] {strides = array<i32>} : memref<16x512xf32, #tpu.memory_space<vmem>>, vector<16xf32>,
    %add3A_1649 = arith.addf %add3A_1644, %get3A_1648 : vector<16xf32>
    %get3A_1650 = arith.constant 5 : i32
    %get3A_1651 = arith.index_cast %get3A_1650 : i32 to index
    %get3A_1652 = arith.constant 112 : index
    %get3A_1653 = tpu.vector_load %arg14[%get3A_1651, %get3A_1652] {strides = array<i32>} : memref<16x512xf32, #tpu.memory_space<vmem>>, vector<16xf32>,
    %add3A_1654 = arith.addf %add3A_1649, %get3A_1653 : vector<16xf32>
    %get3A_1655 = arith.constant 6 : i32
    %get3A_1656 = arith.index_cast %get3A_1655 : i32 to index
    %get3A_1657 = arith.constant 112 : index
    %get3A_1658 = tpu.vector_load %arg14[%get3A_1656, %get3A_1657] {strides = array<i32>} : memref<16x512xf32, #tpu.memory_space<vmem>>, vector<16xf32>,
    %add3A_1659 = arith.addf %add3A_1654, %get3A_1658 : vector<16xf32>
    %get3A_1660 = arith.constant 7 : i32
    %get3A_1661 = arith.index_cast %get3A_1660 : i32 to index
    %get3A_1662 = arith.constant 112 : index
    %get3A_1663 = tpu.vector_load %arg14[%get3A_1661, %get3A_1662] {strides = array<i32>} : memref<16x512xf32, #tpu.memory_space<vmem>>, vector<16xf32>,
    %add3A_1664 = arith.addf %add3A_1659, %get3A_1663 : vector<16xf32>
    %get3A_1665 = arith.constant 8 : i32
    %get3A_1666 = arith.index_cast %get3A_1665 : i32 to index
    %get3A_1667 = arith.constant 112 : index
    %get3A_1668 = tpu.vector_load %arg14[%get3A_1666, %get3A_1667] {strides = array<i32>} : memref<16x512xf32, #tpu.memory_space<vmem>>, vector<16xf32>,
    %add3A_1669 = arith.addf %add3A_1664, %get3A_1668 : vector<16xf32>
    %get3A_1670 = arith.constant 9 : i32
    %get3A_1671 = arith.index_cast %get3A_1670 : i32 to index
    %get3A_1672 = arith.constant 112 : index
    %get3A_1673 = tpu.vector_load %arg14[%get3A_1671, %get3A_1672] {strides = array<i32>} : memref<16x512xf32, #tpu.memory_space<vmem>>, vector<16xf32>,
    %add3A_1674 = arith.addf %add3A_1669, %get3A_1673 : vector<16xf32>
    %get3A_1675 = arith.constant 10 : i32
    %get3A_1676 = arith.index_cast %get3A_1675 : i32 to index
    %get3A_1677 = arith.constant 112 : index
    %get3A_1678 = tpu.vector_load %arg14[%get3A_1676, %get3A_1677] {strides = array<i32>} : memref<16x512xf32, #tpu.memory_space<vmem>>, vector<16xf32>,
    %add3A_1679 = arith.addf %add3A_1674, %get3A_1678 : vector<16xf32>
    %get3A_1680 = arith.constant 11 : i32
    %get3A_1681 = arith.index_cast %get3A_1680 : i32 to index
    %get3A_1682 = arith.constant 112 : index
    %get3A_1683 = tpu.vector_load %arg14[%get3A_1681, %get3A_1682] {strides = array<i32>} : memref<16x512xf32, #tpu.memory_space<vmem>>, vector<16xf32>,
    %add3A_1684 = arith.addf %add3A_1679, %get3A_1683 : vector<16xf32>
    %get3A_1685 = arith.constant 12 : i32
    %get3A_1686 = arith.index_cast %get3A_1685 : i32 to index
    %get3A_1687 = arith.constant 112 : index
    %get3A_1688 = tpu.vector_load %arg14[%get3A_1686, %get3A_1687] {strides = array<i32>} : memref<16x512xf32, #tpu.memory_space<vmem>>, vector<16xf32>,
    %add3A_1689 = arith.addf %add3A_1684, %get3A_1688 : vector<16xf32>
    %get3A_1690 = arith.constant 13 : i32
    %get3A_1691 = arith.index_cast %get3A_1690 : i32 to index
    %get3A_1692 = arith.constant 112 : index
    %get3A_1693 = tpu.vector_load %arg14[%get3A_1691, %get3A_1692] {strides = array<i32>} : memref<16x512xf32, #tpu.memory_space<vmem>>, vector<16xf32>,
    %add3A_1694 = arith.addf %add3A_1689, %get3A_1693 : vector<16xf32>
    %get3A_1695 = arith.constant 14 : i32
    %get3A_1696 = arith.index_cast %get3A_1695 : i32 to index
    %get3A_1697 = arith.constant 112 : index
    %get3A_1698 = tpu.vector_load %arg14[%get3A_1696, %get3A_1697] {strides = array<i32>} : memref<16x512xf32, #tpu.memory_space<vmem>>, vector<16xf32>,
    %add3A_1699 = arith.addf %add3A_1694, %get3A_1698 : vector<16xf32>
    %get3A_1700 = arith.constant 15 : i32
    %get3A_1701 = arith.index_cast %get3A_1700 : i32 to index
    %get3A_1702 = arith.constant 112 : index
    %get3A_1703 = tpu.vector_load %arg14[%get3A_1701, %get3A_1702] {strides = array<i32>} : memref<16x512xf32, #tpu.memory_space<vmem>>, vector<16xf32>,
    %add3A_1704 = arith.addf %add3A_1699, %get3A_1703 : vector<16xf32>
    %swap3A_1705 = arith.constant 112 : index
    %swap3A_1706 = tpu.vector_load %arg15[%swap3A_1705] {strides = array<i32>} : memref<512xf32, #tpu.memory_space<vmem>>, vector<16xf32>,
    tpu.vector_store %arg15[%swap3A_1705], %add3A_1704 {strides = array<i32>} : memref<512xf32, #tpu.memory_space<vmem>>, vector<16xf32>,
    %get3A_1707 = arith.constant 0 : i32
    %get3A_1708 = arith.index_cast %get3A_1707 : i32 to index
    %get3A_1709 = arith.constant 128 : index
    %get3A_1710 = tpu.vector_load %arg14[%get3A_1708, %get3A_1709] {strides = array<i32>} : memref<16x512xf32, #tpu.memory_space<vmem>>, vector<16xf32>,
    %get3A_1711 = arith.constant 1 : i32
    %get3A_1712 = arith.index_cast %get3A_1711 : i32 to index
    %get3A_1713 = arith.constant 128 : index
    %get3A_1714 = tpu.vector_load %arg14[%get3A_1712, %get3A_1713] {strides = array<i32>} : memref<16x512xf32, #tpu.memory_space<vmem>>, vector<16xf32>,
    %add3A_1715 = arith.addf %get3A_1710, %get3A_1714 : vector<16xf32>
    %get3A_1716 = arith.constant 2 : i32
    %get3A_1717 = arith.index_cast %get3A_1716 : i32 to index
    %get3A_1718 = arith.constant 128 : index
    %get3A_1719 = tpu.vector_load %arg14[%get3A_1717, %get3A_1718] {strides = array<i32>} : memref<16x512xf32, #tpu.memory_space<vmem>>, vector<16xf32>,
    %add3A_1720 = arith.addf %add3A_1715, %get3A_1719 : vector<16xf32>
    %get3A_1721 = arith.constant 3 : i32
    %get3A_1722 = arith.index_cast %get3A_1721 : i32 to index
    %get3A_1723 = arith.constant 128 : index
    %get3A_1724 = tpu.vector_load %arg14[%get3A_1722, %get3A_1723] {strides = array<i32>} : memref<16x512xf32, #tpu.memory_space<vmem>>, vector<16xf32>,
    %add3A_1725 = arith.addf %add3A_1720, %get3A_1724 : vector<16xf32>
    %get3A_1726 = arith.constant 4 : i32
    %get3A_1727 = arith.index_cast %get3A_1726 : i32 to index
    %get3A_1728 = arith.constant 128 : index
    %get3A_1729 = tpu.vector_load %arg14[%get3A_1727, %get3A_1728] {strides = array<i32>} : memref<16x512xf32, #tpu.memory_space<vmem>>, vector<16xf32>,
    %add3A_1730 = arith.addf %add3A_1725, %get3A_1729 : vector<16xf32>
    %get3A_1731 = arith.constant 5 : i32
    %get3A_1732 = arith.index_cast %get3A_1731 : i32 to index
    %get3A_1733 = arith.constant 128 : index
    %get3A_1734 = tpu.vector_load %arg14[%get3A_1732, %get3A_1733] {strides = array<i32>} : memref<16x512xf32, #tpu.memory_space<vmem>>, vector<16xf32>,
    %add3A_1735 = arith.addf %add3A_1730, %get3A_1734 : vector<16xf32>
    %get3A_1736 = arith.constant 6 : i32
    %get3A_1737 = arith.index_cast %get3A_1736 : i32 to index
    %get3A_1738 = arith.constant 128 : index
    %get3A_1739 = tpu.vector_load %arg14[%get3A_1737, %get3A_1738] {strides = array<i32>} : memref<16x512xf32, #tpu.memory_space<vmem>>, vector<16xf32>,
    %add3A_1740 = arith.addf %add3A_1735, %get3A_1739 : vector<16xf32>
    %get3A_1741 = arith.constant 7 : i32
    %get3A_1742 = arith.index_cast %get3A_1741 : i32 to index
    %get3A_1743 = arith.constant 128 : index
    %get3A_1744 = tpu.vector_load %arg14[%get3A_1742, %get3A_1743] {strides = array<i32>} : memref<16x512xf32, #tpu.memory_space<vmem>>, vector<16xf32>,
    %add3A_1745 = arith.addf %add3A_1740, %get3A_1744 : vector<16xf32>
    %get3A_1746 = arith.constant 8 : i32
    %get3A_1747 = arith.index_cast %get3A_1746 : i32 to index
    %get3A_1748 = arith.constant 128 : index
    %get3A_1749 = tpu.vector_load %arg14[%get3A_1747, %get3A_1748] {strides = array<i32>} : memref<16x512xf32, #tpu.memory_space<vmem>>, vector<16xf32>,
    %add3A_1750 = arith.addf %add3A_1745, %get3A_1749 : vector<16xf32>
    %get3A_1751 = arith.constant 9 : i32
    %get3A_1752 = arith.index_cast %get3A_1751 : i32 to index
    %get3A_1753 = arith.constant 128 : index
    %get3A_1754 = tpu.vector_load %arg14[%get3A_1752, %get3A_1753] {strides = array<i32>} : memref<16x512xf32, #tpu.memory_space<vmem>>, vector<16xf32>,
    %add3A_1755 = arith.addf %add3A_1750, %get3A_1754 : vector<16xf32>
    %get3A_1756 = arith.constant 10 : i32
    %get3A_1757 = arith.index_cast %get3A_1756 : i32 to index
    %get3A_1758 = arith.constant 128 : index
    %get3A_1759 = tpu.vector_load %arg14[%get3A_1757, %get3A_1758] {strides = array<i32>} : memref<16x512xf32, #tpu.memory_space<vmem>>, vector<16xf32>,
    %add3A_1760 = arith.addf %add3A_1755, %get3A_1759 : vector<16xf32>
    %get3A_1761 = arith.constant 11 : i32
    %get3A_1762 = arith.index_cast %get3A_1761 : i32 to index
    %get3A_1763 = arith.constant 128 : index
    %get3A_1764 = tpu.vector_load %arg14[%get3A_1762, %get3A_1763] {strides = array<i32>} : memref<16x512xf32, #tpu.memory_space<vmem>>, vector<16xf32>,
    %add3A_1765 = arith.addf %add3A_1760, %get3A_1764 : vector<16xf32>
    %get3A_1766 = arith.constant 12 : i32
    %get3A_1767 = arith.index_cast %get3A_1766 : i32 to index
    %get3A_1768 = arith.constant 128 : index
    %get3A_1769 = tpu.vector_load %arg14[%get3A_1767, %get3A_1768] {strides = array<i32>} : memref<16x512xf32, #tpu.memory_space<vmem>>, vector<16xf32>,
    %add3A_1770 = arith.addf %add3A_1765, %get3A_1769 : vector<16xf32>
    %get3A_1771 = arith.constant 13 : i32
    %get3A_1772 = arith.index_cast %get3A_1771 : i32 to index
    %get3A_1773 = arith.constant 128 : index
    %get3A_1774 = tpu.vector_load %arg14[%get3A_1772, %get3A_1773] {strides = array<i32>} : memref<16x512xf32, #tpu.memory_space<vmem>>, vector<16xf32>,
    %add3A_1775 = arith.addf %add3A_1770, %get3A_1774 : vector<16xf32>
    %get3A_1776 = arith.constant 14 : i32
    %get3A_1777 = arith.index_cast %get3A_1776 : i32 to index
    %get3A_1778 = arith.constant 128 : index
    %get3A_1779 = tpu.vector_load %arg14[%get3A_1777, %get3A_1778] {strides = array<i32>} : memref<16x512xf32, #tpu.memory_space<vmem>>, vector<16xf32>,
    %add3A_1780 = arith.addf %add3A_1775, %get3A_1779 : vector<16xf32>
    %get3A_1781 = arith.constant 15 : i32
    %get3A_1782 = arith.index_cast %get3A_1781 : i32 to index
    %get3A_1783 = arith.constant 128 : index
    %get3A_1784 = tpu.vector_load %arg14[%get3A_1782, %get3A_1783] {strides = array<i32>} : memref<16x512xf32, #tpu.memory_space<vmem>>, vector<16xf32>,
    %add3A_1785 = arith.addf %add3A_1780, %get3A_1784 : vector<16xf32>
    %swap3A_1786 = arith.constant 128 : index
    %swap3A_1787 = tpu.vector_load %arg15[%swap3A_1786] {strides = array<i32>} : memref<512xf32, #tpu.memory_space<vmem>>, vector<16xf32>,
    tpu.vector_store %arg15[%swap3A_1786], %add3A_1785 {strides = array<i32>} : memref<512xf32, #tpu.memory_space<vmem>>, vector<16xf32>,
    %get3A_1788 = arith.constant 0 : i32
    %get3A_1789 = arith.index_cast %get3A_1788 : i32 to index
    %get3A_1790 = arith.constant 144 : index
    %get3A_1791 = tpu.vector_load %arg14[%get3A_1789, %get3A_1790] {strides = array<i32>} : memref<16x512xf32, #tpu.memory_space<vmem>>, vector<16xf32>,
    %get3A_1792 = arith.constant 1 : i32
    %get3A_1793 = arith.index_cast %get3A_1792 : i32 to index
    %get3A_1794 = arith.constant 144 : index
    %get3A_1795 = tpu.vector_load %arg14[%get3A_1793, %get3A_1794] {strides = array<i32>} : memref<16x512xf32, #tpu.memory_space<vmem>>, vector<16xf32>,
    %add3A_1796 = arith.addf %get3A_1791, %get3A_1795 : vector<16xf32>
    %get3A_1797 = arith.constant 2 : i32
    %get3A_1798 = arith.index_cast %get3A_1797 : i32 to index
    %get3A_1799 = arith.constant 144 : index
    %get3A_1800 = tpu.vector_load %arg14[%get3A_1798, %get3A_1799] {strides = array<i32>} : memref<16x512xf32, #tpu.memory_space<vmem>>, vector<16xf32>,
    %add3A_1801 = arith.addf %add3A_1796, %get3A_1800 : vector<16xf32>
    %get3A_1802 = arith.constant 3 : i32
    %get3A_1803 = arith.index_cast %get3A_1802 : i32 to index
    %get3A_1804 = arith.constant 144 : index
    %get3A_1805 = tpu.vector_load %arg14[%get3A_1803, %get3A_1804] {strides = array<i32>} : memref<16x512xf32, #tpu.memory_space<vmem>>, vector<16xf32>,
    %add3A_1806 = arith.addf %add3A_1801, %get3A_1805 : vector<16xf32>
    %get3A_1807 = arith.constant 4 : i32
    %get3A_1808 = arith.index_cast %get3A_1807 : i32 to index
    %get3A_1809 = arith.constant 144 : index
    %get3A_1810 = tpu.vector_load %arg14[%get3A_1808, %get3A_1809] {strides = array<i32>} : memref<16x512xf32, #tpu.memory_space<vmem>>, vector<16xf32>,
    %add3A_1811 = arith.addf %add3A_1806, %get3A_1810 : vector<16xf32>
    %get3A_1812 = arith.constant 5 : i32
    %get3A_1813 = arith.index_cast %get3A_1812 : i32 to index
    %get3A_1814 = arith.constant 144 : index
    %get3A_1815 = tpu.vector_load %arg14[%get3A_1813, %get3A_1814] {strides = array<i32>} : memref<16x512xf32, #tpu.memory_space<vmem>>, vector<16xf32>,
    %add3A_1816 = arith.addf %add3A_1811, %get3A_1815 : vector<16xf32>
    %get3A_1817 = arith.constant 6 : i32
    %get3A_1818 = arith.index_cast %get3A_1817 : i32 to index
    %get3A_1819 = arith.constant 144 : index
    %get3A_1820 = tpu.vector_load %arg14[%get3A_1818, %get3A_1819] {strides = array<i32>} : memref<16x512xf32, #tpu.memory_space<vmem>>, vector<16xf32>,
    %add3A_1821 = arith.addf %add3A_1816, %get3A_1820 : vector<16xf32>
    %get3A_1822 = arith.constant 7 : i32
    %get3A_1823 = arith.index_cast %get3A_1822 : i32 to index
    %get3A_1824 = arith.constant 144 : index
    %get3A_1825 = tpu.vector_load %arg14[%get3A_1823, %get3A_1824] {strides = array<i32>} : memref<16x512xf32, #tpu.memory_space<vmem>>, vector<16xf32>,
    %add3A_1826 = arith.addf %add3A_1821, %get3A_1825 : vector<16xf32>
    %get3A_1827 = arith.constant 8 : i32
    %get3A_1828 = arith.index_cast %get3A_1827 : i32 to index
    %get3A_1829 = arith.constant 144 : index
    %get3A_1830 = tpu.vector_load %arg14[%get3A_1828, %get3A_1829] {strides = array<i32>} : memref<16x512xf32, #tpu.memory_space<vmem>>, vector<16xf32>,
    %add3A_1831 = arith.addf %add3A_1826, %get3A_1830 : vector<16xf32>
    %get3A_1832 = arith.constant 9 : i32
    %get3A_1833 = arith.index_cast %get3A_1832 : i32 to index
    %get3A_1834 = arith.constant 144 : index
    %get3A_1835 = tpu.vector_load %arg14[%get3A_1833, %get3A_1834] {strides = array<i32>} : memref<16x512xf32, #tpu.memory_space<vmem>>, vector<16xf32>,
    %add3A_1836 = arith.addf %add3A_1831, %get3A_1835 : vector<16xf32>
    %get3A_1837 = arith.constant 10 : i32
    %get3A_1838 = arith.index_cast %get3A_1837 : i32 to index
    %get3A_1839 = arith.constant 144 : index
    %get3A_1840 = tpu.vector_load %arg14[%get3A_1838, %get3A_1839] {strides = array<i32>} : memref<16x512xf32, #tpu.memory_space<vmem>>, vector<16xf32>,
    %add3A_1841 = arith.addf %add3A_1836, %get3A_1840 : vector<16xf32>
    %get3A_1842 = arith.constant 11 : i32
    %get3A_1843 = arith.index_cast %get3A_1842 : i32 to index
    %get3A_1844 = arith.constant 144 : index
    %get3A_1845 = tpu.vector_load %arg14[%get3A_1843, %get3A_1844] {strides = array<i32>} : memref<16x512xf32, #tpu.memory_space<vmem>>, vector<16xf32>,
    %add3A_1846 = arith.addf %add3A_1841, %get3A_1845 : vector<16xf32>
    %get3A_1847 = arith.constant 12 : i32
    %get3A_1848 = arith.index_cast %get3A_1847 : i32 to index
    %get3A_1849 = arith.constant 144 : index
    %get3A_1850 = tpu.vector_load %arg14[%get3A_1848, %get3A_1849] {strides = array<i32>} : memref<16x512xf32, #tpu.memory_space<vmem>>, vector<16xf32>,
    %add3A_1851 = arith.addf %add3A_1846, %get3A_1850 : vector<16xf32>
    %get3A_1852 = arith.constant 13 : i32
    %get3A_1853 = arith.index_cast %get3A_1852 : i32 to index
    %get3A_1854 = arith.constant 144 : index
    %get3A_1855 = tpu.vector_load %arg14[%get3A_1853, %get3A_1854] {strides = array<i32>} : memref<16x512xf32, #tpu.memory_space<vmem>>, vector<16xf32>,
    %add3A_1856 = arith.addf %add3A_1851, %get3A_1855 : vector<16xf32>
    %get3A_1857 = arith.constant 14 : i32
    %get3A_1858 = arith.index_cast %get3A_1857 : i32 to index
    %get3A_1859 = arith.constant 144 : index
    %get3A_1860 = tpu.vector_load %arg14[%get3A_1858, %get3A_1859] {strides = array<i32>} : memref<16x512xf32, #tpu.memory_space<vmem>>, vector<16xf32>,
    %add3A_1861 = arith.addf %add3A_1856, %get3A_1860 : vector<16xf32>
    %get3A_1862 = arith.constant 15 : i32
    %get3A_1863 = arith.index_cast %get3A_1862 : i32 to index
    %get3A_1864 = arith.constant 144 : index
    %get3A_1865 = tpu.vector_load %arg14[%get3A_1863, %get3A_1864] {strides = array<i32>} : memref<16x512xf32, #tpu.memory_space<vmem>>, vector<16xf32>,
    %add3A_1866 = arith.addf %add3A_1861, %get3A_1865 : vector<16xf32>
    %swap3A_1867 = arith.constant 144 : index
    %swap3A_1868 = tpu.vector_load %arg15[%swap3A_1867] {strides = array<i32>} : memref<512xf32, #tpu.memory_space<vmem>>, vector<16xf32>,
    tpu.vector_store %arg15[%swap3A_1867], %add3A_1866 {strides = array<i32>} : memref<512xf32, #tpu.memory_space<vmem>>, vector<16xf32>,
    %get3A_1869 = arith.constant 0 : i32
    %get3A_1870 = arith.index_cast %get3A_1869 : i32 to index
    %get3A_1871 = arith.constant 160 : index
    %get3A_1872 = tpu.vector_load %arg14[%get3A_1870, %get3A_1871] {strides = array<i32>} : memref<16x512xf32, #tpu.memory_space<vmem>>, vector<16xf32>,
    %get3A_1873 = arith.constant 1 : i32
    %get3A_1874 = arith.index_cast %get3A_1873 : i32 to index
    %get3A_1875 = arith.constant 160 : index
    %get3A_1876 = tpu.vector_load %arg14[%get3A_1874, %get3A_1875] {strides = array<i32>} : memref<16x512xf32, #tpu.memory_space<vmem>>, vector<16xf32>,
    %add3A_1877 = arith.addf %get3A_1872, %get3A_1876 : vector<16xf32>
    %get3A_1878 = arith.constant 2 : i32
    %get3A_1879 = arith.index_cast %get3A_1878 : i32 to index
    %get3A_1880 = arith.constant 160 : index
    %get3A_1881 = tpu.vector_load %arg14[%get3A_1879, %get3A_1880] {strides = array<i32>} : memref<16x512xf32, #tpu.memory_space<vmem>>, vector<16xf32>,
    %add3A_1882 = arith.addf %add3A_1877, %get3A_1881 : vector<16xf32>
    %get3A_1883 = arith.constant 3 : i32
    %get3A_1884 = arith.index_cast %get3A_1883 : i32 to index
    %get3A_1885 = arith.constant 160 : index
    %get3A_1886 = tpu.vector_load %arg14[%get3A_1884, %get3A_1885] {strides = array<i32>} : memref<16x512xf32, #tpu.memory_space<vmem>>, vector<16xf32>,
    %add3A_1887 = arith.addf %add3A_1882, %get3A_1886 : vector<16xf32>
    %get3A_1888 = arith.constant 4 : i32
    %get3A_1889 = arith.index_cast %get3A_1888 : i32 to index
    %get3A_1890 = arith.constant 160 : index
    %get3A_1891 = tpu.vector_load %arg14[%get3A_1889, %get3A_1890] {strides = array<i32>} : memref<16x512xf32, #tpu.memory_space<vmem>>, vector<16xf32>,
    %add3A_1892 = arith.addf %add3A_1887, %get3A_1891 : vector<16xf32>
    %get3A_1893 = arith.constant 5 : i32
    %get3A_1894 = arith.index_cast %get3A_1893 : i32 to index
    %get3A_1895 = arith.constant 160 : index
    %get3A_1896 = tpu.vector_load %arg14[%get3A_1894, %get3A_1895] {strides = array<i32>} : memref<16x512xf32, #tpu.memory_space<vmem>>, vector<16xf32>,
    %add3A_1897 = arith.addf %add3A_1892, %get3A_1896 : vector<16xf32>
    %get3A_1898 = arith.constant 6 : i32
    %get3A_1899 = arith.index_cast %get3A_1898 : i32 to index
    %get3A_1900 = arith.constant 160 : index
    %get3A_1901 = tpu.vector_load %arg14[%get3A_1899, %get3A_1900] {strides = array<i32>} : memref<16x512xf32, #tpu.memory_space<vmem>>, vector<16xf32>,
    %add3A_1902 = arith.addf %add3A_1897, %get3A_1901 : vector<16xf32>
    %get3A_1903 = arith.constant 7 : i32
    %get3A_1904 = arith.index_cast %get3A_1903 : i32 to index
    %get3A_1905 = arith.constant 160 : index
    %get3A_1906 = tpu.vector_load %arg14[%get3A_1904, %get3A_1905] {strides = array<i32>} : memref<16x512xf32, #tpu.memory_space<vmem>>, vector<16xf32>,
    %add3A_1907 = arith.addf %add3A_1902, %get3A_1906 : vector<16xf32>
    %get3A_1908 = arith.constant 8 : i32
    %get3A_1909 = arith.index_cast %get3A_1908 : i32 to index
    %get3A_1910 = arith.constant 160 : index
    %get3A_1911 = tpu.vector_load %arg14[%get3A_1909, %get3A_1910] {strides = array<i32>} : memref<16x512xf32, #tpu.memory_space<vmem>>, vector<16xf32>,
    %add3A_1912 = arith.addf %add3A_1907, %get3A_1911 : vector<16xf32>
    %get3A_1913 = arith.constant 9 : i32
    %get3A_1914 = arith.index_cast %get3A_1913 : i32 to index
    %get3A_1915 = arith.constant 160 : index
    %get3A_1916 = tpu.vector_load %arg14[%get3A_1914, %get3A_1915] {strides = array<i32>} : memref<16x512xf32, #tpu.memory_space<vmem>>, vector<16xf32>,
    %add3A_1917 = arith.addf %add3A_1912, %get3A_1916 : vector<16xf32>
    %get3A_1918 = arith.constant 10 : i32
    %get3A_1919 = arith.index_cast %get3A_1918 : i32 to index
    %get3A_1920 = arith.constant 160 : index
    %get3A_1921 = tpu.vector_load %arg14[%get3A_1919, %get3A_1920] {strides = array<i32>} : memref<16x512xf32, #tpu.memory_space<vmem>>, vector<16xf32>,
    %add3A_1922 = arith.addf %add3A_1917, %get3A_1921 : vector<16xf32>
    %get3A_1923 = arith.constant 11 : i32
    %get3A_1924 = arith.index_cast %get3A_1923 : i32 to index
    %get3A_1925 = arith.constant 160 : index
    %get3A_1926 = tpu.vector_load %arg14[%get3A_1924, %get3A_1925] {strides = array<i32>} : memref<16x512xf32, #tpu.memory_space<vmem>>, vector<16xf32>,
    %add3A_1927 = arith.addf %add3A_1922, %get3A_1926 : vector<16xf32>
    %get3A_1928 = arith.constant 12 : i32
    %get3A_1929 = arith.index_cast %get3A_1928 : i32 to index
    %get3A_1930 = arith.constant 160 : index
    %get3A_1931 = tpu.vector_load %arg14[%get3A_1929, %get3A_1930] {strides = array<i32>} : memref<16x512xf32, #tpu.memory_space<vmem>>, vector<16xf32>,
    %add3A_1932 = arith.addf %add3A_1927, %get3A_1931 : vector<16xf32>
    %get3A_1933 = arith.constant 13 : i32
    %get3A_1934 = arith.index_cast %get3A_1933 : i32 to index
    %get3A_1935 = arith.constant 160 : index
    %get3A_1936 = tpu.vector_load %arg14[%get3A_1934, %get3A_1935] {strides = array<i32>} : memref<16x512xf32, #tpu.memory_space<vmem>>, vector<16xf32>,
    %add3A_1937 = arith.addf %add3A_1932, %get3A_1936 : vector<16xf32>
    %get3A_1938 = arith.constant 14 : i32
    %get3A_1939 = arith.index_cast %get3A_1938 : i32 to index
    %get3A_1940 = arith.constant 160 : index
    %get3A_1941 = tpu.vector_load %arg14[%get3A_1939, %get3A_1940] {strides = array<i32>} : memref<16x512xf32, #tpu.memory_space<vmem>>, vector<16xf32>,
    %add3A_1942 = arith.addf %add3A_1937, %get3A_1941 : vector<16xf32>
    %get3A_1943 = arith.constant 15 : i32
    %get3A_1944 = arith.index_cast %get3A_1943 : i32 to index
    %get3A_1945 = arith.constant 160 : index
    %get3A_1946 = tpu.vector_load %arg14[%get3A_1944, %get3A_1945] {strides = array<i32>} : memref<16x512xf32, #tpu.memory_space<vmem>>, vector<16xf32>,
    %add3A_1947 = arith.addf %add3A_1942, %get3A_1946 : vector<16xf32>
    %swap3A_1948 = arith.constant 160 : index
    %swap3A_1949 = tpu.vector_load %arg15[%swap3A_1948] {strides = array<i32>} : memref<512xf32, #tpu.memory_space<vmem>>, vector<16xf32>,
    tpu.vector_store %arg15[%swap3A_1948], %add3A_1947 {strides = array<i32>} : memref<512xf32, #tpu.memory_space<vmem>>, vector<16xf32>,
    %get3A_1950 = arith.constant 0 : i32
    %get3A_1951 = arith.index_cast %get3A_1950 : i32 to index
    %get3A_1952 = arith.constant 176 : index
    %get3A_1953 = tpu.vector_load %arg14[%get3A_1951, %get3A_1952] {strides = array<i32>} : memref<16x512xf32, #tpu.memory_space<vmem>>, vector<16xf32>,
    %get3A_1954 = arith.constant 1 : i32
    %get3A_1955 = arith.index_cast %get3A_1954 : i32 to index
    %get3A_1956 = arith.constant 176 : index
    %get3A_1957 = tpu.vector_load %arg14[%get3A_1955, %get3A_1956] {strides = array<i32>} : memref<16x512xf32, #tpu.memory_space<vmem>>, vector<16xf32>,
    %add3A_1958 = arith.addf %get3A_1953, %get3A_1957 : vector<16xf32>
    %get3A_1959 = arith.constant 2 : i32
    %get3A_1960 = arith.index_cast %get3A_1959 : i32 to index
    %get3A_1961 = arith.constant 176 : index
    %get3A_1962 = tpu.vector_load %arg14[%get3A_1960, %get3A_1961] {strides = array<i32>} : memref<16x512xf32, #tpu.memory_space<vmem>>, vector<16xf32>,
    %add3A_1963 = arith.addf %add3A_1958, %get3A_1962 : vector<16xf32>
    %get3A_1964 = arith.constant 3 : i32
    %get3A_1965 = arith.index_cast %get3A_1964 : i32 to index
    %get3A_1966 = arith.constant 176 : index
    %get3A_1967 = tpu.vector_load %arg14[%get3A_1965, %get3A_1966] {strides = array<i32>} : memref<16x512xf32, #tpu.memory_space<vmem>>, vector<16xf32>,
    %add3A_1968 = arith.addf %add3A_1963, %get3A_1967 : vector<16xf32>
    %get3A_1969 = arith.constant 4 : i32
    %get3A_1970 = arith.index_cast %get3A_1969 : i32 to index
    %get3A_1971 = arith.constant 176 : index
    %get3A_1972 = tpu.vector_load %arg14[%get3A_1970, %get3A_1971] {strides = array<i32>} : memref<16x512xf32, #tpu.memory_space<vmem>>, vector<16xf32>,
    %add3A_1973 = arith.addf %add3A_1968, %get3A_1972 : vector<16xf32>
    %get3A_1974 = arith.constant 5 : i32
    %get3A_1975 = arith.index_cast %get3A_1974 : i32 to index
    %get3A_1976 = arith.constant 176 : index
    %get3A_1977 = tpu.vector_load %arg14[%get3A_1975, %get3A_1976] {strides = array<i32>} : memref<16x512xf32, #tpu.memory_space<vmem>>, vector<16xf32>,
    %add3A_1978 = arith.addf %add3A_1973, %get3A_1977 : vector<16xf32>
    %get3A_1979 = arith.constant 6 : i32
    %get3A_1980 = arith.index_cast %get3A_1979 : i32 to index
    %get3A_1981 = arith.constant 176 : index
    %get3A_1982 = tpu.vector_load %arg14[%get3A_1980, %get3A_1981] {strides = array<i32>} : memref<16x512xf32, #tpu.memory_space<vmem>>, vector<16xf32>,
    %add3A_1983 = arith.addf %add3A_1978, %get3A_1982 : vector<16xf32>
    %get3A_1984 = arith.constant 7 : i32
    %get3A_1985 = arith.index_cast %get3A_1984 : i32 to index
    %get3A_1986 = arith.constant 176 : index
    %get3A_1987 = tpu.vector_load %arg14[%get3A_1985, %get3A_1986] {strides = array<i32>} : memref<16x512xf32, #tpu.memory_space<vmem>>, vector<16xf32>,
    %add3A_1988 = arith.addf %add3A_1983, %get3A_1987 : vector<16xf32>
    %get3A_1989 = arith.constant 8 : i32
    %get3A_1990 = arith.index_cast %get3A_1989 : i32 to index
    %get3A_1991 = arith.constant 176 : index
    %get3A_1992 = tpu.vector_load %arg14[%get3A_1990, %get3A_1991] {strides = array<i32>} : memref<16x512xf32, #tpu.memory_space<vmem>>, vector<16xf32>,
    %add3A_1993 = arith.addf %add3A_1988, %get3A_1992 : vector<16xf32>
    %get3A_1994 = arith.constant 9 : i32
    %get3A_1995 = arith.index_cast %get3A_1994 : i32 to index
    %get3A_1996 = arith.constant 176 : index
    %get3A_1997 = tpu.vector_load %arg14[%get3A_1995, %get3A_1996] {strides = array<i32>} : memref<16x512xf32, #tpu.memory_space<vmem>>, vector<16xf32>,
    %add3A_1998 = arith.addf %add3A_1993, %get3A_1997 : vector<16xf32>
    %get3A_1999 = arith.constant 10 : i32
    %get3A_2000 = arith.index_cast %get3A_1999 : i32 to index
    %get3A_2001 = arith.constant 176 : index
    %get3A_2002 = tpu.vector_load %arg14[%get3A_2000, %get3A_2001] {strides = array<i32>} : memref<16x512xf32, #tpu.memory_space<vmem>>, vector<16xf32>,
    %add3A_2003 = arith.addf %add3A_1998, %get3A_2002 : vector<16xf32>
    %get3A_2004 = arith.constant 11 : i32
    %get3A_2005 = arith.index_cast %get3A_2004 : i32 to index
    %get3A_2006 = arith.constant 176 : index
    %get3A_2007 = tpu.vector_load %arg14[%get3A_2005, %get3A_2006] {strides = array<i32>} : memref<16x512xf32, #tpu.memory_space<vmem>>, vector<16xf32>,
    %add3A_2008 = arith.addf %add3A_2003, %get3A_2007 : vector<16xf32>
    %get3A_2009 = arith.constant 12 : i32
    %get3A_2010 = arith.index_cast %get3A_2009 : i32 to index
    %get3A_2011 = arith.constant 176 : index
    %get3A_2012 = tpu.vector_load %arg14[%get3A_2010, %get3A_2011] {strides = array<i32>} : memref<16x512xf32, #tpu.memory_space<vmem>>, vector<16xf32>,
    %add3A_2013 = arith.addf %add3A_2008, %get3A_2012 : vector<16xf32>
    %get3A_2014 = arith.constant 13 : i32
    %get3A_2015 = arith.index_cast %get3A_2014 : i32 to index
    %get3A_2016 = arith.constant 176 : index
    %get3A_2017 = tpu.vector_load %arg14[%get3A_2015, %get3A_2016] {strides = array<i32>} : memref<16x512xf32, #tpu.memory_space<vmem>>, vector<16xf32>,
    %add3A_2018 = arith.addf %add3A_2013, %get3A_2017 : vector<16xf32>
    %get3A_2019 = arith.constant 14 : i32
    %get3A_2020 = arith.index_cast %get3A_2019 : i32 to index
    %get3A_2021 = arith.constant 176 : index
    %get3A_2022 = tpu.vector_load %arg14[%get3A_2020, %get3A_2021] {strides = array<i32>} : memref<16x512xf32, #tpu.memory_space<vmem>>, vector<16xf32>,
    %add3A_2023 = arith.addf %add3A_2018, %get3A_2022 : vector<16xf32>
    %get3A_2024 = arith.constant 15 : i32
    %get3A_2025 = arith.index_cast %get3A_2024 : i32 to index
    %get3A_2026 = arith.constant 176 : index
    %get3A_2027 = tpu.vector_load %arg14[%get3A_2025, %get3A_2026] {strides = array<i32>} : memref<16x512xf32, #tpu.memory_space<vmem>>, vector<16xf32>,
    %add3A_2028 = arith.addf %add3A_2023, %get3A_2027 : vector<16xf32>
    %swap3A_2029 = arith.constant 176 : index
    %swap3A_2030 = tpu.vector_load %arg15[%swap3A_2029] {strides = array<i32>} : memref<512xf32, #tpu.memory_space<vmem>>, vector<16xf32>,
    tpu.vector_store %arg15[%swap3A_2029], %add3A_2028 {strides = array<i32>} : memref<512xf32, #tpu.memory_space<vmem>>, vector<16xf32>,
    %get3A_2031 = arith.constant 0 : i32
    %get3A_2032 = arith.index_cast %get3A_2031 : i32 to index
    %get3A_2033 = arith.constant 192 : index
    %get3A_2034 = tpu.vector_load %arg14[%get3A_2032, %get3A_2033] {strides = array<i32>} : memref<16x512xf32, #tpu.memory_space<vmem>>, vector<16xf32>,
    %get3A_2035 = arith.constant 1 : i32
    %get3A_2036 = arith.index_cast %get3A_2035 : i32 to index
    %get3A_2037 = arith.constant 192 : index
    %get3A_2038 = tpu.vector_load %arg14[%get3A_2036, %get3A_2037] {strides = array<i32>} : memref<16x512xf32, #tpu.memory_space<vmem>>, vector<16xf32>,
    %add3A_2039 = arith.addf %get3A_2034, %get3A_2038 : vector<16xf32>
    %get3A_2040 = arith.constant 2 : i32
    %get3A_2041 = arith.index_cast %get3A_2040 : i32 to index
    %get3A_2042 = arith.constant 192 : index
    %get3A_2043 = tpu.vector_load %arg14[%get3A_2041, %get3A_2042] {strides = array<i32>} : memref<16x512xf32, #tpu.memory_space<vmem>>, vector<16xf32>,
    %add3A_2044 = arith.addf %add3A_2039, %get3A_2043 : vector<16xf32>
    %get3A_2045 = arith.constant 3 : i32
    %get3A_2046 = arith.index_cast %get3A_2045 : i32 to index
    %get3A_2047 = arith.constant 192 : index
    %get3A_2048 = tpu.vector_load %arg14[%get3A_2046, %get3A_2047] {strides = array<i32>} : memref<16x512xf32, #tpu.memory_space<vmem>>, vector<16xf32>,
    %add3A_2049 = arith.addf %add3A_2044, %get3A_2048 : vector<16xf32>
    %get3A_2050 = arith.constant 4 : i32
    %get3A_2051 = arith.index_cast %get3A_2050 : i32 to index
    %get3A_2052 = arith.constant 192 : index
    %get3A_2053 = tpu.vector_load %arg14[%get3A_2051, %get3A_2052] {strides = array<i32>} : memref<16x512xf32, #tpu.memory_space<vmem>>, vector<16xf32>,
    %add3A_2054 = arith.addf %add3A_2049, %get3A_2053 : vector<16xf32>
    %get3A_2055 = arith.constant 5 : i32
    %get3A_2056 = arith.index_cast %get3A_2055 : i32 to index
    %get3A_2057 = arith.constant 192 : index
    %get3A_2058 = tpu.vector_load %arg14[%get3A_2056, %get3A_2057] {strides = array<i32>} : memref<16x512xf32, #tpu.memory_space<vmem>>, vector<16xf32>,
    %add3A_2059 = arith.addf %add3A_2054, %get3A_2058 : vector<16xf32>
    %get3A_2060 = arith.constant 6 : i32
    %get3A_2061 = arith.index_cast %get3A_2060 : i32 to index
    %get3A_2062 = arith.constant 192 : index
    %get3A_2063 = tpu.vector_load %arg14[%get3A_2061, %get3A_2062] {strides = array<i32>} : memref<16x512xf32, #tpu.memory_space<vmem>>, vector<16xf32>,
    %add3A_2064 = arith.addf %add3A_2059, %get3A_2063 : vector<16xf32>
    %get3A_2065 = arith.constant 7 : i32
    %get3A_2066 = arith.index_cast %get3A_2065 : i32 to index
    %get3A_2067 = arith.constant 192 : index
    %get3A_2068 = tpu.vector_load %arg14[%get3A_2066, %get3A_2067] {strides = array<i32>} : memref<16x512xf32, #tpu.memory_space<vmem>>, vector<16xf32>,
    %add3A_2069 = arith.addf %add3A_2064, %get3A_2068 : vector<16xf32>
    %get3A_2070 = arith.constant 8 : i32
    %get3A_2071 = arith.index_cast %get3A_2070 : i32 to index
    %get3A_2072 = arith.constant 192 : index
    %get3A_2073 = tpu.vector_load %arg14[%get3A_2071, %get3A_2072] {strides = array<i32>} : memref<16x512xf32, #tpu.memory_space<vmem>>, vector<16xf32>,
    %add3A_2074 = arith.addf %add3A_2069, %get3A_2073 : vector<16xf32>
    %get3A_2075 = arith.constant 9 : i32
    %get3A_2076 = arith.index_cast %get3A_2075 : i32 to index
    %get3A_2077 = arith.constant 192 : index
    %get3A_2078 = tpu.vector_load %arg14[%get3A_2076, %get3A_2077] {strides = array<i32>} : memref<16x512xf32, #tpu.memory_space<vmem>>, vector<16xf32>,
    %add3A_2079 = arith.addf %add3A_2074, %get3A_2078 : vector<16xf32>
    %get3A_2080 = arith.constant 10 : i32
    %get3A_2081 = arith.index_cast %get3A_2080 : i32 to index
    %get3A_2082 = arith.constant 192 : index
    %get3A_2083 = tpu.vector_load %arg14[%get3A_2081, %get3A_2082] {strides = array<i32>} : memref<16x512xf32, #tpu.memory_space<vmem>>, vector<16xf32>,
    %add3A_2084 = arith.addf %add3A_2079, %get3A_2083 : vector<16xf32>
    %get3A_2085 = arith.constant 11 : i32
    %get3A_2086 = arith.index_cast %get3A_2085 : i32 to index
    %get3A_2087 = arith.constant 192 : index
    %get3A_2088 = tpu.vector_load %arg14[%get3A_2086, %get3A_2087] {strides = array<i32>} : memref<16x512xf32, #tpu.memory_space<vmem>>, vector<16xf32>,
    %add3A_2089 = arith.addf %add3A_2084, %get3A_2088 : vector<16xf32>
    %get3A_2090 = arith.constant 12 : i32
    %get3A_2091 = arith.index_cast %get3A_2090 : i32 to index
    %get3A_2092 = arith.constant 192 : index
    %get3A_2093 = tpu.vector_load %arg14[%get3A_2091, %get3A_2092] {strides = array<i32>} : memref<16x512xf32, #tpu.memory_space<vmem>>, vector<16xf32>,
    %add3A_2094 = arith.addf %add3A_2089, %get3A_2093 : vector<16xf32>
    %get3A_2095 = arith.constant 13 : i32
    %get3A_2096 = arith.index_cast %get3A_2095 : i32 to index
    %get3A_2097 = arith.constant 192 : index
    %get3A_2098 = tpu.vector_load %arg14[%get3A_2096, %get3A_2097] {strides = array<i32>} : memref<16x512xf32, #tpu.memory_space<vmem>>, vector<16xf32>,
    %add3A_2099 = arith.addf %add3A_2094, %get3A_2098 : vector<16xf32>
    %get3A_2100 = arith.constant 14 : i32
    %get3A_2101 = arith.index_cast %get3A_2100 : i32 to index
    %get3A_2102 = arith.constant 192 : index
    %get3A_2103 = tpu.vector_load %arg14[%get3A_2101, %get3A_2102] {strides = array<i32>} : memref<16x512xf32, #tpu.memory_space<vmem>>, vector<16xf32>,
    %add3A_2104 = arith.addf %add3A_2099, %get3A_2103 : vector<16xf32>
    %get3A_2105 = arith.constant 15 : i32
    %get3A_2106 = arith.index_cast %get3A_2105 : i32 to index
    %get3A_2107 = arith.constant 192 : index
    %get3A_2108 = tpu.vector_load %arg14[%get3A_2106, %get3A_2107] {strides = array<i32>} : memref<16x512xf32, #tpu.memory_space<vmem>>, vector<16xf32>,
    %add3A_2109 = arith.addf %add3A_2104, %get3A_2108 : vector<16xf32>
    %swap3A_2110 = arith.constant 192 : index
    %swap3A_2111 = tpu.vector_load %arg15[%swap3A_2110] {strides = array<i32>} : memref<512xf32, #tpu.memory_space<vmem>>, vector<16xf32>,
    tpu.vector_store %arg15[%swap3A_2110], %add3A_2109 {strides = array<i32>} : memref<512xf32, #tpu.memory_space<vmem>>, vector<16xf32>,
    %get3A_2112 = arith.constant 0 : i32
    %get3A_2113 = arith.index_cast %get3A_2112 : i32 to index
    %get3A_2114 = arith.constant 208 : index
    %get3A_2115 = tpu.vector_load %arg14[%get3A_2113, %get3A_2114] {strides = array<i32>} : memref<16x512xf32, #tpu.memory_space<vmem>>, vector<16xf32>,
    %get3A_2116 = arith.constant 1 : i32
    %get3A_2117 = arith.index_cast %get3A_2116 : i32 to index
    %get3A_2118 = arith.constant 208 : index
    %get3A_2119 = tpu.vector_load %arg14[%get3A_2117, %get3A_2118] {strides = array<i32>} : memref<16x512xf32, #tpu.memory_space<vmem>>, vector<16xf32>,
    %add3A_2120 = arith.addf %get3A_2115, %get3A_2119 : vector<16xf32>
    %get3A_2121 = arith.constant 2 : i32
    %get3A_2122 = arith.index_cast %get3A_2121 : i32 to index
    %get3A_2123 = arith.constant 208 : index
    %get3A_2124 = tpu.vector_load %arg14[%get3A_2122, %get3A_2123] {strides = array<i32>} : memref<16x512xf32, #tpu.memory_space<vmem>>, vector<16xf32>,
    %add3A_2125 = arith.addf %add3A_2120, %get3A_2124 : vector<16xf32>
    %get3A_2126 = arith.constant 3 : i32
    %get3A_2127 = arith.index_cast %get3A_2126 : i32 to index
    %get3A_2128 = arith.constant 208 : index
    %get3A_2129 = tpu.vector_load %arg14[%get3A_2127, %get3A_2128] {strides = array<i32>} : memref<16x512xf32, #tpu.memory_space<vmem>>, vector<16xf32>,
    %add3A_2130 = arith.addf %add3A_2125, %get3A_2129 : vector<16xf32>
    %get3A_2131 = arith.constant 4 : i32
    %get3A_2132 = arith.index_cast %get3A_2131 : i32 to index
    %get3A_2133 = arith.constant 208 : index
    %get3A_2134 = tpu.vector_load %arg14[%get3A_2132, %get3A_2133] {strides = array<i32>} : memref<16x512xf32, #tpu.memory_space<vmem>>, vector<16xf32>,
    %add3A_2135 = arith.addf %add3A_2130, %get3A_2134 : vector<16xf32>
    %get3A_2136 = arith.constant 5 : i32
    %get3A_2137 = arith.index_cast %get3A_2136 : i32 to index
    %get3A_2138 = arith.constant 208 : index
    %get3A_2139 = tpu.vector_load %arg14[%get3A_2137, %get3A_2138] {strides = array<i32>} : memref<16x512xf32, #tpu.memory_space<vmem>>, vector<16xf32>,
    %add3A_2140 = arith.addf %add3A_2135, %get3A_2139 : vector<16xf32>
    %get3A_2141 = arith.constant 6 : i32
    %get3A_2142 = arith.index_cast %get3A_2141 : i32 to index
    %get3A_2143 = arith.constant 208 : index
    %get3A_2144 = tpu.vector_load %arg14[%get3A_2142, %get3A_2143] {strides = array<i32>} : memref<16x512xf32, #tpu.memory_space<vmem>>, vector<16xf32>,
    %add3A_2145 = arith.addf %add3A_2140, %get3A_2144 : vector<16xf32>
    %get3A_2146 = arith.constant 7 : i32
    %get3A_2147 = arith.index_cast %get3A_2146 : i32 to index
    %get3A_2148 = arith.constant 208 : index
    %get3A_2149 = tpu.vector_load %arg14[%get3A_2147, %get3A_2148] {strides = array<i32>} : memref<16x512xf32, #tpu.memory_space<vmem>>, vector<16xf32>,
    %add3A_2150 = arith.addf %add3A_2145, %get3A_2149 : vector<16xf32>
    %get3A_2151 = arith.constant 8 : i32
    %get3A_2152 = arith.index_cast %get3A_2151 : i32 to index
    %get3A_2153 = arith.constant 208 : index
    %get3A_2154 = tpu.vector_load %arg14[%get3A_2152, %get3A_2153] {strides = array<i32>} : memref<16x512xf32, #tpu.memory_space<vmem>>, vector<16xf32>,
    %add3A_2155 = arith.addf %add3A_2150, %get3A_2154 : vector<16xf32>
    %get3A_2156 = arith.constant 9 : i32
    %get3A_2157 = arith.index_cast %get3A_2156 : i32 to index
    %get3A_2158 = arith.constant 208 : index
    %get3A_2159 = tpu.vector_load %arg14[%get3A_2157, %get3A_2158] {strides = array<i32>} : memref<16x512xf32, #tpu.memory_space<vmem>>, vector<16xf32>,
    %add3A_2160 = arith.addf %add3A_2155, %get3A_2159 : vector<16xf32>
    %get3A_2161 = arith.constant 10 : i32
    %get3A_2162 = arith.index_cast %get3A_2161 : i32 to index
    %get3A_2163 = arith.constant 208 : index
    %get3A_2164 = tpu.vector_load %arg14[%get3A_2162, %get3A_2163] {strides = array<i32>} : memref<16x512xf32, #tpu.memory_space<vmem>>, vector<16xf32>,
    %add3A_2165 = arith.addf %add3A_2160, %get3A_2164 : vector<16xf32>
    %get3A_2166 = arith.constant 11 : i32
    %get3A_2167 = arith.index_cast %get3A_2166 : i32 to index
    %get3A_2168 = arith.constant 208 : index
    %get3A_2169 = tpu.vector_load %arg14[%get3A_2167, %get3A_2168] {strides = array<i32>} : memref<16x512xf32, #tpu.memory_space<vmem>>, vector<16xf32>,
    %add3A_2170 = arith.addf %add3A_2165, %get3A_2169 : vector<16xf32>
    %get3A_2171 = arith.constant 12 : i32
    %get3A_2172 = arith.index_cast %get3A_2171 : i32 to index
    %get3A_2173 = arith.constant 208 : index
    %get3A_2174 = tpu.vector_load %arg14[%get3A_2172, %get3A_2173] {strides = array<i32>} : memref<16x512xf32, #tpu.memory_space<vmem>>, vector<16xf32>,
    %add3A_2175 = arith.addf %add3A_2170, %get3A_2174 : vector<16xf32>
    %get3A_2176 = arith.constant 13 : i32
    %get3A_2177 = arith.index_cast %get3A_2176 : i32 to index
    %get3A_2178 = arith.constant 208 : index
    %get3A_2179 = tpu.vector_load %arg14[%get3A_2177, %get3A_2178] {strides = array<i32>} : memref<16x512xf32, #tpu.memory_space<vmem>>, vector<16xf32>,
    %add3A_2180 = arith.addf %add3A_2175, %get3A_2179 : vector<16xf32>
    %get3A_2181 = arith.constant 14 : i32
    %get3A_2182 = arith.index_cast %get3A_2181 : i32 to index
    %get3A_2183 = arith.constant 208 : index
    %get3A_2184 = tpu.vector_load %arg14[%get3A_2182, %get3A_2183] {strides = array<i32>} : memref<16x512xf32, #tpu.memory_space<vmem>>, vector<16xf32>,
    %add3A_2185 = arith.addf %add3A_2180, %get3A_2184 : vector<16xf32>
    %get3A_2186 = arith.constant 15 : i32
    %get3A_2187 = arith.index_cast %get3A_2186 : i32 to index
    %get3A_2188 = arith.constant 208 : index
    %get3A_2189 = tpu.vector_load %arg14[%get3A_2187, %get3A_2188] {strides = array<i32>} : memref<16x512xf32, #tpu.memory_space<vmem>>, vector<16xf32>,
    %add3A_2190 = arith.addf %add3A_2185, %get3A_2189 : vector<16xf32>
    %swap3A_2191 = arith.constant 208 : index
    %swap3A_2192 = tpu.vector_load %arg15[%swap3A_2191] {strides = array<i32>} : memref<512xf32, #tpu.memory_space<vmem>>, vector<16xf32>,
    tpu.vector_store %arg15[%swap3A_2191], %add3A_2190 {strides = array<i32>} : memref<512xf32, #tpu.memory_space<vmem>>, vector<16xf32>,
    %get3A_2193 = arith.constant 0 : i32
    %get3A_2194 = arith.index_cast %get3A_2193 : i32 to index
    %get3A_2195 = arith.constant 224 : index
    %get3A_2196 = tpu.vector_load %arg14[%get3A_2194, %get3A_2195] {strides = array<i32>} : memref<16x512xf32, #tpu.memory_space<vmem>>, vector<16xf32>,
    %get3A_2197 = arith.constant 1 : i32
    %get3A_2198 = arith.index_cast %get3A_2197 : i32 to index
    %get3A_2199 = arith.constant 224 : index
    %get3A_2200 = tpu.vector_load %arg14[%get3A_2198, %get3A_2199] {strides = array<i32>} : memref<16x512xf32, #tpu.memory_space<vmem>>, vector<16xf32>,
    %add3A_2201 = arith.addf %get3A_2196, %get3A_2200 : vector<16xf32>
    %get3A_2202 = arith.constant 2 : i32
    %get3A_2203 = arith.index_cast %get3A_2202 : i32 to index
    %get3A_2204 = arith.constant 224 : index
    %get3A_2205 = tpu.vector_load %arg14[%get3A_2203, %get3A_2204] {strides = array<i32>} : memref<16x512xf32, #tpu.memory_space<vmem>>, vector<16xf32>,
    %add3A_2206 = arith.addf %add3A_2201, %get3A_2205 : vector<16xf32>
    %get3A_2207 = arith.constant 3 : i32
    %get3A_2208 = arith.index_cast %get3A_2207 : i32 to index
    %get3A_2209 = arith.constant 224 : index
    %get3A_2210 = tpu.vector_load %arg14[%get3A_2208, %get3A_2209] {strides = array<i32>} : memref<16x512xf32, #tpu.memory_space<vmem>>, vector<16xf32>,
    %add3A_2211 = arith.addf %add3A_2206, %get3A_2210 : vector<16xf32>
    %get3A_2212 = arith.constant 4 : i32
    %get3A_2213 = arith.index_cast %get3A_2212 : i32 to index
    %get3A_2214 = arith.constant 224 : index
    %get3A_2215 = tpu.vector_load %arg14[%get3A_2213, %get3A_2214] {strides = array<i32>} : memref<16x512xf32, #tpu.memory_space<vmem>>, vector<16xf32>,
    %add3A_2216 = arith.addf %add3A_2211, %get3A_2215 : vector<16xf32>
    %get3A_2217 = arith.constant 5 : i32
    %get3A_2218 = arith.index_cast %get3A_2217 : i32 to index
    %get3A_2219 = arith.constant 224 : index
    %get3A_2220 = tpu.vector_load %arg14[%get3A_2218, %get3A_2219] {strides = array<i32>} : memref<16x512xf32, #tpu.memory_space<vmem>>, vector<16xf32>,
    %add3A_2221 = arith.addf %add3A_2216, %get3A_2220 : vector<16xf32>
    %get3A_2222 = arith.constant 6 : i32
    %get3A_2223 = arith.index_cast %get3A_2222 : i32 to index
    %get3A_2224 = arith.constant 224 : index
    %get3A_2225 = tpu.vector_load %arg14[%get3A_2223, %get3A_2224] {strides = array<i32>} : memref<16x512xf32, #tpu.memory_space<vmem>>, vector<16xf32>,
    %add3A_2226 = arith.addf %add3A_2221, %get3A_2225 : vector<16xf32>
    %get3A_2227 = arith.constant 7 : i32
    %get3A_2228 = arith.index_cast %get3A_2227 : i32 to index
    %get3A_2229 = arith.constant 224 : index
    %get3A_2230 = tpu.vector_load %arg14[%get3A_2228, %get3A_2229] {strides = array<i32>} : memref<16x512xf32, #tpu.memory_space<vmem>>, vector<16xf32>,
    %add3A_2231 = arith.addf %add3A_2226, %get3A_2230 : vector<16xf32>
    %get3A_2232 = arith.constant 8 : i32
    %get3A_2233 = arith.index_cast %get3A_2232 : i32 to index
    %get3A_2234 = arith.constant 224 : index
    %get3A_2235 = tpu.vector_load %arg14[%get3A_2233, %get3A_2234] {strides = array<i32>} : memref<16x512xf32, #tpu.memory_space<vmem>>, vector<16xf32>,
    %add3A_2236 = arith.addf %add3A_2231, %get3A_2235 : vector<16xf32>
    %get3A_2237 = arith.constant 9 : i32
    %get3A_2238 = arith.index_cast %get3A_2237 : i32 to index
    %get3A_2239 = arith.constant 224 : index
    %get3A_2240 = tpu.vector_load %arg14[%get3A_2238, %get3A_2239] {strides = array<i32>} : memref<16x512xf32, #tpu.memory_space<vmem>>, vector<16xf32>,
    %add3A_2241 = arith.addf %add3A_2236, %get3A_2240 : vector<16xf32>
    %get3A_2242 = arith.constant 10 : i32
    %get3A_2243 = arith.index_cast %get3A_2242 : i32 to index
    %get3A_2244 = arith.constant 224 : index
    %get3A_2245 = tpu.vector_load %arg14[%get3A_2243, %get3A_2244] {strides = array<i32>} : memref<16x512xf32, #tpu.memory_space<vmem>>, vector<16xf32>,
    %add3A_2246 = arith.addf %add3A_2241, %get3A_2245 : vector<16xf32>
    %get3A_2247 = arith.constant 11 : i32
    %get3A_2248 = arith.index_cast %get3A_2247 : i32 to index
    %get3A_2249 = arith.constant 224 : index
    %get3A_2250 = tpu.vector_load %arg14[%get3A_2248, %get3A_2249] {strides = array<i32>} : memref<16x512xf32, #tpu.memory_space<vmem>>, vector<16xf32>,
    %add3A_2251 = arith.addf %add3A_2246, %get3A_2250 : vector<16xf32>
    %get3A_2252 = arith.constant 12 : i32
    %get3A_2253 = arith.index_cast %get3A_2252 : i32 to index
    %get3A_2254 = arith.constant 224 : index
    %get3A_2255 = tpu.vector_load %arg14[%get3A_2253, %get3A_2254] {strides = array<i32>} : memref<16x512xf32, #tpu.memory_space<vmem>>, vector<16xf32>,
    %add3A_2256 = arith.addf %add3A_2251, %get3A_2255 : vector<16xf32>
    %get3A_2257 = arith.constant 13 : i32
    %get3A_2258 = arith.index_cast %get3A_2257 : i32 to index
    %get3A_2259 = arith.constant 224 : index
    %get3A_2260 = tpu.vector_load %arg14[%get3A_2258, %get3A_2259] {strides = array<i32>} : memref<16x512xf32, #tpu.memory_space<vmem>>, vector<16xf32>,
    %add3A_2261 = arith.addf %add3A_2256, %get3A_2260 : vector<16xf32>
    %get3A_2262 = arith.constant 14 : i32
    %get3A_2263 = arith.index_cast %get3A_2262 : i32 to index
    %get3A_2264 = arith.constant 224 : index
    %get3A_2265 = tpu.vector_load %arg14[%get3A_2263, %get3A_2264] {strides = array<i32>} : memref<16x512xf32, #tpu.memory_space<vmem>>, vector<16xf32>,
    %add3A_2266 = arith.addf %add3A_2261, %get3A_2265 : vector<16xf32>
    %get3A_2267 = arith.constant 15 : i32
    %get3A_2268 = arith.index_cast %get3A_2267 : i32 to index
    %get3A_2269 = arith.constant 224 : index
    %get3A_2270 = tpu.vector_load %arg14[%get3A_2268, %get3A_2269] {strides = array<i32>} : memref<16x512xf32, #tpu.memory_space<vmem>>, vector<16xf32>,
    %add3A_2271 = arith.addf %add3A_2266, %get3A_2270 : vector<16xf32>
    %swap3A_2272 = arith.constant 224 : index
    %swap3A_2273 = tpu.vector_load %arg15[%swap3A_2272] {strides = array<i32>} : memref<512xf32, #tpu.memory_space<vmem>>, vector<16xf32>,
    tpu.vector_store %arg15[%swap3A_2272], %add3A_2271 {strides = array<i32>} : memref<512xf32, #tpu.memory_space<vmem>>, vector<16xf32>,
    %get3A_2274 = arith.constant 0 : i32
    %get3A_2275 = arith.index_cast %get3A_2274 : i32 to index
    %get3A_2276 = arith.constant 240 : index
    %get3A_2277 = tpu.vector_load %arg14[%get3A_2275, %get3A_2276] {strides = array<i32>} : memref<16x512xf32, #tpu.memory_space<vmem>>, vector<16xf32>,
    %get3A_2278 = arith.constant 1 : i32
    %get3A_2279 = arith.index_cast %get3A_2278 : i32 to index
    %get3A_2280 = arith.constant 240 : index
    %get3A_2281 = tpu.vector_load %arg14[%get3A_2279, %get3A_2280] {strides = array<i32>} : memref<16x512xf32, #tpu.memory_space<vmem>>, vector<16xf32>,
    %add3A_2282 = arith.addf %get3A_2277, %get3A_2281 : vector<16xf32>
    %get3A_2283 = arith.constant 2 : i32
    %get3A_2284 = arith.index_cast %get3A_2283 : i32 to index
    %get3A_2285 = arith.constant 240 : index
    %get3A_2286 = tpu.vector_load %arg14[%get3A_2284, %get3A_2285] {strides = array<i32>} : memref<16x512xf32, #tpu.memory_space<vmem>>, vector<16xf32>,
    %add3A_2287 = arith.addf %add3A_2282, %get3A_2286 : vector<16xf32>
    %get3A_2288 = arith.constant 3 : i32
    %get3A_2289 = arith.index_cast %get3A_2288 : i32 to index
    %get3A_2290 = arith.constant 240 : index
    %get3A_2291 = tpu.vector_load %arg14[%get3A_2289, %get3A_2290] {strides = array<i32>} : memref<16x512xf32, #tpu.memory_space<vmem>>, vector<16xf32>,
    %add3A_2292 = arith.addf %add3A_2287, %get3A_2291 : vector<16xf32>
    %get3A_2293 = arith.constant 4 : i32
    %get3A_2294 = arith.index_cast %get3A_2293 : i32 to index
    %get3A_2295 = arith.constant 240 : index
    %get3A_2296 = tpu.vector_load %arg14[%get3A_2294, %get3A_2295] {strides = array<i32>} : memref<16x512xf32, #tpu.memory_space<vmem>>, vector<16xf32>,
    %add3A_2297 = arith.addf %add3A_2292, %get3A_2296 : vector<16xf32>
    %get3A_2298 = arith.constant 5 : i32
    %get3A_2299 = arith.index_cast %get3A_2298 : i32 to index
    %get3A_2300 = arith.constant 240 : index
    %get3A_2301 = tpu.vector_load %arg14[%get3A_2299, %get3A_2300] {strides = array<i32>} : memref<16x512xf32, #tpu.memory_space<vmem>>, vector<16xf32>,
    %add3A_2302 = arith.addf %add3A_2297, %get3A_2301 : vector<16xf32>
    %get3A_2303 = arith.constant 6 : i32
    %get3A_2304 = arith.index_cast %get3A_2303 : i32 to index
    %get3A_2305 = arith.constant 240 : index
    %get3A_2306 = tpu.vector_load %arg14[%get3A_2304, %get3A_2305] {strides = array<i32>} : memref<16x512xf32, #tpu.memory_space<vmem>>, vector<16xf32>,
    %add3A_2307 = arith.addf %add3A_2302, %get3A_2306 : vector<16xf32>
    %get3A_2308 = arith.constant 7 : i32
    %get3A_2309 = arith.index_cast %get3A_2308 : i32 to index
    %get3A_2310 = arith.constant 240 : index
    %get3A_2311 = tpu.vector_load %arg14[%get3A_2309, %get3A_2310] {strides = array<i32>} : memref<16x512xf32, #tpu.memory_space<vmem>>, vector<16xf32>,
    %add3A_2312 = arith.addf %add3A_2307, %get3A_2311 : vector<16xf32>
    %get3A_2313 = arith.constant 8 : i32
    %get3A_2314 = arith.index_cast %get3A_2313 : i32 to index
    %get3A_2315 = arith.constant 240 : index
    %get3A_2316 = tpu.vector_load %arg14[%get3A_2314, %get3A_2315] {strides = array<i32>} : memref<16x512xf32, #tpu.memory_space<vmem>>, vector<16xf32>,
    %add3A_2317 = arith.addf %add3A_2312, %get3A_2316 : vector<16xf32>
    %get3A_2318 = arith.constant 9 : i32
    %get3A_2319 = arith.index_cast %get3A_2318 : i32 to index
    %get3A_2320 = arith.constant 240 : index
    %get3A_2321 = tpu.vector_load %arg14[%get3A_2319, %get3A_2320] {strides = array<i32>} : memref<16x512xf32, #tpu.memory_space<vmem>>, vector<16xf32>,
    %add3A_2322 = arith.addf %add3A_2317, %get3A_2321 : vector<16xf32>
    %get3A_2323 = arith.constant 10 : i32
    %get3A_2324 = arith.index_cast %get3A_2323 : i32 to index
    %get3A_2325 = arith.constant 240 : index
    %get3A_2326 = tpu.vector_load %arg14[%get3A_2324, %get3A_2325] {strides = array<i32>} : memref<16x512xf32, #tpu.memory_space<vmem>>, vector<16xf32>,
    %add3A_2327 = arith.addf %add3A_2322, %get3A_2326 : vector<16xf32>
    %get3A_2328 = arith.constant 11 : i32
    %get3A_2329 = arith.index_cast %get3A_2328 : i32 to index
    %get3A_2330 = arith.constant 240 : index
    %get3A_2331 = tpu.vector_load %arg14[%get3A_2329, %get3A_2330] {strides = array<i32>} : memref<16x512xf32, #tpu.memory_space<vmem>>, vector<16xf32>,
    %add3A_2332 = arith.addf %add3A_2327, %get3A_2331 : vector<16xf32>
    %get3A_2333 = arith.constant 12 : i32
    %get3A_2334 = arith.index_cast %get3A_2333 : i32 to index
    %get3A_2335 = arith.constant 240 : index
    %get3A_2336 = tpu.vector_load %arg14[%get3A_2334, %get3A_2335] {strides = array<i32>} : memref<16x512xf32, #tpu.memory_space<vmem>>, vector<16xf32>,
    %add3A_2337 = arith.addf %add3A_2332, %get3A_2336 : vector<16xf32>
    %get3A_2338 = arith.constant 13 : i32
    %get3A_2339 = arith.index_cast %get3A_2338 : i32 to index
    %get3A_2340 = arith.constant 240 : index
    %get3A_2341 = tpu.vector_load %arg14[%get3A_2339, %get3A_2340] {strides = array<i32>} : memref<16x512xf32, #tpu.memory_space<vmem>>, vector<16xf32>,
    %add3A_2342 = arith.addf %add3A_2337, %get3A_2341 : vector<16xf32>
    %get3A_2343 = arith.constant 14 : i32
    %get3A_2344 = arith.index_cast %get3A_2343 : i32 to index
    %get3A_2345 = arith.constant 240 : index
    %get3A_2346 = tpu.vector_load %arg14[%get3A_2344, %get3A_2345] {strides = array<i32>} : memref<16x512xf32, #tpu.memory_space<vmem>>, vector<16xf32>,
    %add3A_2347 = arith.addf %add3A_2342, %get3A_2346 : vector<16xf32>
    %get3A_2348 = arith.constant 15 : i32
    %get3A_2349 = arith.index_cast %get3A_2348 : i32 to index
    %get3A_2350 = arith.constant 240 : index
    %get3A_2351 = tpu.vector_load %arg14[%get3A_2349, %get3A_2350] {strides = array<i32>} : memref<16x512xf32, #tpu.memory_space<vmem>>, vector<16xf32>,
    %add3A_2352 = arith.addf %add3A_2347, %get3A_2351 : vector<16xf32>
    %swap3A_2353 = arith.constant 240 : index
    %swap3A_2354 = tpu.vector_load %arg15[%swap3A_2353] {strides = array<i32>} : memref<512xf32, #tpu.memory_space<vmem>>, vector<16xf32>,
    tpu.vector_store %arg15[%swap3A_2353], %add3A_2352 {strides = array<i32>} : memref<512xf32, #tpu.memory_space<vmem>>, vector<16xf32>,
    %get3A_2355 = arith.constant 0 : i32
    %get3A_2356 = arith.index_cast %get3A_2355 : i32 to index
    %get3A_2357 = arith.constant 256 : index
    %get3A_2358 = tpu.vector_load %arg14[%get3A_2356, %get3A_2357] {strides = array<i32>} : memref<16x512xf32, #tpu.memory_space<vmem>>, vector<16xf32>,
    %get3A_2359 = arith.constant 1 : i32
    %get3A_2360 = arith.index_cast %get3A_2359 : i32 to index
    %get3A_2361 = arith.constant 256 : index
    %get3A_2362 = tpu.vector_load %arg14[%get3A_2360, %get3A_2361] {strides = array<i32>} : memref<16x512xf32, #tpu.memory_space<vmem>>, vector<16xf32>,
    %add3A_2363 = arith.addf %get3A_2358, %get3A_2362 : vector<16xf32>
    %get3A_2364 = arith.constant 2 : i32
    %get3A_2365 = arith.index_cast %get3A_2364 : i32 to index
    %get3A_2366 = arith.constant 256 : index
    %get3A_2367 = tpu.vector_load %arg14[%get3A_2365, %get3A_2366] {strides = array<i32>} : memref<16x512xf32, #tpu.memory_space<vmem>>, vector<16xf32>,
    %add3A_2368 = arith.addf %add3A_2363, %get3A_2367 : vector<16xf32>
    %get3A_2369 = arith.constant 3 : i32
    %get3A_2370 = arith.index_cast %get3A_2369 : i32 to index
    %get3A_2371 = arith.constant 256 : index
    %get3A_2372 = tpu.vector_load %arg14[%get3A_2370, %get3A_2371] {strides = array<i32>} : memref<16x512xf32, #tpu.memory_space<vmem>>, vector<16xf32>,
    %add3A_2373 = arith.addf %add3A_2368, %get3A_2372 : vector<16xf32>
    %get3A_2374 = arith.constant 4 : i32
    %get3A_2375 = arith.index_cast %get3A_2374 : i32 to index
    %get3A_2376 = arith.constant 256 : index
    %get3A_2377 = tpu.vector_load %arg14[%get3A_2375, %get3A_2376] {strides = array<i32>} : memref<16x512xf32, #tpu.memory_space<vmem>>, vector<16xf32>,
    %add3A_2378 = arith.addf %add3A_2373, %get3A_2377 : vector<16xf32>
    %get3A_2379 = arith.constant 5 : i32
    %get3A_2380 = arith.index_cast %get3A_2379 : i32 to index
    %get3A_2381 = arith.constant 256 : index
    %get3A_2382 = tpu.vector_load %arg14[%get3A_2380, %get3A_2381] {strides = array<i32>} : memref<16x512xf32, #tpu.memory_space<vmem>>, vector<16xf32>,
    %add3A_2383 = arith.addf %add3A_2378, %get3A_2382 : vector<16xf32>
    %get3A_2384 = arith.constant 6 : i32
    %get3A_2385 = arith.index_cast %get3A_2384 : i32 to index
    %get3A_2386 = arith.constant 256 : index
    %get3A_2387 = tpu.vector_load %arg14[%get3A_2385, %get3A_2386] {strides = array<i32>} : memref<16x512xf32, #tpu.memory_space<vmem>>, vector<16xf32>,
    %add3A_2388 = arith.addf %add3A_2383, %get3A_2387 : vector<16xf32>
    %get3A_2389 = arith.constant 7 : i32
    %get3A_2390 = arith.index_cast %get3A_2389 : i32 to index
    %get3A_2391 = arith.constant 256 : index
    %get3A_2392 = tpu.vector_load %arg14[%get3A_2390, %get3A_2391] {strides = array<i32>} : memref<16x512xf32, #tpu.memory_space<vmem>>, vector<16xf32>,
    %add3A_2393 = arith.addf %add3A_2388, %get3A_2392 : vector<16xf32>
    %get3A_2394 = arith.constant 8 : i32
    %get3A_2395 = arith.index_cast %get3A_2394 : i32 to index
    %get3A_2396 = arith.constant 256 : index
    %get3A_2397 = tpu.vector_load %arg14[%get3A_2395, %get3A_2396] {strides = array<i32>} : memref<16x512xf32, #tpu.memory_space<vmem>>, vector<16xf32>,
    %add3A_2398 = arith.addf %add3A_2393, %get3A_2397 : vector<16xf32>
    %get3A_2399 = arith.constant 9 : i32
    %get3A_2400 = arith.index_cast %get3A_2399 : i32 to index
    %get3A_2401 = arith.constant 256 : index
    %get3A_2402 = tpu.vector_load %arg14[%get3A_2400, %get3A_2401] {strides = array<i32>} : memref<16x512xf32, #tpu.memory_space<vmem>>, vector<16xf32>,
    %add3A_2403 = arith.addf %add3A_2398, %get3A_2402 : vector<16xf32>
    %get3A_2404 = arith.constant 10 : i32
    %get3A_2405 = arith.index_cast %get3A_2404 : i32 to index
    %get3A_2406 = arith.constant 256 : index
    %get3A_2407 = tpu.vector_load %arg14[%get3A_2405, %get3A_2406] {strides = array<i32>} : memref<16x512xf32, #tpu.memory_space<vmem>>, vector<16xf32>,
    %add3A_2408 = arith.addf %add3A_2403, %get3A_2407 : vector<16xf32>
    %get3A_2409 = arith.constant 11 : i32
    %get3A_2410 = arith.index_cast %get3A_2409 : i32 to index
    %get3A_2411 = arith.constant 256 : index
    %get3A_2412 = tpu.vector_load %arg14[%get3A_2410, %get3A_2411] {strides = array<i32>} : memref<16x512xf32, #tpu.memory_space<vmem>>, vector<16xf32>,
    %add3A_2413 = arith.addf %add3A_2408, %get3A_2412 : vector<16xf32>
    %get3A_2414 = arith.constant 12 : i32
    %get3A_2415 = arith.index_cast %get3A_2414 : i32 to index
    %get3A_2416 = arith.constant 256 : index
    %get3A_2417 = tpu.vector_load %arg14[%get3A_2415, %get3A_2416] {strides = array<i32>} : memref<16x512xf32, #tpu.memory_space<vmem>>, vector<16xf32>,
    %add3A_2418 = arith.addf %add3A_2413, %get3A_2417 : vector<16xf32>
    %get3A_2419 = arith.constant 13 : i32
    %get3A_2420 = arith.index_cast %get3A_2419 : i32 to index
    %get3A_2421 = arith.constant 256 : index
    %get3A_2422 = tpu.vector_load %arg14[%get3A_2420, %get3A_2421] {strides = array<i32>} : memref<16x512xf32, #tpu.memory_space<vmem>>, vector<16xf32>,
    %add3A_2423 = arith.addf %add3A_2418, %get3A_2422 : vector<16xf32>
    %get3A_2424 = arith.constant 14 : i32
    %get3A_2425 = arith.index_cast %get3A_2424 : i32 to index
    %get3A_2426 = arith.constant 256 : index
    %get3A_2427 = tpu.vector_load %arg14[%get3A_2425, %get3A_2426] {strides = array<i32>} : memref<16x512xf32, #tpu.memory_space<vmem>>, vector<16xf32>,
    %add3A_2428 = arith.addf %add3A_2423, %get3A_2427 : vector<16xf32>
    %get3A_2429 = arith.constant 15 : i32
    %get3A_2430 = arith.index_cast %get3A_2429 : i32 to index
    %get3A_2431 = arith.constant 256 : index
    %get3A_2432 = tpu.vector_load %arg14[%get3A_2430, %get3A_2431] {strides = array<i32>} : memref<16x512xf32, #tpu.memory_space<vmem>>, vector<16xf32>,
    %add3A_2433 = arith.addf %add3A_2428, %get3A_2432 : vector<16xf32>
    %swap3A_2434 = arith.constant 256 : index
    %swap3A_2435 = tpu.vector_load %arg15[%swap3A_2434] {strides = array<i32>} : memref<512xf32, #tpu.memory_space<vmem>>, vector<16xf32>,
    tpu.vector_store %arg15[%swap3A_2434], %add3A_2433 {strides = array<i32>} : memref<512xf32, #tpu.memory_space<vmem>>, vector<16xf32>,
    %get3A_2436 = arith.constant 0 : i32
    %get3A_2437 = arith.index_cast %get3A_2436 : i32 to index
    %get3A_2438 = arith.constant 272 : index
    %get3A_2439 = tpu.vector_load %arg14[%get3A_2437, %get3A_2438] {strides = array<i32>} : memref<16x512xf32, #tpu.memory_space<vmem>>, vector<16xf32>,
    %get3A_2440 = arith.constant 1 : i32
    %get3A_2441 = arith.index_cast %get3A_2440 : i32 to index
    %get3A_2442 = arith.constant 272 : index
    %get3A_2443 = tpu.vector_load %arg14[%get3A_2441, %get3A_2442] {strides = array<i32>} : memref<16x512xf32, #tpu.memory_space<vmem>>, vector<16xf32>,
    %add3A_2444 = arith.addf %get3A_2439, %get3A_2443 : vector<16xf32>
    %get3A_2445 = arith.constant 2 : i32
    %get3A_2446 = arith.index_cast %get3A_2445 : i32 to index
    %get3A_2447 = arith.constant 272 : index
    %get3A_2448 = tpu.vector_load %arg14[%get3A_2446, %get3A_2447] {strides = array<i32>} : memref<16x512xf32, #tpu.memory_space<vmem>>, vector<16xf32>,
    %add3A_2449 = arith.addf %add3A_2444, %get3A_2448 : vector<16xf32>
    %get3A_2450 = arith.constant 3 : i32
    %get3A_2451 = arith.index_cast %get3A_2450 : i32 to index
    %get3A_2452 = arith.constant 272 : index
    %get3A_2453 = tpu.vector_load %arg14[%get3A_2451, %get3A_2452] {strides = array<i32>} : memref<16x512xf32, #tpu.memory_space<vmem>>, vector<16xf32>,
    %add3A_2454 = arith.addf %add3A_2449, %get3A_2453 : vector<16xf32>
    %get3A_2455 = arith.constant 4 : i32
    %get3A_2456 = arith.index_cast %get3A_2455 : i32 to index
    %get3A_2457 = arith.constant 272 : index
    %get3A_2458 = tpu.vector_load %arg14[%get3A_2456, %get3A_2457] {strides = array<i32>} : memref<16x512xf32, #tpu.memory_space<vmem>>, vector<16xf32>,
    %add3A_2459 = arith.addf %add3A_2454, %get3A_2458 : vector<16xf32>
    %get3A_2460 = arith.constant 5 : i32
    %get3A_2461 = arith.index_cast %get3A_2460 : i32 to index
    %get3A_2462 = arith.constant 272 : index
    %get3A_2463 = tpu.vector_load %arg14[%get3A_2461, %get3A_2462] {strides = array<i32>} : memref<16x512xf32, #tpu.memory_space<vmem>>, vector<16xf32>,
    %add3A_2464 = arith.addf %add3A_2459, %get3A_2463 : vector<16xf32>
    %get3A_2465 = arith.constant 6 : i32
    %get3A_2466 = arith.index_cast %get3A_2465 : i32 to index
    %get3A_2467 = arith.constant 272 : index
    %get3A_2468 = tpu.vector_load %arg14[%get3A_2466, %get3A_2467] {strides = array<i32>} : memref<16x512xf32, #tpu.memory_space<vmem>>, vector<16xf32>,
    %add3A_2469 = arith.addf %add3A_2464, %get3A_2468 : vector<16xf32>
    %get3A_2470 = arith.constant 7 : i32
    %get3A_2471 = arith.index_cast %get3A_2470 : i32 to index
    %get3A_2472 = arith.constant 272 : index
    %get3A_2473 = tpu.vector_load %arg14[%get3A_2471, %get3A_2472] {strides = array<i32>} : memref<16x512xf32, #tpu.memory_space<vmem>>, vector<16xf32>,
    %add3A_2474 = arith.addf %add3A_2469, %get3A_2473 : vector<16xf32>
    %get3A_2475 = arith.constant 8 : i32
    %get3A_2476 = arith.index_cast %get3A_2475 : i32 to index
    %get3A_2477 = arith.constant 272 : index
    %get3A_2478 = tpu.vector_load %arg14[%get3A_2476, %get3A_2477] {strides = array<i32>} : memref<16x512xf32, #tpu.memory_space<vmem>>, vector<16xf32>,
    %add3A_2479 = arith.addf %add3A_2474, %get3A_2478 : vector<16xf32>
    %get3A_2480 = arith.constant 9 : i32
    %get3A_2481 = arith.index_cast %get3A_2480 : i32 to index
    %get3A_2482 = arith.constant 272 : index
    %get3A_2483 = tpu.vector_load %arg14[%get3A_2481, %get3A_2482] {strides = array<i32>} : memref<16x512xf32, #tpu.memory_space<vmem>>, vector<16xf32>,
    %add3A_2484 = arith.addf %add3A_2479, %get3A_2483 : vector<16xf32>
    %get3A_2485 = arith.constant 10 : i32
    %get3A_2486 = arith.index_cast %get3A_2485 : i32 to index
    %get3A_2487 = arith.constant 272 : index
    %get3A_2488 = tpu.vector_load %arg14[%get3A_2486, %get3A_2487] {strides = array<i32>} : memref<16x512xf32, #tpu.memory_space<vmem>>, vector<16xf32>,
    %add3A_2489 = arith.addf %add3A_2484, %get3A_2488 : vector<16xf32>
    %get3A_2490 = arith.constant 11 : i32
    %get3A_2491 = arith.index_cast %get3A_2490 : i32 to index
    %get3A_2492 = arith.constant 272 : index
    %get3A_2493 = tpu.vector_load %arg14[%get3A_2491, %get3A_2492] {strides = array<i32>} : memref<16x512xf32, #tpu.memory_space<vmem>>, vector<16xf32>,
    %add3A_2494 = arith.addf %add3A_2489, %get3A_2493 : vector<16xf32>
    %get3A_2495 = arith.constant 12 : i32
    %get3A_2496 = arith.index_cast %get3A_2495 : i32 to index
    %get3A_2497 = arith.constant 272 : index
    %get3A_2498 = tpu.vector_load %arg14[%get3A_2496, %get3A_2497] {strides = array<i32>} : memref<16x512xf32, #tpu.memory_space<vmem>>, vector<16xf32>,
    %add3A_2499 = arith.addf %add3A_2494, %get3A_2498 : vector<16xf32>
    %get3A_2500 = arith.constant 13 : i32
    %get3A_2501 = arith.index_cast %get3A_2500 : i32 to index
    %get3A_2502 = arith.constant 272 : index
    %get3A_2503 = tpu.vector_load %arg14[%get3A_2501, %get3A_2502] {strides = array<i32>} : memref<16x512xf32, #tpu.memory_space<vmem>>, vector<16xf32>,
    %add3A_2504 = arith.addf %add3A_2499, %get3A_2503 : vector<16xf32>
    %get3A_2505 = arith.constant 14 : i32
    %get3A_2506 = arith.index_cast %get3A_2505 : i32 to index
    %get3A_2507 = arith.constant 272 : index
    %get3A_2508 = tpu.vector_load %arg14[%get3A_2506, %get3A_2507] {strides = array<i32>} : memref<16x512xf32, #tpu.memory_space<vmem>>, vector<16xf32>,
    %add3A_2509 = arith.addf %add3A_2504, %get3A_2508 : vector<16xf32>
    %get3A_2510 = arith.constant 15 : i32
    %get3A_2511 = arith.index_cast %get3A_2510 : i32 to index
    %get3A_2512 = arith.constant 272 : index
    %get3A_2513 = tpu.vector_load %arg14[%get3A_2511, %get3A_2512] {strides = array<i32>} : memref<16x512xf32, #tpu.memory_space<vmem>>, vector<16xf32>,
    %add3A_2514 = arith.addf %add3A_2509, %get3A_2513 : vector<16xf32>
    %swap3A_2515 = arith.constant 272 : index
    %swap3A_2516 = tpu.vector_load %arg15[%swap3A_2515] {strides = array<i32>} : memref<512xf32, #tpu.memory_space<vmem>>, vector<16xf32>,
    tpu.vector_store %arg15[%swap3A_2515], %add3A_2514 {strides = array<i32>} : memref<512xf32, #tpu.memory_space<vmem>>, vector<16xf32>,
    %get3A_2517 = arith.constant 0 : i32
    %get3A_2518 = arith.index_cast %get3A_2517 : i32 to index
    %get3A_2519 = arith.constant 288 : index
    %get3A_2520 = tpu.vector_load %arg14[%get3A_2518, %get3A_2519] {strides = array<i32>} : memref<16x512xf32, #tpu.memory_space<vmem>>, vector<16xf32>,
    %get3A_2521 = arith.constant 1 : i32
    %get3A_2522 = arith.index_cast %get3A_2521 : i32 to index
    %get3A_2523 = arith.constant 288 : index
    %get3A_2524 = tpu.vector_load %arg14[%get3A_2522, %get3A_2523] {strides = array<i32>} : memref<16x512xf32, #tpu.memory_space<vmem>>, vector<16xf32>,
    %add3A_2525 = arith.addf %get3A_2520, %get3A_2524 : vector<16xf32>
    %get3A_2526 = arith.constant 2 : i32
    %get3A_2527 = arith.index_cast %get3A_2526 : i32 to index
    %get3A_2528 = arith.constant 288 : index
    %get3A_2529 = tpu.vector_load %arg14[%get3A_2527, %get3A_2528] {strides = array<i32>} : memref<16x512xf32, #tpu.memory_space<vmem>>, vector<16xf32>,
    %add3A_2530 = arith.addf %add3A_2525, %get3A_2529 : vector<16xf32>
    %get3A_2531 = arith.constant 3 : i32
    %get3A_2532 = arith.index_cast %get3A_2531 : i32 to index
    %get3A_2533 = arith.constant 288 : index
    %get3A_2534 = tpu.vector_load %arg14[%get3A_2532, %get3A_2533] {strides = array<i32>} : memref<16x512xf32, #tpu.memory_space<vmem>>, vector<16xf32>,
    %add3A_2535 = arith.addf %add3A_2530, %get3A_2534 : vector<16xf32>
    %get3A_2536 = arith.constant 4 : i32
    %get3A_2537 = arith.index_cast %get3A_2536 : i32 to index
    %get3A_2538 = arith.constant 288 : index
    %get3A_2539 = tpu.vector_load %arg14[%get3A_2537, %get3A_2538] {strides = array<i32>} : memref<16x512xf32, #tpu.memory_space<vmem>>, vector<16xf32>,
    %add3A_2540 = arith.addf %add3A_2535, %get3A_2539 : vector<16xf32>
    %get3A_2541 = arith.constant 5 : i32
    %get3A_2542 = arith.index_cast %get3A_2541 : i32 to index
    %get3A_2543 = arith.constant 288 : index
    %get3A_2544 = tpu.vector_load %arg14[%get3A_2542, %get3A_2543] {strides = array<i32>} : memref<16x512xf32, #tpu.memory_space<vmem>>, vector<16xf32>,
    %add3A_2545 = arith.addf %add3A_2540, %get3A_2544 : vector<16xf32>
    %get3A_2546 = arith.constant 6 : i32
    %get3A_2547 = arith.index_cast %get3A_2546 : i32 to index
    %get3A_2548 = arith.constant 288 : index
    %get3A_2549 = tpu.vector_load %arg14[%get3A_2547, %get3A_2548] {strides = array<i32>} : memref<16x512xf32, #tpu.memory_space<vmem>>, vector<16xf32>,
    %add3A_2550 = arith.addf %add3A_2545, %get3A_2549 : vector<16xf32>
    %get3A_2551 = arith.constant 7 : i32
    %get3A_2552 = arith.index_cast %get3A_2551 : i32 to index
    %get3A_2553 = arith.constant 288 : index
    %get3A_2554 = tpu.vector_load %arg14[%get3A_2552, %get3A_2553] {strides = array<i32>} : memref<16x512xf32, #tpu.memory_space<vmem>>, vector<16xf32>,
    %add3A_2555 = arith.addf %add3A_2550, %get3A_2554 : vector<16xf32>
    %get3A_2556 = arith.constant 8 : i32
    %get3A_2557 = arith.index_cast %get3A_2556 : i32 to index
    %get3A_2558 = arith.constant 288 : index
    %get3A_2559 = tpu.vector_load %arg14[%get3A_2557, %get3A_2558] {strides = array<i32>} : memref<16x512xf32, #tpu.memory_space<vmem>>, vector<16xf32>,
    %add3A_2560 = arith.addf %add3A_2555, %get3A_2559 : vector<16xf32>
    %get3A_2561 = arith.constant 9 : i32
    %get3A_2562 = arith.index_cast %get3A_2561 : i32 to index
    %get3A_2563 = arith.constant 288 : index
    %get3A_2564 = tpu.vector_load %arg14[%get3A_2562, %get3A_2563] {strides = array<i32>} : memref<16x512xf32, #tpu.memory_space<vmem>>, vector<16xf32>,
    %add3A_2565 = arith.addf %add3A_2560, %get3A_2564 : vector<16xf32>
    %get3A_2566 = arith.constant 10 : i32
    %get3A_2567 = arith.index_cast %get3A_2566 : i32 to index
    %get3A_2568 = arith.constant 288 : index
    %get3A_2569 = tpu.vector_load %arg14[%get3A_2567, %get3A_2568] {strides = array<i32>} : memref<16x512xf32, #tpu.memory_space<vmem>>, vector<16xf32>,
    %add3A_2570 = arith.addf %add3A_2565, %get3A_2569 : vector<16xf32>
    %get3A_2571 = arith.constant 11 : i32
    %get3A_2572 = arith.index_cast %get3A_2571 : i32 to index
    %get3A_2573 = arith.constant 288 : index
    %get3A_2574 = tpu.vector_load %arg14[%get3A_2572, %get3A_2573] {strides = array<i32>} : memref<16x512xf32, #tpu.memory_space<vmem>>, vector<16xf32>,
    %add3A_2575 = arith.addf %add3A_2570, %get3A_2574 : vector<16xf32>
    %get3A_2576 = arith.constant 12 : i32
    %get3A_2577 = arith.index_cast %get3A_2576 : i32 to index
    %get3A_2578 = arith.constant 288 : index
    %get3A_2579 = tpu.vector_load %arg14[%get3A_2577, %get3A_2578] {strides = array<i32>} : memref<16x512xf32, #tpu.memory_space<vmem>>, vector<16xf32>,
    %add3A_2580 = arith.addf %add3A_2575, %get3A_2579 : vector<16xf32>
    %get3A_2581 = arith.constant 13 : i32
    %get3A_2582 = arith.index_cast %get3A_2581 : i32 to index
    %get3A_2583 = arith.constant 288 : index
    %get3A_2584 = tpu.vector_load %arg14[%get3A_2582, %get3A_2583] {strides = array<i32>} : memref<16x512xf32, #tpu.memory_space<vmem>>, vector<16xf32>,
    %add3A_2585 = arith.addf %add3A_2580, %get3A_2584 : vector<16xf32>
    %get3A_2586 = arith.constant 14 : i32
    %get3A_2587 = arith.index_cast %get3A_2586 : i32 to index
    %get3A_2588 = arith.constant 288 : index
    %get3A_2589 = tpu.vector_load %arg14[%get3A_2587, %get3A_2588] {strides = array<i32>} : memref<16x512xf32, #tpu.memory_space<vmem>>, vector<16xf32>,
    %add3A_2590 = arith.addf %add3A_2585, %get3A_2589 : vector<16xf32>
    %get3A_2591 = arith.constant 15 : i32
    %get3A_2592 = arith.index_cast %get3A_2591 : i32 to index
    %get3A_2593 = arith.constant 288 : index
    %get3A_2594 = tpu.vector_load %arg14[%get3A_2592, %get3A_2593] {strides = array<i32>} : memref<16x512xf32, #tpu.memory_space<vmem>>, vector<16xf32>,
    %add3A_2595 = arith.addf %add3A_2590, %get3A_2594 : vector<16xf32>
    %swap3A_2596 = arith.constant 288 : index
    %swap3A_2597 = tpu.vector_load %arg15[%swap3A_2596] {strides = array<i32>} : memref<512xf32, #tpu.memory_space<vmem>>, vector<16xf32>,
    tpu.vector_store %arg15[%swap3A_2596], %add3A_2595 {strides = array<i32>} : memref<512xf32, #tpu.memory_space<vmem>>, vector<16xf32>,
    %get3A_2598 = arith.constant 0 : i32
    %get3A_2599 = arith.index_cast %get3A_2598 : i32 to index
    %get3A_2600 = arith.constant 304 : index
    %get3A_2601 = tpu.vector_load %arg14[%get3A_2599, %get3A_2600] {strides = array<i32>} : memref<16x512xf32, #tpu.memory_space<vmem>>, vector<16xf32>,
    %get3A_2602 = arith.constant 1 : i32
    %get3A_2603 = arith.index_cast %get3A_2602 : i32 to index
    %get3A_2604 = arith.constant 304 : index
    %get3A_2605 = tpu.vector_load %arg14[%get3A_2603, %get3A_2604] {strides = array<i32>} : memref<16x512xf32, #tpu.memory_space<vmem>>, vector<16xf32>,
    %add3A_2606 = arith.addf %get3A_2601, %get3A_2605 : vector<16xf32>
    %get3A_2607 = arith.constant 2 : i32
    %get3A_2608 = arith.index_cast %get3A_2607 : i32 to index
    %get3A_2609 = arith.constant 304 : index
    %get3A_2610 = tpu.vector_load %arg14[%get3A_2608, %get3A_2609] {strides = array<i32>} : memref<16x512xf32, #tpu.memory_space<vmem>>, vector<16xf32>,
    %add3A_2611 = arith.addf %add3A_2606, %get3A_2610 : vector<16xf32>
    %get3A_2612 = arith.constant 3 : i32
    %get3A_2613 = arith.index_cast %get3A_2612 : i32 to index
    %get3A_2614 = arith.constant 304 : index
    %get3A_2615 = tpu.vector_load %arg14[%get3A_2613, %get3A_2614] {strides = array<i32>} : memref<16x512xf32, #tpu.memory_space<vmem>>, vector<16xf32>,
    %add3A_2616 = arith.addf %add3A_2611, %get3A_2615 : vector<16xf32>
    %get3A_2617 = arith.constant 4 : i32
    %get3A_2618 = arith.index_cast %get3A_2617 : i32 to index
    %get3A_2619 = arith.constant 304 : index
    %get3A_2620 = tpu.vector_load %arg14[%get3A_2618, %get3A_2619] {strides = array<i32>} : memref<16x512xf32, #tpu.memory_space<vmem>>, vector<16xf32>,
    %add3A_2621 = arith.addf %add3A_2616, %get3A_2620 : vector<16xf32>
    %get3A_2622 = arith.constant 5 : i32
    %get3A_2623 = arith.index_cast %get3A_2622 : i32 to index
    %get3A_2624 = arith.constant 304 : index
    %get3A_2625 = tpu.vector_load %arg14[%get3A_2623, %get3A_2624] {strides = array<i32>} : memref<16x512xf32, #tpu.memory_space<vmem>>, vector<16xf32>,
    %add3A_2626 = arith.addf %add3A_2621, %get3A_2625 : vector<16xf32>
    %get3A_2627 = arith.constant 6 : i32
    %get3A_2628 = arith.index_cast %get3A_2627 : i32 to index
    %get3A_2629 = arith.constant 304 : index
    %get3A_2630 = tpu.vector_load %arg14[%get3A_2628, %get3A_2629] {strides = array<i32>} : memref<16x512xf32, #tpu.memory_space<vmem>>, vector<16xf32>,
    %add3A_2631 = arith.addf %add3A_2626, %get3A_2630 : vector<16xf32>
    %get3A_2632 = arith.constant 7 : i32
    %get3A_2633 = arith.index_cast %get3A_2632 : i32 to index
    %get3A_2634 = arith.constant 304 : index
    %get3A_2635 = tpu.vector_load %arg14[%get3A_2633, %get3A_2634] {strides = array<i32>} : memref<16x512xf32, #tpu.memory_space<vmem>>, vector<16xf32>,
    %add3A_2636 = arith.addf %add3A_2631, %get3A_2635 : vector<16xf32>
    %get3A_2637 = arith.constant 8 : i32
    %get3A_2638 = arith.index_cast %get3A_2637 : i32 to index
    %get3A_2639 = arith.constant 304 : index
    %get3A_2640 = tpu.vector_load %arg14[%get3A_2638, %get3A_2639] {strides = array<i32>} : memref<16x512xf32, #tpu.memory_space<vmem>>, vector<16xf32>,
    %add3A_2641 = arith.addf %add3A_2636, %get3A_2640 : vector<16xf32>
    %get3A_2642 = arith.constant 9 : i32
    %get3A_2643 = arith.index_cast %get3A_2642 : i32 to index
    %get3A_2644 = arith.constant 304 : index
    %get3A_2645 = tpu.vector_load %arg14[%get3A_2643, %get3A_2644] {strides = array<i32>} : memref<16x512xf32, #tpu.memory_space<vmem>>, vector<16xf32>,
    %add3A_2646 = arith.addf %add3A_2641, %get3A_2645 : vector<16xf32>
    %get3A_2647 = arith.constant 10 : i32
    %get3A_2648 = arith.index_cast %get3A_2647 : i32 to index
    %get3A_2649 = arith.constant 304 : index
    %get3A_2650 = tpu.vector_load %arg14[%get3A_2648, %get3A_2649] {strides = array<i32>} : memref<16x512xf32, #tpu.memory_space<vmem>>, vector<16xf32>,
    %add3A_2651 = arith.addf %add3A_2646, %get3A_2650 : vector<16xf32>
    %get3A_2652 = arith.constant 11 : i32
    %get3A_2653 = arith.index_cast %get3A_2652 : i32 to index
    %get3A_2654 = arith.constant 304 : index
    %get3A_2655 = tpu.vector_load %arg14[%get3A_2653, %get3A_2654] {strides = array<i32>} : memref<16x512xf32, #tpu.memory_space<vmem>>, vector<16xf32>,
    %add3A_2656 = arith.addf %add3A_2651, %get3A_2655 : vector<16xf32>
    %get3A_2657 = arith.constant 12 : i32
    %get3A_2658 = arith.index_cast %get3A_2657 : i32 to index
    %get3A_2659 = arith.constant 304 : index
    %get3A_2660 = tpu.vector_load %arg14[%get3A_2658, %get3A_2659] {strides = array<i32>} : memref<16x512xf32, #tpu.memory_space<vmem>>, vector<16xf32>,
    %add3A_2661 = arith.addf %add3A_2656, %get3A_2660 : vector<16xf32>
    %get3A_2662 = arith.constant 13 : i32
    %get3A_2663 = arith.index_cast %get3A_2662 : i32 to index
    %get3A_2664 = arith.constant 304 : index
    %get3A_2665 = tpu.vector_load %arg14[%get3A_2663, %get3A_2664] {strides = array<i32>} : memref<16x512xf32, #tpu.memory_space<vmem>>, vector<16xf32>,
    %add3A_2666 = arith.addf %add3A_2661, %get3A_2665 : vector<16xf32>
    %get3A_2667 = arith.constant 14 : i32
    %get3A_2668 = arith.index_cast %get3A_2667 : i32 to index
    %get3A_2669 = arith.constant 304 : index
    %get3A_2670 = tpu.vector_load %arg14[%get3A_2668, %get3A_2669] {strides = array<i32>} : memref<16x512xf32, #tpu.memory_space<vmem>>, vector<16xf32>,
    %add3A_2671 = arith.addf %add3A_2666, %get3A_2670 : vector<16xf32>
    %get3A_2672 = arith.constant 15 : i32
    %get3A_2673 = arith.index_cast %get3A_2672 : i32 to index
    %get3A_2674 = arith.constant 304 : index
    %get3A_2675 = tpu.vector_load %arg14[%get3A_2673, %get3A_2674] {strides = array<i32>} : memref<16x512xf32, #tpu.memory_space<vmem>>, vector<16xf32>,
    %add3A_2676 = arith.addf %add3A_2671, %get3A_2675 : vector<16xf32>
    %swap3A_2677 = arith.constant 304 : index
    %swap3A_2678 = tpu.vector_load %arg15[%swap3A_2677] {strides = array<i32>} : memref<512xf32, #tpu.memory_space<vmem>>, vector<16xf32>,
    tpu.vector_store %arg15[%swap3A_2677], %add3A_2676 {strides = array<i32>} : memref<512xf32, #tpu.memory_space<vmem>>, vector<16xf32>,
    %get3A_2679 = arith.constant 0 : i32
    %get3A_2680 = arith.index_cast %get3A_2679 : i32 to index
    %get3A_2681 = arith.constant 320 : index
    %get3A_2682 = tpu.vector_load %arg14[%get3A_2680, %get3A_2681] {strides = array<i32>} : memref<16x512xf32, #tpu.memory_space<vmem>>, vector<16xf32>,
    %get3A_2683 = arith.constant 1 : i32
    %get3A_2684 = arith.index_cast %get3A_2683 : i32 to index
    %get3A_2685 = arith.constant 320 : index
    %get3A_2686 = tpu.vector_load %arg14[%get3A_2684, %get3A_2685] {strides = array<i32>} : memref<16x512xf32, #tpu.memory_space<vmem>>, vector<16xf32>,
    %add3A_2687 = arith.addf %get3A_2682, %get3A_2686 : vector<16xf32>
    %get3A_2688 = arith.constant 2 : i32
    %get3A_2689 = arith.index_cast %get3A_2688 : i32 to index
    %get3A_2690 = arith.constant 320 : index
    %get3A_2691 = tpu.vector_load %arg14[%get3A_2689, %get3A_2690] {strides = array<i32>} : memref<16x512xf32, #tpu.memory_space<vmem>>, vector<16xf32>,
    %add3A_2692 = arith.addf %add3A_2687, %get3A_2691 : vector<16xf32>
    %get3A_2693 = arith.constant 3 : i32
    %get3A_2694 = arith.index_cast %get3A_2693 : i32 to index
    %get3A_2695 = arith.constant 320 : index
    %get3A_2696 = tpu.vector_load %arg14[%get3A_2694, %get3A_2695] {strides = array<i32>} : memref<16x512xf32, #tpu.memory_space<vmem>>, vector<16xf32>,
    %add3A_2697 = arith.addf %add3A_2692, %get3A_2696 : vector<16xf32>
    %get3A_2698 = arith.constant 4 : i32
    %get3A_2699 = arith.index_cast %get3A_2698 : i32 to index
    %get3A_2700 = arith.constant 320 : index
    %get3A_2701 = tpu.vector_load %arg14[%get3A_2699, %get3A_2700] {strides = array<i32>} : memref<16x512xf32, #tpu.memory_space<vmem>>, vector<16xf32>,
    %add3A_2702 = arith.addf %add3A_2697, %get3A_2701 : vector<16xf32>
    %get3A_2703 = arith.constant 5 : i32
    %get3A_2704 = arith.index_cast %get3A_2703 : i32 to index
    %get3A_2705 = arith.constant 320 : index
    %get3A_2706 = tpu.vector_load %arg14[%get3A_2704, %get3A_2705] {strides = array<i32>} : memref<16x512xf32, #tpu.memory_space<vmem>>, vector<16xf32>,
    %add3A_2707 = arith.addf %add3A_2702, %get3A_2706 : vector<16xf32>
    %get3A_2708 = arith.constant 6 : i32
    %get3A_2709 = arith.index_cast %get3A_2708 : i32 to index
    %get3A_2710 = arith.constant 320 : index
    %get3A_2711 = tpu.vector_load %arg14[%get3A_2709, %get3A_2710] {strides = array<i32>} : memref<16x512xf32, #tpu.memory_space<vmem>>, vector<16xf32>,
    %add3A_2712 = arith.addf %add3A_2707, %get3A_2711 : vector<16xf32>
    %get3A_2713 = arith.constant 7 : i32
    %get3A_2714 = arith.index_cast %get3A_2713 : i32 to index
    %get3A_2715 = arith.constant 320 : index
    %get3A_2716 = tpu.vector_load %arg14[%get3A_2714, %get3A_2715] {strides = array<i32>} : memref<16x512xf32, #tpu.memory_space<vmem>>, vector<16xf32>,
    %add3A_2717 = arith.addf %add3A_2712, %get3A_2716 : vector<16xf32>
    %get3A_2718 = arith.constant 8 : i32
    %get3A_2719 = arith.index_cast %get3A_2718 : i32 to index
    %get3A_2720 = arith.constant 320 : index
    %get3A_2721 = tpu.vector_load %arg14[%get3A_2719, %get3A_2720] {strides = array<i32>} : memref<16x512xf32, #tpu.memory_space<vmem>>, vector<16xf32>,
    %add3A_2722 = arith.addf %add3A_2717, %get3A_2721 : vector<16xf32>
    %get3A_2723 = arith.constant 9 : i32
    %get3A_2724 = arith.index_cast %get3A_2723 : i32 to index
    %get3A_2725 = arith.constant 320 : index
    %get3A_2726 = tpu.vector_load %arg14[%get3A_2724, %get3A_2725] {strides = array<i32>} : memref<16x512xf32, #tpu.memory_space<vmem>>, vector<16xf32>,
    %add3A_2727 = arith.addf %add3A_2722, %get3A_2726 : vector<16xf32>
    %get3A_2728 = arith.constant 10 : i32
    %get3A_2729 = arith.index_cast %get3A_2728 : i32 to index
    %get3A_2730 = arith.constant 320 : index
    %get3A_2731 = tpu.vector_load %arg14[%get3A_2729, %get3A_2730] {strides = array<i32>} : memref<16x512xf32, #tpu.memory_space<vmem>>, vector<16xf32>,
    %add3A_2732 = arith.addf %add3A_2727, %get3A_2731 : vector<16xf32>
    %get3A_2733 = arith.constant 11 : i32
    %get3A_2734 = arith.index_cast %get3A_2733 : i32 to index
    %get3A_2735 = arith.constant 320 : index
    %get3A_2736 = tpu.vector_load %arg14[%get3A_2734, %get3A_2735] {strides = array<i32>} : memref<16x512xf32, #tpu.memory_space<vmem>>, vector<16xf32>,
    %add3A_2737 = arith.addf %add3A_2732, %get3A_2736 : vector<16xf32>
    %get3A_2738 = arith.constant 12 : i32
    %get3A_2739 = arith.index_cast %get3A_2738 : i32 to index
    %get3A_2740 = arith.constant 320 : index
    %get3A_2741 = tpu.vector_load %arg14[%get3A_2739, %get3A_2740] {strides = array<i32>} : memref<16x512xf32, #tpu.memory_space<vmem>>, vector<16xf32>,
    %add3A_2742 = arith.addf %add3A_2737, %get3A_2741 : vector<16xf32>
    %get3A_2743 = arith.constant 13 : i32
    %get3A_2744 = arith.index_cast %get3A_2743 : i32 to index
    %get3A_2745 = arith.constant 320 : index
    %get3A_2746 = tpu.vector_load %arg14[%get3A_2744, %get3A_2745] {strides = array<i32>} : memref<16x512xf32, #tpu.memory_space<vmem>>, vector<16xf32>,
    %add3A_2747 = arith.addf %add3A_2742, %get3A_2746 : vector<16xf32>
    %get3A_2748 = arith.constant 14 : i32
    %get3A_2749 = arith.index_cast %get3A_2748 : i32 to index
    %get3A_2750 = arith.constant 320 : index
    %get3A_2751 = tpu.vector_load %arg14[%get3A_2749, %get3A_2750] {strides = array<i32>} : memref<16x512xf32, #tpu.memory_space<vmem>>, vector<16xf32>,
    %add3A_2752 = arith.addf %add3A_2747, %get3A_2751 : vector<16xf32>
    %get3A_2753 = arith.constant 15 : i32
    %get3A_2754 = arith.index_cast %get3A_2753 : i32 to index
    %get3A_2755 = arith.constant 320 : index
    %get3A_2756 = tpu.vector_load %arg14[%get3A_2754, %get3A_2755] {strides = array<i32>} : memref<16x512xf32, #tpu.memory_space<vmem>>, vector<16xf32>,
    %add3A_2757 = arith.addf %add3A_2752, %get3A_2756 : vector<16xf32>
    %swap3A_2758 = arith.constant 320 : index
    %swap3A_2759 = tpu.vector_load %arg15[%swap3A_2758] {strides = array<i32>} : memref<512xf32, #tpu.memory_space<vmem>>, vector<16xf32>,
    tpu.vector_store %arg15[%swap3A_2758], %add3A_2757 {strides = array<i32>} : memref<512xf32, #tpu.memory_space<vmem>>, vector<16xf32>,
    %get3A_2760 = arith.constant 0 : i32
    %get3A_2761 = arith.index_cast %get3A_2760 : i32 to index
    %get3A_2762 = arith.constant 336 : index
    %get3A_2763 = tpu.vector_load %arg14[%get3A_2761, %get3A_2762] {strides = array<i32>} : memref<16x512xf32, #tpu.memory_space<vmem>>, vector<16xf32>,
    %get3A_2764 = arith.constant 1 : i32
    %get3A_2765 = arith.index_cast %get3A_2764 : i32 to index
    %get3A_2766 = arith.constant 336 : index
    %get3A_2767 = tpu.vector_load %arg14[%get3A_2765, %get3A_2766] {strides = array<i32>} : memref<16x512xf32, #tpu.memory_space<vmem>>, vector<16xf32>,
    %add3A_2768 = arith.addf %get3A_2763, %get3A_2767 : vector<16xf32>
    %get3A_2769 = arith.constant 2 : i32
    %get3A_2770 = arith.index_cast %get3A_2769 : i32 to index
    %get3A_2771 = arith.constant 336 : index
    %get3A_2772 = tpu.vector_load %arg14[%get3A_2770, %get3A_2771] {strides = array<i32>} : memref<16x512xf32, #tpu.memory_space<vmem>>, vector<16xf32>,
    %add3A_2773 = arith.addf %add3A_2768, %get3A_2772 : vector<16xf32>
    %get3A_2774 = arith.constant 3 : i32
    %get3A_2775 = arith.index_cast %get3A_2774 : i32 to index
    %get3A_2776 = arith.constant 336 : index
    %get3A_2777 = tpu.vector_load %arg14[%get3A_2775, %get3A_2776] {strides = array<i32>} : memref<16x512xf32, #tpu.memory_space<vmem>>, vector<16xf32>,
    %add3A_2778 = arith.addf %add3A_2773, %get3A_2777 : vector<16xf32>
    %get3A_2779 = arith.constant 4 : i32
    %get3A_2780 = arith.index_cast %get3A_2779 : i32 to index
    %get3A_2781 = arith.constant 336 : index
    %get3A_2782 = tpu.vector_load %arg14[%get3A_2780, %get3A_2781] {strides = array<i32>} : memref<16x512xf32, #tpu.memory_space<vmem>>, vector<16xf32>,
    %add3A_2783 = arith.addf %add3A_2778, %get3A_2782 : vector<16xf32>
    %get3A_2784 = arith.constant 5 : i32
    %get3A_2785 = arith.index_cast %get3A_2784 : i32 to index
    %get3A_2786 = arith.constant 336 : index
    %get3A_2787 = tpu.vector_load %arg14[%get3A_2785, %get3A_2786] {strides = array<i32>} : memref<16x512xf32, #tpu.memory_space<vmem>>, vector<16xf32>,
    %add3A_2788 = arith.addf %add3A_2783, %get3A_2787 : vector<16xf32>
    %get3A_2789 = arith.constant 6 : i32
    %get3A_2790 = arith.index_cast %get3A_2789 : i32 to index
    %get3A_2791 = arith.constant 336 : index
    %get3A_2792 = tpu.vector_load %arg14[%get3A_2790, %get3A_2791] {strides = array<i32>} : memref<16x512xf32, #tpu.memory_space<vmem>>, vector<16xf32>,
    %add3A_2793 = arith.addf %add3A_2788, %get3A_2792 : vector<16xf32>
    %get3A_2794 = arith.constant 7 : i32
    %get3A_2795 = arith.index_cast %get3A_2794 : i32 to index
    %get3A_2796 = arith.constant 336 : index
    %get3A_2797 = tpu.vector_load %arg14[%get3A_2795, %get3A_2796] {strides = array<i32>} : memref<16x512xf32, #tpu.memory_space<vmem>>, vector<16xf32>,
    %add3A_2798 = arith.addf %add3A_2793, %get3A_2797 : vector<16xf32>
    %get3A_2799 = arith.constant 8 : i32
    %get3A_2800 = arith.index_cast %get3A_2799 : i32 to index
    %get3A_2801 = arith.constant 336 : index
    %get3A_2802 = tpu.vector_load %arg14[%get3A_2800, %get3A_2801] {strides = array<i32>} : memref<16x512xf32, #tpu.memory_space<vmem>>, vector<16xf32>,
    %add3A_2803 = arith.addf %add3A_2798, %get3A_2802 : vector<16xf32>
    %get3A_2804 = arith.constant 9 : i32
    %get3A_2805 = arith.index_cast %get3A_2804 : i32 to index
    %get3A_2806 = arith.constant 336 : index
    %get3A_2807 = tpu.vector_load %arg14[%get3A_2805, %get3A_2806] {strides = array<i32>} : memref<16x512xf32, #tpu.memory_space<vmem>>, vector<16xf32>,
    %add3A_2808 = arith.addf %add3A_2803, %get3A_2807 : vector<16xf32>
    %get3A_2809 = arith.constant 10 : i32
    %get3A_2810 = arith.index_cast %get3A_2809 : i32 to index
    %get3A_2811 = arith.constant 336 : index
    %get3A_2812 = tpu.vector_load %arg14[%get3A_2810, %get3A_2811] {strides = array<i32>} : memref<16x512xf32, #tpu.memory_space<vmem>>, vector<16xf32>,
    %add3A_2813 = arith.addf %add3A_2808, %get3A_2812 : vector<16xf32>
    %get3A_2814 = arith.constant 11 : i32
    %get3A_2815 = arith.index_cast %get3A_2814 : i32 to index
    %get3A_2816 = arith.constant 336 : index
    %get3A_2817 = tpu.vector_load %arg14[%get3A_2815, %get3A_2816] {strides = array<i32>} : memref<16x512xf32, #tpu.memory_space<vmem>>, vector<16xf32>,
    %add3A_2818 = arith.addf %add3A_2813, %get3A_2817 : vector<16xf32>
    %get3A_2819 = arith.constant 12 : i32
    %get3A_2820 = arith.index_cast %get3A_2819 : i32 to index
    %get3A_2821 = arith.constant 336 : index
    %get3A_2822 = tpu.vector_load %arg14[%get3A_2820, %get3A_2821] {strides = array<i32>} : memref<16x512xf32, #tpu.memory_space<vmem>>, vector<16xf32>,
    %add3A_2823 = arith.addf %add3A_2818, %get3A_2822 : vector<16xf32>
    %get3A_2824 = arith.constant 13 : i32
    %get3A_2825 = arith.index_cast %get3A_2824 : i32 to index
    %get3A_2826 = arith.constant 336 : index
    %get3A_2827 = tpu.vector_load %arg14[%get3A_2825, %get3A_2826] {strides = array<i32>} : memref<16x512xf32, #tpu.memory_space<vmem>>, vector<16xf32>,
    %add3A_2828 = arith.addf %add3A_2823, %get3A_2827 : vector<16xf32>
    %get3A_2829 = arith.constant 14 : i32
    %get3A_2830 = arith.index_cast %get3A_2829 : i32 to index
    %get3A_2831 = arith.constant 336 : index
    %get3A_2832 = tpu.vector_load %arg14[%get3A_2830, %get3A_2831] {strides = array<i32>} : memref<16x512xf32, #tpu.memory_space<vmem>>, vector<16xf32>,
    %add3A_2833 = arith.addf %add3A_2828, %get3A_2832 : vector<16xf32>
    %get3A_2834 = arith.constant 15 : i32
    %get3A_2835 = arith.index_cast %get3A_2834 : i32 to index
    %get3A_2836 = arith.constant 336 : index
    %get3A_2837 = tpu.vector_load %arg14[%get3A_2835, %get3A_2836] {strides = array<i32>} : memref<16x512xf32, #tpu.memory_space<vmem>>, vector<16xf32>,
    %add3A_2838 = arith.addf %add3A_2833, %get3A_2837 : vector<16xf32>
    %swap3A_2839 = arith.constant 336 : index
    %swap3A_2840 = tpu.vector_load %arg15[%swap3A_2839] {strides = array<i32>} : memref<512xf32, #tpu.memory_space<vmem>>, vector<16xf32>,
    tpu.vector_store %arg15[%swap3A_2839], %add3A_2838 {strides = array<i32>} : memref<512xf32, #tpu.memory_space<vmem>>, vector<16xf32>,
    %get3A_2841 = arith.constant 0 : i32
    %get3A_2842 = arith.index_cast %get3A_2841 : i32 to index
    %get3A_2843 = arith.constant 352 : index
    %get3A_2844 = tpu.vector_load %arg14[%get3A_2842, %get3A_2843] {strides = array<i32>} : memref<16x512xf32, #tpu.memory_space<vmem>>, vector<16xf32>,
    %get3A_2845 = arith.constant 1 : i32
    %get3A_2846 = arith.index_cast %get3A_2845 : i32 to index
    %get3A_2847 = arith.constant 352 : index
    %get3A_2848 = tpu.vector_load %arg14[%get3A_2846, %get3A_2847] {strides = array<i32>} : memref<16x512xf32, #tpu.memory_space<vmem>>, vector<16xf32>,
    %add3A_2849 = arith.addf %get3A_2844, %get3A_2848 : vector<16xf32>
    %get3A_2850 = arith.constant 2 : i32
    %get3A_2851 = arith.index_cast %get3A_2850 : i32 to index
    %get3A_2852 = arith.constant 352 : index
    %get3A_2853 = tpu.vector_load %arg14[%get3A_2851, %get3A_2852] {strides = array<i32>} : memref<16x512xf32, #tpu.memory_space<vmem>>, vector<16xf32>,
    %add3A_2854 = arith.addf %add3A_2849, %get3A_2853 : vector<16xf32>
    %get3A_2855 = arith.constant 3 : i32
    %get3A_2856 = arith.index_cast %get3A_2855 : i32 to index
    %get3A_2857 = arith.constant 352 : index
    %get3A_2858 = tpu.vector_load %arg14[%get3A_2856, %get3A_2857] {strides = array<i32>} : memref<16x512xf32, #tpu.memory_space<vmem>>, vector<16xf32>,
    %add3A_2859 = arith.addf %add3A_2854, %get3A_2858 : vector<16xf32>
    %get3A_2860 = arith.constant 4 : i32
    %get3A_2861 = arith.index_cast %get3A_2860 : i32 to index
    %get3A_2862 = arith.constant 352 : index
    %get3A_2863 = tpu.vector_load %arg14[%get3A_2861, %get3A_2862] {strides = array<i32>} : memref<16x512xf32, #tpu.memory_space<vmem>>, vector<16xf32>,
    %add3A_2864 = arith.addf %add3A_2859, %get3A_2863 : vector<16xf32>
    %get3A_2865 = arith.constant 5 : i32
    %get3A_2866 = arith.index_cast %get3A_2865 : i32 to index
    %get3A_2867 = arith.constant 352 : index
    %get3A_2868 = tpu.vector_load %arg14[%get3A_2866, %get3A_2867] {strides = array<i32>} : memref<16x512xf32, #tpu.memory_space<vmem>>, vector<16xf32>,
    %add3A_2869 = arith.addf %add3A_2864, %get3A_2868 : vector<16xf32>
    %get3A_2870 = arith.constant 6 : i32
    %get3A_2871 = arith.index_cast %get3A_2870 : i32 to index
    %get3A_2872 = arith.constant 352 : index
    %get3A_2873 = tpu.vector_load %arg14[%get3A_2871, %get3A_2872] {strides = array<i32>} : memref<16x512xf32, #tpu.memory_space<vmem>>, vector<16xf32>,
    %add3A_2874 = arith.addf %add3A_2869, %get3A_2873 : vector<16xf32>
    %get3A_2875 = arith.constant 7 : i32
    %get3A_2876 = arith.index_cast %get3A_2875 : i32 to index
    %get3A_2877 = arith.constant 352 : index
    %get3A_2878 = tpu.vector_load %arg14[%get3A_2876, %get3A_2877] {strides = array<i32>} : memref<16x512xf32, #tpu.memory_space<vmem>>, vector<16xf32>,
    %add3A_2879 = arith.addf %add3A_2874, %get3A_2878 : vector<16xf32>
    %get3A_2880 = arith.constant 8 : i32
    %get3A_2881 = arith.index_cast %get3A_2880 : i32 to index
    %get3A_2882 = arith.constant 352 : index
    %get3A_2883 = tpu.vector_load %arg14[%get3A_2881, %get3A_2882] {strides = array<i32>} : memref<16x512xf32, #tpu.memory_space<vmem>>, vector<16xf32>,
    %add3A_2884 = arith.addf %add3A_2879, %get3A_2883 : vector<16xf32>
    %get3A_2885 = arith.constant 9 : i32
    %get3A_2886 = arith.index_cast %get3A_2885 : i32 to index
    %get3A_2887 = arith.constant 352 : index
    %get3A_2888 = tpu.vector_load %arg14[%get3A_2886, %get3A_2887] {strides = array<i32>} : memref<16x512xf32, #tpu.memory_space<vmem>>, vector<16xf32>,
    %add3A_2889 = arith.addf %add3A_2884, %get3A_2888 : vector<16xf32>
    %get3A_2890 = arith.constant 10 : i32
    %get3A_2891 = arith.index_cast %get3A_2890 : i32 to index
    %get3A_2892 = arith.constant 352 : index
    %get3A_2893 = tpu.vector_load %arg14[%get3A_2891, %get3A_2892] {strides = array<i32>} : memref<16x512xf32, #tpu.memory_space<vmem>>, vector<16xf32>,
    %add3A_2894 = arith.addf %add3A_2889, %get3A_2893 : vector<16xf32>
    %get3A_2895 = arith.constant 11 : i32
    %get3A_2896 = arith.index_cast %get3A_2895 : i32 to index
    %get3A_2897 = arith.constant 352 : index
    %get3A_2898 = tpu.vector_load %arg14[%get3A_2896, %get3A_2897] {strides = array<i32>} : memref<16x512xf32, #tpu.memory_space<vmem>>, vector<16xf32>,
    %add3A_2899 = arith.addf %add3A_2894, %get3A_2898 : vector<16xf32>
    %get3A_2900 = arith.constant 12 : i32
    %get3A_2901 = arith.index_cast %get3A_2900 : i32 to index
    %get3A_2902 = arith.constant 352 : index
    %get3A_2903 = tpu.vector_load %arg14[%get3A_2901, %get3A_2902] {strides = array<i32>} : memref<16x512xf32, #tpu.memory_space<vmem>>, vector<16xf32>,
    %add3A_2904 = arith.addf %add3A_2899, %get3A_2903 : vector<16xf32>
    %get3A_2905 = arith.constant 13 : i32
    %get3A_2906 = arith.index_cast %get3A_2905 : i32 to index
    %get3A_2907 = arith.constant 352 : index
    %get3A_2908 = tpu.vector_load %arg14[%get3A_2906, %get3A_2907] {strides = array<i32>} : memref<16x512xf32, #tpu.memory_space<vmem>>, vector<16xf32>,
    %add3A_2909 = arith.addf %add3A_2904, %get3A_2908 : vector<16xf32>
    %get3A_2910 = arith.constant 14 : i32
    %get3A_2911 = arith.index_cast %get3A_2910 : i32 to index
    %get3A_2912 = arith.constant 352 : index
    %get3A_2913 = tpu.vector_load %arg14[%get3A_2911, %get3A_2912] {strides = array<i32>} : memref<16x512xf32, #tpu.memory_space<vmem>>, vector<16xf32>,
    %add3A_2914 = arith.addf %add3A_2909, %get3A_2913 : vector<16xf32>
    %get3A_2915 = arith.constant 15 : i32
    %get3A_2916 = arith.index_cast %get3A_2915 : i32 to index
    %get3A_2917 = arith.constant 352 : index
    %get3A_2918 = tpu.vector_load %arg14[%get3A_2916, %get3A_2917] {strides = array<i32>} : memref<16x512xf32, #tpu.memory_space<vmem>>, vector<16xf32>,
    %add3A_2919 = arith.addf %add3A_2914, %get3A_2918 : vector<16xf32>
    %swap3A_2920 = arith.constant 352 : index
    %swap3A_2921 = tpu.vector_load %arg15[%swap3A_2920] {strides = array<i32>} : memref<512xf32, #tpu.memory_space<vmem>>, vector<16xf32>,
    tpu.vector_store %arg15[%swap3A_2920], %add3A_2919 {strides = array<i32>} : memref<512xf32, #tpu.memory_space<vmem>>, vector<16xf32>,
    %get3A_2922 = arith.constant 0 : i32
    %get3A_2923 = arith.index_cast %get3A_2922 : i32 to index
    %get3A_2924 = arith.constant 368 : index
    %get3A_2925 = tpu.vector_load %arg14[%get3A_2923, %get3A_2924] {strides = array<i32>} : memref<16x512xf32, #tpu.memory_space<vmem>>, vector<16xf32>,
    %get3A_2926 = arith.constant 1 : i32
    %get3A_2927 = arith.index_cast %get3A_2926 : i32 to index
    %get3A_2928 = arith.constant 368 : index
    %get3A_2929 = tpu.vector_load %arg14[%get3A_2927, %get3A_2928] {strides = array<i32>} : memref<16x512xf32, #tpu.memory_space<vmem>>, vector<16xf32>,
    %add3A_2930 = arith.addf %get3A_2925, %get3A_2929 : vector<16xf32>
    %get3A_2931 = arith.constant 2 : i32
    %get3A_2932 = arith.index_cast %get3A_2931 : i32 to index
    %get3A_2933 = arith.constant 368 : index
    %get3A_2934 = tpu.vector_load %arg14[%get3A_2932, %get3A_2933] {strides = array<i32>} : memref<16x512xf32, #tpu.memory_space<vmem>>, vector<16xf32>,
    %add3A_2935 = arith.addf %add3A_2930, %get3A_2934 : vector<16xf32>
    %get3A_2936 = arith.constant 3 : i32
    %get3A_2937 = arith.index_cast %get3A_2936 : i32 to index
    %get3A_2938 = arith.constant 368 : index
    %get3A_2939 = tpu.vector_load %arg14[%get3A_2937, %get3A_2938] {strides = array<i32>} : memref<16x512xf32, #tpu.memory_space<vmem>>, vector<16xf32>,
    %add3A_2940 = arith.addf %add3A_2935, %get3A_2939 : vector<16xf32>
    %get3A_2941 = arith.constant 4 : i32
    %get3A_2942 = arith.index_cast %get3A_2941 : i32 to index
    %get3A_2943 = arith.constant 368 : index
    %get3A_2944 = tpu.vector_load %arg14[%get3A_2942, %get3A_2943] {strides = array<i32>} : memref<16x512xf32, #tpu.memory_space<vmem>>, vector<16xf32>,
    %add3A_2945 = arith.addf %add3A_2940, %get3A_2944 : vector<16xf32>
    %get3A_2946 = arith.constant 5 : i32
    %get3A_2947 = arith.index_cast %get3A_2946 : i32 to index
    %get3A_2948 = arith.constant 368 : index
    %get3A_2949 = tpu.vector_load %arg14[%get3A_2947, %get3A_2948] {strides = array<i32>} : memref<16x512xf32, #tpu.memory_space<vmem>>, vector<16xf32>,
    %add3A_2950 = arith.addf %add3A_2945, %get3A_2949 : vector<16xf32>
    %get3A_2951 = arith.constant 6 : i32
    %get3A_2952 = arith.index_cast %get3A_2951 : i32 to index
    %get3A_2953 = arith.constant 368 : index
    %get3A_2954 = tpu.vector_load %arg14[%get3A_2952, %get3A_2953] {strides = array<i32>} : memref<16x512xf32, #tpu.memory_space<vmem>>, vector<16xf32>,
    %add3A_2955 = arith.addf %add3A_2950, %get3A_2954 : vector<16xf32>
    %get3A_2956 = arith.constant 7 : i32
    %get3A_2957 = arith.index_cast %get3A_2956 : i32 to index
    %get3A_2958 = arith.constant 368 : index
    %get3A_2959 = tpu.vector_load %arg14[%get3A_2957, %get3A_2958] {strides = array<i32>} : memref<16x512xf32, #tpu.memory_space<vmem>>, vector<16xf32>,
    %add3A_2960 = arith.addf %add3A_2955, %get3A_2959 : vector<16xf32>
    %get3A_2961 = arith.constant 8 : i32
    %get3A_2962 = arith.index_cast %get3A_2961 : i32 to index
    %get3A_2963 = arith.constant 368 : index
    %get3A_2964 = tpu.vector_load %arg14[%get3A_2962, %get3A_2963] {strides = array<i32>} : memref<16x512xf32, #tpu.memory_space<vmem>>, vector<16xf32>,
    %add3A_2965 = arith.addf %add3A_2960, %get3A_2964 : vector<16xf32>
    %get3A_2966 = arith.constant 9 : i32
    %get3A_2967 = arith.index_cast %get3A_2966 : i32 to index
    %get3A_2968 = arith.constant 368 : index
    %get3A_2969 = tpu.vector_load %arg14[%get3A_2967, %get3A_2968] {strides = array<i32>} : memref<16x512xf32, #tpu.memory_space<vmem>>, vector<16xf32>,
    %add3A_2970 = arith.addf %add3A_2965, %get3A_2969 : vector<16xf32>
    %get3A_2971 = arith.constant 10 : i32
    %get3A_2972 = arith.index_cast %get3A_2971 : i32 to index
    %get3A_2973 = arith.constant 368 : index
    %get3A_2974 = tpu.vector_load %arg14[%get3A_2972, %get3A_2973] {strides = array<i32>} : memref<16x512xf32, #tpu.memory_space<vmem>>, vector<16xf32>,
    %add3A_2975 = arith.addf %add3A_2970, %get3A_2974 : vector<16xf32>
    %get3A_2976 = arith.constant 11 : i32
    %get3A_2977 = arith.index_cast %get3A_2976 : i32 to index
    %get3A_2978 = arith.constant 368 : index
    %get3A_2979 = tpu.vector_load %arg14[%get3A_2977, %get3A_2978] {strides = array<i32>} : memref<16x512xf32, #tpu.memory_space<vmem>>, vector<16xf32>,
    %add3A_2980 = arith.addf %add3A_2975, %get3A_2979 : vector<16xf32>
    %get3A_2981 = arith.constant 12 : i32
    %get3A_2982 = arith.index_cast %get3A_2981 : i32 to index
    %get3A_2983 = arith.constant 368 : index
    %get3A_2984 = tpu.vector_load %arg14[%get3A_2982, %get3A_2983] {strides = array<i32>} : memref<16x512xf32, #tpu.memory_space<vmem>>, vector<16xf32>,
    %add3A_2985 = arith.addf %add3A_2980, %get3A_2984 : vector<16xf32>
    %get3A_2986 = arith.constant 13 : i32
    %get3A_2987 = arith.index_cast %get3A_2986 : i32 to index
    %get3A_2988 = arith.constant 368 : index
    %get3A_2989 = tpu.vector_load %arg14[%get3A_2987, %get3A_2988] {strides = array<i32>} : memref<16x512xf32, #tpu.memory_space<vmem>>, vector<16xf32>,
    %add3A_2990 = arith.addf %add3A_2985, %get3A_2989 : vector<16xf32>
    %get3A_2991 = arith.constant 14 : i32
    %get3A_2992 = arith.index_cast %get3A_2991 : i32 to index
    %get3A_2993 = arith.constant 368 : index
    %get3A_2994 = tpu.vector_load %arg14[%get3A_2992, %get3A_2993] {strides = array<i32>} : memref<16x512xf32, #tpu.memory_space<vmem>>, vector<16xf32>,
    %add3A_2995 = arith.addf %add3A_2990, %get3A_2994 : vector<16xf32>
    %get3A_2996 = arith.constant 15 : i32
    %get3A_2997 = arith.index_cast %get3A_2996 : i32 to index
    %get3A_2998 = arith.constant 368 : index
    %get3A_2999 = tpu.vector_load %arg14[%get3A_2997, %get3A_2998] {strides = array<i32>} : memref<16x512xf32, #tpu.memory_space<vmem>>, vector<16xf32>,
    %add3A_3000 = arith.addf %add3A_2995, %get3A_2999 : vector<16xf32>
    %swap3A_3001 = arith.constant 368 : index
    %swap3A_3002 = tpu.vector_load %arg15[%swap3A_3001] {strides = array<i32>} : memref<512xf32, #tpu.memory_space<vmem>>, vector<16xf32>,
    tpu.vector_store %arg15[%swap3A_3001], %add3A_3000 {strides = array<i32>} : memref<512xf32, #tpu.memory_space<vmem>>, vector<16xf32>,
    %get3A_3003 = arith.constant 0 : i32
    %get3A_3004 = arith.index_cast %get3A_3003 : i32 to index
    %get3A_3005 = arith.constant 384 : index
    %get3A_3006 = tpu.vector_load %arg14[%get3A_3004, %get3A_3005] {strides = array<i32>} : memref<16x512xf32, #tpu.memory_space<vmem>>, vector<16xf32>,
    %get3A_3007 = arith.constant 1 : i32
    %get3A_3008 = arith.index_cast %get3A_3007 : i32 to index
    %get3A_3009 = arith.constant 384 : index
    %get3A_3010 = tpu.vector_load %arg14[%get3A_3008, %get3A_3009] {strides = array<i32>} : memref<16x512xf32, #tpu.memory_space<vmem>>, vector<16xf32>,
    %add3A_3011 = arith.addf %get3A_3006, %get3A_3010 : vector<16xf32>
    %get3A_3012 = arith.constant 2 : i32
    %get3A_3013 = arith.index_cast %get3A_3012 : i32 to index
    %get3A_3014 = arith.constant 384 : index
    %get3A_3015 = tpu.vector_load %arg14[%get3A_3013, %get3A_3014] {strides = array<i32>} : memref<16x512xf32, #tpu.memory_space<vmem>>, vector<16xf32>,
    %add3A_3016 = arith.addf %add3A_3011, %get3A_3015 : vector<16xf32>
    %get3A_3017 = arith.constant 3 : i32
    %get3A_3018 = arith.index_cast %get3A_3017 : i32 to index
    %get3A_3019 = arith.constant 384 : index
    %get3A_3020 = tpu.vector_load %arg14[%get3A_3018, %get3A_3019] {strides = array<i32>} : memref<16x512xf32, #tpu.memory_space<vmem>>, vector<16xf32>,
    %add3A_3021 = arith.addf %add3A_3016, %get3A_3020 : vector<16xf32>
    %get3A_3022 = arith.constant 4 : i32
    %get3A_3023 = arith.index_cast %get3A_3022 : i32 to index
    %get3A_3024 = arith.constant 384 : index
    %get3A_3025 = tpu.vector_load %arg14[%get3A_3023, %get3A_3024] {strides = array<i32>} : memref<16x512xf32, #tpu.memory_space<vmem>>, vector<16xf32>,
    %add3A_3026 = arith.addf %add3A_3021, %get3A_3025 : vector<16xf32>
    %get3A_3027 = arith.constant 5 : i32
    %get3A_3028 = arith.index_cast %get3A_3027 : i32 to index
    %get3A_3029 = arith.constant 384 : index
    %get3A_3030 = tpu.vector_load %arg14[%get3A_3028, %get3A_3029] {strides = array<i32>} : memref<16x512xf32, #tpu.memory_space<vmem>>, vector<16xf32>,
    %add3A_3031 = arith.addf %add3A_3026, %get3A_3030 : vector<16xf32>
    %get3A_3032 = arith.constant 6 : i32
    %get3A_3033 = arith.index_cast %get3A_3032 : i32 to index
    %get3A_3034 = arith.constant 384 : index
    %get3A_3035 = tpu.vector_load %arg14[%get3A_3033, %get3A_3034] {strides = array<i32>} : memref<16x512xf32, #tpu.memory_space<vmem>>, vector<16xf32>,
    %add3A_3036 = arith.addf %add3A_3031, %get3A_3035 : vector<16xf32>
    %get3A_3037 = arith.constant 7 : i32
    %get3A_3038 = arith.index_cast %get3A_3037 : i32 to index
    %get3A_3039 = arith.constant 384 : index
    %get3A_3040 = tpu.vector_load %arg14[%get3A_3038, %get3A_3039] {strides = array<i32>} : memref<16x512xf32, #tpu.memory_space<vmem>>, vector<16xf32>,
    %add3A_3041 = arith.addf %add3A_3036, %get3A_3040 : vector<16xf32>
    %get3A_3042 = arith.constant 8 : i32
    %get3A_3043 = arith.index_cast %get3A_3042 : i32 to index
    %get3A_3044 = arith.constant 384 : index
    %get3A_3045 = tpu.vector_load %arg14[%get3A_3043, %get3A_3044] {strides = array<i32>} : memref<16x512xf32, #tpu.memory_space<vmem>>, vector<16xf32>,
    %add3A_3046 = arith.addf %add3A_3041, %get3A_3045 : vector<16xf32>
    %get3A_3047 = arith.constant 9 : i32
    %get3A_3048 = arith.index_cast %get3A_3047 : i32 to index
    %get3A_3049 = arith.constant 384 : index
    %get3A_3050 = tpu.vector_load %arg14[%get3A_3048, %get3A_3049] {strides = array<i32>} : memref<16x512xf32, #tpu.memory_space<vmem>>, vector<16xf32>,
    %add3A_3051 = arith.addf %add3A_3046, %get3A_3050 : vector<16xf32>
    %get3A_3052 = arith.constant 10 : i32
    %get3A_3053 = arith.index_cast %get3A_3052 : i32 to index
    %get3A_3054 = arith.constant 384 : index
    %get3A_3055 = tpu.vector_load %arg14[%get3A_3053, %get3A_3054] {strides = array<i32>} : memref<16x512xf32, #tpu.memory_space<vmem>>, vector<16xf32>,
    %add3A_3056 = arith.addf %add3A_3051, %get3A_3055 : vector<16xf32>
    %get3A_3057 = arith.constant 11 : i32
    %get3A_3058 = arith.index_cast %get3A_3057 : i32 to index
    %get3A_3059 = arith.constant 384 : index
    %get3A_3060 = tpu.vector_load %arg14[%get3A_3058, %get3A_3059] {strides = array<i32>} : memref<16x512xf32, #tpu.memory_space<vmem>>, vector<16xf32>,
    %add3A_3061 = arith.addf %add3A_3056, %get3A_3060 : vector<16xf32>
    %get3A_3062 = arith.constant 12 : i32
    %get3A_3063 = arith.index_cast %get3A_3062 : i32 to index
    %get3A_3064 = arith.constant 384 : index
    %get3A_3065 = tpu.vector_load %arg14[%get3A_3063, %get3A_3064] {strides = array<i32>} : memref<16x512xf32, #tpu.memory_space<vmem>>, vector<16xf32>,
    %add3A_3066 = arith.addf %add3A_3061, %get3A_3065 : vector<16xf32>
    %get3A_3067 = arith.constant 13 : i32
    %get3A_3068 = arith.index_cast %get3A_3067 : i32 to index
    %get3A_3069 = arith.constant 384 : index
    %get3A_3070 = tpu.vector_load %arg14[%get3A_3068, %get3A_3069] {strides = array<i32>} : memref<16x512xf32, #tpu.memory_space<vmem>>, vector<16xf32>,
    %add3A_3071 = arith.addf %add3A_3066, %get3A_3070 : vector<16xf32>
    %get3A_3072 = arith.constant 14 : i32
    %get3A_3073 = arith.index_cast %get3A_3072 : i32 to index
    %get3A_3074 = arith.constant 384 : index
    %get3A_3075 = tpu.vector_load %arg14[%get3A_3073, %get3A_3074] {strides = array<i32>} : memref<16x512xf32, #tpu.memory_space<vmem>>, vector<16xf32>,
    %add3A_3076 = arith.addf %add3A_3071, %get3A_3075 : vector<16xf32>
    %get3A_3077 = arith.constant 15 : i32
    %get3A_3078 = arith.index_cast %get3A_3077 : i32 to index
    %get3A_3079 = arith.constant 384 : index
    %get3A_3080 = tpu.vector_load %arg14[%get3A_3078, %get3A_3079] {strides = array<i32>} : memref<16x512xf32, #tpu.memory_space<vmem>>, vector<16xf32>,
    %add3A_3081 = arith.addf %add3A_3076, %get3A_3080 : vector<16xf32>
    %swap3A_3082 = arith.constant 384 : index
    %swap3A_3083 = tpu.vector_load %arg15[%swap3A_3082] {strides = array<i32>} : memref<512xf32, #tpu.memory_space<vmem>>, vector<16xf32>,
    tpu.vector_store %arg15[%swap3A_3082], %add3A_3081 {strides = array<i32>} : memref<512xf32, #tpu.memory_space<vmem>>, vector<16xf32>,
    %get3A_3084 = arith.constant 0 : i32
    %get3A_3085 = arith.index_cast %get3A_3084 : i32 to index
    %get3A_3086 = arith.constant 400 : index
    %get3A_3087 = tpu.vector_load %arg14[%get3A_3085, %get3A_3086] {strides = array<i32>} : memref<16x512xf32, #tpu.memory_space<vmem>>, vector<16xf32>,
    %get3A_3088 = arith.constant 1 : i32
    %get3A_3089 = arith.index_cast %get3A_3088 : i32 to index
    %get3A_3090 = arith.constant 400 : index
    %get3A_3091 = tpu.vector_load %arg14[%get3A_3089, %get3A_3090] {strides = array<i32>} : memref<16x512xf32, #tpu.memory_space<vmem>>, vector<16xf32>,
    %add3A_3092 = arith.addf %get3A_3087, %get3A_3091 : vector<16xf32>
    %get3A_3093 = arith.constant 2 : i32
    %get3A_3094 = arith.index_cast %get3A_3093 : i32 to index
    %get3A_3095 = arith.constant 400 : index
    %get3A_3096 = tpu.vector_load %arg14[%get3A_3094, %get3A_3095] {strides = array<i32>} : memref<16x512xf32, #tpu.memory_space<vmem>>, vector<16xf32>,
    %add3A_3097 = arith.addf %add3A_3092, %get3A_3096 : vector<16xf32>
    %get3A_3098 = arith.constant 3 : i32
    %get3A_3099 = arith.index_cast %get3A_3098 : i32 to index
    %get3A_3100 = arith.constant 400 : index
    %get3A_3101 = tpu.vector_load %arg14[%get3A_3099, %get3A_3100] {strides = array<i32>} : memref<16x512xf32, #tpu.memory_space<vmem>>, vector<16xf32>,
    %add3A_3102 = arith.addf %add3A_3097, %get3A_3101 : vector<16xf32>
    %get3A_3103 = arith.constant 4 : i32
    %get3A_3104 = arith.index_cast %get3A_3103 : i32 to index
    %get3A_3105 = arith.constant 400 : index
    %get3A_3106 = tpu.vector_load %arg14[%get3A_3104, %get3A_3105] {strides = array<i32>} : memref<16x512xf32, #tpu.memory_space<vmem>>, vector<16xf32>,
    %add3A_3107 = arith.addf %add3A_3102, %get3A_3106 : vector<16xf32>
    %get3A_3108 = arith.constant 5 : i32
    %get3A_3109 = arith.index_cast %get3A_3108 : i32 to index
    %get3A_3110 = arith.constant 400 : index
    %get3A_3111 = tpu.vector_load %arg14[%get3A_3109, %get3A_3110] {strides = array<i32>} : memref<16x512xf32, #tpu.memory_space<vmem>>, vector<16xf32>,
    %add3A_3112 = arith.addf %add3A_3107, %get3A_3111 : vector<16xf32>
    %get3A_3113 = arith.constant 6 : i32
    %get3A_3114 = arith.index_cast %get3A_3113 : i32 to index
    %get3A_3115 = arith.constant 400 : index
    %get3A_3116 = tpu.vector_load %arg14[%get3A_3114, %get3A_3115] {strides = array<i32>} : memref<16x512xf32, #tpu.memory_space<vmem>>, vector<16xf32>,
    %add3A_3117 = arith.addf %add3A_3112, %get3A_3116 : vector<16xf32>
    %get3A_3118 = arith.constant 7 : i32
    %get3A_3119 = arith.index_cast %get3A_3118 : i32 to index
    %get3A_3120 = arith.constant 400 : index
    %get3A_3121 = tpu.vector_load %arg14[%get3A_3119, %get3A_3120] {strides = array<i32>} : memref<16x512xf32, #tpu.memory_space<vmem>>, vector<16xf32>,
    %add3A_3122 = arith.addf %add3A_3117, %get3A_3121 : vector<16xf32>
    %get3A_3123 = arith.constant 8 : i32
    %get3A_3124 = arith.index_cast %get3A_3123 : i32 to index
    %get3A_3125 = arith.constant 400 : index
    %get3A_3126 = tpu.vector_load %arg14[%get3A_3124, %get3A_3125] {strides = array<i32>} : memref<16x512xf32, #tpu.memory_space<vmem>>, vector<16xf32>,
    %add3A_3127 = arith.addf %add3A_3122, %get3A_3126 : vector<16xf32>
    %get3A_3128 = arith.constant 9 : i32
    %get3A_3129 = arith.index_cast %get3A_3128 : i32 to index
    %get3A_3130 = arith.constant 400 : index
    %get3A_3131 = tpu.vector_load %arg14[%get3A_3129, %get3A_3130] {strides = array<i32>} : memref<16x512xf32, #tpu.memory_space<vmem>>, vector<16xf32>,
    %add3A_3132 = arith.addf %add3A_3127, %get3A_3131 : vector<16xf32>
    %get3A_3133 = arith.constant 10 : i32
    %get3A_3134 = arith.index_cast %get3A_3133 : i32 to index
    %get3A_3135 = arith.constant 400 : index
    %get3A_3136 = tpu.vector_load %arg14[%get3A_3134, %get3A_3135] {strides = array<i32>} : memref<16x512xf32, #tpu.memory_space<vmem>>, vector<16xf32>,
    %add3A_3137 = arith.addf %add3A_3132, %get3A_3136 : vector<16xf32>
    %get3A_3138 = arith.constant 11 : i32
    %get3A_3139 = arith.index_cast %get3A_3138 : i32 to index
    %get3A_3140 = arith.constant 400 : index
    %get3A_3141 = tpu.vector_load %arg14[%get3A_3139, %get3A_3140] {strides = array<i32>} : memref<16x512xf32, #tpu.memory_space<vmem>>, vector<16xf32>,
    %add3A_3142 = arith.addf %add3A_3137, %get3A_3141 : vector<16xf32>
    %get3A_3143 = arith.constant 12 : i32
    %get3A_3144 = arith.index_cast %get3A_3143 : i32 to index
    %get3A_3145 = arith.constant 400 : index
    %get3A_3146 = tpu.vector_load %arg14[%get3A_3144, %get3A_3145] {strides = array<i32>} : memref<16x512xf32, #tpu.memory_space<vmem>>, vector<16xf32>,
    %add3A_3147 = arith.addf %add3A_3142, %get3A_3146 : vector<16xf32>
    %get3A_3148 = arith.constant 13 : i32
    %get3A_3149 = arith.index_cast %get3A_3148 : i32 to index
    %get3A_3150 = arith.constant 400 : index
    %get3A_3151 = tpu.vector_load %arg14[%get3A_3149, %get3A_3150] {strides = array<i32>} : memref<16x512xf32, #tpu.memory_space<vmem>>, vector<16xf32>,
    %add3A_3152 = arith.addf %add3A_3147, %get3A_3151 : vector<16xf32>
    %get3A_3153 = arith.constant 14 : i32
    %get3A_3154 = arith.index_cast %get3A_3153 : i32 to index
    %get3A_3155 = arith.constant 400 : index
    %get3A_3156 = tpu.vector_load %arg14[%get3A_3154, %get3A_3155] {strides = array<i32>} : memref<16x512xf32, #tpu.memory_space<vmem>>, vector<16xf32>,
    %add3A_3157 = arith.addf %add3A_3152, %get3A_3156 : vector<16xf32>
    %get3A_3158 = arith.constant 15 : i32
    %get3A_3159 = arith.index_cast %get3A_3158 : i32 to index
    %get3A_3160 = arith.constant 400 : index
    %get3A_3161 = tpu.vector_load %arg14[%get3A_3159, %get3A_3160] {strides = array<i32>} : memref<16x512xf32, #tpu.memory_space<vmem>>, vector<16xf32>,
    %add3A_3162 = arith.addf %add3A_3157, %get3A_3161 : vector<16xf32>
    %swap3A_3163 = arith.constant 400 : index
    %swap3A_3164 = tpu.vector_load %arg15[%swap3A_3163] {strides = array<i32>} : memref<512xf32, #tpu.memory_space<vmem>>, vector<16xf32>,
    tpu.vector_store %arg15[%swap3A_3163], %add3A_3162 {strides = array<i32>} : memref<512xf32, #tpu.memory_space<vmem>>, vector<16xf32>,
    %get3A_3165 = arith.constant 0 : i32
    %get3A_3166 = arith.index_cast %get3A_3165 : i32 to index
    %get3A_3167 = arith.constant 416 : index
    %get3A_3168 = tpu.vector_load %arg14[%get3A_3166, %get3A_3167] {strides = array<i32>} : memref<16x512xf32, #tpu.memory_space<vmem>>, vector<16xf32>,
    %get3A_3169 = arith.constant 1 : i32
    %get3A_3170 = arith.index_cast %get3A_3169 : i32 to index
    %get3A_3171 = arith.constant 416 : index
    %get3A_3172 = tpu.vector_load %arg14[%get3A_3170, %get3A_3171] {strides = array<i32>} : memref<16x512xf32, #tpu.memory_space<vmem>>, vector<16xf32>,
    %add3A_3173 = arith.addf %get3A_3168, %get3A_3172 : vector<16xf32>
    %get3A_3174 = arith.constant 2 : i32
    %get3A_3175 = arith.index_cast %get3A_3174 : i32 to index
    %get3A_3176 = arith.constant 416 : index
    %get3A_3177 = tpu.vector_load %arg14[%get3A_3175, %get3A_3176] {strides = array<i32>} : memref<16x512xf32, #tpu.memory_space<vmem>>, vector<16xf32>,
    %add3A_3178 = arith.addf %add3A_3173, %get3A_3177 : vector<16xf32>
    %get3A_3179 = arith.constant 3 : i32
    %get3A_3180 = arith.index_cast %get3A_3179 : i32 to index
    %get3A_3181 = arith.constant 416 : index
    %get3A_3182 = tpu.vector_load %arg14[%get3A_3180, %get3A_3181] {strides = array<i32>} : memref<16x512xf32, #tpu.memory_space<vmem>>, vector<16xf32>,
    %add3A_3183 = arith.addf %add3A_3178, %get3A_3182 : vector<16xf32>
    %get3A_3184 = arith.constant 4 : i32
    %get3A_3185 = arith.index_cast %get3A_3184 : i32 to index
    %get3A_3186 = arith.constant 416 : index
    %get3A_3187 = tpu.vector_load %arg14[%get3A_3185, %get3A_3186] {strides = array<i32>} : memref<16x512xf32, #tpu.memory_space<vmem>>, vector<16xf32>,
    %add3A_3188 = arith.addf %add3A_3183, %get3A_3187 : vector<16xf32>
    %get3A_3189 = arith.constant 5 : i32
    %get3A_3190 = arith.index_cast %get3A_3189 : i32 to index
    %get3A_3191 = arith.constant 416 : index
    %get3A_3192 = tpu.vector_load %arg14[%get3A_3190, %get3A_3191] {strides = array<i32>} : memref<16x512xf32, #tpu.memory_space<vmem>>, vector<16xf32>,
    %add3A_3193 = arith.addf %add3A_3188, %get3A_3192 : vector<16xf32>
    %get3A_3194 = arith.constant 6 : i32
    %get3A_3195 = arith.index_cast %get3A_3194 : i32 to index
    %get3A_3196 = arith.constant 416 : index
    %get3A_3197 = tpu.vector_load %arg14[%get3A_3195, %get3A_3196] {strides = array<i32>} : memref<16x512xf32, #tpu.memory_space<vmem>>, vector<16xf32>,
    %add3A_3198 = arith.addf %add3A_3193, %get3A_3197 : vector<16xf32>
    %get3A_3199 = arith.constant 7 : i32
    %get3A_3200 = arith.index_cast %get3A_3199 : i32 to index
    %get3A_3201 = arith.constant 416 : index
    %get3A_3202 = tpu.vector_load %arg14[%get3A_3200, %get3A_3201] {strides = array<i32>} : memref<16x512xf32, #tpu.memory_space<vmem>>, vector<16xf32>,
    %add3A_3203 = arith.addf %add3A_3198, %get3A_3202 : vector<16xf32>
    %get3A_3204 = arith.constant 8 : i32
    %get3A_3205 = arith.index_cast %get3A_3204 : i32 to index
    %get3A_3206 = arith.constant 416 : index
    %get3A_3207 = tpu.vector_load %arg14[%get3A_3205, %get3A_3206] {strides = array<i32>} : memref<16x512xf32, #tpu.memory_space<vmem>>, vector<16xf32>,
    %add3A_3208 = arith.addf %add3A_3203, %get3A_3207 : vector<16xf32>
    %get3A_3209 = arith.constant 9 : i32
    %get3A_3210 = arith.index_cast %get3A_3209 : i32 to index
    %get3A_3211 = arith.constant 416 : index
    %get3A_3212 = tpu.vector_load %arg14[%get3A_3210, %get3A_3211] {strides = array<i32>} : memref<16x512xf32, #tpu.memory_space<vmem>>, vector<16xf32>,
    %add3A_3213 = arith.addf %add3A_3208, %get3A_3212 : vector<16xf32>
    %get3A_3214 = arith.constant 10 : i32
    %get3A_3215 = arith.index_cast %get3A_3214 : i32 to index
    %get3A_3216 = arith.constant 416 : index
    %get3A_3217 = tpu.vector_load %arg14[%get3A_3215, %get3A_3216] {strides = array<i32>} : memref<16x512xf32, #tpu.memory_space<vmem>>, vector<16xf32>,
    %add3A_3218 = arith.addf %add3A_3213, %get3A_3217 : vector<16xf32>
    %get3A_3219 = arith.constant 11 : i32
    %get3A_3220 = arith.index_cast %get3A_3219 : i32 to index
    %get3A_3221 = arith.constant 416 : index
    %get3A_3222 = tpu.vector_load %arg14[%get3A_3220, %get3A_3221] {strides = array<i32>} : memref<16x512xf32, #tpu.memory_space<vmem>>, vector<16xf32>,
    %add3A_3223 = arith.addf %add3A_3218, %get3A_3222 : vector<16xf32>
    %get3A_3224 = arith.constant 12 : i32
    %get3A_3225 = arith.index_cast %get3A_3224 : i32 to index
    %get3A_3226 = arith.constant 416 : index
    %get3A_3227 = tpu.vector_load %arg14[%get3A_3225, %get3A_3226] {strides = array<i32>} : memref<16x512xf32, #tpu.memory_space<vmem>>, vector<16xf32>,
    %add3A_3228 = arith.addf %add3A_3223, %get3A_3227 : vector<16xf32>
    %get3A_3229 = arith.constant 13 : i32
    %get3A_3230 = arith.index_cast %get3A_3229 : i32 to index
    %get3A_3231 = arith.constant 416 : index
    %get3A_3232 = tpu.vector_load %arg14[%get3A_3230, %get3A_3231] {strides = array<i32>} : memref<16x512xf32, #tpu.memory_space<vmem>>, vector<16xf32>,
    %add3A_3233 = arith.addf %add3A_3228, %get3A_3232 : vector<16xf32>
    %get3A_3234 = arith.constant 14 : i32
    %get3A_3235 = arith.index_cast %get3A_3234 : i32 to index
    %get3A_3236 = arith.constant 416 : index
    %get3A_3237 = tpu.vector_load %arg14[%get3A_3235, %get3A_3236] {strides = array<i32>} : memref<16x512xf32, #tpu.memory_space<vmem>>, vector<16xf32>,
    %add3A_3238 = arith.addf %add3A_3233, %get3A_3237 : vector<16xf32>
    %get3A_3239 = arith.constant 15 : i32
    %get3A_3240 = arith.index_cast %get3A_3239 : i32 to index
    %get3A_3241 = arith.constant 416 : index
    %get3A_3242 = tpu.vector_load %arg14[%get3A_3240, %get3A_3241] {strides = array<i32>} : memref<16x512xf32, #tpu.memory_space<vmem>>, vector<16xf32>,
    %add3A_3243 = arith.addf %add3A_3238, %get3A_3242 : vector<16xf32>
    %swap3A_3244 = arith.constant 416 : index
    %swap3A_3245 = tpu.vector_load %arg15[%swap3A_3244] {strides = array<i32>} : memref<512xf32, #tpu.memory_space<vmem>>, vector<16xf32>,
    tpu.vector_store %arg15[%swap3A_3244], %add3A_3243 {strides = array<i32>} : memref<512xf32, #tpu.memory_space<vmem>>, vector<16xf32>,
    %get3A_3246 = arith.constant 0 : i32
    %get3A_3247 = arith.index_cast %get3A_3246 : i32 to index
    %get3A_3248 = arith.constant 432 : index
    %get3A_3249 = tpu.vector_load %arg14[%get3A_3247, %get3A_3248] {strides = array<i32>} : memref<16x512xf32, #tpu.memory_space<vmem>>, vector<16xf32>,
    %get3A_3250 = arith.constant 1 : i32
    %get3A_3251 = arith.index_cast %get3A_3250 : i32 to index
    %get3A_3252 = arith.constant 432 : index
    %get3A_3253 = tpu.vector_load %arg14[%get3A_3251, %get3A_3252] {strides = array<i32>} : memref<16x512xf32, #tpu.memory_space<vmem>>, vector<16xf32>,
    %add3A_3254 = arith.addf %get3A_3249, %get3A_3253 : vector<16xf32>
    %get3A_3255 = arith.constant 2 : i32
    %get3A_3256 = arith.index_cast %get3A_3255 : i32 to index
    %get3A_3257 = arith.constant 432 : index
    %get3A_3258 = tpu.vector_load %arg14[%get3A_3256, %get3A_3257] {strides = array<i32>} : memref<16x512xf32, #tpu.memory_space<vmem>>, vector<16xf32>,
    %add3A_3259 = arith.addf %add3A_3254, %get3A_3258 : vector<16xf32>
    %get3A_3260 = arith.constant 3 : i32
    %get3A_3261 = arith.index_cast %get3A_3260 : i32 to index
    %get3A_3262 = arith.constant 432 : index
    %get3A_3263 = tpu.vector_load %arg14[%get3A_3261, %get3A_3262] {strides = array<i32>} : memref<16x512xf32, #tpu.memory_space<vmem>>, vector<16xf32>,
    %add3A_3264 = arith.addf %add3A_3259, %get3A_3263 : vector<16xf32>
    %get3A_3265 = arith.constant 4 : i32
    %get3A_3266 = arith.index_cast %get3A_3265 : i32 to index
    %get3A_3267 = arith.constant 432 : index
    %get3A_3268 = tpu.vector_load %arg14[%get3A_3266, %get3A_3267] {strides = array<i32>} : memref<16x512xf32, #tpu.memory_space<vmem>>, vector<16xf32>,
    %add3A_3269 = arith.addf %add3A_3264, %get3A_3268 : vector<16xf32>
    %get3A_3270 = arith.constant 5 : i32
    %get3A_3271 = arith.index_cast %get3A_3270 : i32 to index
    %get3A_3272 = arith.constant 432 : index
    %get3A_3273 = tpu.vector_load %arg14[%get3A_3271, %get3A_3272] {strides = array<i32>} : memref<16x512xf32, #tpu.memory_space<vmem>>, vector<16xf32>,
    %add3A_3274 = arith.addf %add3A_3269, %get3A_3273 : vector<16xf32>
    %get3A_3275 = arith.constant 6 : i32
    %get3A_3276 = arith.index_cast %get3A_3275 : i32 to index
    %get3A_3277 = arith.constant 432 : index
    %get3A_3278 = tpu.vector_load %arg14[%get3A_3276, %get3A_3277] {strides = array<i32>} : memref<16x512xf32, #tpu.memory_space<vmem>>, vector<16xf32>,
    %add3A_3279 = arith.addf %add3A_3274, %get3A_3278 : vector<16xf32>
    %get3A_3280 = arith.constant 7 : i32
    %get3A_3281 = arith.index_cast %get3A_3280 : i32 to index
    %get3A_3282 = arith.constant 432 : index
    %get3A_3283 = tpu.vector_load %arg14[%get3A_3281, %get3A_3282] {strides = array<i32>} : memref<16x512xf32, #tpu.memory_space<vmem>>, vector<16xf32>,
    %add3A_3284 = arith.addf %add3A_3279, %get3A_3283 : vector<16xf32>
    %get3A_3285 = arith.constant 8 : i32
    %get3A_3286 = arith.index_cast %get3A_3285 : i32 to index
    %get3A_3287 = arith.constant 432 : index
    %get3A_3288 = tpu.vector_load %arg14[%get3A_3286, %get3A_3287] {strides = array<i32>} : memref<16x512xf32, #tpu.memory_space<vmem>>, vector<16xf32>,
    %add3A_3289 = arith.addf %add3A_3284, %get3A_3288 : vector<16xf32>
    %get3A_3290 = arith.constant 9 : i32
    %get3A_3291 = arith.index_cast %get3A_3290 : i32 to index
    %get3A_3292 = arith.constant 432 : index
    %get3A_3293 = tpu.vector_load %arg14[%get3A_3291, %get3A_3292] {strides = array<i32>} : memref<16x512xf32, #tpu.memory_space<vmem>>, vector<16xf32>,
    %add3A_3294 = arith.addf %add3A_3289, %get3A_3293 : vector<16xf32>
    %get3A_3295 = arith.constant 10 : i32
    %get3A_3296 = arith.index_cast %get3A_3295 : i32 to index
    %get3A_3297 = arith.constant 432 : index
    %get3A_3298 = tpu.vector_load %arg14[%get3A_3296, %get3A_3297] {strides = array<i32>} : memref<16x512xf32, #tpu.memory_space<vmem>>, vector<16xf32>,
    %add3A_3299 = arith.addf %add3A_3294, %get3A_3298 : vector<16xf32>
    %get3A_3300 = arith.constant 11 : i32
    %get3A_3301 = arith.index_cast %get3A_3300 : i32 to index
    %get3A_3302 = arith.constant 432 : index
    %get3A_3303 = tpu.vector_load %arg14[%get3A_3301, %get3A_3302] {strides = array<i32>} : memref<16x512xf32, #tpu.memory_space<vmem>>, vector<16xf32>,
    %add3A_3304 = arith.addf %add3A_3299, %get3A_3303 : vector<16xf32>
    %get3A_3305 = arith.constant 12 : i32
    %get3A_3306 = arith.index_cast %get3A_3305 : i32 to index
    %get3A_3307 = arith.constant 432 : index
    %get3A_3308 = tpu.vector_load %arg14[%get3A_3306, %get3A_3307] {strides = array<i32>} : memref<16x512xf32, #tpu.memory_space<vmem>>, vector<16xf32>,
    %add3A_3309 = arith.addf %add3A_3304, %get3A_3308 : vector<16xf32>
    %get3A_3310 = arith.constant 13 : i32
    %get3A_3311 = arith.index_cast %get3A_3310 : i32 to index
    %get3A_3312 = arith.constant 432 : index
    %get3A_3313 = tpu.vector_load %arg14[%get3A_3311, %get3A_3312] {strides = array<i32>} : memref<16x512xf32, #tpu.memory_space<vmem>>, vector<16xf32>,
    %add3A_3314 = arith.addf %add3A_3309, %get3A_3313 : vector<16xf32>
    %get3A_3315 = arith.constant 14 : i32
    %get3A_3316 = arith.index_cast %get3A_3315 : i32 to index
    %get3A_3317 = arith.constant 432 : index
    %get3A_3318 = tpu.vector_load %arg14[%get3A_3316, %get3A_3317] {strides = array<i32>} : memref<16x512xf32, #tpu.memory_space<vmem>>, vector<16xf32>,
    %add3A_3319 = arith.addf %add3A_3314, %get3A_3318 : vector<16xf32>
    %get3A_3320 = arith.constant 15 : i32
    %get3A_3321 = arith.index_cast %get3A_3320 : i32 to index
    %get3A_3322 = arith.constant 432 : index
    %get3A_3323 = tpu.vector_load %arg14[%get3A_3321, %get3A_3322] {strides = array<i32>} : memref<16x512xf32, #tpu.memory_space<vmem>>, vector<16xf32>,
    %add3A_3324 = arith.addf %add3A_3319, %get3A_3323 : vector<16xf32>
    %swap3A_3325 = arith.constant 432 : index
    %swap3A_3326 = tpu.vector_load %arg15[%swap3A_3325] {strides = array<i32>} : memref<512xf32, #tpu.memory_space<vmem>>, vector<16xf32>,
    tpu.vector_store %arg15[%swap3A_3325], %add3A_3324 {strides = array<i32>} : memref<512xf32, #tpu.memory_space<vmem>>, vector<16xf32>,
    %get3A_3327 = arith.constant 0 : i32
    %get3A_3328 = arith.index_cast %get3A_3327 : i32 to index
    %get3A_3329 = arith.constant 448 : index
    %get3A_3330 = tpu.vector_load %arg14[%get3A_3328, %get3A_3329] {strides = array<i32>} : memref<16x512xf32, #tpu.memory_space<vmem>>, vector<16xf32>,
    %get3A_3331 = arith.constant 1 : i32
    %get3A_3332 = arith.index_cast %get3A_3331 : i32 to index
    %get3A_3333 = arith.constant 448 : index
    %get3A_3334 = tpu.vector_load %arg14[%get3A_3332, %get3A_3333] {strides = array<i32>} : memref<16x512xf32, #tpu.memory_space<vmem>>, vector<16xf32>,
    %add3A_3335 = arith.addf %get3A_3330, %get3A_3334 : vector<16xf32>
    %get3A_3336 = arith.constant 2 : i32
    %get3A_3337 = arith.index_cast %get3A_3336 : i32 to index
    %get3A_3338 = arith.constant 448 : index
    %get3A_3339 = tpu.vector_load %arg14[%get3A_3337, %get3A_3338] {strides = array<i32>} : memref<16x512xf32, #tpu.memory_space<vmem>>, vector<16xf32>,
    %add3A_3340 = arith.addf %add3A_3335, %get3A_3339 : vector<16xf32>
    %get3A_3341 = arith.constant 3 : i32
    %get3A_3342 = arith.index_cast %get3A_3341 : i32 to index
    %get3A_3343 = arith.constant 448 : index
    %get3A_3344 = tpu.vector_load %arg14[%get3A_3342, %get3A_3343] {strides = array<i32>} : memref<16x512xf32, #tpu.memory_space<vmem>>, vector<16xf32>,
    %add3A_3345 = arith.addf %add3A_3340, %get3A_3344 : vector<16xf32>
    %get3A_3346 = arith.constant 4 : i32
    %get3A_3347 = arith.index_cast %get3A_3346 : i32 to index
    %get3A_3348 = arith.constant 448 : index
    %get3A_3349 = tpu.vector_load %arg14[%get3A_3347, %get3A_3348] {strides = array<i32>} : memref<16x512xf32, #tpu.memory_space<vmem>>, vector<16xf32>,
    %add3A_3350 = arith.addf %add3A_3345, %get3A_3349 : vector<16xf32>
    %get3A_3351 = arith.constant 5 : i32
    %get3A_3352 = arith.index_cast %get3A_3351 : i32 to index
    %get3A_3353 = arith.constant 448 : index
    %get3A_3354 = tpu.vector_load %arg14[%get3A_3352, %get3A_3353] {strides = array<i32>} : memref<16x512xf32, #tpu.memory_space<vmem>>, vector<16xf32>,
    %add3A_3355 = arith.addf %add3A_3350, %get3A_3354 : vector<16xf32>
    %get3A_3356 = arith.constant 6 : i32
    %get3A_3357 = arith.index_cast %get3A_3356 : i32 to index
    %get3A_3358 = arith.constant 448 : index
    %get3A_3359 = tpu.vector_load %arg14[%get3A_3357, %get3A_3358] {strides = array<i32>} : memref<16x512xf32, #tpu.memory_space<vmem>>, vector<16xf32>,
    %add3A_3360 = arith.addf %add3A_3355, %get3A_3359 : vector<16xf32>
    %get3A_3361 = arith.constant 7 : i32
    %get3A_3362 = arith.index_cast %get3A_3361 : i32 to index
    %get3A_3363 = arith.constant 448 : index
    %get3A_3364 = tpu.vector_load %arg14[%get3A_3362, %get3A_3363] {strides = array<i32>} : memref<16x512xf32, #tpu.memory_space<vmem>>, vector<16xf32>,
    %add3A_3365 = arith.addf %add3A_3360, %get3A_3364 : vector<16xf32>
    %get3A_3366 = arith.constant 8 : i32
    %get3A_3367 = arith.index_cast %get3A_3366 : i32 to index
    %get3A_3368 = arith.constant 448 : index
    %get3A_3369 = tpu.vector_load %arg14[%get3A_3367, %get3A_3368] {strides = array<i32>} : memref<16x512xf32, #tpu.memory_space<vmem>>, vector<16xf32>,
    %add3A_3370 = arith.addf %add3A_3365, %get3A_3369 : vector<16xf32>
    %get3A_3371 = arith.constant 9 : i32
    %get3A_3372 = arith.index_cast %get3A_3371 : i32 to index
    %get3A_3373 = arith.constant 448 : index
    %get3A_3374 = tpu.vector_load %arg14[%get3A_3372, %get3A_3373] {strides = array<i32>} : memref<16x512xf32, #tpu.memory_space<vmem>>, vector<16xf32>,
    %add3A_3375 = arith.addf %add3A_3370, %get3A_3374 : vector<16xf32>
    %get3A_3376 = arith.constant 10 : i32
    %get3A_3377 = arith.index_cast %get3A_3376 : i32 to index
    %get3A_3378 = arith.constant 448 : index
    %get3A_3379 = tpu.vector_load %arg14[%get3A_3377, %get3A_3378] {strides = array<i32>} : memref<16x512xf32, #tpu.memory_space<vmem>>, vector<16xf32>,
    %add3A_3380 = arith.addf %add3A_3375, %get3A_3379 : vector<16xf32>
    %get3A_3381 = arith.constant 11 : i32
    %get3A_3382 = arith.index_cast %get3A_3381 : i32 to index
    %get3A_3383 = arith.constant 448 : index
    %get3A_3384 = tpu.vector_load %arg14[%get3A_3382, %get3A_3383] {strides = array<i32>} : memref<16x512xf32, #tpu.memory_space<vmem>>, vector<16xf32>,
    %add3A_3385 = arith.addf %add3A_3380, %get3A_3384 : vector<16xf32>
    %get3A_3386 = arith.constant 12 : i32
    %get3A_3387 = arith.index_cast %get3A_3386 : i32 to index
    %get3A_3388 = arith.constant 448 : index
    %get3A_3389 = tpu.vector_load %arg14[%get3A_3387, %get3A_3388] {strides = array<i32>} : memref<16x512xf32, #tpu.memory_space<vmem>>, vector<16xf32>,
    %add3A_3390 = arith.addf %add3A_3385, %get3A_3389 : vector<16xf32>
    %get3A_3391 = arith.constant 13 : i32
    %get3A_3392 = arith.index_cast %get3A_3391 : i32 to index
    %get3A_3393 = arith.constant 448 : index
    %get3A_3394 = tpu.vector_load %arg14[%get3A_3392, %get3A_3393] {strides = array<i32>} : memref<16x512xf32, #tpu.memory_space<vmem>>, vector<16xf32>,
    %add3A_3395 = arith.addf %add3A_3390, %get3A_3394 : vector<16xf32>
    %get3A_3396 = arith.constant 14 : i32
    %get3A_3397 = arith.index_cast %get3A_3396 : i32 to index
    %get3A_3398 = arith.constant 448 : index
    %get3A_3399 = tpu.vector_load %arg14[%get3A_3397, %get3A_3398] {strides = array<i32>} : memref<16x512xf32, #tpu.memory_space<vmem>>, vector<16xf32>,
    %add3A_3400 = arith.addf %add3A_3395, %get3A_3399 : vector<16xf32>
    %get3A_3401 = arith.constant 15 : i32
    %get3A_3402 = arith.index_cast %get3A_3401 : i32 to index
    %get3A_3403 = arith.constant 448 : index
    %get3A_3404 = tpu.vector_load %arg14[%get3A_3402, %get3A_3403] {strides = array<i32>} : memref<16x512xf32, #tpu.memory_space<vmem>>, vector<16xf32>,
    %add3A_3405 = arith.addf %add3A_3400, %get3A_3404 : vector<16xf32>
    %swap3A_3406 = arith.constant 448 : index
    %swap3A_3407 = tpu.vector_load %arg15[%swap3A_3406] {strides = array<i32>} : memref<512xf32, #tpu.memory_space<vmem>>, vector<16xf32>,
    tpu.vector_store %arg15[%swap3A_3406], %add3A_3405 {strides = array<i32>} : memref<512xf32, #tpu.memory_space<vmem>>, vector<16xf32>,
    %get3A_3408 = arith.constant 0 : i32
    %get3A_3409 = arith.index_cast %get3A_3408 : i32 to index
    %get3A_3410 = arith.constant 464 : index
    %get3A_3411 = tpu.vector_load %arg14[%get3A_3409, %get3A_3410] {strides = array<i32>} : memref<16x512xf32, #tpu.memory_space<vmem>>, vector<16xf32>,
    %get3A_3412 = arith.constant 1 : i32
    %get3A_3413 = arith.index_cast %get3A_3412 : i32 to index
    %get3A_3414 = arith.constant 464 : index
    %get3A_3415 = tpu.vector_load %arg14[%get3A_3413, %get3A_3414] {strides = array<i32>} : memref<16x512xf32, #tpu.memory_space<vmem>>, vector<16xf32>,
    %add3A_3416 = arith.addf %get3A_3411, %get3A_3415 : vector<16xf32>
    %get3A_3417 = arith.constant 2 : i32
    %get3A_3418 = arith.index_cast %get3A_3417 : i32 to index
    %get3A_3419 = arith.constant 464 : index
    %get3A_3420 = tpu.vector_load %arg14[%get3A_3418, %get3A_3419] {strides = array<i32>} : memref<16x512xf32, #tpu.memory_space<vmem>>, vector<16xf32>,
    %add3A_3421 = arith.addf %add3A_3416, %get3A_3420 : vector<16xf32>
    %get3A_3422 = arith.constant 3 : i32
    %get3A_3423 = arith.index_cast %get3A_3422 : i32 to index
    %get3A_3424 = arith.constant 464 : index
    %get3A_3425 = tpu.vector_load %arg14[%get3A_3423, %get3A_3424] {strides = array<i32>} : memref<16x512xf32, #tpu.memory_space<vmem>>, vector<16xf32>,
    %add3A_3426 = arith.addf %add3A_3421, %get3A_3425 : vector<16xf32>
    %get3A_3427 = arith.constant 4 : i32
    %get3A_3428 = arith.index_cast %get3A_3427 : i32 to index
    %get3A_3429 = arith.constant 464 : index
    %get3A_3430 = tpu.vector_load %arg14[%get3A_3428, %get3A_3429] {strides = array<i32>} : memref<16x512xf32, #tpu.memory_space<vmem>>, vector<16xf32>,
    %add3A_3431 = arith.addf %add3A_3426, %get3A_3430 : vector<16xf32>
    %get3A_3432 = arith.constant 5 : i32
    %get3A_3433 = arith.index_cast %get3A_3432 : i32 to index
    %get3A_3434 = arith.constant 464 : index
    %get3A_3435 = tpu.vector_load %arg14[%get3A_3433, %get3A_3434] {strides = array<i32>} : memref<16x512xf32, #tpu.memory_space<vmem>>, vector<16xf32>,
    %add3A_3436 = arith.addf %add3A_3431, %get3A_3435 : vector<16xf32>
    %get3A_3437 = arith.constant 6 : i32
    %get3A_3438 = arith.index_cast %get3A_3437 : i32 to index
    %get3A_3439 = arith.constant 464 : index
    %get3A_3440 = tpu.vector_load %arg14[%get3A_3438, %get3A_3439] {strides = array<i32>} : memref<16x512xf32, #tpu.memory_space<vmem>>, vector<16xf32>,
    %add3A_3441 = arith.addf %add3A_3436, %get3A_3440 : vector<16xf32>
    %get3A_3442 = arith.constant 7 : i32
    %get3A_3443 = arith.index_cast %get3A_3442 : i32 to index
    %get3A_3444 = arith.constant 464 : index
    %get3A_3445 = tpu.vector_load %arg14[%get3A_3443, %get3A_3444] {strides = array<i32>} : memref<16x512xf32, #tpu.memory_space<vmem>>, vector<16xf32>,
    %add3A_3446 = arith.addf %add3A_3441, %get3A_3445 : vector<16xf32>
    %get3A_3447 = arith.constant 8 : i32
    %get3A_3448 = arith.index_cast %get3A_3447 : i32 to index
    %get3A_3449 = arith.constant 464 : index
    %get3A_3450 = tpu.vector_load %arg14[%get3A_3448, %get3A_3449] {strides = array<i32>} : memref<16x512xf32, #tpu.memory_space<vmem>>, vector<16xf32>,
    %add3A_3451 = arith.addf %add3A_3446, %get3A_3450 : vector<16xf32>
    %get3A_3452 = arith.constant 9 : i32
    %get3A_3453 = arith.index_cast %get3A_3452 : i32 to index
    %get3A_3454 = arith.constant 464 : index
    %get3A_3455 = tpu.vector_load %arg14[%get3A_3453, %get3A_3454] {strides = array<i32>} : memref<16x512xf32, #tpu.memory_space<vmem>>, vector<16xf32>,
    %add3A_3456 = arith.addf %add3A_3451, %get3A_3455 : vector<16xf32>
    %get3A_3457 = arith.constant 10 : i32
    %get3A_3458 = arith.index_cast %get3A_3457 : i32 to index
    %get3A_3459 = arith.constant 464 : index
    %get3A_3460 = tpu.vector_load %arg14[%get3A_3458, %get3A_3459] {strides = array<i32>} : memref<16x512xf32, #tpu.memory_space<vmem>>, vector<16xf32>,
    %add3A_3461 = arith.addf %add3A_3456, %get3A_3460 : vector<16xf32>
    %get3A_3462 = arith.constant 11 : i32
    %get3A_3463 = arith.index_cast %get3A_3462 : i32 to index
    %get3A_3464 = arith.constant 464 : index
    %get3A_3465 = tpu.vector_load %arg14[%get3A_3463, %get3A_3464] {strides = array<i32>} : memref<16x512xf32, #tpu.memory_space<vmem>>, vector<16xf32>,
    %add3A_3466 = arith.addf %add3A_3461, %get3A_3465 : vector<16xf32>
    %get3A_3467 = arith.constant 12 : i32
    %get3A_3468 = arith.index_cast %get3A_3467 : i32 to index
    %get3A_3469 = arith.constant 464 : index
    %get3A_3470 = tpu.vector_load %arg14[%get3A_3468, %get3A_3469] {strides = array<i32>} : memref<16x512xf32, #tpu.memory_space<vmem>>, vector<16xf32>,
    %add3A_3471 = arith.addf %add3A_3466, %get3A_3470 : vector<16xf32>
    %get3A_3472 = arith.constant 13 : i32
    %get3A_3473 = arith.index_cast %get3A_3472 : i32 to index
    %get3A_3474 = arith.constant 464 : index
    %get3A_3475 = tpu.vector_load %arg14[%get3A_3473, %get3A_3474] {strides = array<i32>} : memref<16x512xf32, #tpu.memory_space<vmem>>, vector<16xf32>,
    %add3A_3476 = arith.addf %add3A_3471, %get3A_3475 : vector<16xf32>
    %get3A_3477 = arith.constant 14 : i32
    %get3A_3478 = arith.index_cast %get3A_3477 : i32 to index
    %get3A_3479 = arith.constant 464 : index
    %get3A_3480 = tpu.vector_load %arg14[%get3A_3478, %get3A_3479] {strides = array<i32>} : memref<16x512xf32, #tpu.memory_space<vmem>>, vector<16xf32>,
    %add3A_3481 = arith.addf %add3A_3476, %get3A_3480 : vector<16xf32>
    %get3A_3482 = arith.constant 15 : i32
    %get3A_3483 = arith.index_cast %get3A_3482 : i32 to index
    %get3A_3484 = arith.constant 464 : index
    %get3A_3485 = tpu.vector_load %arg14[%get3A_3483, %get3A_3484] {strides = array<i32>} : memref<16x512xf32, #tpu.memory_space<vmem>>, vector<16xf32>,
    %add3A_3486 = arith.addf %add3A_3481, %get3A_3485 : vector<16xf32>
    %swap3A_3487 = arith.constant 464 : index
    %swap3A_3488 = tpu.vector_load %arg15[%swap3A_3487] {strides = array<i32>} : memref<512xf32, #tpu.memory_space<vmem>>, vector<16xf32>,
    tpu.vector_store %arg15[%swap3A_3487], %add3A_3486 {strides = array<i32>} : memref<512xf32, #tpu.memory_space<vmem>>, vector<16xf32>,
    %get3A_3489 = arith.constant 0 : i32
    %get3A_3490 = arith.index_cast %get3A_3489 : i32 to index
    %get3A_3491 = arith.constant 480 : index
    %get3A_3492 = tpu.vector_load %arg14[%get3A_3490, %get3A_3491] {strides = array<i32>} : memref<16x512xf32, #tpu.memory_space<vmem>>, vector<16xf32>,
    %get3A_3493 = arith.constant 1 : i32
    %get3A_3494 = arith.index_cast %get3A_3493 : i32 to index
    %get3A_3495 = arith.constant 480 : index
    %get3A_3496 = tpu.vector_load %arg14[%get3A_3494, %get3A_3495] {strides = array<i32>} : memref<16x512xf32, #tpu.memory_space<vmem>>, vector<16xf32>,
    %add3A_3497 = arith.addf %get3A_3492, %get3A_3496 : vector<16xf32>
    %get3A_3498 = arith.constant 2 : i32
    %get3A_3499 = arith.index_cast %get3A_3498 : i32 to index
    %get3A_3500 = arith.constant 480 : index
    %get3A_3501 = tpu.vector_load %arg14[%get3A_3499, %get3A_3500] {strides = array<i32>} : memref<16x512xf32, #tpu.memory_space<vmem>>, vector<16xf32>,
    %add3A_3502 = arith.addf %add3A_3497, %get3A_3501 : vector<16xf32>
    %get3A_3503 = arith.constant 3 : i32
    %get3A_3504 = arith.index_cast %get3A_3503 : i32 to index
    %get3A_3505 = arith.constant 480 : index
    %get3A_3506 = tpu.vector_load %arg14[%get3A_3504, %get3A_3505] {strides = array<i32>} : memref<16x512xf32, #tpu.memory_space<vmem>>, vector<16xf32>,
    %add3A_3507 = arith.addf %add3A_3502, %get3A_3506 : vector<16xf32>
    %get3A_3508 = arith.constant 4 : i32
    %get3A_3509 = arith.index_cast %get3A_3508 : i32 to index
    %get3A_3510 = arith.constant 480 : index
    %get3A_3511 = tpu.vector_load %arg14[%get3A_3509, %get3A_3510] {strides = array<i32>} : memref<16x512xf32, #tpu.memory_space<vmem>>, vector<16xf32>,
    %add3A_3512 = arith.addf %add3A_3507, %get3A_3511 : vector<16xf32>
    %get3A_3513 = arith.constant 5 : i32
    %get3A_3514 = arith.index_cast %get3A_3513 : i32 to index
    %get3A_3515 = arith.constant 480 : index
    %get3A_3516 = tpu.vector_load %arg14[%get3A_3514, %get3A_3515] {strides = array<i32>} : memref<16x512xf32, #tpu.memory_space<vmem>>, vector<16xf32>,
    %add3A_3517 = arith.addf %add3A_3512, %get3A_3516 : vector<16xf32>
    %get3A_3518 = arith.constant 6 : i32
    %get3A_3519 = arith.index_cast %get3A_3518 : i32 to index
    %get3A_3520 = arith.constant 480 : index
    %get3A_3521 = tpu.vector_load %arg14[%get3A_3519, %get3A_3520] {strides = array<i32>} : memref<16x512xf32, #tpu.memory_space<vmem>>, vector<16xf32>,
    %add3A_3522 = arith.addf %add3A_3517, %get3A_3521 : vector<16xf32>
    %get3A_3523 = arith.constant 7 : i32
    %get3A_3524 = arith.index_cast %get3A_3523 : i32 to index
    %get3A_3525 = arith.constant 480 : index
    %get3A_3526 = tpu.vector_load %arg14[%get3A_3524, %get3A_3525] {strides = array<i32>} : memref<16x512xf32, #tpu.memory_space<vmem>>, vector<16xf32>,
    %add3A_3527 = arith.addf %add3A_3522, %get3A_3526 : vector<16xf32>
    %get3A_3528 = arith.constant 8 : i32
    %get3A_3529 = arith.index_cast %get3A_3528 : i32 to index
    %get3A_3530 = arith.constant 480 : index
    %get3A_3531 = tpu.vector_load %arg14[%get3A_3529, %get3A_3530] {strides = array<i32>} : memref<16x512xf32, #tpu.memory_space<vmem>>, vector<16xf32>,
    %add3A_3532 = arith.addf %add3A_3527, %get3A_3531 : vector<16xf32>
    %get3A_3533 = arith.constant 9 : i32
    %get3A_3534 = arith.index_cast %get3A_3533 : i32 to index
    %get3A_3535 = arith.constant 480 : index
    %get3A_3536 = tpu.vector_load %arg14[%get3A_3534, %get3A_3535] {strides = array<i32>} : memref<16x512xf32, #tpu.memory_space<vmem>>, vector<16xf32>,
    %add3A_3537 = arith.addf %add3A_3532, %get3A_3536 : vector<16xf32>
    %get3A_3538 = arith.constant 10 : i32
    %get3A_3539 = arith.index_cast %get3A_3538 : i32 to index
    %get3A_3540 = arith.constant 480 : index
    %get3A_3541 = tpu.vector_load %arg14[%get3A_3539, %get3A_3540] {strides = array<i32>} : memref<16x512xf32, #tpu.memory_space<vmem>>, vector<16xf32>,
    %add3A_3542 = arith.addf %add3A_3537, %get3A_3541 : vector<16xf32>
    %get3A_3543 = arith.constant 11 : i32
    %get3A_3544 = arith.index_cast %get3A_3543 : i32 to index
    %get3A_3545 = arith.constant 480 : index
    %get3A_3546 = tpu.vector_load %arg14[%get3A_3544, %get3A_3545] {strides = array<i32>} : memref<16x512xf32, #tpu.memory_space<vmem>>, vector<16xf32>,
    %add3A_3547 = arith.addf %add3A_3542, %get3A_3546 : vector<16xf32>
    %get3A_3548 = arith.constant 12 : i32
    %get3A_3549 = arith.index_cast %get3A_3548 : i32 to index
    %get3A_3550 = arith.constant 480 : index
    %get3A_3551 = tpu.vector_load %arg14[%get3A_3549, %get3A_3550] {strides = array<i32>} : memref<16x512xf32, #tpu.memory_space<vmem>>, vector<16xf32>,
    %add3A_3552 = arith.addf %add3A_3547, %get3A_3551 : vector<16xf32>
    %get3A_3553 = arith.constant 13 : i32
    %get3A_3554 = arith.index_cast %get3A_3553 : i32 to index
    %get3A_3555 = arith.constant 480 : index
    %get3A_3556 = tpu.vector_load %arg14[%get3A_3554, %get3A_3555] {strides = array<i32>} : memref<16x512xf32, #tpu.memory_space<vmem>>, vector<16xf32>,
    %add3A_3557 = arith.addf %add3A_3552, %get3A_3556 : vector<16xf32>
    %get3A_3558 = arith.constant 14 : i32
    %get3A_3559 = arith.index_cast %get3A_3558 : i32 to index
    %get3A_3560 = arith.constant 480 : index
    %get3A_3561 = tpu.vector_load %arg14[%get3A_3559, %get3A_3560] {strides = array<i32>} : memref<16x512xf32, #tpu.memory_space<vmem>>, vector<16xf32>,
    %add3A_3562 = arith.addf %add3A_3557, %get3A_3561 : vector<16xf32>
    %get3A_3563 = arith.constant 15 : i32
    %get3A_3564 = arith.index_cast %get3A_3563 : i32 to index
    %get3A_3565 = arith.constant 480 : index
    %get3A_3566 = tpu.vector_load %arg14[%get3A_3564, %get3A_3565] {strides = array<i32>} : memref<16x512xf32, #tpu.memory_space<vmem>>, vector<16xf32>,
    %add3A_3567 = arith.addf %add3A_3562, %get3A_3566 : vector<16xf32>
    %swap3A_3568 = arith.constant 480 : index
    %swap3A_3569 = tpu.vector_load %arg15[%swap3A_3568] {strides = array<i32>} : memref<512xf32, #tpu.memory_space<vmem>>, vector<16xf32>,
    tpu.vector_store %arg15[%swap3A_3568], %add3A_3567 {strides = array<i32>} : memref<512xf32, #tpu.memory_space<vmem>>, vector<16xf32>,
    %get3A_3570 = arith.constant 0 : i32
    %get3A_3571 = arith.index_cast %get3A_3570 : i32 to index
    %get3A_3572 = arith.constant 496 : index
    %get3A_3573 = tpu.vector_load %arg14[%get3A_3571, %get3A_3572] {strides = array<i32>} : memref<16x512xf32, #tpu.memory_space<vmem>>, vector<16xf32>,
    %get3A_3574 = arith.constant 1 : i32
    %get3A_3575 = arith.index_cast %get3A_3574 : i32 to index
    %get3A_3576 = arith.constant 496 : index
    %get3A_3577 = tpu.vector_load %arg14[%get3A_3575, %get3A_3576] {strides = array<i32>} : memref<16x512xf32, #tpu.memory_space<vmem>>, vector<16xf32>,
    %add3A_3578 = arith.addf %get3A_3573, %get3A_3577 : vector<16xf32>
    %get3A_3579 = arith.constant 2 : i32
    %get3A_3580 = arith.index_cast %get3A_3579 : i32 to index
    %get3A_3581 = arith.constant 496 : index
    %get3A_3582 = tpu.vector_load %arg14[%get3A_3580, %get3A_3581] {strides = array<i32>} : memref<16x512xf32, #tpu.memory_space<vmem>>, vector<16xf32>,
    %add3A_3583 = arith.addf %add3A_3578, %get3A_3582 : vector<16xf32>
    %get3A_3584 = arith.constant 3 : i32
    %get3A_3585 = arith.index_cast %get3A_3584 : i32 to index
    %get3A_3586 = arith.constant 496 : index
    %get3A_3587 = tpu.vector_load %arg14[%get3A_3585, %get3A_3586] {strides = array<i32>} : memref<16x512xf32, #tpu.memory_space<vmem>>, vector<16xf32>,
    %add3A_3588 = arith.addf %add3A_3583, %get3A_3587 : vector<16xf32>
    %get3A_3589 = arith.constant 4 : i32
    %get3A_3590 = arith.index_cast %get3A_3589 : i32 to index
    %get3A_3591 = arith.constant 496 : index
    %get3A_3592 = tpu.vector_load %arg14[%get3A_3590, %get3A_3591] {strides = array<i32>} : memref<16x512xf32, #tpu.memory_space<vmem>>, vector<16xf32>,
    %add3A_3593 = arith.addf %add3A_3588, %get3A_3592 : vector<16xf32>
    %get3A_3594 = arith.constant 5 : i32
    %get3A_3595 = arith.index_cast %get3A_3594 : i32 to index
    %get3A_3596 = arith.constant 496 : index
    %get3A_3597 = tpu.vector_load %arg14[%get3A_3595, %get3A_3596] {strides = array<i32>} : memref<16x512xf32, #tpu.memory_space<vmem>>, vector<16xf32>,
    %add3A_3598 = arith.addf %add3A_3593, %get3A_3597 : vector<16xf32>
    %get3A_3599 = arith.constant 6 : i32
    %get3A_3600 = arith.index_cast %get3A_3599 : i32 to index
    %get3A_3601 = arith.constant 496 : index
    %get3A_3602 = tpu.vector_load %arg14[%get3A_3600, %get3A_3601] {strides = array<i32>} : memref<16x512xf32, #tpu.memory_space<vmem>>, vector<16xf32>,
    %add3A_3603 = arith.addf %add3A_3598, %get3A_3602 : vector<16xf32>
    %get3A_3604 = arith.constant 7 : i32
    %get3A_3605 = arith.index_cast %get3A_3604 : i32 to index
    %get3A_3606 = arith.constant 496 : index
    %get3A_3607 = tpu.vector_load %arg14[%get3A_3605, %get3A_3606] {strides = array<i32>} : memref<16x512xf32, #tpu.memory_space<vmem>>, vector<16xf32>,
    %add3A_3608 = arith.addf %add3A_3603, %get3A_3607 : vector<16xf32>
    %get3A_3609 = arith.constant 8 : i32
    %get3A_3610 = arith.index_cast %get3A_3609 : i32 to index
    %get3A_3611 = arith.constant 496 : index
    %get3A_3612 = tpu.vector_load %arg14[%get3A_3610, %get3A_3611] {strides = array<i32>} : memref<16x512xf32, #tpu.memory_space<vmem>>, vector<16xf32>,
    %add3A_3613 = arith.addf %add3A_3608, %get3A_3612 : vector<16xf32>
    %get3A_3614 = arith.constant 9 : i32
    %get3A_3615 = arith.index_cast %get3A_3614 : i32 to index
    %get3A_3616 = arith.constant 496 : index
    %get3A_3617 = tpu.vector_load %arg14[%get3A_3615, %get3A_3616] {strides = array<i32>} : memref<16x512xf32, #tpu.memory_space<vmem>>, vector<16xf32>,
    %add3A_3618 = arith.addf %add3A_3613, %get3A_3617 : vector<16xf32>
    %get3A_3619 = arith.constant 10 : i32
    %get3A_3620 = arith.index_cast %get3A_3619 : i32 to index
    %get3A_3621 = arith.constant 496 : index
    %get3A_3622 = tpu.vector_load %arg14[%get3A_3620, %get3A_3621] {strides = array<i32>} : memref<16x512xf32, #tpu.memory_space<vmem>>, vector<16xf32>,
    %add3A_3623 = arith.addf %add3A_3618, %get3A_3622 : vector<16xf32>
    %get3A_3624 = arith.constant 11 : i32
    %get3A_3625 = arith.index_cast %get3A_3624 : i32 to index
    %get3A_3626 = arith.constant 496 : index
    %get3A_3627 = tpu.vector_load %arg14[%get3A_3625, %get3A_3626] {strides = array<i32>} : memref<16x512xf32, #tpu.memory_space<vmem>>, vector<16xf32>,
    %add3A_3628 = arith.addf %add3A_3623, %get3A_3627 : vector<16xf32>
    %get3A_3629 = arith.constant 12 : i32
    %get3A_3630 = arith.index_cast %get3A_3629 : i32 to index
    %get3A_3631 = arith.constant 496 : index
    %get3A_3632 = tpu.vector_load %arg14[%get3A_3630, %get3A_3631] {strides = array<i32>} : memref<16x512xf32, #tpu.memory_space<vmem>>, vector<16xf32>,
    %add3A_3633 = arith.addf %add3A_3628, %get3A_3632 : vector<16xf32>
    %get3A_3634 = arith.constant 13 : i32
    %get3A_3635 = arith.index_cast %get3A_3634 : i32 to index
    %get3A_3636 = arith.constant 496 : index
    %get3A_3637 = tpu.vector_load %arg14[%get3A_3635, %get3A_3636] {strides = array<i32>} : memref<16x512xf32, #tpu.memory_space<vmem>>, vector<16xf32>,
    %add3A_3638 = arith.addf %add3A_3633, %get3A_3637 : vector<16xf32>
    %get3A_3639 = arith.constant 14 : i32
    %get3A_3640 = arith.index_cast %get3A_3639 : i32 to index
    %get3A_3641 = arith.constant 496 : index
    %get3A_3642 = tpu.vector_load %arg14[%get3A_3640, %get3A_3641] {strides = array<i32>} : memref<16x512xf32, #tpu.memory_space<vmem>>, vector<16xf32>,
    %add3A_3643 = arith.addf %add3A_3638, %get3A_3642 : vector<16xf32>
    %get3A_3644 = arith.constant 15 : i32
    %get3A_3645 = arith.index_cast %get3A_3644 : i32 to index
    %get3A_3646 = arith.constant 496 : index
    %get3A_3647 = tpu.vector_load %arg14[%get3A_3645, %get3A_3646] {strides = array<i32>} : memref<16x512xf32, #tpu.memory_space<vmem>>, vector<16xf32>,
    %add3A_3648 = arith.addf %add3A_3643, %get3A_3647 : vector<16xf32>
    %swap3A_3649 = arith.constant 496 : index
    %swap3A_3650 = tpu.vector_load %arg15[%swap3A_3649] {strides = array<i32>} : memref<512xf32, #tpu.memory_space<vmem>>, vector<16xf32>,
    tpu.vector_store %arg15[%swap3A_3649], %add3A_3648 {strides = array<i32>} : memref<512xf32, #tpu.memory_space<vmem>>, vector<16xf32>,
    %mul3A_3651 = arith.constant 512 : i32
    %mul3A_3652 = arith.muli %arg0, %mul3A_3651 : i32
    %mul3A_3653 = arith.constant 32 : i32
    %mul3A_3654 = arith.muli %arg1, %mul3A_3653 : i32
    %add3A_3655 = arith.addi %mul3A_3652, %mul3A_3654 : i32
    %mul3A_3656 = arith.constant 16 : i32
    %mul3A_3657 = arith.muli %add3A_3655, %mul3A_3656 : i32
    "tpu.region"() ({
      %run_scoped3A = tpu.sem_alloc : memref<!tpu.dma_semaphore, #tpu.memory_space<semaphore_mem>>
      %dma_start3A = tpu.memref_slice %arg5[%mul3A_3657] : memref<16384xf32, #tpu.memory_space<hbm>> -> memref<512xf32, #tpu.memory_space<hbm>>
      %dma_start3A_3658 = tpu.memref_slice %arg5[%mul3A_3657] : memref<16384xf32, #tpu.memory_space<hbm>> -> memref<512xf32, #tpu.memory_space<hbm>>
      tpu.enqueue_dma source(%arg15 : memref<512xf32, #tpu.memory_space<vmem>>) target(%dma_start3A_3658 : memref<512xf32, #tpu.memory_space<hbm>>) target_semaphore(%run_scoped3A : memref<!tpu.dma_semaphore, #tpu.memory_space<semaphore_mem>>)
      %dma_wait3A = tpu.memref_slice %arg5[%mul3A_3657] : memref<16384xf32, #tpu.memory_space<hbm>> -> memref<512xf32, #tpu.memory_space<hbm>>
      %dma_wait3A_3659 = tpu.memref_slice %arg5[%mul3A_3657] : memref<16384xf32, #tpu.memory_space<hbm>> -> memref<512xf32, #tpu.memory_space<hbm>>
      tpu.wait_dma2 semaphore(%run_scoped3A : memref<!tpu.dma_semaphore, #tpu.memory_space<semaphore_mem>>) src(%arg15 : memref<512xf32, #tpu.memory_space<vmem>>) dst(%dma_wait3A_3659 : memref<512xf32, #tpu.memory_space<hbm>>)
      tpu.yield
    }) : () -> ()
    return
  }
}

module attributes {stable_mosaic.version = 14 : i64} {
  func.func @_mlp_body(%arg0: memref<1024x128xf32, #tpu.memory_space<vmem>>, %arg1: memref<1024x16xf32, #tpu.memory_space<vmem>>, %arg2: memref<512x1xf32, #tpu.memory_space<vmem>>, %arg3: memref<129x129xf32, #tpu.memory_space<vmem>>, %arg4: memref<1x129xf32, #tpu.memory_space<vmem>>, %arg5: memref<129x1xf32, #tpu.memory_space<vmem>>, %arg6: memref<1x1xf32, #tpu.memory_space<vmem>>, %arg7: memref<512x1xf32, #tpu.memory_space<vmem>>) attributes {dimension_semantics = [], scalar_prefetch = 0 : i64, scratch_operands = 0 : i64, tpu.core_type = #tpu.core_type<tc>} {
    %get3A = arith.constant 0 : index
    %get3A_0 = arith.constant 0 : index
    %get3A_1 = vector.load %arg0[%get3A, %get3A_0] : memref<1024x128xf32, #tpu.memory_space<vmem>>, vector<512x128xf32>
    %get3A_2 = arith.constant 512 : index
    %get3A_3 = arith.constant 0 : index
    %get3A_4 = vector.load %arg0[%get3A_2, %get3A_3] : memref<1024x128xf32, #tpu.memory_space<vmem>>, vector<512x128xf32>
    %add3A = arith.addf %get3A_1, %get3A_4 : vector<512x128xf32>
    %get3A_5 = arith.constant 0 : index
    %get3A_6 = arith.constant 0 : index
    %get3A_7 = vector.load %arg1[%get3A_5, %get3A_6] : memref<1024x16xf32, #tpu.memory_space<vmem>>, vector<512x16xf32>
    %get3A_8 = arith.constant 512 : index
    %get3A_9 = arith.constant 0 : index
    %get3A_10 = vector.load %arg1[%get3A_8, %get3A_9] : memref<1024x16xf32, #tpu.memory_space<vmem>>, vector<512x16xf32>
    %add3A_11 = arith.addf %get3A_7, %get3A_10 : vector<512x16xf32>
    %reduce_sum3A = arith.constant dense<0.000000e+00> : vector<512xf32>
    %reduce_sum3A_12 = vector.multi_reduction <add>, %add3A_11, %reduce_sum3A [1] : vector<512x16xf32> to vector<512xf32>
    %broadcast_in_dim3A = vector.shape_cast %reduce_sum3A_12 : vector<512xf32> to vector<512x1xf32>
    %max3A = arith.constant 1.000000e+00 : f32
    %max3A_13 = vector.broadcast %max3A : f32 to vector<512x1xf32>
    %max3A_14 = arith.maximumf %broadcast_in_dim3A, %max3A_13 : vector<512x1xf32>
    %div3A = vector.broadcast %max3A_14 : vector<512x1xf32> to vector<512x128xf32>
    %div3A_15 = arith.divf %add3A, %div3A : vector<512x128xf32>
    %get3A_16 = arith.constant 0 : index
    %get3A_17 = arith.constant 0 : index
    %get3A_18 = vector.load %arg3[%get3A_16, %get3A_17] : memref<129x129xf32, #tpu.memory_space<vmem>>, vector<128x129xf32>
    %dot_general3A = arith.constant dense<0.000000e+00> : vector<512x129xf32>
    %dot_general3A_19 = tpu.matmul %div3A_15, %get3A_18, %dot_general3A {dimension_numbers = #tpu.dot_dimension_numbers<[1], [0], [0], [1], [0, 0, 1, 1], [], []>, transpose_lhs_hint = false} : vector<512x128xf32>, vector<128x129xf32>, vector<512x129xf32> -> vector<512x129xf32>
    %get3A_20 = arith.constant 0 : index
    %get3A_21 = arith.constant 0 : index
    %get3A_22 = vector.load %arg2[%get3A_20, %get3A_21] : memref<512x1xf32, #tpu.memory_space<vmem>>, vector<512x1xf32>
    %get3A_23 = arith.constant 128 : index
    %get3A_24 = arith.constant 0 : index
    %get3A_25 = vector.load %arg3[%get3A_23, %get3A_24] : memref<129x129xf32, #tpu.memory_space<vmem>>, vector<1x129xf32>
    %mul3A = vector.broadcast %get3A_22 : vector<512x1xf32> to vector<512x129xf32>
    %mul3A_26 = vector.broadcast %get3A_25 : vector<1x129xf32> to vector<512x129xf32>
    %mul3A_27 = arith.mulf %mul3A, %mul3A_26 : vector<512x129xf32>
    %add3A_28 = arith.addf %dot_general3A_19, %mul3A_27 : vector<512x129xf32>
    %get3A_29 = arith.constant 0 : index
    %get3A_30 = arith.constant 0 : index
    %get3A_31 = vector.load %arg4[%get3A_29, %get3A_30] : memref<1x129xf32, #tpu.memory_space<vmem>>, vector<1x129xf32>
    %add3A_32 = vector.broadcast %get3A_31 : vector<1x129xf32> to vector<512x129xf32>
    %add3A_33 = arith.addf %add3A_28, %add3A_32 : vector<512x129xf32>
    %max3A_34 = arith.constant 0.000000e+00 : f32
    %max3A_35 = vector.broadcast %max3A_34 : f32 to vector<512x129xf32>
    %max3A_36 = arith.maximumf %add3A_33, %max3A_35 : vector<512x129xf32>
    %get3A_37 = arith.constant 0 : index
    %get3A_38 = arith.constant 0 : index
    %get3A_39 = vector.load %arg5[%get3A_37, %get3A_38] : memref<129x1xf32, #tpu.memory_space<vmem>>, vector<129x1xf32>
    %dot_general3A_40 = arith.constant dense<0.000000e+00> : vector<512x1xf32>
    %dot_general3A_41 = tpu.matmul %max3A_36, %get3A_39, %dot_general3A_40 {dimension_numbers = #tpu.dot_dimension_numbers<[1], [0], [0], [1], [0, 0, 1, 1], [], []>, transpose_lhs_hint = false} : vector<512x129xf32>, vector<129x1xf32>, vector<512x1xf32> -> vector<512x1xf32>
    %get3A_42 = arith.constant 0 : index
    %get3A_43 = arith.constant 0 : index
    %get3A_44 = vector.load %arg6[%get3A_42, %get3A_43] : memref<1x1xf32, #tpu.memory_space<vmem>>, vector<1x1xf32>
    %add3A_45 = vector.broadcast %get3A_44 : vector<1x1xf32> to vector<512x1xf32>
    %add3A_46 = arith.addf %dot_general3A_41, %add3A_45 : vector<512x1xf32>
    %swap3A = arith.constant 0 : index
    %swap3A_47 = arith.constant 0 : index
    %swap3A_48 = vector.load %arg7[%swap3A, %swap3A_47] : memref<512x1xf32, #tpu.memory_space<vmem>>, vector<512x1xf32>
    tpu.vector_store %arg7[%swap3A, %swap3A_47], %add3A_46 {strides = array<i32>} : memref<512x1xf32, #tpu.memory_space<vmem>>, vector<512x1xf32>,
    return
  }
}

</mosaic_0001>

<sc_bundles>
// kernel: kernel.4.cloned.1.call-start
scs
__scs_entry_jumppad:
0x0: {  	(pc) =	sbr.rel $0x88, $3  }
0x1: {  	(tag) =	ssettag $0x0;
	lr =	simm.s32 $0x1  }
0x2: {  	[smem:$0x3F99] =	sst lr;
	_ =	strace $0xD0000000  }
0x3: {  	_ = 	snop  }
0x4: {  	_ = 	snop  }
0x5: {  	_ = 	snop  }
0x6: {  	_ = 	snop  }
0x7: {  	_ = 	snop  }
__scs_overlays_trampoline_lowered:
0x8: {  	[smem:$0x3FA8] =	sst s0  }
0x9: {  	[smem:$0x3FA9] =	sst s1  }
0xa: {  	[smem:$0x3FAA] =	sst s2  }
0xb: {  	[smem:$0x3FAB] =	sst s3  }
0xc: {  	[smem:$0x3FAC] =	sst s4  }
0xd: {  	[smem:$0x3FAD] =	sst s5  }
0xe: {  	[smem:$0x3FAE] =	sst s6  }
0xf: {  	[smem:$0x3FAF] =	sst s7  }
0x10: {  	[smem:$0x3FB0] =	sst s8  }
0x11: {  	[smem:$0x3FB1] =	sst s9;
	s0 =	simm.s32 @!p0 $0x0  }
0x12: {  	s1 =	sld [smem:$0x3F97];
	s0 =	simm.s32 @p0 $0x1  }
0x13: {  	[smem:$0x3FB2] =	sst s0;
	s0 =	simm.s32 @!p1 $0x0  }
0x14: {  	s2 =	sld [smem:$0x3F96];
	s0 =	simm.s32 @p1 $0x1  }
0x15: {  	[smem:$0x3FB3] =	sst s0;
	s0 =	simm.s32 @!p2 $0x0  }
0x16: {  	s3 =	sld [smem:$0x3FDB];
	s0 =	simm.s32 @p2 $0x1  }
0x17: {  	s4 =	simm.s32 $0x1BF5;
	[smem:$0x3FB5] =	sst s0  }
0x18: {  	s0 =	sld [smem:$0x3F98];
	_ =	swait.ge [sflag:s4], $0x0  }
0x19: {  	s7 =	sld [smem:$0x3F99]  }
0x1a: {  	s8 =	sadd.s32 $0xFFFFE003, lr  }
0x1b: {  	s9 =	sadd.s32 $0xFFFFFEF7, lr;
	s5 =	simm.s32 $0xFFFFFFFF;
	p2 =	slt.u32 s8, $0xFFFFF086  }
0x1c: {  	p1 =	slt.u32 s9, $0xF7A;
	s5 =	simm.s32 @!p2 $0x0  }
0x1d: {  	s5 =	simm.s32 @p1 $0x1;
	p0 =	seq.s32 s7, s2  }
0x1e: {  	s7 =	smul.u32 @!p0 $0xF7A, s2;
	p2 =	seq.s32 @!p0 s5, $0x0  }
0x1f: {  	s9 =	smul.u32 $0xF7A, s1;
	s8 =	simm.s32 @!p0 $0x1BF5;
	p2 =	por !p2, p0  }
0x20: {  	[sflag:s8] =	ssyncset.s32 @!p0 $0xFFFFF086;
	s6 =	sadd.s32 @!p0 s3, s7;
	s7 =	simm.s32 @!p0 $0x108  }
0x21: {  	s3 =	sadd.s32 s3, s9;
	s6 =	sadd.s32 @!p0 $0x88, s6;
	s7 =	simm.s32 @p2 $0x1082  }
0x22: {  	[simem:s7], [sflag:s8] =	dma.local @!p0 [hbm:s6], $0xF7A  }
0x23: {  	s9 =	sor.u32 $0xD0000000, s2;
	s6 =	simm.s32 $0x108;
	_ =	swait.ge @!p0 [sflag:s8], $0x0  }
0x24: {  	s3 =	sadd.s32 $0x88, s3;
	s6 =	simm.s32 @!p1 $0x1082;
	[sflag:s4] =	ssyncset.s32 $0xFFFFF086  }
0x25: {  	[simem:s6], [sflag:s4] =	dma.local [hbm:s3], $0xF7A  }
0x26: {  	[smem:$0x3F99] =	sst s1;
	(tag) =	ssettag s2;
	_ =	strace s9  }
0x27: {  	s1 =	sld [smem:$0x3FA9]  }
0x28: {  	s2 =	sld [smem:$0x3FAA]  }
0x29: {  	s4 =	sld [smem:$0x3FAC]  }
0x2a: {  	p0 =	seq.s32 s5, $0x0;
	s5 =	sld [smem:$0x3FAD]  }
0x2b: {  	s6 =	sld [smem:$0x3FAE]  }
0x2c: {  	s7 =	sld [smem:$0x3FAF]  }
0x2d: {  	s3 =	simm.s32 $0x108;
	s8 =	sld [smem:$0x3FB0]  }
0x2e: {  	s3 =	simm.s32 @!p0 $0x1082;
	s9 =	sld [smem:$0x3FB1]  }
0x2f: {  	lr =	sadd.s32 s0, s3;
	s0 =	sld [smem:$0x3FA8]  }
0x30: {  	s3 =	sld [smem:$0x3FAB]  }
0x31: {  	[smem:$0x3FB4] =	sst s10  }
0x32: {  	s10 =	sld [smem:$0x3FB2];
	_ =	sdelay $0x3  }
0x33: {  	p0 =	seq.s32 s10, $0x1;
	s10 =	sld [smem:$0x3FB4];
	_ =	sdelay $0x3  }
0x34: {  	[smem:$0x3FB4] =	sst s10  }
0x35: {  	s10 =	sld [smem:$0x3FB3];
	_ =	sdelay $0x3  }
0x36: {  	p1 =	seq.s32 s10, $0x1;
	s10 =	sld [smem:$0x3FB4];
	_ =	sdelay $0x3  }
0x37: {  	[smem:$0x3FB4] =	sst s10  }
0x38: {  	s10 =	sld [smem:$0x3FB5]  }
0x39: {  	_ = 	snop;
	(pc) =	sbr.ind lr, $3  }
0x3a: {  	_ = 	snop  }
0x3b: {  	_ = 	snop  }
0x3c: {  	p2 =	seq.s32 s10, $0x1;
	s10 =	sld [smem:$0x3FB4]  }
0x3d: {  	_ =	shalt  }
0x3e: {  	_ =	shalt  }
0x3f: {  	_ =	shalt  }
0x40: {  	_ =	shalt  }
0x41: {  	_ =	shalt  }
0x42: {  	_ =	shalt  }
0x43: {  	_ =	shalt  }
0x44: {  	_ =	shalt  }
0x45: {  	_ =	shalt  }
0x46: {  	_ =	shalt  }
0x47: {  	_ =	shalt  }
0x48: {  	_ =	shalt  }
0x49: {  	_ =	shalt  }
0x4a: {  	_ =	shalt  }
0x4b: {  	_ =	shalt  }
0x4c: {  	_ =	shalt  }
0x4d: {  	_ =	shalt  }
0x4e: {  	_ =	shalt  }
0x4f: {  	_ =	shalt  }
0x50: {  	_ =	shalt  }
0x51: {  	_ =	shalt  }
0x52: {  	_ =	shalt  }
0x53: {  	_ =	shalt  }
0x54: {  	_ =	shalt  }
0x55: {  	_ =	shalt  }
0x56: {  	_ =	shalt  }
0x57: {  	_ =	shalt  }
0x58: {  	_ =	shalt  }
0x59: {  	_ =	shalt  }
0x5a: {  	_ =	shalt  }
0x5b: {  	_ =	shalt  }
0x5c: {  	_ =	shalt  }
0x5d: {  	_ =	shalt  }
0x5e: {  	_ =	shalt  }
0x5f: {  	_ =	shalt  }
0x60: {  	_ =	shalt  }
0x61: {  	_ =	shalt  }
0x62: {  	_ =	shalt  }
0x63: {  	_ =	shalt  }
0x64: {  	_ =	shalt  }
0x65: {  	_ =	shalt  }
0x66: {  	_ =	shalt  }
0x67: {  	_ =	shalt  }
0x68: {  	_ =	shalt  }
0x69: {  	_ =	shalt  }
0x6a: {  	_ =	shalt  }
0x6b: {  	_ =	shalt  }
0x6c: {  	_ =	shalt  }
0x6d: {  	_ =	shalt  }
0x6e: {  	_ =	shalt  }
0x6f: {  	_ =	shalt  }
0x70: {  	_ =	shalt  }
0x71: {  	_ =	shalt  }
0x72: {  	_ =	shalt  }
0x73: {  	_ =	shalt  }
0x74: {  	_ =	shalt  }
0x75: {  	_ =	shalt  }
0x76: {  	_ =	shalt  }
0x77: {  	_ =	shalt  }
0x78: {  	_ =	shalt  }
0x79: {  	_ =	shalt  }
0x7a: {  	_ =	shalt  }
0x7b: {  	_ =	shalt  }
0x7c: {  	_ =	shalt  }
0x7d: {  	_ =	shalt  }
0x7e: {  	_ =	shalt  }
0x7f: {  	_ =	shalt  }
0x80: {  	_ =	shalt  }
0x81: {  	_ =	shalt  }
0x82: {  	_ =	shalt  }
0x83: {  	_ =	shalt  }
0x84: {  	_ =	shalt  }
0x85: {  	_ =	shalt  }
0x86: {  	_ =	shalt  }
0x87: {  	_ =	shalt  }
.Lfunc_end0:
.L_simem_size_0:
called_computation_lowered:
.L_overlay_start_0:
0x88: {  	s2 =	sld [smem:$0x3FD9]  }
0x89: {  	s3 =	sld [smem:$0x3FFE];
	_ =	sdelay $0x1  }
0x8a: {  	s1 =	srdreg.scid  }
0x8b: {  	s0 =	sand.u32 $0x1, s1  }
0x8c: {  	s17 =	sshll.u32 s0, $0xA;
	s2 =	sadd.s32 s3, s2  }
0x8d: {  	s2 =	sadd.s32 s2, s17  }
0x8e: {  	[smem:$0x3FC0] =	sst s2  }
0x8f: {  	_ = 	snop  }
0x90: {  	s2 =	sld [smem:$0x3FC9]  }
0x91: {  	s18 =	sld [smem:$0x3FC8];
	(tm) =	ssettm $0x1  }
0x92: {  	s4 =	sld [smem:$0x3FFB];
	_ =	sdelay $0x3  }
0x93: {  	_ =	strace s4  }
0x94: {  	s4 =	sld [smem:$0x3FFC];
	_ =	sdelay $0x3  }
0x95: {  	_ =	strace s4  }
0x96: {  	s4 =	sld [smem:$0x3FFD];
	_ =	sdelay $0x3  }
0x97: {  	_ =	strace s4  }
0x98: {  	_ =	strace $0x8FFFFFFF  }
0x99: {  	s19 =	sld [smem:$0x3FDB];
	_ =	sdelay $0x1  }
0x9a: {  	s5 =	simm.s32 $_scs_section_size  }
0x9b: {  	s6 =	simm.s32 $_size__tile_overlayer_lowered;
	s7 =	simm.s32 $_tile_overlayer_lowered  }
0x9c: {  	s22 =	simm.s32 $0x1BFF;
	s21 =	sshll.u32 s7, $0x1;
	s4 =	sadd.s32 s5, s19  }
0x9d: {  	s8 =	simm.s32 $0x0;
	s20 =	sshll.u32 s6, $0x1;
	s6 =	sadd.s32 s21, s4  }
0x9e: {  	[timem:s8], [sflag:s22] =	dma.local [hbm:s6], s20  }
0x9f: {  	_ =	swait.ge [sflag:s22], s20  }
0xa0: {  	s5 =	ssub.s32 $0x0, s20;
	[sflag:s22] =	ssyncset.done $0x0  }
0xa1: {  	[sflag:s22] =	ssyncadd.s32 s5;
	_ =	sdelay $0x1  }
0xa2: {  	s23 =	simm.s32 $0x1B8B  }
0xa3: {  	_ =	swait.ge [sflag:s23], $0x1  }
0xa4: {  	[sflag:s23] =	ssyncset.done $0x0  }
0xa5: {  	s25 =	simm.s32 $0x1B8E;
	s24 =	sld [smem:$0x3FFE];
	[sflag:s23] =	ssyncadd.s32 $0xFFFFFFFF  }
0xa6: {  	s26 =	simm.s32 $execute0_lowered;
	[smem:$0x3FD2] =	sst s25  }
0xa7: {  	s6 =	sshll.u32 s26, $0x1;
	_ =	strace $0x80000046;
	[dreg:$0x1] =	wrdreg $0xFFFFFFFF  }
0xa8: {  	s28 =	simm.s32 $_size_execute0_lowered;
	s4 =	sadd.s32 s4, s6;
	[dreg:$0x0] =	wrdreg $0x0  }
0xa9: {  	s6 =	sshll.u32 s28, $0x1;
	[dreg:$0x2] =	wrdreg s4  }
0xaa: {  	[dreg:$0x3] =	wrdreg s6  }
0xab: {  	[dreg:$0x4] =	wrdreg $0xC0  }
0xac: {  	_ =	task [dreg:s8], $0x5FFFF  }
0xad: {  	[dreg:$0x1] =	wrdreg $0xFFFFFFFF  }
0xae: {  	[dreg:$0x0] =	wrdreg $0x60  }
0xaf: {  	[dreg:$0x2] =	wrdreg s2  }
0xb0: {  	[dreg:$0x3] =	wrdreg s18  }
0xb1: {  	[dreg:$0x4] =	wrdreg s24  }
0xb2: {  	[dreg:$0x5] =	wrdreg $0xE3800  }
0xb3: {  	[dreg:$0x6] =	wrdreg $0xF3800  }
0xb4: {  	[dreg:$0x7] =	wrdreg $0x9  }
0xb5: {  	_ =	task.clear_ibuf [dreg:s8], $0x8FFFF;
	_ =	strace $0x90000046  }
0xb6: {  	s29 =	simm.s32 $0x9;
	_ =	strace $0x80000048  }
0xb7: {  	_ =	swait.ge [sflag:s29], $0x1  }
0xb8: {  	[sflag:s29] =	ssyncadd.s32 $0xFFFFFFFF  }
0xb9: {  	_ =	strace $0x90000048  }
0xba: {  	_ =	sfence  }
0xbb: {  	s30 =	sld [smem:$0x0];
	_ =	sdelay $0x2  }
0xbc: {  	s31 =	sshll.u32 s1, $0xD;
	s1 =	sshrl.u32 s1, $0x2  }
0xbd: {  	s3 =	sand.u32 $0x4000, s31;
	s1 =	sadd.s32 s1, s30  }
0xbe: {  	s0 =	sor.u32 s3, s0;
	s1 =	sshll.u32 s1, $0x11  }
0xbf: {  	s0 =	sor.u32 s1, s0  }
0xc0: {  	s0 =	sadd.s32 $0x8F2B, s0  }
0xc1: {  	[sflag:s0] =	ssyncadd.remote.s32 $0x1  }
0xc2: {  	_ =	sfence.sel $0xFFFF  }
0xc3: {  	[dreg:$0x0] =	wrdreg $0xFFFFFFFF;
	(pc) =	sbr.abs _section_cstart, $3  }
0xc4: {  	[dreg:$0x1] =	wrdreg $0xFFFFFFFF  }
0xc5: {  	_ =	task.clear_ibuf [dreg:s8], $0x2FFFF;
	_ =	strace $0x9FFFFFFF  }
0xc6: {  	(tm) =	ssettm $0x7FFFFFFF  }
0xc7: {  	_ =	shalt  }
tec
execute0_lowered:
.L_overlay_start_1:
0x0: {  	(tag) =	ssettag $0x1  }
0x1: {  	s1 =	rddreg [dreg:$0x0]  }
0x2: {  	s14 =	rddreg [dreg:$0x1]  }
0x3: {  	s4 =	rddreg [dreg:$0x2]  }
0x4: {  	s3 =	srdreg.scid;
	s2 =	rddreg [dreg:$0x3]  }
0x5: {  	s0 =	stileid.u32;
	s13 =	rddreg [dreg:$0x4];
	s28 =	simm.s32 $0xE180  }
0x6: {  	s29 =	simm.s32 $0x0;
	s15 =	sand.u32 $0x1, s3;
	s16 =	sshll.u32 s0, $0x5  }
0x7: {  	s3 =	simm.s32 $0x0;
	s25 =	sshll.u32 s0, $0x1;
	s18 =	sshll.u32 s0, $0xC  }
0x8: {  	s8 =	sshll.u32 s0, $0xD;
	s10 =	sshll.u32 s0, $0x7;
	s5 =	sshll.u32 s15, $0x9  }
0x9: {  	[smem:$0x7FF] =	sst s3;
	s24 =	ssub.s32 $0x2, s15;
	s9 =	sand.u32 $0x10000, s8  }
0xa: {  	s11 =	sand.u32 $0x380, s10;
	s10 =	sadd.s32 $0x186800, s1;
	s31 =	sshll.u32 s15, $0xB  }
0xb: {  	s5 =	sor.u32 s16, s5;
	_ =	strace $0x80000047;
	s26 =	sshrl.u32 s24, $0x1  }
0xc: {  	s20 =	sadd.s32 s9, s13;
	s9 =	sadd.s32 $0x30D0, s14;
	s13 =	sadd.s32 s18, s13  }
0xd: {  	s16 =	sadd.s32 s16, s14;
	s6 =	sshll.u32 s5, $0x4;
	s5 =	sshll.u32 s5, $0x1  }
0xe: {  	s19 =	ssub.s32 s24, s26;
	s11 =	sadd.s32 s11, s20;
	s20 =	simm.s32 $0x3  }
0xf: {  	s26 =	simm.s32 $0xC180;
	s12 =	sadd.s32 s6, s4;
	s17 =	sadd.s32 s5, s4  }
0x10: {  	s4 =	sor.u32 s15, s25;
	s5 =	sadd.s32 s18, s2;
	s15 =	sshll.u32 s15, $0x4  }
0x11: {  	s30 =	sshll.u32 s4, $0x4;
	s7 =	sshll.u32 s4, $0xB;
	s8 =	ssub.s32 $0x30D, s4  }
0x12: {  	s12 =	sadd.s32 $0x1C00, s12;
	s16 =	sadd.s32 s15, s16;
	s15 =	smax.u32 s19, $0x1  }
0x13: {  	p0 =	sne.s32 s4, $0x0;
	s7 =	sadd.s32 s1, s7;
	s1 =	sadd.s32 s18, s1  }
0x14: {  	s6 =	sadd.s32 s14, s30;
	s14 =	sadd.s32 $0x1400, s17;
	s1 =	sadd.s32 s31, s1  }
0x15: {  	v0 =	vlaneseq.u32;
	v1 =	vimm.f32 $0.0e+00;
	s17 =	sadd.s32 $0x200, s16;
	s18 =	simm.s32 $0xA180;
	s1 =	sadd.s32 $0x10000, s1  }
.LBB2_1:
0x16: {  	s16 =	simm.s32 $0x10;
	v2 =	vor.u32 s3, v0  }
.LBB2_2:
0x17: {  	p1 =	sne.s32 s16, $0x1FF0  }
.Ltmp0:
0x18: {  	_ = 	snop;
	(pc) =	sbr.rel @p1 .LBB2_2-.Ltmp0, $3  }
0x19: {  	_ =	sdelay $0x1  }
0x1a: {  	[tilespmem:v2+s18+$0x0] =	vst.idx.msk $0xffff, v1;
	s19 =	smov.u32 s16;
	s16 =	sadd.s32 $0x10, s16  }
0x1b: {  	v2 =	vor.u32 s19, v0  }
0x1c: {  	_ =	sdelay $0x3  }
0x1d: {  	[tilespmem:v2+s18+$0x0] =	vst.idx.msk $0xffff, v1  }
0x1e: {  	[tilespmem:$0x8100] =	vst v1  }
0x1f: {  	[tilespmem:$0x8110] =	vst v1  }
0x20: {  	[tilespmem:$0x8120] =	vst v1  }
0x21: {  	[tilespmem:$0x8130] =	vst v1  }
0x22: {  	[tilespmem:$0x8140] =	vst v1  }
0x23: {  	[tilespmem:$0x8150] =	vst v1  }
0x24: {  	[tilespmem:$0x8160] =	vst v1  }
0x25: {  	[tilespmem:$0x8170] =	vst v1  }
0x26: {  	[tilespmem:$0x8180] =	vst v1  }
0x27: {  	[tilespmem:$0x8190] =	vst v1  }
0x28: {  	[tilespmem:$0x81A0] =	vst v1  }
0x29: {  	[tilespmem:$0x81B0] =	vst v1  }
0x2a: {  	[tilespmem:$0x81C0] =	vst v1  }
0x2b: {  	[tilespmem:$0x81D0] =	vst v1  }
0x2c: {  	[tilespmem:$0x81E0] =	vst v1  }
0x2d: {  	[tilespmem:$0x81F0] =	vst v1  }
0x2e: {  	[tilespmem:$0x8200] =	vst v1  }
0x2f: {  	[tilespmem:$0x8210] =	vst v1  }
0x30: {  	[tilespmem:$0x8220] =	vst v1  }
0x31: {  	[tilespmem:$0x8230] =	vst v1  }
0x32: {  	[tilespmem:$0x8240] =	vst v1  }
0x33: {  	[tilespmem:$0x8250] =	vst v1  }
0x34: {  	[tilespmem:$0x8260] =	vst v1  }
0x35: {  	[tilespmem:$0x8270] =	vst v1  }
0x36: {  	[tilespmem:$0x8280] =	vst v1  }
0x37: {  	[tilespmem:$0x8290] =	vst v1  }
0x38: {  	[tilespmem:$0x82A0] =	vst v1  }
0x39: {  	[tilespmem:$0x82B0] =	vst v1  }
0x3a: {  	[tilespmem:$0x82C0] =	vst v1  }
0x3b: {  	[tilespmem:$0x82D0] =	vst v1  }
0x3c: {  	[tilespmem:$0x82E0] =	vst v1  }
0x3d: {  	[tilespmem:$0x82F0] =	vst v1  }
0x3e: {  	[tilespmem:$0x8300] =	vst v1  }
0x3f: {  	[tilespmem:$0x8310] =	vst v1  }
0x40: {  	[tilespmem:$0x8320] =	vst v1  }
0x41: {  	[tilespmem:$0x8330] =	vst v1  }
0x42: {  	[tilespmem:$0x8340] =	vst v1  }
0x43: {  	[tilespmem:$0x8350] =	vst v1  }
0x44: {  	[tilespmem:$0x8360] =	vst v1  }
0x45: {  	[tilespmem:$0x8370] =	vst v1  }
0x46: {  	[tilespmem:$0x8380] =	vst v1  }
0x47: {  	[tilespmem:$0x8390] =	vst v1  }
0x48: {  	[tilespmem:$0x83A0] =	vst v1  }
0x49: {  	[tilespmem:$0x83B0] =	vst v1  }
0x4a: {  	[tilespmem:$0x83C0] =	vst v1  }
0x4b: {  	[tilespmem:$0x83D0] =	vst v1  }
0x4c: {  	[tilespmem:$0x83E0] =	vst v1  }
0x4d: {  	[tilespmem:$0x83F0] =	vst v1  }
0x4e: {  	[tilespmem:$0x8400] =	vst v1  }
0x4f: {  	[tilespmem:$0x8410] =	vst v1  }
0x50: {  	[tilespmem:$0x8420] =	vst v1  }
0x51: {  	[tilespmem:$0x8430] =	vst v1  }
0x52: {  	[tilespmem:$0x8440] =	vst v1  }
0x53: {  	[tilespmem:$0x8450] =	vst v1  }
0x54: {  	[tilespmem:$0x8460] =	vst v1  }
0x55: {  	[tilespmem:$0x8470] =	vst v1  }
0x56: {  	[tilespmem:$0x8480] =	vst v1  }
0x57: {  	[tilespmem:$0x8490] =	vst v1  }
0x58: {  	[tilespmem:$0x84A0] =	vst v1  }
0x59: {  	[tilespmem:$0x84B0] =	vst v1  }
0x5a: {  	[tilespmem:$0x84C0] =	vst v1  }
0x5b: {  	[tilespmem:$0x84D0] =	vst v1  }
0x5c: {  	[tilespmem:$0x84E0] =	vst v1  }
0x5d: {  	[tilespmem:$0x84F0] =	vst v1  }
0x5e: {  	[tilespmem:$0x8500] =	vst v1  }
0x5f: {  	[tilespmem:$0x8510] =	vst v1  }
0x60: {  	[tilespmem:$0x8520] =	vst v1  }
0x61: {  	[tilespmem:$0x8530] =	vst v1  }
0x62: {  	[tilespmem:$0x8540] =	vst v1  }
0x63: {  	[tilespmem:$0x8550] =	vst v1  }
0x64: {  	[tilespmem:$0x8560] =	vst v1  }
0x65: {  	[tilespmem:$0x8570] =	vst v1  }
0x66: {  	[tilespmem:$0x8580] =	vst v1  }
0x67: {  	[tilespmem:$0x8590] =	vst v1  }
0x68: {  	[tilespmem:$0x85A0] =	vst v1  }
0x69: {  	[tilespmem:$0x85B0] =	vst v1  }
0x6a: {  	[tilespmem:$0x85C0] =	vst v1  }
0x6b: {  	[tilespmem:$0x85D0] =	vst v1  }
0x6c: {  	[tilespmem:$0x85E0] =	vst v1  }
0x6d: {  	[tilespmem:$0x85F0] =	vst v1  }
0x6e: {  	[tilespmem:$0x8600] =	vst v1  }
0x6f: {  	[tilespmem:$0x8610] =	vst v1  }
0x70: {  	[tilespmem:$0x8620] =	vst v1  }
0x71: {  	[tilespmem:$0x8630] =	vst v1  }
0x72: {  	[tilespmem:$0x8640] =	vst v1  }
0x73: {  	[tilespmem:$0x8650] =	vst v1  }
0x74: {  	[tilespmem:$0x8660] =	vst v1  }
0x75: {  	[tilespmem:$0x8670] =	vst v1  }
0x76: {  	[tilespmem:$0x8680] =	vst v1  }
0x77: {  	[tilespmem:$0x8690] =	vst v1  }
0x78: {  	[tilespmem:$0x86A0] =	vst v1  }
0x79: {  	[tilespmem:$0x86B0] =	vst v1  }
0x7a: {  	[tilespmem:$0x86C0] =	vst v1  }
0x7b: {  	[tilespmem:$0x86D0] =	vst v1  }
0x7c: {  	[tilespmem:$0x86E0] =	vst v1  }
0x7d: {  	[tilespmem:$0x86F0] =	vst v1  }
0x7e: {  	[tilespmem:$0x8700] =	vst v1  }
0x7f: {  	[tilespmem:$0x8710] =	vst v1  }
0x80: {  	[tilespmem:$0x8720] =	vst v1  }
0x81: {  	[tilespmem:$0x8730] =	vst v1  }
0x82: {  	[tilespmem:$0x8740] =	vst v1  }
0x83: {  	[tilespmem:$0x8750] =	vst v1  }
0x84: {  	[tilespmem:$0x8760] =	vst v1  }
0x85: {  	[tilespmem:$0x8770] =	vst v1  }
0x86: {  	[tilespmem:$0x8780] =	vst v1  }
0x87: {  	[tilespmem:$0x8790] =	vst v1  }
0x88: {  	[tilespmem:$0x87A0] =	vst v1  }
0x89: {  	[tilespmem:$0x87B0] =	vst v1  }
0x8a: {  	[tilespmem:$0x87C0] =	vst v1  }
0x8b: {  	[tilespmem:$0x87D0] =	vst v1  }
0x8c: {  	[tilespmem:$0x87E0] =	vst v1  }
0x8d: {  	[tilespmem:$0x87F0] =	vst v1  }
0x8e: {  	[tilespmem:$0x8800] =	vst v1  }
0x8f: {  	[tilespmem:$0x8810] =	vst v1  }
0x90: {  	[tilespmem:$0x8820] =	vst v1  }
0x91: {  	[tilespmem:$0x8830] =	vst v1  }
0x92: {  	[tilespmem:$0x8840] =	vst v1  }
0x93: {  	[tilespmem:$0x8850] =	vst v1  }
0x94: {  	[tilespmem:$0x8860] =	vst v1  }
0x95: {  	[tilespmem:$0x8870] =	vst v1  }
0x96: {  	[tilespmem:$0x8880] =	vst v1  }
0x97: {  	[tilespmem:$0x8890] =	vst v1  }
0x98: {  	[tilespmem:$0x88A0] =	vst v1  }
0x99: {  	[tilespmem:$0x88B0] =	vst v1  }
0x9a: {  	[tilespmem:$0x88C0] =	vst v1  }
0x9b: {  	[tilespmem:$0x88D0] =	vst v1  }
0x9c: {  	[tilespmem:$0x88E0] =	vst v1  }
0x9d: {  	[tilespmem:$0x88F0] =	vst v1  }
0x9e: {  	[tilespmem:$0x8900] =	vst v1  }
0x9f: {  	[tilespmem:$0x8910] =	vst v1  }
0xa0: {  	[tilespmem:$0x8920] =	vst v1  }
0xa1: {  	[tilespmem:$0x8930] =	vst v1  }
0xa2: {  	[tilespmem:$0x8940] =	vst v1  }
0xa3: {  	[tilespmem:$0x8950] =	vst v1  }
0xa4: {  	[tilespmem:$0x8960] =	vst v1  }
0xa5: {  	[tilespmem:$0x8970] =	vst v1  }
0xa6: {  	[tilespmem:$0x8980] =	vst v1  }
0xa7: {  	[tilespmem:$0x8990] =	vst v1  }
0xa8: {  	[tilespmem:$0x89A0] =	vst v1  }
0xa9: {  	[tilespmem:$0x89B0] =	vst v1  }
0xaa: {  	[tilespmem:$0x89C0] =	vst v1  }
0xab: {  	[tilespmem:$0x89D0] =	vst v1  }
0xac: {  	[tilespmem:$0x89E0] =	vst v1  }
0xad: {  	[tilespmem:$0x89F0] =	vst v1  }
0xae: {  	[tilespmem:$0x8A00] =	vst v1  }
0xaf: {  	[tilespmem:$0x8A10] =	vst v1  }
0xb0: {  	[tilespmem:$0x8A20] =	vst v1  }
0xb1: {  	[tilespmem:$0x8A30] =	vst v1  }
0xb2: {  	[tilespmem:$0x8A40] =	vst v1  }
0xb3: {  	[tilespmem:$0x8A50] =	vst v1  }
0xb4: {  	[tilespmem:$0x8A60] =	vst v1  }
0xb5: {  	[tilespmem:$0x8A70] =	vst v1  }
0xb6: {  	[tilespmem:$0x8A80] =	vst v1  }
0xb7: {  	[tilespmem:$0x8A90] =	vst v1  }
0xb8: {  	[tilespmem:$0x8AA0] =	vst v1  }
0xb9: {  	[tilespmem:$0x8AB0] =	vst v1  }
0xba: {  	[tilespmem:$0x8AC0] =	vst v1  }
0xbb: {  	[tilespmem:$0x8AD0] =	vst v1  }
0xbc: {  	[tilespmem:$0x8AE0] =	vst v1  }
0xbd: {  	[tilespmem:$0x8AF0] =	vst v1  }
0xbe: {  	[tilespmem:$0x8B00] =	vst v1  }
0xbf: {  	[tilespmem:$0x8B10] =	vst v1  }
0xc0: {  	[tilespmem:$0x8B20] =	vst v1  }
0xc1: {  	[tilespmem:$0x8B30] =	vst v1  }
0xc2: {  	[tilespmem:$0x8B40] =	vst v1  }
0xc3: {  	[tilespmem:$0x8B50] =	vst v1  }
0xc4: {  	[tilespmem:$0x8B60] =	vst v1  }
0xc5: {  	[tilespmem:$0x8B70] =	vst v1  }
0xc6: {  	[tilespmem:$0x8B80] =	vst v1  }
0xc7: {  	[tilespmem:$0x8B90] =	vst v1  }
0xc8: {  	[tilespmem:$0x8BA0] =	vst v1  }
0xc9: {  	[tilespmem:$0x8BB0] =	vst v1  }
0xca: {  	[tilespmem:$0x8BC0] =	vst v1  }
0xcb: {  	[tilespmem:$0x8BD0] =	vst v1  }
0xcc: {  	[tilespmem:$0x8BE0] =	vst v1  }
0xcd: {  	[tilespmem:$0x8BF0] =	vst v1  }
0xce: {  	[tilespmem:$0x8C00] =	vst v1  }
0xcf: {  	[tilespmem:$0x8C10] =	vst v1  }
0xd0: {  	[tilespmem:$0x8C20] =	vst v1  }
0xd1: {  	[tilespmem:$0x8C30] =	vst v1  }
0xd2: {  	[tilespmem:$0x8C40] =	vst v1  }
0xd3: {  	[tilespmem:$0x8C50] =	vst v1  }
0xd4: {  	[tilespmem:$0x8C60] =	vst v1  }
0xd5: {  	[tilespmem:$0x8C70] =	vst v1  }
0xd6: {  	[tilespmem:$0x8C80] =	vst v1  }
0xd7: {  	[tilespmem:$0x8C90] =	vst v1  }
0xd8: {  	[tilespmem:$0x8CA0] =	vst v1  }
0xd9: {  	[tilespmem:$0x8CB0] =	vst v1  }
0xda: {  	[tilespmem:$0x8CC0] =	vst v1  }
0xdb: {  	[tilespmem:$0x8CD0] =	vst v1  }
0xdc: {  	[tilespmem:$0x8CE0] =	vst v1  }
0xdd: {  	[tilespmem:$0x8CF0] =	vst v1  }
0xde: {  	[tilespmem:$0x8D00] =	vst v1  }
0xdf: {  	[tilespmem:$0x8D10] =	vst v1  }
0xe0: {  	[tilespmem:$0x8D20] =	vst v1  }
0xe1: {  	[tilespmem:$0x8D30] =	vst v1  }
0xe2: {  	[tilespmem:$0x8D40] =	vst v1  }
0xe3: {  	[tilespmem:$0x8D50] =	vst v1  }
0xe4: {  	[tilespmem:$0x8D60] =	vst v1  }
0xe5: {  	[tilespmem:$0x8D70] =	vst v1  }
0xe6: {  	[tilespmem:$0x8D80] =	vst v1  }
0xe7: {  	[tilespmem:$0x8D90] =	vst v1  }
0xe8: {  	[tilespmem:$0x8DA0] =	vst v1  }
0xe9: {  	[tilespmem:$0x8DB0] =	vst v1  }
0xea: {  	[tilespmem:$0x8DC0] =	vst v1  }
0xeb: {  	[tilespmem:$0x8DD0] =	vst v1  }
0xec: {  	[tilespmem:$0x8DE0] =	vst v1  }
0xed: {  	[tilespmem:$0x8DF0] =	vst v1  }
0xee: {  	[tilespmem:$0x8E00] =	vst v1  }
0xef: {  	[tilespmem:$0x8E10] =	vst v1  }
0xf0: {  	[tilespmem:$0x8E20] =	vst v1  }
0xf1: {  	[tilespmem:$0x8E30] =	vst v1  }
0xf2: {  	[tilespmem:$0x8E40] =	vst v1  }
0xf3: {  	[tilespmem:$0x8E50] =	vst v1  }
0xf4: {  	[tilespmem:$0x8E60] =	vst v1  }
0xf5: {  	[tilespmem:$0x8E70] =	vst v1  }
0xf6: {  	[tilespmem:$0x8E80] =	vst v1  }
0xf7: {  	[tilespmem:$0x8E90] =	vst v1  }
0xf8: {  	[tilespmem:$0x8EA0] =	vst v1  }
0xf9: {  	[tilespmem:$0x8EB0] =	vst v1  }
0xfa: {  	[tilespmem:$0x8EC0] =	vst v1  }
0xfb: {  	[tilespmem:$0x8ED0] =	vst v1  }
0xfc: {  	[tilespmem:$0x8EE0] =	vst v1  }
0xfd: {  	[tilespmem:$0x8EF0] =	vst v1  }
0xfe: {  	[tilespmem:$0x8F00] =	vst v1  }
0xff: {  	[tilespmem:$0x8F10] =	vst v1  }
0x100: {  	[tilespmem:$0x8F20] =	vst v1  }
0x101: {  	[tilespmem:$0x8F30] =	vst v1  }
0x102: {  	[tilespmem:$0x8F40] =	vst v1  }
0x103: {  	[tilespmem:$0x8F50] =	vst v1  }
0x104: {  	[tilespmem:$0x8F60] =	vst v1  }
0x105: {  	[tilespmem:$0x8F70] =	vst v1  }
0x106: {  	[tilespmem:$0x8F80] =	vst v1  }
0x107: {  	[tilespmem:$0x8F90] =	vst v1  }
0x108: {  	[tilespmem:$0x8FA0] =	vst v1  }
0x109: {  	[tilespmem:$0x8FB0] =	vst v1  }
0x10a: {  	[tilespmem:$0x8FC0] =	vst v1  }
0x10b: {  	[tilespmem:$0x8FD0] =	vst v1  }
0x10c: {  	[tilespmem:$0x8FE0] =	vst v1  }
0x10d: {  	[tilespmem:$0x8FF0] =	vst v1  }
0x10e: {  	[tilespmem:$0x9000] =	vst v1  }
0x10f: {  	[tilespmem:$0x9010] =	vst v1  }
0x110: {  	[tilespmem:$0x9020] =	vst v1  }
0x111: {  	[tilespmem:$0x9030] =	vst v1  }
0x112: {  	[tilespmem:$0x9040] =	vst v1  }
0x113: {  	[tilespmem:$0x9050] =	vst v1  }
0x114: {  	[tilespmem:$0x9060] =	vst v1  }
0x115: {  	[tilespmem:$0x9070] =	vst v1  }
0x116: {  	[tilespmem:$0x9080] =	vst v1  }
0x117: {  	[tilespmem:$0x9090] =	vst v1  }
0x118: {  	[tilespmem:$0x90A0] =	vst v1  }
0x119: {  	[tilespmem:$0x90B0] =	vst v1  }
0x11a: {  	[tilespmem:$0x90C0] =	vst v1  }
0x11b: {  	[tilespmem:$0x90D0] =	vst v1  }
0x11c: {  	[tilespmem:$0x90F0] =	vst v1  }
0x11d: {  	s16 =	simm.s32 $0x8100;
	[tilespmem:$0x90E0] =	vst v1  }
0x11e: {  	[spmem:s5] =	stream.linear.scatter [tilespmem:s16], [sflag:$0x3], $0x1000, $0x38;
	[tilespmem:$0x11380] =	vst v63  }
0x11f: {  	_ =	swait.ge [sflag:s20], $0x1000  }
0x120: {  	[sflag:s20] =	ssyncset.done $0x0  }
0x121: {  	[sflag:s20] =	ssyncadd.s32 $0xFFFFF000  }
0x122: {  	s30 =	simm.s32 $0x0;
	s25 =	simm.s32 $0x4000;
	[bflag:$0x0] =	sbarrier.arrive $0xFFFF  }
0x123: {  	[tilespmem:s25], [sflag:$0x1] =	stream.linear.gather [hbm4b:s6+s30], $0x80, $0x38;
	[tilespmem:$0x11380] =	vst v63  }
0x124: {  	s31 =	smov.u32 s17;
	s16 =	smov.u32 s1  }
0x125: {  	[tilespmem:s30], [sflag:$0x1] =	stream.linear.gather [hbm4b:s7+s30], $0x4000, $0x38;
	[tilespmem:$0x11380] =	vst v63  }
.LBB2_4:
0x126: {  	s22 =	sadd.s32 s30, s4  }
0x127: {  	s19 =	sadd.s32 $0x20, s22  }
0x128: {  	p1 =	sgt.u32 s19, $0x30C  }
0x129: {  	s23 =	simm.s32 @!p1 $0x0;
	s19 =	simm.s32 @!p1 $0x8080  }
0x12a: {  	[tilespmem:s19], [sflag:$0x2] =	stream.linear.gather @!p1 [hbm4b:s31+s23], $0x80, $0x38;
	[tilespmem:$0x11380] =	vst v63  }
0x12b: {  	p2 =	sge.u32 s30, s8;
	s21 =	simm.s32 @!p1 $0x4080  }
0x12c: {  	[tilespmem:s21], [sflag:$0x2] =	stream.linear.gather @!p1 [hbm4b:s16+s23], $0x4000, $0x38;
	[tilespmem:$0x11380] =	vst v63  }
0x12d: {  	s23 =	simm.s32 @!p2 $0x1  }
0x12e: {  	_ =	swait.ge @!p2 [sflag:s23], $0x80  }
0x12f: {  	[sflag:s23] =	ssyncset.done @!p2 $0x0  }
0x130: {  	[sflag:s23] =	ssyncadd.s32 @!p2 $0xFFFFFF80  }
0x131: {  	_ =	swait.ge @!p2 [sflag:s23], $0x4000  }
0x132: {  	s24 =	simm.s32 @!p2 $0x4000;
	[sflag:s23] =	ssyncset.done @!p2 $0x0  }
0x133: {  	s25 =	simm.s32 @!p2 $0x0;
	[sflag:s23] =	ssyncadd.s32 @!p2 $0xFFFFC000;
	s23 =	simm.s32 @!p2 $0x80  }
0x134: {  	[spmem:s2] =	stream.indirect.scatter.add.f32 @!p2 [tilespmem:s25], [sflag:$0x3], $0x80, s24, s23, $0xb8;
	[tilespmem:$0x11380] =	vst v63  }
0x135: {  	s23 =	simm.s32 @!p2 $0x3  }
0x136: {  	_ =	swait.ge @!p2 [sflag:s23], $0x4000  }
0x137: {  	[sflag:s23] =	ssyncset.done @!p2 $0x0  }
0x138: {  	[sflag:s23] =	ssyncadd.s32 @!p2 $0xFFFFC000  }
0x139: {  	v2 =	vld @!p2 [tilespmem:$0x4000];
	_ =	sdelay $0x4  }
0x13a: {  	v3 =	vlaneseq.u32 @!p2;
	v2 =	vshll.u32 @!p2 v2, $0x4  }
0x13b: {  	v2 =	vor.u32 @!p2 v3, v2;
	_ =	sdelay $0x3  }
0x13c: {  	v4 =	vimm.f32 @!p2 $1.000000000e+00;
	s23 =	simm.s32 @!p2 $0xA180  }
0x13d: {  	[tilespmem:v2+s23+$0x0] =	vst.idx.add.f32.msk @!p2 $0xffff, v4  }
0x13e: {  	v2 =	vld @!p2 [tilespmem:$0x4010];
	_ =	sdelay $0x4  }
0x13f: {  	v2 =	vshll.u32 @!p2 v2, $0x4  }
0x140: {  	v2 =	vor.u32 @!p2 v3, v2;
	_ =	sdelay $0x4  }
0x141: {  	[tilespmem:v2+s23+$0x0] =	vst.idx.add.f32.msk @!p2 $0xffff, v4  }
0x142: {  	v2 =	vld @!p2 [tilespmem:$0x4020];
	_ =	sdelay $0x4  }
0x143: {  	v2 =	vshll.u32 @!p2 v2, $0x4  }
0x144: {  	v2 =	vor.u32 @!p2 v3, v2;
	_ =	sdelay $0x4  }
0x145: {  	[tilespmem:v2+s23+$0x0] =	vst.idx.add.f32.msk @!p2 $0xffff, v4  }
0x146: {  	v2 =	vld @!p2 [tilespmem:$0x4030];
	_ =	sdelay $0x4  }
0x147: {  	v2 =	vshll.u32 @!p2 v2, $0x4  }
0x148: {  	v2 =	vor.u32 @!p2 v3, v2;
	_ =	sdelay $0x4  }
0x149: {  	[tilespmem:v2+s23+$0x0] =	vst.idx.add.f32.msk @!p2 $0xffff, v4  }
0x14a: {  	v2 =	vld @!p2 [tilespmem:$0x4040];
	_ =	sdelay $0x4  }
0x14b: {  	v2 =	vshll.u32 @!p2 v2, $0x4  }
0x14c: {  	v2 =	vor.u32 @!p2 v3, v2;
	_ =	sdelay $0x4  }
0x14d: {  	[tilespmem:v2+s23+$0x0] =	vst.idx.add.f32.msk @!p2 $0xffff, v4  }
0x14e: {  	v2 =	vld @!p2 [tilespmem:$0x4050];
	_ =	sdelay $0x4  }
0x14f: {  	v2 =	vshll.u32 @!p2 v2, $0x4  }
0x150: {  	v2 =	vor.u32 @!p2 v3, v2;
	_ =	sdelay $0x4  }
0x151: {  	[tilespmem:v2+s23+$0x0] =	vst.idx.add.f32.msk @!p2 $0xffff, v4  }
0x152: {  	v2 =	vld @!p2 [tilespmem:$0x4060];
	_ =	sdelay $0x4  }
0x153: {  	v2 =	vshll.u32 @!p2 v2, $0x4  }
0x154: {  	v2 =	vor.u32 @!p2 v3, v2;
	_ =	sdelay $0x4  }
0x155: {  	[tilespmem:v2+s23+$0x0] =	vst.idx.add.f32.msk @!p2 $0xffff, v4  }
0x156: {  	v2 =	vld @!p2 [tilespmem:$0x4070];
	_ =	sdelay $0x4  }
0x157: {  	v2 =	vshll.u32 @!p2 v2, $0x4  }
0x158: {  	v2 =	vor.u32 @!p2 v3, v2;
	_ =	sdelay $0x2  }
0x159: {  	s22 =	sadd.s32 $0x40, s22  }
0x15a: {  	p3 =	sgt.u32 s22, $0x30C  }
0x15b: {  	s22 =	sadd.s32 @!p3 $0x200, s31;
	s24 =	simm.s32 @!p3 $0x4000;
	[tilespmem:v2+s23+$0x0] =	vst.idx.add.f32.msk @!p2 $0xffff, v4;
	s23 =	simm.s32 @!p3 $0x0  }
0x15c: {  	[tilespmem:s24], [sflag:$0x1] =	stream.linear.gather @!p3 [hbm4b:s22+s23], $0x80, $0x38;
	[tilespmem:$0x11380] =	vst v63  }
0x15d: {  	s22 =	sadd.s32 @!p3 $0x10000, s16  }
0x15e: {  	[tilespmem:s23], [sflag:$0x1] =	stream.linear.gather @!p3 [hbm4b:s22+s23], $0x4000, $0x38;
	[tilespmem:$0x11380] =	vst v63  }
0x15f: {  	s22 =	simm.s32 @!p1 $0x2  }
0x160: {  	_ =	swait.ge @!p1 [sflag:s22], $0x80  }
0x161: {  	[sflag:s22] =	ssyncset.done @!p1 $0x0  }
0x162: {  	[sflag:s22] =	ssyncadd.s32 @!p1 $0xFFFFFF80  }
0x163: {  	_ =	swait.ge @!p1 [sflag:s22], $0x4000  }
0x164: {  	[sflag:s22] =	ssyncset.done @!p1 $0x0  }
0x165: {  	[sflag:s22] =	ssyncadd.s32 @!p1 $0xFFFFC000;
	s22 =	simm.s32 @!p1 $0x80  }
0x166: {  	[spmem:s2] =	stream.indirect.scatter.add.f32 @!p1 [tilespmem:s21], [sflag:$0x3], $0x80, s19, s22, $0xb8;
	[tilespmem:$0x11380] =	vst v63  }
0x167: {  	s19 =	simm.s32 @!p1 $0x3  }
0x168: {  	_ =	swait.ge @!p1 [sflag:s19], $0x4000  }
0x169: {  	[sflag:s19] =	ssyncset.done @!p1 $0x0  }
0x16a: {  	[sflag:s19] =	ssyncadd.s32 @!p1 $0xFFFFC000  }
0x16b: {  	v2 =	vld @!p1 [tilespmem:$0x8080];
	_ =	sdelay $0x4  }
0x16c: {  	v3 =	vlaneseq.u32 @!p1;
	v2 =	vshll.u32 @!p1 v2, $0x4  }
0x16d: {  	v2 =	vor.u32 @!p1 v3, v2;
	_ =	sdelay $0x3  }
0x16e: {  	v4 =	vimm.f32 @!p1 $1.000000000e+00;
	s19 =	simm.s32 @!p1 $0xA180  }
0x16f: {  	[tilespmem:v2+s19+$0x0] =	vst.idx.add.f32.msk @!p1 $0xffff, v4  }
0x170: {  	v2 =	vld @!p1 [tilespmem:$0x8090];
	_ =	sdelay $0x4  }
0x171: {  	v2 =	vshll.u32 @!p1 v2, $0x4  }
0x172: {  	v2 =	vor.u32 @!p1 v3, v2;
	_ =	sdelay $0x4  }
0x173: {  	[tilespmem:v2+s19+$0x0] =	vst.idx.add.f32.msk @!p1 $0xffff, v4  }
0x174: {  	v2 =	vld @!p1 [tilespmem:$0x80A0];
	_ =	sdelay $0x4  }
0x175: {  	v2 =	vshll.u32 @!p1 v2, $0x4  }
0x176: {  	v2 =	vor.u32 @!p1 v3, v2;
	_ =	sdelay $0x4  }
0x177: {  	[tilespmem:v2+s19+$0x0] =	vst.idx.add.f32.msk @!p1 $0xffff, v4  }
0x178: {  	v2 =	vld @!p1 [tilespmem:$0x80B0];
	_ =	sdelay $0x4  }
0x179: {  	v2 =	vshll.u32 @!p1 v2, $0x4  }
0x17a: {  	v2 =	vor.u32 @!p1 v3, v2;
	_ =	sdelay $0x4  }
0x17b: {  	[tilespmem:v2+s19+$0x0] =	vst.idx.add.f32.msk @!p1 $0xffff, v4  }
0x17c: {  	v2 =	vld @!p1 [tilespmem:$0x80C0];
	_ =	sdelay $0x4  }
0x17d: {  	v2 =	vshll.u32 @!p1 v2, $0x4  }
0x17e: {  	v2 =	vor.u32 @!p1 v3, v2;
	_ =	sdelay $0x4  }
0x17f: {  	[tilespmem:v2+s19+$0x0] =	vst.idx.add.f32.msk @!p1 $0xffff, v4  }
0x180: {  	v2 =	vld @!p1 [tilespmem:$0x80D0];
	_ =	sdelay $0x4  }
0x181: {  	v2 =	vshll.u32 @!p1 v2, $0x4  }
0x182: {  	v2 =	vor.u32 @!p1 v3, v2;
	_ =	sdelay $0x4  }
0x183: {  	[tilespmem:v2+s19+$0x0] =	vst.idx.add.f32.msk @!p1 $0xffff, v4  }
0x184: {  	v2 =	vld @!p1 [tilespmem:$0x80E0];
	_ =	sdelay $0x4  }
0x185: {  	v2 =	vshll.u32 @!p1 v2, $0x4  }
0x186: {  	v2 =	vor.u32 @!p1 v3, v2;
	_ =	sdelay $0x4  }
0x187: {  	[tilespmem:v2+s19+$0x0] =	vst.idx.add.f32.msk @!p1 $0xffff, v4  }
0x188: {  	v2 =	vld @!p1 [tilespmem:$0x80F0];
	_ =	sdelay $0x4  }
0x189: {  	s30 =	sadd.s32 $0x40, s30;
	v2 =	vshll.u32 @!p1 v2, $0x4  }
0x18a: {  	p2 =	sne.s32 s30, $0x340;
	v2 =	vor.u32 @!p1 v3, v2  }
.Ltmp1:
0x18b: {  	_ = 	snop;
	(pc) =	sbr.rel @p2 .LBB2_4-.Ltmp1, $2  }
0x18c: {  	_ =	sdelay $0x2  }
0x18d: {  	s31 =	sadd.s32 $0x400, s31;
	s16 =	sadd.s32 $0x20000, s16;
	[tilespmem:v2+s19+$0x0] =	vst.idx.add.f32.msk @!p1 $0xffff, v4  }
0x18e: {  	s16 =	simm.s32 @!p0 $0x0;
	s19 =	simm.s32 @!p0 $0xA100;
	s21 =	simm.s32 @!p0 $0x3  }
0x18f: {  	[tilespmem:s19], [sflag:$0x3] =	stream.linear.gather @!p0 [hbm4b:s9+s16], $0x20, $0x38;
	[tilespmem:$0x11380] =	vst v63  }
0x190: {  	_ =	swait.ge @!p0 [sflag:s21], $0x20  }
0x191: {  	[sflag:s21] =	ssyncset.done @!p0 $0x0  }
0x192: {  	s22 =	simm.s32 @!p0 $0x9100;
	[sflag:s21] =	ssyncadd.s32 @!p0 $0xFFFFFFE0  }
0x193: {  	[tilespmem:s22], [sflag:$0x3] =	stream.linear.gather @!p0 [hbm4b:s10+s16], $0x1000, $0x38;
	[tilespmem:$0x11380] =	vst v63  }
0x194: {  	_ =	swait.ge @!p0 [sflag:s21], $0x1000  }
0x195: {  	[sflag:s21] =	ssyncset.done @!p0 $0x0  }
0x196: {  	s16 =	simm.s32 @!p0 $0x20;
	[sflag:s21] =	ssyncadd.s32 @!p0 $0xFFFFF000  }
0x197: {  	[spmem:s2] =	stream.indirect.scatter.add.f32 @!p0 [tilespmem:s22], [sflag:$0x3], $0x80, s19, s16, $0xb8;
	[tilespmem:$0x11380] =	vst v63  }
0x198: {  	_ =	swait.ge @!p0 [sflag:s21], $0x1000  }
0x199: {  	[sflag:s21] =	ssyncset.done @!p0 $0x0  }
0x19a: {  	[sflag:s21] =	ssyncadd.s32 @!p0 $0xFFFFF000  }
0x19b: {  	v2 =	vld @!p0 [tilespmem:$0xA100];
	_ =	sdelay $0x4  }
0x19c: {  	v3 =	vlaneseq.u32 @!p0;
	v2 =	vshll.u32 @!p0 v2, $0x4  }
0x19d: {  	v2 =	vor.u32 @!p0 v3, v2;
	_ =	sdelay $0x3  }
0x19e: {  	v4 =	vimm.f32 @!p0 $1.000000000e+00;
	s16 =	simm.s32 @!p0 $0xA180  }
0x19f: {  	[tilespmem:v2+s16+$0x0] =	vst.idx.add.f32.msk @!p0 $0xffff, v4  }
0x1a0: {  	v2 =	vld @!p0 [tilespmem:$0xA110];
	_ =	sdelay $0x4  }
0x1a1: {  	v2 =	vshll.u32 @!p0 v2, $0x4  }
0x1a2: {  	v2 =	vor.u32 @!p0 v3, v2;
	_ =	sdelay $0x4  }
0x1a3: {  	s23 =	simm.s32 $0x400;
	s22 =	simm.s32 $0x80;
	[tilespmem:v2+s16+$0x0] =	vst.idx.add.f32.msk @!p0 $0xffff, v4  }
0x1a4: {  	[spmem:s11] =	stream.strided.scatter [tilespmem:s18], [sflag:$0x3], $0x2000, s23, s22, $0x38;
	[tilespmem:$0x11380] =	vst v63  }
0x1a5: {  	_ =	swait.ge [sflag:s20], $0x2000  }
0x1a6: {  	[sflag:s20] =	ssyncset.done $0x0  }
0x1a7: {  	s24 =	sshll.u32 s0, $0x6;
	[sflag:s20] =	ssyncadd.s32 $0xFFFFE000  }
0x1a8: {  	s25 =	sshrl.u32 s5, $0x3;
	s16 =	sor.u32 $0x1C03, s24;
	[bflag:$0x0] =	sbarrier.arrive $0xFFFF  }
0x1a9: {  	[hbm:s12], [sflag:s16] =	dma.local [spmem:s25], $0x200  }
0x1aa: {  	_ =	swait.ge [sflag:s20], $0x200  }
0x1ab: {  	[sflag:s20] =	ssyncset.done $0x0  }
0x1ac: {  	s30 =	simm.s32 $0x1000;
	s31 =	simm.s32 $0x10000;
	[sflag:s20] =	ssyncadd.s32 $0xFFFFFE00  }
0x1ad: {  	[tilespmem:s26], [sflag:$0x3] =	stream.strided.gather [spmem:s13], $0x2000, s31, s30, $0x38;
	[tilespmem:$0x11380] =	vst v63  }
0x1ae: {  	_ =	swait.ge [sflag:s20], $0x2000  }
0x1af: {  	[sflag:s20] =	ssyncset.done $0x0  }
0x1b0: {  	[sflag:s20] =	ssyncadd.s32 $0xFFFFE000  }
0x1b1: {  	v2 =	vld [tilespmem:$0xC180]  }
0x1b2: {  	v3 =	vld [tilespmem:$0xC200]  }
0x1b3: {  	v10 =	vld [tilespmem:$0xC190]  }
0x1b4: {  	v11 =	vld [tilespmem:$0xC210];
	_ =	sdelay $0x1  }
0x1b5: {  	v13 =	vld [tilespmem:$0xC290];
	_ =	sdelay $0x1  }
0x1b6: {  	v2 =	vadd.f32 v3, v2;
	v3 =	vld [tilespmem:$0xC310]  }
0x1b7: {  	v10 =	vadd.f32 v11, v10  }
0x1b8: {  	v51 =	vld [tilespmem:$0xC390]  }
0x1b9: {  	v10 =	vadd.f32 v13, v10  }
0x1ba: {  	v53 =	vld [tilespmem:$0xC410]  }
0x1bb: {  	v3 =	vadd.f32 v3, v10  }
0x1bc: {  	v55 =	vld [tilespmem:$0xC490]  }
0x1bd: {  	v3 =	vadd.f32 v51, v3  }
0x1be: {  	v57 =	vld [tilespmem:$0xC510]  }
0x1bf: {  	v3 =	vadd.f32 v53, v3  }
0x1c0: {  	v59 =	vld [tilespmem:$0xD190]  }
0x1c1: {  	v3 =	vadd.f32 v55, v3  }
0x1c2: {  	v61 =	vld [tilespmem:$0xD210]  }
0x1c3: {  	v3 =	vadd.f32 v57, v3  }
0x1c4: {  	v62 =	vld [tilespmem:$0xD290]  }
0x1c5: {  	v3 =	vadd.f32 v59, v3  }
0x1c6: {  	v63 =	vld [tilespmem:$0xD310]  }
0x1c7: {  	v3 =	vadd.f32 v61, v3  }
0x1c8: {  	v16 =	vld [tilespmem:$0xD390]  }
0x1c9: {  	v3 =	vadd.f32 v62, v3  }
0x1ca: {  	v17 =	vld [tilespmem:$0xD410]  }
0x1cb: {  	v3 =	vadd.f32 v63, v3  }
0x1cc: {  	v18 =	vld [tilespmem:$0xD490]  }
0x1cd: {  	v3 =	vadd.f32 v16, v3  }
0x1ce: {  	v19 =	vld [tilespmem:$0xD510]  }
0x1cf: {  	v3 =	vadd.f32 v17, v3;
	_ =	sdelay $0x1  }
0x1d0: {  	v3 =	vadd.f32 v18, v3;
	_ =	sdelay $0x1  }
0x1d1: {  	v3 =	vadd.f32 v19, v3;
	_ =	sdelay $0x1  }
0x1d2: {  	[tilespmem:$0xE190] =	vst v3;
	v3 =	vld [tilespmem:$0xC340];
	_ =	sdelay $0x1  }
0x1d3: {  	v50 =	vld [tilespmem:$0xC280]  }
0x1d4: {  	v5 =	vld [tilespmem:$0xC300]  }
0x1d5: {  	v6 =	vld [tilespmem:$0xC380]  }
0x1d6: {  	[tilespmem:$0x1EEF0] =	vst v3;
	v3 =	vld [tilespmem:$0xC3C0]  }
0x1d7: {  	v7 =	vld [tilespmem:$0xC400]  }
0x1d8: {  	v8 =	vld [tilespmem:$0xC480]  }
0x1d9: {  	v9 =	vld [tilespmem:$0xC500]  }
0x1da: {  	v12 =	vld [tilespmem:$0xD180]  }
0x1db: {  	[tilespmem:$0x1EF00] =	vst v3;
	v3 =	vld [tilespmem:$0xC440]  }
0x1dc: {  	v14 =	vld [tilespmem:$0xD200];
	v2 =	vadd.f32 v50, v2  }
0x1dd: {  	v15 =	vld [tilespmem:$0xD280]  }
0x1de: {  	v52 =	vld [tilespmem:$0xD300];
	v2 =	vadd.f32 v5, v2  }
0x1df: {  	v54 =	vld [tilespmem:$0xD380]  }
0x1e0: {  	v2 =	vadd.f32 v6, v2;
	[tilespmem:$0x1EF10] =	vst v3;
	v3 =	vld [tilespmem:$0xC4C0]  }
0x1e1: {  	v56 =	vld [tilespmem:$0xD400]  }
0x1e2: {  	v58 =	vld [tilespmem:$0xD480];
	v2 =	vadd.f32 v7, v2  }
0x1e3: {  	v60 =	vld [tilespmem:$0xD500]  }
0x1e4: {  	v27 =	vld [tilespmem:$0xC1A0];
	v2 =	vadd.f32 v8, v2  }
0x1e5: {  	[tilespmem:$0x1EF30] =	vst v3;
	v3 =	vld [tilespmem:$0xC540]  }
0x1e6: {  	v22 =	vld [tilespmem:$0xC220];
	v2 =	vadd.f32 v9, v2  }
0x1e7: {  	v28 =	vld [tilespmem:$0xC2A0]  }
0x1e8: {  	v32 =	vld [tilespmem:$0xC320];
	v2 =	vadd.f32 v12, v2  }
0x1e9: {  	v36 =	vld [tilespmem:$0xC3A0]  }
0x1ea: {  	v2 =	vadd.f32 v14, v2;
	[tilespmem:$0x1EF50] =	vst v3;
	v3 =	vld [tilespmem:$0xD1C0]  }
0x1eb: {  	v38 =	vld [tilespmem:$0xC420]  }
0x1ec: {  	v41 =	vld [tilespmem:$0xC4A0];
	v2 =	vadd.f32 v15, v2  }
0x1ed: {  	v46 =	vld [tilespmem:$0xC520]  }
0x1ee: {  	v4 =	vld [tilespmem:$0xC1B0];
	v2 =	vadd.f32 v52, v2  }
0x1ef: {  	[tilespmem:$0x1EF70] =	vst v3;
	v3 =	vld [tilespmem:$0xD240]  }
0x1f0: {  	v21 =	vld [tilespmem:$0xD230];
	v2 =	vadd.f32 v54, v2  }
0x1f1: {  	v29 =	vld [tilespmem:$0xD2B0]  }
0x1f2: {  	v35 =	vld [tilespmem:$0xD330];
	v2 =	vadd.f32 v56, v2  }
0x1f3: {  	v39 =	vld [tilespmem:$0xD3B0]  }
0x1f4: {  	v2 =	vadd.f32 v58, v2;
	[tilespmem:$0x1EF90] =	vst v3;
	v3 =	vld [tilespmem:$0xD2C0]  }
0x1f5: {  	v45 =	vld [tilespmem:$0xD430]  }
0x1f6: {  	v48 =	vld [tilespmem:$0xD4B0];
	v2 =	vadd.f32 v60, v2  }
0x1f7: {  	v30 =	vld [tilespmem:$0xC1D0]  }
0x1f8: {  	[tilespmem:$0xE180] =	vst v2;
	v2 =	vld [tilespmem:$0xD320]  }
0x1f9: {  	[tilespmem:$0x1EFC0] =	vst v3;
	v3 =	vld [tilespmem:$0xD340]  }
0x1fa: {  	v24 =	vld [tilespmem:$0xC250]  }
0x1fb: {  	v33 =	vld [tilespmem:$0xC2D0]  }
0x1fc: {  	v11 =	vld [tilespmem:$0xC430]  }
0x1fd: {  	[tilespmem:$0x1EEA0] =	vst v2;
	v2 =	vld [tilespmem:$0xD3A0]  }
0x1fe: {  	[tilespmem:$0x1EFF0] =	vst v3;
	v3 =	vld [tilespmem:$0xD3C0]  }
0x1ff: {  	v50 =	vld [tilespmem:$0xD1A0]  }
0x200: {  	v6 =	vld [tilespmem:$0xC2B0]  }
0x201: {  	v51 =	vld [tilespmem:$0xC240]  }
0x202: {  	[tilespmem:$0x1EEB0] =	vst v2;
	v2 =	vld [tilespmem:$0xD420]  }
0x203: {  	[tilespmem:$0x1F030] =	vst v3;
	v3 =	vld [tilespmem:$0xD440]  }
0x204: {  	v8 =	vld [tilespmem:$0xC330]  }
0x205: {  	v9 =	vld [tilespmem:$0xC3B0]  }
0x206: {  	v57 =	vld [tilespmem:$0xC2C0]  }
0x207: {  	[tilespmem:$0x1EEC0] =	vst v2;
	v2 =	vld [tilespmem:$0xD4A0]  }
0x208: {  	[tilespmem:$0x1F070] =	vst v3;
	v3 =	vld [tilespmem:$0xD4C0]  }
0x209: {  	v59 =	vld [tilespmem:$0xD2A0]  }
0x20a: {  	v14 =	vld [tilespmem:$0xC4B0]  }
0x20b: {  	v61 =	vld [tilespmem:$0xD530]  }
0x20c: {  	[tilespmem:$0x1EED0] =	vst v2;
	v2 =	vld [tilespmem:$0xD520]  }
0x20d: {  	[tilespmem:$0x1F0B0] =	vst v3;
	v3 =	vld [tilespmem:$0xD540]  }
0x20e: {  	v52 =	vld [tilespmem:$0xC1C0]  }
0x20f: {  	v16 =	vld [tilespmem:$0xC530]  }
0x210: {  	v56 =	vld [tilespmem:$0xD220]  }
0x211: {  	v19 =	vld [tilespmem:$0xD1B0];
	[tilespmem:$0x1EEE0] =	vst v2  }
0x212: {  	v2 =	vld [tilespmem:$0xC230];
	[tilespmem:$0x1F0F0] =	vst v3  }
0x213: {  	v42 =	vld [tilespmem:$0xC350]  }
0x214: {  	v63 =	vld [tilespmem:$0xD570];
	_ =	sdelay $0x4  }
0x215: {  	[tilespmem:$0x1F160] =	vst v63;
	v63 =	vld [tilespmem:$0xC880];
	_ =	sdelay $0x4  }
0x216: {  	[tilespmem:$0x1F230] =	vst v63;
	v63 =	vld [tilespmem:$0xD800];
	_ =	sdelay $0x4  }
0x217: {  	[tilespmem:$0x1F3F0] =	vst v63;
	v63 =	vld [tilespmem:$0xC790];
	_ =	sdelay $0x4  }
0x218: {  	[tilespmem:$0x1F1F0] =	vst v63;
	v63 =	vld [tilespmem:$0xD710];
	_ =	sdelay $0x4  }
0x219: {  	[tilespmem:$0x1F390] =	vst v63;
	v63 =	vld [tilespmem:$0xC7A0];
	_ =	sdelay $0x4  }
0x21a: {  	[tilespmem:$0x1F210] =	vst v63;
	v63 =	vld [tilespmem:$0xD5A0];
	_ =	sdelay $0x4  }
0x21b: {  	[tilespmem:$0x1F300] =	vst v63;
	v63 =	vld [tilespmem:$0xD7A0];
	_ =	sdelay $0x4  }
0x21c: {  	[tilespmem:$0x1F400] =	vst v63;
	v63 =	vld [tilespmem:$0xC830];
	_ =	sdelay $0x4  }
0x21d: {  	[tilespmem:$0x1F260] =	vst v63;
	v63 =	vld [tilespmem:$0xC8B0];
	_ =	sdelay $0x4  }
0x21e: {  	[tilespmem:$0x1F2A0] =	vst v63;
	v63 =	vld [tilespmem:$0xC930];
	_ =	sdelay $0x4  }
0x21f: {  	[tilespmem:$0x1F2E0] =	vst v63;
	v63 =	vld [tilespmem:$0xD5B0];
	_ =	sdelay $0x4  }
0x220: {  	[tilespmem:$0x1F320] =	vst v63;
	v63 =	vld [tilespmem:$0xD630];
	_ =	sdelay $0x4  }
0x221: {  	[tilespmem:$0x1F360] =	vst v63;
	v63 =	vld [tilespmem:$0xD6B0];
	_ =	sdelay $0x4  }
0x222: {  	[tilespmem:$0x1F3A0] =	vst v63;
	v63 =	vld [tilespmem:$0xD730];
	_ =	sdelay $0x4  }
0x223: {  	[tilespmem:$0x1F3E0] =	vst v63;
	v63 =	vld [tilespmem:$0xD7B0];
	_ =	sdelay $0x4  }
0x224: {  	[tilespmem:$0x1F420] =	vst v63;
	v63 =	vld [tilespmem:$0xD830];
	_ =	sdelay $0x4  }
0x225: {  	[tilespmem:$0x1F460] =	vst v63;
	v63 =	vld [tilespmem:$0xD8B0];
	_ =	sdelay $0x4  }
0x226: {  	[tilespmem:$0x1F4A0] =	vst v63;
	v63 =	vld [tilespmem:$0xD930];
	_ =	sdelay $0x4  }
0x227: {  	[tilespmem:$0x1F4E0] =	vst v63;
	v63 =	vld [tilespmem:$0xC5C0];
	_ =	sdelay $0x4  }
0x228: {  	[tilespmem:$0x1F4C0] =	vst v63;
	v63 =	vld [tilespmem:$0xC640];
	_ =	sdelay $0x4  }
0x229: {  	[tilespmem:$0x1F4D0] =	vst v63;
	v63 =	vld [tilespmem:$0xC6C0];
	_ =	sdelay $0x4  }
0x22a: {  	[tilespmem:$0x1F510] =	vst v63;
	v63 =	vld [tilespmem:$0xC740];
	_ =	sdelay $0x4  }
0x22b: {  	[tilespmem:$0x1F570] =	vst v63;
	v63 =	vld [tilespmem:$0xC7C0];
	_ =	sdelay $0x4  }
0x22c: {  	[tilespmem:$0x1F5B0] =	vst v63;
	v63 =	vld [tilespmem:$0xC840];
	_ =	sdelay $0x4  }
0x22d: {  	[tilespmem:$0x1F5F0] =	vst v63;
	v63 =	vld [tilespmem:$0xC8C0];
	_ =	sdelay $0x4  }
0x22e: {  	[tilespmem:$0x1F630] =	vst v63;
	v63 =	vld [tilespmem:$0xC940];
	_ =	sdelay $0x4  }
0x22f: {  	[tilespmem:$0x1F670] =	vst v63;
	v63 =	vld [tilespmem:$0xD5C0];
	_ =	sdelay $0x4  }
0x230: {  	[tilespmem:$0x1F6B0] =	vst v63;
	v63 =	vld [tilespmem:$0xD640];
	_ =	sdelay $0x4  }
0x231: {  	[tilespmem:$0x1F6F0] =	vst v63;
	v63 =	vld [tilespmem:$0xD6C0];
	_ =	sdelay $0x4  }
0x232: {  	[tilespmem:$0x1F730] =	vst v63;
	v63 =	vld [tilespmem:$0xD740];
	_ =	sdelay $0x4  }
0x233: {  	[tilespmem:$0x1F770] =	vst v63;
	v63 =	vld [tilespmem:$0xD7C0];
	_ =	sdelay $0x4  }
0x234: {  	[tilespmem:$0x1F7B0] =	vst v63;
	v63 =	vld [tilespmem:$0xD840];
	_ =	sdelay $0x4  }
0x235: {  	[tilespmem:$0x1F7F0] =	vst v63;
	v63 =	vld [tilespmem:$0xD8C0];
	_ =	sdelay $0x4  }
0x236: {  	[tilespmem:$0x1F830] =	vst v63;
	v63 =	vld [tilespmem:$0xD940];
	_ =	sdelay $0x4  }
0x237: {  	[tilespmem:$0x1F870] =	vst v63;
	v63 =	vld [tilespmem:$0xC5D0];
	_ =	sdelay $0x4  }
0x238: {  	[tilespmem:$0x1F4F0] =	vst v63;
	v63 =	vld [tilespmem:$0xC650];
	_ =	sdelay $0x4  }
0x239: {  	[tilespmem:$0x1F500] =	vst v63;
	v63 =	vld [tilespmem:$0xC6D0];
	_ =	sdelay $0x4  }
0x23a: {  	[tilespmem:$0x1F540] =	vst v63;
	v63 =	vld [tilespmem:$0xC750];
	_ =	sdelay $0x4  }
0x23b: {  	[tilespmem:$0x1F590] =	vst v63;
	v63 =	vld [tilespmem:$0xC7D0];
	_ =	sdelay $0x4  }
0x23c: {  	[tilespmem:$0x1F5D0] =	vst v63;
	v63 =	vld [tilespmem:$0xC850];
	_ =	sdelay $0x4  }
0x23d: {  	[tilespmem:$0x1F610] =	vst v63;
	v63 =	vld [tilespmem:$0xC8D0];
	_ =	sdelay $0x4  }
0x23e: {  	[tilespmem:$0x1F650] =	vst v63;
	v63 =	vld [tilespmem:$0xC950];
	_ =	sdelay $0x4  }
0x23f: {  	[tilespmem:$0x1F690] =	vst v63;
	v63 =	vld [tilespmem:$0xD5D0];
	_ =	sdelay $0x4  }
0x240: {  	[tilespmem:$0x1F6D0] =	vst v63;
	v63 =	vld [tilespmem:$0xD650];
	_ =	sdelay $0x4  }
0x241: {  	[tilespmem:$0x1F710] =	vst v63;
	v63 =	vld [tilespmem:$0xD6D0];
	_ =	sdelay $0x4  }
0x242: {  	[tilespmem:$0x1F750] =	vst v63;
	v63 =	vld [tilespmem:$0xD750];
	_ =	sdelay $0x4  }
0x243: {  	[tilespmem:$0x1F790] =	vst v63;
	v63 =	vld [tilespmem:$0xD7D0];
	_ =	sdelay $0x4  }
0x244: {  	[tilespmem:$0x1F7D0] =	vst v63;
	v63 =	vld [tilespmem:$0xD850];
	_ =	sdelay $0x4  }
0x245: {  	[tilespmem:$0x1F810] =	vst v63;
	v63 =	vld [tilespmem:$0xD8D0];
	_ =	sdelay $0x4  }
0x246: {  	[tilespmem:$0x1F850] =	vst v63;
	v63 =	vld [tilespmem:$0xD950];
	_ =	sdelay $0x4  }
0x247: {  	[tilespmem:$0x1F890] =	vst v63;
	v63 =	vld [tilespmem:$0xC5E0];
	_ =	sdelay $0x4  }
0x248: {  	[tilespmem:$0x1F520] =	vst v63;
	v63 =	vld [tilespmem:$0xC660];
	_ =	sdelay $0x4  }
0x249: {  	[tilespmem:$0x1F530] =	vst v63;
	v63 =	vld [tilespmem:$0xC6E0];
	_ =	sdelay $0x4  }
0x24a: {  	[tilespmem:$0x1F580] =	vst v63;
	v63 =	vld [tilespmem:$0xC760];
	_ =	sdelay $0x4  }
0x24b: {  	[tilespmem:$0x1F5C0] =	vst v63;
	v63 =	vld [tilespmem:$0xC7E0];
	_ =	sdelay $0x4  }
0x24c: {  	[tilespmem:$0x1F600] =	vst v63;
	v63 =	vld [tilespmem:$0xC860];
	_ =	sdelay $0x4  }
0x24d: {  	[tilespmem:$0x1F640] =	vst v63;
	v63 =	vld [tilespmem:$0xC8E0];
	_ =	sdelay $0x4  }
0x24e: {  	[tilespmem:$0x1F680] =	vst v63;
	v63 =	vld [tilespmem:$0xC960];
	_ =	sdelay $0x4  }
0x24f: {  	[tilespmem:$0x1F6C0] =	vst v63;
	v63 =	vld [tilespmem:$0xD5E0];
	_ =	sdelay $0x4  }
0x250: {  	[tilespmem:$0x1F700] =	vst v63;
	v63 =	vld [tilespmem:$0xD660];
	_ =	sdelay $0x4  }
0x251: {  	[tilespmem:$0x1F740] =	vst v63;
	v63 =	vld [tilespmem:$0xD6E0];
	_ =	sdelay $0x4  }
0x252: {  	[tilespmem:$0x1F780] =	vst v63;
	v63 =	vld [tilespmem:$0xD760];
	_ =	sdelay $0x4  }
0x253: {  	[tilespmem:$0x1F7C0] =	vst v63;
	v63 =	vld [tilespmem:$0xD7E0];
	_ =	sdelay $0x4  }
0x254: {  	[tilespmem:$0x1F800] =	vst v63;
	v63 =	vld [tilespmem:$0xD860];
	_ =	sdelay $0x4  }
0x255: {  	[tilespmem:$0x1F840] =	vst v63;
	v63 =	vld [tilespmem:$0xD8E0];
	_ =	sdelay $0x4  }
0x256: {  	[tilespmem:$0x1F880] =	vst v63;
	v63 =	vld [tilespmem:$0xD960];
	_ =	sdelay $0x4  }
0x257: {  	[tilespmem:$0x1F8B0] =	vst v63;
	v63 =	vld [tilespmem:$0xC5F0];
	_ =	sdelay $0x4  }
0x258: {  	[tilespmem:$0x1F550] =	vst v63;
	v63 =	vld [tilespmem:$0xC670];
	_ =	sdelay $0x4  }
0x259: {  	[tilespmem:$0x1F560] =	vst v63;
	v63 =	vld [tilespmem:$0xC6F0];
	_ =	sdelay $0x4  }
0x25a: {  	[tilespmem:$0x1F5A0] =	vst v63;
	v63 =	vld [tilespmem:$0xC770];
	_ =	sdelay $0x4  }
0x25b: {  	[tilespmem:$0x1F5E0] =	vst v63;
	v63 =	vld [tilespmem:$0xC7F0];
	_ =	sdelay $0x4  }
0x25c: {  	[tilespmem:$0x1F620] =	vst v63;
	v63 =	vld [tilespmem:$0xC870];
	_ =	sdelay $0x4  }
0x25d: {  	[tilespmem:$0x1F660] =	vst v63;
	v63 =	vld [tilespmem:$0xC8F0];
	_ =	sdelay $0x2  }
0x25e: {  	v54 =	vld [tilespmem:$0xC3D0]  }
0x25f: {  	v3 =	vld [tilespmem:$0xC450]  }
0x260: {  	[tilespmem:$0x1F6A0] =	vst v63;
	v63 =	vld [tilespmem:$0xC970]  }
0x261: {  	v13 =	vld [tilespmem:$0xC1E0]  }
0x262: {  	v12 =	vld [tilespmem:$0xC260]  }
0x263: {  	v17 =	vld [tilespmem:$0xC2E0]  }
0x264: {  	v20 =	vld [tilespmem:$0xC360]  }
0x265: {  	[tilespmem:$0x1F6E0] =	vst v63;
	v63 =	vld [tilespmem:$0xD5F0]  }
0x266: {  	v31 =	vld [tilespmem:$0xC3E0]  }
0x267: {  	v40 =	vld [tilespmem:$0xC460]  }
0x268: {  	v47 =	vld [tilespmem:$0xC4E0]  }
0x269: {  	v60 =	vld [tilespmem:$0xC560]  }
0x26a: {  	[tilespmem:$0x1F720] =	vst v63;
	v63 =	vld [tilespmem:$0xD670]  }
0x26b: {  	v5 =	vld [tilespmem:$0xC1F0]  }
0x26c: {  	v7 =	vld [tilespmem:$0xC2F0]  }
0x26d: {  	v10 =	vld [tilespmem:$0xC370]  }
0x26e: {  	v15 =	vld [tilespmem:$0xC3F0]  }
0x26f: {  	[tilespmem:$0x1F760] =	vst v63;
	v63 =	vld [tilespmem:$0xD6F0]  }
0x270: {  	v2 =	vadd.f32 v2, v4;
	v18 =	vld [tilespmem:$0xC470]  }
0x271: {  	v23 =	vld [tilespmem:$0xC4F0]  }
0x272: {  	v2 =	vadd.f32 v6, v2;
	v34 =	vld [tilespmem:$0xC570]  }
0x273: {  	v43 =	vld [tilespmem:$0xD1F0]  }
0x274: {  	v2 =	vadd.f32 v8, v2;
	[tilespmem:$0x1F7A0] =	vst v63;
	v63 =	vld [tilespmem:$0xD770]  }
0x275: {  	v55 =	vld [tilespmem:$0xD270]  }
0x276: {  	v2 =	vadd.f32 v9, v2;
	v25 =	vld [tilespmem:$0xD2F0]  }
0x277: {  	v49 =	vld [tilespmem:$0xD370]  }
0x278: {  	v2 =	vadd.f32 v11, v2;
	v53 =	vld [tilespmem:$0xD3F0]  }
0x279: {  	[tilespmem:$0x1F7E0] =	vst v63;
	v63 =	vld [tilespmem:$0xD7F0]  }
0x27a: {  	v2 =	vadd.f32 v14, v2;
	v58 =	vld [tilespmem:$0xD470]  }
0x27b: {  	v62 =	vld [tilespmem:$0xD4F0]  }
0x27c: {  	v2 =	vadd.f32 v16, v2;
	v37 =	vld [tilespmem:$0xC580]  }
0x27d: {  	v44 =	vld [tilespmem:$0xC600]  }
0x27e: {  	v2 =	vadd.f32 v19, v2;
	[tilespmem:$0x1F820] =	vst v63;
	v63 =	vld [tilespmem:$0xD870]  }
0x27f: {  	v26 =	vld [tilespmem:$0xC5B0]  }
0x280: {  	v22 =	vadd.f32 v22, v27;
	v2 =	vadd.f32 v21, v2;
	v27 =	vld [tilespmem:$0xCC90]  }
0x281: {  	v9 =	vld [tilespmem:$0xD9A0]  }
0x282: {  	v2 =	vadd.f32 v29, v2;
	v11 =	vld [tilespmem:$0x1EEA0]  }
0x283: {  	[tilespmem:$0x1F860] =	vst v63;
	v63 =	vld [tilespmem:$0xD8F0]  }
0x284: {  	v2 =	vadd.f32 v35, v2;
	v14 =	vld [tilespmem:$0xDA20]  }
0x285: {  	v16 =	vld [tilespmem:$0x1EEB0]  }
0x286: {  	v2 =	vadd.f32 v39, v2;
	v19 =	vld [tilespmem:$0xDB20]  }
0x287: {  	v21 =	vld [tilespmem:$0x1EEC0]  }
0x288: {  	v2 =	vadd.f32 v45, v2;
	[tilespmem:$0x1F8A0] =	vst v63;
	v63 =	vld [tilespmem:$0xD970]  }
0x289: {  	v29 =	vld [tilespmem:$0x1EED0]  }
0x28a: {  	v35 =	vadd.f32 v48, v2;
	v2 =	vld [tilespmem:$0xC9B0]  }
0x28b: {  	[tilespmem:$0x1EF20] =	vst v3;
	v3 =	vld [tilespmem:$0xC4D0]  }
0x28c: {  	v45 =	vld [tilespmem:$0x1EEF0]  }
0x28d: {  	[tilespmem:$0x1F8E0] =	vst v63;
	v63 =	vld [tilespmem:$0xC980]  }
0x28e: {  	v48 =	vld [tilespmem:$0x1EF10]  }
0x28f: {  	v6 =	vadd.f32 v61, v35;
	v61 =	vld [tilespmem:$0xDA30]  }
0x290: {  	[tilespmem:$0x1EF40] =	vst v3;
	v3 =	vld [tilespmem:$0xC550]  }
0x291: {  	v39 =	vadd.f32 v24, v30;
	v24 =	vld [tilespmem:$0xDD30]  }
0x292: {  	[tilespmem:$0x1F8C0] =	vst v63;
	v63 =	vld [tilespmem:$0xCA00]  }
0x293: {  	v30 =	vld [tilespmem:$0x1EF90]  }
0x294: {  	[tilespmem:$0x1FEF0] =	vst v6;
	v6 =	vadd.f32 v33, v39;
	v33 =	vld [tilespmem:$0xCA40]  }
0x295: {  	[tilespmem:$0x1EF60] =	vst v3;
	v3 =	vld [tilespmem:$0xD1D0]  }
0x296: {  	v35 =	vld [tilespmem:$0xCAC0]  }
0x297: {  	[tilespmem:$0x1F8D0] =	vst v63;
	v63 =	vld [tilespmem:$0xCA80]  }
0x298: {  	v39 =	vld [tilespmem:$0xCB40]  }
0x299: {  	[tilespmem:$0x1F060] =	vst v49;
	v49 =	vld [tilespmem:$0xC680]  }
0x29a: {  	[tilespmem:$0x1EF80] =	vst v3;
	v3 =	vld [tilespmem:$0xD250]  }
0x29b: {  	[tilespmem:$0x1F0A0] =	vst v53;
	v53 =	vld [tilespmem:$0xC700]  }
0x29c: {  	[tilespmem:$0x1F910] =	vst v63;
	v63 =	vld [tilespmem:$0xCB00]  }
0x29d: {  	[tilespmem:$0x1F0E0] =	vst v58;
	v58 =	vld [tilespmem:$0xC780]  }
0x29e: {  	[tilespmem:$0x1F120] =	vst v62;
	v62 =	vld [tilespmem:$0xC800]  }
0x29f: {  	[tilespmem:$0x1EFB0] =	vst v3;
	v3 =	vld [tilespmem:$0xD2D0]  }
0x2a0: {  	[tilespmem:$0x1F140] =	vst v37;
	v37 =	vld [tilespmem:$0xC900]  }
0x2a1: {  	[tilespmem:$0x1F950] =	vst v63;
	v63 =	vld [tilespmem:$0xCB80]  }
0x2a2: {  	[tilespmem:$0x1F150] =	vst v44;
	v44 =	vld [tilespmem:$0xD580]  }
0x2a3: {  	[tilespmem:$0x1F020] =	vst v25;
	v25 =	vld [tilespmem:$0xC630]  }
0x2a4: {  	[tilespmem:$0x1EFE0] =	vst v3;
	v3 =	vld [tilespmem:$0xD350]  }
0x2a5: {  	[tilespmem:$0x1F9E0] =	vst v27;
	v27 =	vld [tilespmem:$0xCD10]  }
0x2a6: {  	[tilespmem:$0x1F980] =	vst v63;
	v63 =	vld [tilespmem:$0xCC00]  }
0x2a7: {  	[tilespmem:$0x1FA90] =	vst v14;
	v14 =	vld [tilespmem:$0xDAA0]  }
0x2a8: {  	[tilespmem:$0x1FAE0] =	vst v19;
	v19 =	vld [tilespmem:$0xDC20]  }
0x2a9: {  	[tilespmem:$0x1F010] =	vst v3;
	v3 =	vld [tilespmem:$0xD3D0]  }
0x2aa: {  	v6 =	vadd.f32 v42, v6;
	v42 =	vld [tilespmem:$0x1EFF0]  }
0x2ab: {  	[tilespmem:$0x1F9A0] =	vst v63;
	v63 =	vld [tilespmem:$0xCC80]  }
0x2ac: {  	[tilespmem:$0x1FB90] =	vst v24;
	v24 =	vld [tilespmem:$0xDA40]  }
0x2ad: {  	[tilespmem:$0x1FBD0] =	vst v39;
	v39 =	vld [tilespmem:$0x1F0F0]  }
0x2ae: {  	[tilespmem:$0x1F050] =	vst v3;
	v3 =	vld [tilespmem:$0xD450]  }
0x2af: {  	v6 =	vadd.f32 v54, v6;
	v54 =	vld [tilespmem:$0xD9B0]  }
0x2b0: {  	[tilespmem:$0x1F9C0] =	vst v63;
	v63 =	vld [tilespmem:$0xCD00]  }
0x2b1: {  	[tilespmem:$0x1F190] =	vst v49;
	v49 =	vld [tilespmem:$0xD600]  }
0x2b2: {  	[tilespmem:$0x1F1B0] =	vst v53;
	v53 =	vld [tilespmem:$0xD680]  }
0x2b3: {  	[tilespmem:$0x1F090] =	vst v3;
	v3 =	vld [tilespmem:$0xD4D0]  }
0x2b4: {  	[tilespmem:$0x1F1D0] =	vst v58;
	v58 =	vld [tilespmem:$0xD700]  }
0x2b5: {  	[tilespmem:$0x1F9F0] =	vst v63;
	v63 =	vld [tilespmem:$0xD980]  }
0x2b6: {  	[tilespmem:$0x1F200] =	vst v62;
	v62 =	vld [tilespmem:$0xD780]  }
0x2b7: {  	[tilespmem:$0x1F270] =	vst v37;
	v37 =	vld [tilespmem:$0xD880]  }
0x2b8: {  	[tilespmem:$0x1F0D0] =	vst v3;
	v3 =	vld [tilespmem:$0xD550]  }
0x2b9: {  	[tilespmem:$0x1F2B0] =	vst v44;
	v44 =	vld [tilespmem:$0xD900]  }
0x2ba: {  	[tilespmem:$0x1FA20] =	vst v63;
	v63 =	vld [tilespmem:$0xDA00]  }
0x2bb: {  	[tilespmem:$0x1FA10] =	vst v27;
	v27 =	vld [tilespmem:$0xDB10]  }
0x2bc: {  	[tilespmem:$0x1F2F0] =	vst v49;
	v49 =	vld [tilespmem:$0xC590]  }
0x2bd: {  	[tilespmem:$0x1F110] =	vst v3;
	v3 =	vld [tilespmem:$0xD1E0]  }
0x2be: {  	[tilespmem:$0x1F330] =	vst v53;
	v53 =	vld [tilespmem:$0xC610]  }
0x2bf: {  	[tilespmem:$0x1FA50] =	vst v63;
	v63 =	vld [tilespmem:$0xDA80]  }
0x2c0: {  	[tilespmem:$0x1F370] =	vst v58;
	v58 =	vld [tilespmem:$0xC690]  }
0x2c1: {  	[tilespmem:$0x1F3B0] =	vst v62;
	v62 =	vld [tilespmem:$0xC710]  }
0x2c2: {  	[tilespmem:$0x1EFA0] =	vst v3;
	v3 =	vld [tilespmem:$0xD260]  }
0x2c3: {  	[tilespmem:$0x1F430] =	vst v37;
	v37 =	vld [tilespmem:$0xC810]  }
0x2c4: {  	[tilespmem:$0x1FA80] =	vst v63;
	v63 =	vld [tilespmem:$0xDB00]  }
0x2c5: {  	[tilespmem:$0x1F470] =	vst v44;
	v44 =	vld [tilespmem:$0xC890]  }
0x2c6: {  	[tilespmem:$0x1FAC0] =	vst v27;
	v27 =	vld [tilespmem:$0xDCA0]  }
0x2c7: {  	[tilespmem:$0x1EFD0] =	vst v3;
	v3 =	vld [tilespmem:$0xD2E0]  }
0x2c8: {  	[tilespmem:$0x1F170] =	vst v49;
	v49 =	vld [tilespmem:$0xC910]  }
0x2c9: {  	[tilespmem:$0x1FAB0] =	vst v63;
	v63 =	vld [tilespmem:$0xDB80]  }
0x2ca: {  	[tilespmem:$0x1F180] =	vst v53;
	v53 =	vld [tilespmem:$0xD590]  }
0x2cb: {  	[tilespmem:$0x1F1A0] =	vst v58;
	v58 =	vld [tilespmem:$0xD610]  }
0x2cc: {  	[tilespmem:$0x1F000] =	vst v3;
	v3 =	vld [tilespmem:$0xD360]  }
0x2cd: {  	[tilespmem:$0x1F1C0] =	vst v62;
	v62 =	vld [tilespmem:$0xD690]  }
0x2ce: {  	[tilespmem:$0x1FAD0] =	vst v63;
	v63 =	vld [tilespmem:$0xDC00]  }
0x2cf: {  	[tilespmem:$0x1F220] =	vst v37;
	v37 =	vld [tilespmem:$0xD790]  }
0x2d0: {  	[tilespmem:$0x1F250] =	vst v44;
	v44 =	vld [tilespmem:$0xD810]  }
0x2d1: {  	[tilespmem:$0x1F040] =	vst v3;
	v3 =	vld [tilespmem:$0xD3E0]  }
0x2d2: {  	[tilespmem:$0x1FB60] =	vst v27;
	v27 =	vld [tilespmem:$0x1EF80]  }
0x2d3: {  	[tilespmem:$0x1FB00] =	vst v63;
	v63 =	vld [tilespmem:$0xDC80]  }
0x2d4: {  	[tilespmem:$0x1F290] =	vst v49;
	v49 =	vld [tilespmem:$0xD890]  }
0x2d5: {  	[tilespmem:$0x1F2D0] =	vst v53;
	v53 =	vld [tilespmem:$0xD910]  }
0x2d6: {  	[tilespmem:$0x1F080] =	vst v3;
	v3 =	vld [tilespmem:$0xD460]  }
0x2d7: {  	[tilespmem:$0x1F350] =	vst v62;
	v62 =	vld [tilespmem:$0xC6A0]  }
0x2d8: {  	[tilespmem:$0x1FB20] =	vst v63;
	v63 =	vld [tilespmem:$0xDD00]  }
0x2d9: {  	[tilespmem:$0x1F310] =	vst v58;
	v58 =	vld [tilespmem:$0xC720]  }
0x2da: {  	[tilespmem:$0x1F3D0] =	vst v37;
	v37 =	vld [tilespmem:$0xC820]  }
0x2db: {  	[tilespmem:$0x1F0C0] =	vst v3;
	v3 =	vld [tilespmem:$0xD4E0]  }
0x2dc: {  	[tilespmem:$0x1F410] =	vst v44;
	v44 =	vld [tilespmem:$0xC8A0]  }
0x2dd: {  	[tilespmem:$0x1FB50] =	vst v63;
	v63 =	vld [tilespmem:$0xC990]  }
0x2de: {  	[tilespmem:$0x1F490] =	vst v53;
	v53 =	vld [tilespmem:$0xC5A0]  }
0x2df: {  	[tilespmem:$0x1F1E0] =	vst v58;
	v58 =	vld [tilespmem:$0xC920]  }
0x2e0: {  	[tilespmem:$0x1F100] =	vst v3;
	v3 =	vld [tilespmem:$0xD560]  }
0x2e1: {  	[tilespmem:$0x1F240] =	vst v37;
	v37 =	vld [tilespmem:$0xD620]  }
0x2e2: {  	[tilespmem:$0x1F8F0] =	vst v63;
	v63 =	vld [tilespmem:$0xCA10]  }
0x2e3: {  	[tilespmem:$0x1F280] =	vst v44;
	v44 =	vld [tilespmem:$0xD6A0]  }
0x2e4: {  	[tilespmem:$0x1F2C0] =	vst v58;
	v58 =	vld [tilespmem:$0xD720]  }
0x2e5: {  	[tilespmem:$0x1F130] =	vst v3;
	v3 =	vld [tilespmem:$0xC270]  }
0x2e6: {  	[tilespmem:$0x1F340] =	vst v37;
	v37 =	vld [tilespmem:$0xD820]  }
0x2e7: {  	[tilespmem:$0x1F900] =	vst v63;
	v63 =	vld [tilespmem:$0xCA90]  }
0x2e8: {  	[tilespmem:$0x1F380] =	vst v44;
	v44 =	vld [tilespmem:$0xD8A0]  }
0x2e9: {  	[tilespmem:$0x1F3C0] =	vst v58;
	v58 =	vld [tilespmem:$0xD920]  }
0x2ea: {  	[tilespmem:$0x1F450] =	vst v49;
	v49 =	vld [tilespmem:$0xC620];
	v5 =	vadd.f32 v3, v5  }
0x2eb: {  	[tilespmem:$0x1F440] =	vst v37;
	v37 =	vld [tilespmem:$0xC6B0]  }
0x2ec: {  	v5 =	vadd.f32 v7, v5;
	[tilespmem:$0x1F940] =	vst v63;
	v63 =	vld [tilespmem:$0xCB10]  }
0x2ed: {  	[tilespmem:$0x1F480] =	vst v44;
	v44 =	vld [tilespmem:$0xC730]  }
0x2ee: {  	[tilespmem:$0x1F4B0] =	vst v58;
	v58 =	vld [tilespmem:$0xC7B0];
	v5 =	vadd.f32 v10, v5  }
0x2ef: {  	[tilespmem:$0x1FBC0] =	vst v35;
	v35 =	vld [tilespmem:$0x1F0D0]  }
0x2f0: {  	[tilespmem:$0x1FB80] =	vst v33;
	v33 =	vld [tilespmem:$0x1F0C0];
	v5 =	vadd.f32 v15, v5  }
0x2f1: {  	[tilespmem:$0x1F970] =	vst v63;
	v63 =	vld [tilespmem:$0xCB90]  }
0x2f2: {  	v3 =	vld [tilespmem:$0xCBB0];
	v5 =	vadd.f32 v18, v5  }
0x2f3: {  	v18 =	vld [tilespmem:$0xDC30]  }
0x2f4: {  	v15 =	vld [tilespmem:$0xDB30];
	v5 =	vadd.f32 v23, v5  }
0x2f5: {  	v23 =	vld [tilespmem:$0x1EF70]  }
0x2f6: {  	v5 =	vadd.f32 v34, v5;
	[tilespmem:$0x1F990] =	vst v63;
	v63 =	vld [tilespmem:$0xCC10]  }
0x2f7: {  	v34 =	vld [tilespmem:$0x1EFB0]  }
0x2f8: {  	[tilespmem:$0x1FB40] =	vst v18;
	v18 =	vld [tilespmem:$0x1F070];
	v5 =	vadd.f32 v43, v5  }
0x2f9: {  	v43 =	vld [tilespmem:$0x1F000]  }
0x2fa: {  	v5 =	vadd.f32 v55, v5;
	v55 =	vld [tilespmem:$0x1F040]  }
0x2fb: {  	[tilespmem:$0x1F9B0] =	vst v63;
	v63 =	vadd.f32 v28, v22;
	v28 =	vld [tilespmem:$0xD990]  }
0x2fc: {  	v22 =	vld [tilespmem:$0xDA90]  }
0x2fd: {  	v4 =	vadd.f32 v32, v63;
	v63 =	vld [tilespmem:$0xDA10]  }
0x2fe: {  	v32 =	vld [tilespmem:$0xDC10]  }
0x2ff: {  	v4 =	vadd.f32 v36, v4;
	v36 =	vld [tilespmem:$0xDC90]  }
0x300: {  	[tilespmem:$0x1FA40] =	vst v28;
	v28 =	vld [tilespmem:$0xDB90]  }
0x301: {  	[tilespmem:$0x1FAA0] =	vst v22;
	v22 =	vld [tilespmem:$0xDD10]  }
0x302: {  	v4 =	vadd.f32 v38, v4;
	v38 =	vld [tilespmem:$0xC9A0]  }
0x303: {  	[tilespmem:$0x1FB10] =	vst v32;
	v32 =	vld [tilespmem:$0xCBA0]  }
0x304: {  	[tilespmem:$0x1FA70] =	vst v63;
	v63 =	vld [tilespmem:$0xCD20]  }
0x305: {  	v4 =	vadd.f32 v41, v4;
	v41 =	vld [tilespmem:$0xCA20]  }
0x306: {  	[tilespmem:$0x1FB30] =	vst v36;
	v36 =	vld [tilespmem:$0x1EEE0]  }
0x307: {  	v4 =	vadd.f32 v46, v4;
	v46 =	vld [tilespmem:$0xCAA0]  }
0x308: {  	[tilespmem:$0x1FAF0] =	vst v28;
	v28 =	vld [tilespmem:$0xCB20]  }
0x309: {  	[tilespmem:$0x1F920] =	vst v38;
	v38 =	vadd.f32 v51, v52;
	v51 =	vld [tilespmem:$0xCD30]  }
0x30a: {  	v52 =	vld [tilespmem:$0x1EF20]  }
0x30b: {  	v4 =	vadd.f32 v50, v4;
	v50 =	vld [tilespmem:$0xCC20]  }
0x30c: {  	[tilespmem:$0x1FA30] =	vst v63;
	v63 =	vld [tilespmem:$0x1EF50]  }
0x30d: {  	[tilespmem:$0x1F930] =	vst v41;
	v41 =	vadd.f32 v12, v13;
	v13 =	vld [tilespmem:$0xCB30];
	v4 =	vadd.f32 v56, v4  }
0x30e: {  	v12 =	vld [tilespmem:$0xDBB0]  }
0x30f: {  	v56 =	vld [tilespmem:$0xCCA0];
	v4 =	vadd.f32 v59, v4  }
0x310: {  	[tilespmem:$0x1F960] =	vst v46;
	v46 =	vld [tilespmem:$0x1EF00]  }
0x311: {  	v8 =	vadd.f32 v17, v41;
	v17 =	vld [tilespmem:$0xDAB0];
	v4 =	vadd.f32 v11, v4  }
0x312: {  	v41 =	vld [tilespmem:$0xCBC0]  }
0x313: {  	v59 =	vld [tilespmem:$0xCCB0];
	v4 =	vadd.f32 v16, v4  }
0x314: {  	v6 =	vadd.f32 v52, v6;
	v52 =	vld [tilespmem:$0x1F030]  }
0x315: {  	[tilespmem:$0x1F9D0] =	vst v50;
	v50 =	vld [tilespmem:$0xCA30];
	v4 =	vadd.f32 v21, v4  }
0x316: {  	v8 =	vadd.f32 v20, v8;
	v20 =	vld [tilespmem:$0x1EF60]  }
0x317: {  	v11 =	vld [tilespmem:$0xCAB0];
	v4 =	vadd.f32 v29, v4  }
0x318: {  	[tilespmem:$0x1FA00] =	vst v56;
	v56 =	vld [tilespmem:$0x1EF30]  }
0x319: {  	v8 =	vadd.f32 v31, v8;
	v31 =	vld [tilespmem:$0x1EFA0];
	v4 =	vadd.f32 v36, v4  }
0x31a: {  	v16 =	vld [tilespmem:$0xDBA0];
	[tilespmem:$0x1FBF0] =	vst v41  }
0x31b: {  	v41 =	vld [tilespmem:$0xDC40];
	[tilespmem:$0x1FEE0] =	vst v4;
	v4 =	vadd.f32 v57, v38  }
0x31c: {  	v8 =	vadd.f32 v40, v8;
	v40 =	vld [tilespmem:$0x1EFE0]  }
0x31d: {  	[tilespmem:$0x1FA60] =	vst v9;
	v57 =	vld [tilespmem:$0x1EF40];
	v9 =	vadd.f32 v45, v4  }
0x31e: {  	v21 =	vld [tilespmem:$0xDD20]  }
0x31f: {  	v8 =	vadd.f32 v47, v8;
	v47 =	vld [tilespmem:$0x1F020];
	v7 =	vadd.f32 v46, v9  }
0x320: {  	v29 =	vld [tilespmem:$0xC9C0]  }
0x321: {  	v8 =	vadd.f32 v60, v8;
	v60 =	vld [tilespmem:$0x1F060];
	v7 =	vadd.f32 v48, v7  }
0x322: {  	v36 =	vld [tilespmem:$0x1EFC0];
	v6 =	vadd.f32 v57, v6  }
0x323: {  	v38 =	vld [tilespmem:$0x1EFD0];
	v7 =	vadd.f32 v56, v7  }
0x324: {  	v8 =	vadd.f32 v31, v8;
	v31 =	vld [tilespmem:$0x1F0B0];
	v6 =	vadd.f32 v20, v6  }
0x325: {  	v45 =	vld [tilespmem:$0xCC40];
	v7 =	vadd.f32 v63, v7  }
0x326: {  	v46 =	vld [tilespmem:$0x1F010];
	v6 =	vadd.f32 v27, v6  }
0x327: {  	v57 =	vld [tilespmem:$0x1F050];
	v7 =	vadd.f32 v23, v7  }
0x328: {  	v8 =	vadd.f32 v38, v8;
	v38 =	vld [tilespmem:$0xDBC0];
	v6 =	vadd.f32 v34, v6  }
0x329: {  	v48 =	vld [tilespmem:$0xCCC0];
	v7 =	vadd.f32 v30, v7  }
0x32a: {  	[tilespmem:$0x1FC10] =	vst v45;
	v45 =	vld [tilespmem:$0xDCC0];
	v6 =	vadd.f32 v40, v6  }
0x32b: {  	v27 =	vld [tilespmem:$0x1F090];
	v7 =	vadd.f32 v36, v7  }
0x32c: {  	[tilespmem:$0x1FCA0] =	vst v24;
	v56 =	vld [tilespmem:$0xCD40];
	v6 =	vadd.f32 v46, v6  }
0x32d: {  	[tilespmem:$0x1FD60] =	vst v41;
	v63 =	vld [tilespmem:$0xD9C0];
	v7 =	vadd.f32 v42, v7  }
0x32e: {  	[tilespmem:$0x1FB70] =	vst v29;
	v34 =	vld [tilespmem:$0xDB40];
	v6 =	vadd.f32 v57, v6  }
0x32f: {  	[tilespmem:$0x1FD30] =	vst v38;
	v42 =	vld [tilespmem:$0x1F110];
	v7 =	vadd.f32 v52, v7  }
0x330: {  	[tilespmem:$0x1FC30] =	vst v48;
	v30 =	vld [tilespmem:$0xDAC0];
	v6 =	vadd.f32 v27, v6  }
0x331: {  	v29 =	vld [tilespmem:$0x1F0A0];
	[tilespmem:$0x1FD90] =	vst v45;
	v7 =	vadd.f32 v18, v7  }
0x332: {  	v4 =	vld [tilespmem:$0xCC30];
	[tilespmem:$0x1FC50] =	vst v56;
	v6 =	vadd.f32 v35, v6  }
0x333: {  	v20 =	vld [tilespmem:$0xDCB0];
	[tilespmem:$0x1FC70] =	vst v63;
	v7 =	vadd.f32 v31, v7  }
0x334: {  	v8 =	vadd.f32 v43, v8;
	v43 =	vld [tilespmem:$0x1F120];
	[tilespmem:$0x1FD00] =	vst v34;
	v6 =	vadd.f32 v42, v6  }
0x335: {  	v23 =	vld [tilespmem:$0x1F080];
	[tilespmem:$0x1FCD0] =	vst v30;
	v7 =	vadd.f32 v39, v7  }
0x336: {  	v40 =	vld [tilespmem:$0x1F100];
	[tilespmem:$0x1FF10] =	vst v6  }
0x337: {  	v36 =	vld [tilespmem:$0x1F0E0];
	[tilespmem:$0x1FF00] =	vst v7  }
0x338: {  	v6 =	vld [tilespmem:$0x1F130]  }
0x339: {  	v46 =	vld [tilespmem:$0x1F140]  }
0x33a: {  	v5 =	vadd.f32 v47, v5;
	v47 =	vld [tilespmem:$0x1F150]  }
0x33b: {  	v48 =	vld [tilespmem:$0x1F160]  }
0x33c: {  	v52 =	vld [tilespmem:$0x1F170]  }
0x33d: {  	v8 =	vadd.f32 v55, v8;
	v55 =	vld [tilespmem:$0x1F180]  }
0x33e: {  	v56 =	vld [tilespmem:$0xC9D0]  }
0x33f: {  	v57 =	vld [tilespmem:$0x1F190]  }
0x340: {  	v63 =	vld [tilespmem:$0xCA50]  }
0x341: {  	v18 =	vld [tilespmem:$0x1F1A0]  }
0x342: {  	v8 =	vadd.f32 v23, v8;
	v23 =	vadd.f32 v25, v26;
	v25 =	vld [tilespmem:$0xCAD0]  }
0x343: {  	v24 =	vld [tilespmem:$0x1F1B0]  }
0x344: {  	v5 =	vadd.f32 v60, v5;
	v26 =	vld [tilespmem:$0xCB50]  }
0x345: {  	v27 =	vld [tilespmem:$0x1F1C0]  }
0x346: {  	v5 =	vadd.f32 v29, v5;
	v29 =	vld [tilespmem:$0xCBD0]  }
0x347: {  	v30 =	vld [tilespmem:$0x1F1D0]  }
0x348: {  	v31 =	vld [tilespmem:$0x1F1E0]  }
0x349: {  	v8 =	vadd.f32 v33, v8;
	v33 =	vld [tilespmem:$0xCC50]  }
0x34a: {  	v34 =	vld [tilespmem:$0x1F1F0]  }
0x34b: {  	v35 =	vld [tilespmem:$0xCCD0]  }
0x34c: {  	v5 =	vadd.f32 v36, v5;
	v36 =	vld [tilespmem:$0x1F200]  }
0x34d: {  	v7 =	vadd.f32 v40, v8;
	v8 =	vadd.f32 v37, v23;
	v37 =	vld [tilespmem:$0x1F210]  }
0x34e: {  	v2 =	vadd.f32 v50, v2;
	v38 =	vld [tilespmem:$0xCD50]  }
0x34f: {  	v39 =	vld [tilespmem:$0x1F220]  }
0x350: {  	v2 =	vadd.f32 v11, v2;
	v40 =	vld [tilespmem:$0xD9D0]  }
0x351: {  	v41 =	vld [tilespmem:$0x1F230]  }
0x352: {  	v2 =	vadd.f32 v13, v2;
	v42 =	vld [tilespmem:$0x1F240]  }
0x353: {  	v5 =	vadd.f32 v43, v5;
	v43 =	vld [tilespmem:$0xDA50]  }
0x354: {  	v2 =	vadd.f32 v3, v2;
	v45 =	vld [tilespmem:$0x1F260]  }
0x355: {  	v60 =	vadd.f32 v49, v53;
	v49 =	vld [tilespmem:$0x1F280]  }
0x356: {  	v2 =	vadd.f32 v4, v2;
	v53 =	vld [tilespmem:$0x1F290]  }
0x357: {  	v23 =	vld [tilespmem:$0x1F2F0]  }
0x358: {  	v2 =	vadd.f32 v59, v2;
	v9 =	vld [tilespmem:$0xC9F0]  }
0x359: {  	v10 =	vld [tilespmem:$0x1F8F0]  }
0x35a: {  	v2 =	vadd.f32 v51, v2;
	v50 =	vld [tilespmem:$0x1F950]  }
0x35b: {  	v3 =	vld [tilespmem:$0x1F9C0]  }
0x35c: {  	v2 =	vadd.f32 v54, v2;
	v11 =	vld [tilespmem:$0x1FA30]  }
0x35d: {  	v13 =	vld [tilespmem:$0x1FA40]  }
0x35e: {  	v2 =	vadd.f32 v61, v2;
	v51 =	vld [tilespmem:$0xDE90]  }
0x35f: {  	v59 =	vld [tilespmem:$0x1FA70]  }
0x360: {  	v2 =	vadd.f32 v17, v2;
	v54 =	vld [tilespmem:$0xDF90]  }
0x361: {  	v61 =	vld [tilespmem:$0xE110]  }
0x362: {  	v2 =	vadd.f32 v15, v2;
	v15 =	vld [tilespmem:$0xCEA0]  }
0x363: {  	v17 =	vld [tilespmem:$0x1FB00];
	v8 =	vadd.f32 v44, v8  }
0x364: {  	v44 =	vld [tilespmem:$0x1F250]  }
0x365: {  	v8 =	vadd.f32 v58, v8;
	v58 =	vld [tilespmem:$0x1F2C0]  }
0x366: {  	v5 =	vadd.f32 v48, v5;
	v48 =	vld [tilespmem:$0x1F270]  }
0x367: {  	[tilespmem:$0x1FBA0] =	vst v56;
	v56 =	vld [tilespmem:$0xDBD0]  }
0x368: {  	v6 =	vadd.f32 v6, v7;
	v7 =	vadd.f32 v62, v60;
	v60 =	vld [tilespmem:$0xDC50]  }
0x369: {  	v62 =	vld [tilespmem:$0x1F2D0]  }
0x36a: {  	[tilespmem:$0x1FBB0] =	vst v63;
	v63 =	vld [tilespmem:$0x1F2E0]  }
0x36b: {  	[tilespmem:$0x1FBE0] =	vst v26;
	v26 =	vld [tilespmem:$0xDD50]  }
0x36c: {  	[tilespmem:$0x1FC00] =	vst v29;
	v29 =	vld [tilespmem:$0x1F320]  }
0x36d: {  	[tilespmem:$0x1FCC0] =	vst v43;
	v43 =	vld [tilespmem:$0xC9E0]  }
0x36e: {  	[tilespmem:$0x1FC60] =	vst v38;
	v38 =	vld [tilespmem:$0xCA60]  }
0x36f: {  	[tilespmem:$0x1FC20] =	vst v33;
	v33 =	vld [tilespmem:$0x1F350]  }
0x370: {  	[tilespmem:$0x1FC40] =	vst v35;
	v35 =	vld [tilespmem:$0x1F370]  }
0x371: {  	[tilespmem:$0x1FC90] =	vst v40;
	v40 =	vld [tilespmem:$0x1F3B0]  }
0x372: {  	v8 =	vadd.f32 v45, v8;
	v45 =	vld [tilespmem:$0x1F3E0]  }
0x373: {  	[tilespmem:$0x1FF20] =	vst v6;
	v6 =	vadd.f32 v47, v46;
	v47 =	vld [tilespmem:$0xDD40]  }
0x374: {  	v46 =	vld [tilespmem:$0xDAD0]  }
0x375: {  	[tilespmem:$0x1FF30] =	vst v5;
	v5 =	vadd.f32 v55, v52;
	v52 =	vld [tilespmem:$0xDB50]  }
0x376: {  	v55 =	vld [tilespmem:$0x1F2A0]  }
0x377: {  	v7 =	vadd.f32 v31, v7;
	v31 =	vld [tilespmem:$0x1F340]  }
0x378: {  	v6 =	vadd.f32 v57, v6;
	v57 =	vld [tilespmem:$0x1F2B0]  }
0x379: {  	v5 =	vadd.f32 v18, v5;
	v18 =	vld [tilespmem:$0xDCD0]  }
0x37a: {  	v7 =	vadd.f32 v37, v7;
	v37 =	vld [tilespmem:$0x1F390]  }
0x37b: {  	[tilespmem:$0x1FD50] =	vst v56;
	v56 =	vld [tilespmem:$0x1F430]  }
0x37c: {  	[tilespmem:$0x1FD80] =	vst v60;
	v60 =	vld [tilespmem:$0x1F440]  }
0x37d: {  	[tilespmem:$0x1FDD0] =	vst v26;
	v26 =	vld [tilespmem:$0xDAE0]  }
0x37e: {  	v38 =	vadd.f32 v38, v43;
	v43 =	vld [tilespmem:$0xDF20]  }
0x37f: {  	v6 =	vadd.f32 v24, v6;
	v24 =	vld [tilespmem:$0x1F300]  }
0x380: {  	v5 =	vadd.f32 v27, v5;
	v27 =	vld [tilespmem:$0x1F310]  }
0x381: {  	v7 =	vadd.f32 v42, v7;
	v42 =	vld [tilespmem:$0x1F3C0]  }
0x382: {  	[tilespmem:$0x1FCF0] =	vst v46;
	v46 =	vld [tilespmem:$0x1F3F0]  }
0x383: {  	[tilespmem:$0x1FD20] =	vst v52;
	v52 =	vld [tilespmem:$0x1F410]  }
0x384: {  	v8 =	vadd.f32 v55, v8;
	v55 =	vld [tilespmem:$0xD9E0]  }
0x385: {  	v6 =	vadd.f32 v30, v6;
	v30 =	vld [tilespmem:$0x1F330]  }
0x386: {  	v5 =	vadd.f32 v34, v5;
	v34 =	vld [tilespmem:$0x1F360]  }
0x387: {  	v7 =	vadd.f32 v49, v7;
	v49 =	vld [tilespmem:$0xCD60]  }
0x388: {  	v8 =	vadd.f32 v63, v8;
	v63 =	vld [tilespmem:$0xCCE0]  }
0x389: {  	[tilespmem:$0x1FDB0] =	vst v18;
	v18 =	vld [tilespmem:$0xDA60]  }
0x38a: {  	v6 =	vadd.f32 v36, v6;
	v36 =	vld [tilespmem:$0x1F380]  }
0x38b: {  	v5 =	vadd.f32 v39, v5;
	v39 =	vld [tilespmem:$0x1F3A0]  }
0x38c: {  	v7 =	vadd.f32 v58, v7;
	v58 =	vld [tilespmem:$0xCC60]  }
0x38d: {  	[tilespmem:$0x1FD10] =	vst v26;
	v26 =	vld [tilespmem:$0x1F5B0]  }
0x38e: {  	v8 =	vadd.f32 v29, v8;
	v29 =	vld [tilespmem:$0x1F480]  }
0x38f: {  	v6 =	vadd.f32 v41, v6;
	v41 =	vld [tilespmem:$0xCAE0]  }
0x390: {  	v5 =	vadd.f32 v44, v5;
	v44 =	vld [tilespmem:$0x1F3D0]  }
0x391: {  	v7 =	vadd.f32 v24, v7;
	v24 =	vld [tilespmem:$0x1F460]  }
0x392: {  	[tilespmem:$0x1FCB0] =	vst v55;
	v55 =	vld [tilespmem:$0x1F550]  }
0x393: {  	v8 =	vadd.f32 v34, v8;
	v34 =	vld [tilespmem:$0xDBE0]  }
0x394: {  	[tilespmem:$0x1FC80] =	vst v49;
	v49 =	vld [tilespmem:$0x1F530]  }
0x395: {  	v6 =	vadd.f32 v48, v6;
	v48 =	vld [tilespmem:$0x1F400]  }
0x396: {  	v5 =	vadd.f32 v53, v5;
	v53 =	vld [tilespmem:$0x1F420]  }
0x397: {  	v7 =	vadd.f32 v31, v7;
	v31 =	vld [tilespmem:$0x1F490]  }
0x398: {  	[tilespmem:$0x1FCE0] =	vst v18;
	v18 =	vld [tilespmem:$0x1F580]  }
0x399: {  	v8 =	vadd.f32 v39, v8;
	v39 =	vld [tilespmem:$0xDC60]  }
0x39a: {  	v5 =	vadd.f32 v62, v5;
	v62 =	vld [tilespmem:$0xCB60]  }
0x39b: {  	v6 =	vadd.f32 v57, v6;
	v57 =	vld [tilespmem:$0xCBE0]  }
0x39c: {  	v7 =	vadd.f32 v36, v7;
	v36 =	vld [tilespmem:$0x1F4C0]  }
0x39d: {  	v8 =	vadd.f32 v45, v8;
	v45 =	vld [tilespmem:$0xDCE0]  }
0x39e: {  	v38 =	vadd.f32 v41, v38;
	v41 =	vld [tilespmem:$0xE020]  }
0x39f: {  	v6 =	vadd.f32 v23, v6;
	v23 =	vld [tilespmem:$0x1F450]  }
0x3a0: {  	v5 =	vadd.f32 v27, v5;
	v27 =	vld [tilespmem:$0x1F470]  }
0x3a1: {  	v7 =	vadd.f32 v42, v7;
	v42 =	vld [tilespmem:$0x1F4F0]  }
0x3a2: {  	[tilespmem:$0x1FD70] =	vst v34;
	v34 =	vld [tilespmem:$0x1F610]  }
0x3a3: {  	v8 =	vadd.f32 v53, v8;
	v53 =	vld [tilespmem:$0x1F540]  }
0x3a4: {  	v6 =	vadd.f32 v30, v6;
	v30 =	vld [tilespmem:$0xDB60]  }
0x3a5: {  	v5 =	vadd.f32 v33, v5;
	v33 =	vld [tilespmem:$0x1F4A0]  }
0x3a6: {  	v7 =	vadd.f32 v48, v7;
	v48 =	vld [tilespmem:$0x1F520]  }
0x3a7: {  	[tilespmem:$0x1FDA0] =	vst v39;
	v39 =	vld [tilespmem:$0x1F650]  }
0x3a8: {  	v8 =	vadd.f32 v24, v8;
	v24 =	vld [tilespmem:$0x1F5A0]  }
0x3a9: {  	v62 =	vadd.f32 v62, v38;
	v38 =	vld [tilespmem:$0xE120]  }
0x3aa: {  	v6 =	vadd.f32 v35, v6;
	v35 =	vld [tilespmem:$0x1F4B0]  }
0x3ab: {  	v5 =	vadd.f32 v37, v5;
	v37 =	vld [tilespmem:$0x1F4D0]  }
0x3ac: {  	v7 =	vadd.f32 v60, v7;
	v60 =	vld [tilespmem:$0x1F570]  }
0x3ad: {  	[tilespmem:$0x1FDC0] =	vst v45;
	v45 =	vld [tilespmem:$0x1F680]  }
0x3ae: {  	v57 =	vadd.f32 v57, v62;
	v62 =	vld [tilespmem:$0xCE30]  }
0x3af: {  	v6 =	vadd.f32 v40, v6;
	v40 =	vld [tilespmem:$0x1F4E0]  }
0x3b0: {  	v5 =	vadd.f32 v44, v5;
	v44 =	vld [tilespmem:$0x1F500]  }
0x3b1: {  	[tilespmem:$0x1FD40] =	vst v30;
	v30 =	vld [tilespmem:$0x1F5E0]  }
0x3b2: {  	v57 =	vadd.f32 v58, v57;
	v58 =	vld [tilespmem:$0xCF30]  }
0x3b3: {  	v6 =	vadd.f32 v46, v6;
	v46 =	vld [tilespmem:$0x1F510]  }
0x3b4: {  	v5 =	vadd.f32 v52, v5;
	v52 =	vld [tilespmem:$0xDD60]  }
0x3b5: {  	v57 =	vadd.f32 v63, v57;
	v63 =	vld [tilespmem:$0xD030]  }
0x3b6: {  	v6 =	vadd.f32 v56, v6;
	v56 =	vld [tilespmem:$0x1F560]  }
0x3b7: {  	v5 =	vadd.f32 v23, v5;
	v23 =	vld [tilespmem:$0x1F590]  }
0x3b8: {  	v6 =	vadd.f32 v27, v6;
	v27 =	vld [tilespmem:$0x1F5C0]  }
0x3b9: {  	v5 =	vadd.f32 v31, v5;
	v31 =	vld [tilespmem:$0x1F5F0]  }
0x3ba: {  	[tilespmem:$0x1FDE0] =	vst v52;
	v52 =	vld [tilespmem:$0x1F6C0]  }
0x3bb: {  	[tilespmem:$0x1FF40] =	vst v6;
	v6 =	vadd.f32 v29, v7;
	v29 =	vld [tilespmem:$0x1F5D0]  }
0x3bc: {  	[tilespmem:$0x1FF50] =	vst v5;
	v5 =	vadd.f32 v33, v8;
	v33 =	vld [tilespmem:$0x1F600]  }
0x3bd: {  	v7 =	vadd.f32 v49, v48;
	v48 =	vld [tilespmem:$0x1F6A0]  }
0x3be: {  	v49 =	vld [tilespmem:$0x1F6B0]  }
0x3bf: {  	v8 =	vadd.f32 v56, v55;
	v55 =	vld [tilespmem:$0x1F6E0]  }
0x3c0: {  	v56 =	vld [tilespmem:$0x1F6F0]  }
0x3c1: {  	v5 =	vadd.f32 v40, v5;
	v40 =	vld [tilespmem:$0xCA70]  }
0x3c2: {  	v6 =	vadd.f32 v35, v6;
	v35 =	vld [tilespmem:$0x1F620]  }
0x3c3: {  	v7 =	vadd.f32 v18, v7;
	v18 =	vld [tilespmem:$0x1F710]  }
0x3c4: {  	v8 =	vadd.f32 v24, v8;
	v24 =	vld [tilespmem:$0xCB70]  }
0x3c5: {  	v7 =	vadd.f32 v27, v7;
	v27 =	vld [tilespmem:$0xCBF0]  }
0x3c6: {  	[tilespmem:$0x1FF60] =	vst v6;
	v6 =	vadd.f32 v37, v36;
	v36 =	vld [tilespmem:$0x1F630]  }
0x3c7: {  	v37 =	vld [tilespmem:$0x1F640]  }
0x3c8: {  	[tilespmem:$0x1FF70] =	vst v5;
	v5 =	vadd.f32 v44, v42;
	v42 =	vld [tilespmem:$0x1F660]  }
0x3c9: {  	v44 =	vld [tilespmem:$0x1F670]  }
0x3ca: {  	v8 =	vadd.f32 v30, v8;
	v30 =	vld [tilespmem:$0x1F730]  }
0x3cb: {  	v7 =	vadd.f32 v33, v7;
	v33 =	vld [tilespmem:$0xCD70]  }
0x3cc: {  	v6 =	vadd.f32 v46, v6;
	v46 =	vld [tilespmem:$0x1F690]  }
0x3cd: {  	v5 =	vadd.f32 v53, v5;
	v53 =	vld [tilespmem:$0x1F6D0]  }
0x3ce: {  	v8 =	vadd.f32 v35, v8;
	v35 =	vld [tilespmem:$0xD9F0]  }
0x3cf: {  	v40 =	vadd.f32 v40, v9;
	v9 =	vld [tilespmem:$0x1FBE0]  }
0x3d0: {  	v5 =	vadd.f32 v23, v5;
	v23 =	vld [tilespmem:$0xCAF0]  }
0x3d1: {  	v6 =	vadd.f32 v60, v6;
	v60 =	vld [tilespmem:$0x1F700]  }
0x3d2: {  	v7 =	vadd.f32 v37, v7;
	v37 =	vld [tilespmem:$0xDAF0]  }
0x3d3: {  	v8 =	vadd.f32 v42, v8;
	v42 =	vld [tilespmem:$0x1F750]  }
0x3d4: {  	v5 =	vadd.f32 v29, v5;
	v29 =	vld [tilespmem:$0xCC70]  }
0x3d5: {  	v6 =	vadd.f32 v26, v6;
	v26 =	vld [tilespmem:$0x1F720]  }
0x3d6: {  	v7 =	vadd.f32 v45, v7;
	v45 =	vld [tilespmem:$0x1F760]  }
0x3d7: {  	v8 =	vadd.f32 v48, v8;
	v48 =	vld [tilespmem:$0x1F770]  }
0x3d8: {  	v6 =	vadd.f32 v31, v6;
	v31 =	vld [tilespmem:$0xCCF0]  }
0x3d9: {  	v5 =	vadd.f32 v34, v5;
	v34 =	vld [tilespmem:$0x1F740]  }
0x3da: {  	v7 =	vadd.f32 v52, v7;
	v52 =	vld [tilespmem:$0xDC70]  }
0x3db: {  	v8 =	vadd.f32 v55, v8;
	v55 =	vld [tilespmem:$0xCD80]  }
0x3dc: {  	v23 =	vadd.f32 v23, v40;
	v40 =	vld [tilespmem:$0xE0A0]  }
0x3dd: {  	v6 =	vadd.f32 v36, v6;
	v36 =	vld [tilespmem:$0xDA70]  }
0x3de: {  	v5 =	vadd.f32 v39, v5;
	v39 =	vld [tilespmem:$0xDD70]  }
0x3df: {  	v7 =	vadd.f32 v60, v7;
	v60 =	vld [tilespmem:$0x1F7A0]  }
0x3e0: {  	v8 =	vadd.f32 v26, v8;
	v26 =	vld [tilespmem:$0x1F7B0]  }
0x3e1: {  	v23 =	vadd.f32 v24, v23;
	v24 =	vld [tilespmem:$0xCDB0]  }
0x3e2: {  	v6 =	vadd.f32 v44, v6;
	v44 =	vld [tilespmem:$0xDB70]  }
0x3e3: {  	v5 =	vadd.f32 v46, v5;
	v46 =	vld [tilespmem:$0xDBF0]  }
0x3e4: {  	v7 =	vadd.f32 v34, v7;
	v34 =	vld [tilespmem:$0xCF00]  }
0x3e5: {  	v8 =	vadd.f32 v45, v8;
	v45 =	vld [tilespmem:$0xCF80]  }
0x3e6: {  	v23 =	vadd.f32 v27, v23;
	v27 =	vld [tilespmem:$0xCEB0]  }
0x3e7: {  	v6 =	vadd.f32 v49, v6;
	v49 =	vld [tilespmem:$0x1F780]  }
0x3e8: {  	v5 =	vadd.f32 v53, v5;
	v53 =	vld [tilespmem:$0x1F790]  }
0x3e9: {  	[tilespmem:$0x1FDF0] =	vst v39;
	v39 =	vld [tilespmem:$0x1F7D0]  }
0x3ea: {  	v23 =	vadd.f32 v29, v23;
	v29 =	vld [tilespmem:$0xCFB0]  }
0x3eb: {  	v6 =	vadd.f32 v56, v6;
	v56 =	vld [tilespmem:$0xDCF0]  }
0x3ec: {  	v5 =	vadd.f32 v18, v5;
	v18 =	vld [tilespmem:$0xCE80]  }
0x3ed: {  	v8 =	vadd.f32 v60, v8;
	v60 =	vld [tilespmem:$0xD000]  }
0x3ee: {  	v23 =	vadd.f32 v31, v23;
	v31 =	vld [tilespmem:$0xD0B0]  }
0x3ef: {  	v6 =	vadd.f32 v30, v6;
	v30 =	vld [tilespmem:$0x1F7C0]  }
0x3f0: {  	v5 =	vadd.f32 v42, v5;
	v42 =	vld [tilespmem:$0x1F7E0]  }
0x3f1: {  	[tilespmem:$0x1FE10] =	vst v34;
	v34 =	vld [tilespmem:$0x1F830]  }
0x3f2: {  	[tilespmem:$0x1FE20] =	vst v45;
	v45 =	vld [tilespmem:$0x1F850]  }
0x3f3: {  	v7 =	vadd.f32 v49, v7;
	v49 =	vld [tilespmem:$0x1F7F0]  }
0x3f4: {  	v23 =	vadd.f32 v33, v23;
	v33 =	vld [tilespmem:$0xDDB0]  }
0x3f5: {  	v6 =	vadd.f32 v48, v6;
	v48 =	vld [tilespmem:$0xCE00]  }
0x3f6: {  	v5 =	vadd.f32 v53, v5;
	v53 =	vld [tilespmem:$0x1F800]  }
0x3f7: {  	[tilespmem:$0x1FE00] =	vst v18;
	v18 =	vld [tilespmem:$0x1F810]  }
0x3f8: {  	[tilespmem:$0x1FE30] =	vst v60;
	v60 =	vld [tilespmem:$0x1F870]  }
0x3f9: {  	v23 =	vadd.f32 v35, v23;
	v35 =	vld [tilespmem:$0xDEB0]  }
0x3fa: {  	v6 =	vadd.f32 v26, v6;
	v26 =	vld [tilespmem:$0x1F820]  }
0x3fb: {  	v5 =	vadd.f32 v39, v5;
	v39 =	vld [tilespmem:$0x1F840]  }
0x3fc: {  	v7 =	vadd.f32 v30, v7;
	v30 =	vld [tilespmem:$0xD080]  }
0x3fd: {  	v8 =	vadd.f32 v42, v8;
	v42 =	vld [tilespmem:$0xD100]  }
0x3fe: {  	v23 =	vadd.f32 v36, v23;
	v36 =	vld [tilespmem:$0xDFB0]  }
0x3ff: {  	v6 =	vadd.f32 v49, v6;
	v49 =	vld [tilespmem:$0x1F860]  }
0x400: {  	v7 =	vadd.f32 v53, v7;
	v53 =	vld [tilespmem:$0xDD80]  }
0x401: {  	v23 =	vadd.f32 v37, v23;
	v37 =	vld [tilespmem:$0xE0B0]  }
0x402: {  	v5 =	vadd.f32 v18, v5;
	v18 =	vld [tilespmem:$0x1F880]  }
0x403: {  	v6 =	vadd.f32 v34, v6;
	v34 =	vld [tilespmem:$0x1F8A0]  }
0x404: {  	v8 =	vadd.f32 v26, v8;
	v26 =	vld [tilespmem:$0xDE00]  }
0x405: {  	v7 =	vadd.f32 v39, v7;
	v39 =	vld [tilespmem:$0xDE80]  }
0x406: {  	v23 =	vadd.f32 v44, v23;
	v44 =	vld [tilespmem:$0xCDC0]  }
0x407: {  	[tilespmem:$0x1FE40] =	vst v30;
	v30 =	vld [tilespmem:$0x1F890]  }
0x408: {  	[tilespmem:$0x1FE50] =	vst v42;
	v42 =	vld [tilespmem:$0x1F8B0]  }
0x409: {  	v5 =	vadd.f32 v45, v5;
	v45 =	vld [tilespmem:$0x1F8C0]  }
0x40a: {  	v6 =	vadd.f32 v60, v6;
	v60 =	vld [tilespmem:$0x1F8E0]  }
0x40b: {  	v8 =	vadd.f32 v49, v8;
	v49 =	vld [tilespmem:$0x1F8D0]  }
0x40c: {  	[tilespmem:$0x1FE60] =	vst v53;
	v53 =	vld [tilespmem:$0xDF00]  }
0x40d: {  	[tilespmem:$0x1FF80] =	vst v6;
	v6 =	vadd.f32 v18, v7;
	v18 =	vld [tilespmem:$0x1F900]  }
0x40e: {  	[tilespmem:$0x1FE70] =	vst v26;
	v26 =	vld [tilespmem:$0xDF80]  }
0x40f: {  	[tilespmem:$0x1FE80] =	vst v39;
	v39 =	vld [tilespmem:$0x1F930]  }
0x410: {  	v5 =	vadd.f32 v30, v5;
	v30 =	vld [tilespmem:$0x1F910]  }
0x411: {  	v6 =	vadd.f32 v42, v6;
	v42 =	vld [tilespmem:$0xE000]  }
0x412: {  	[tilespmem:$0x1FF90] =	vst v5;
	v5 =	vadd.f32 v34, v8;
	v34 =	vld [tilespmem:$0x1F920]  }
0x413: {  	[tilespmem:$0x1FFA0] =	vst v6;
	v6 =	vadd.f32 v49, v45;
	v45 =	vld [tilespmem:$0x1F940]  }
0x414: {  	v49 =	vld [tilespmem:$0xE080]  }
0x415: {  	[tilespmem:$0x1FE90] =	vst v53;
	v53 =	vld [tilespmem:$0x1F960]  }
0x416: {  	v5 =	vadd.f32 v60, v5;
	v60 =	vld [tilespmem:$0xE100]  }
0x417: {  	[tilespmem:$0x1FEA0] =	vst v26;
	v26 =	vld [tilespmem:$0x1F980]  }
0x418: {  	v6 =	vadd.f32 v30, v6;
	[tilespmem:$0x1FEB0] =	vst v42;
	v42 =	vld [tilespmem:$0x1F9B0]  }
0x419: {  	[tilespmem:$0x1FFB0] =	vst v5;
	v5 =	vadd.f32 v18, v10;
	v18 =	vld [tilespmem:$0x1F970];
	v7 =	vadd.f32 v39, v34  }
0x41a: {  	v39 =	vld [tilespmem:$0x1F9A0]  }
0x41b: {  	v6 =	vadd.f32 v50, v6;
	v34 =	vld [tilespmem:$0x1F990];
	v7 =	vadd.f32 v53, v7  }
0x41c: {  	v5 =	vadd.f32 v45, v5;
	v45 =	vld [tilespmem:$0x1F9D0]  }
0x41d: {  	v50 =	vld [tilespmem:$0x1F9F0];
	v6 =	vadd.f32 v26, v6;
	v7 =	vadd.f32 v28, v7  }
0x41e: {  	v53 =	vld [tilespmem:$0x1FA00];
	v5 =	vadd.f32 v18, v5  }
0x41f: {  	v10 =	vld [tilespmem:$0x1FA20];
	v6 =	vadd.f32 v39, v6;
	v7 =	vadd.f32 v32, v7  }
0x420: {  	v23 =	vadd.f32 v46, v23;
	[tilespmem:$0x1FEC0] =	vst v49;
	v49 =	vld [tilespmem:$0x1F9E0];
	v5 =	vadd.f32 v34, v5  }
0x421: {  	v46 =	vld [tilespmem:$0xCEC0];
	v3 =	vadd.f32 v3, v6;
	v6 =	vadd.f32 v45, v7  }
0x422: {  	[tilespmem:$0x1FED0] =	vst v60;
	v60 =	vld [tilespmem:$0x1FA10];
	v5 =	vadd.f32 v42, v5  }
0x423: {  	v3 =	vadd.f32 v50, v3;
	v4 =	vadd.f32 v53, v6;
	v53 =	vld [tilespmem:$0x1FA60]  }
0x424: {  	v23 =	vadd.f32 v52, v23;
	v18 =	vld [tilespmem:$0x1FA50]  }
0x425: {  	v5 =	vadd.f32 v49, v5;
	v3 =	vadd.f32 v10, v3;
	v10 =	vld [tilespmem:$0x1FA90]  }
0x426: {  	v23 =	vadd.f32 v56, v23;
	v56 =	vld [tilespmem:$0x1FDE0];
	v4 =	vadd.f32 v11, v4  }
0x427: {  	v5 =	vadd.f32 v60, v5;
	v60 =	vld [tilespmem:$0x1FA80]  }
0x428: {  	v8 =	vld [tilespmem:$0x1FB90];
	v4 =	vadd.f32 v53, v4  }
0x429: {  	v5 =	vadd.f32 v13, v5;
	v13 =	vld [tilespmem:$0x1FAB0]  }
0x42a: {  	v3 =	vadd.f32 v18, v3;
	v4 =	vadd.f32 v10, v4;
	v10 =	vld [tilespmem:$0x1FAE0]  }
0x42b: {  	v18 =	vld [tilespmem:$0x1FAD0]  }
0x42c: {  	v30 =	vld [tilespmem:$0xCD90];
	v3 =	vadd.f32 v60, v3  }
0x42d: {  	v26 =	vld [tilespmem:$0xCE10];
	v4 =	vadd.f32 v14, v4  }
0x42e: {  	v28 =	vld [tilespmem:$0xCE90];
	v3 =	vadd.f32 v13, v3  }
0x42f: {  	v4 =	vadd.f32 v10, v4;
	v10 =	vadd.f32 v12, v2;
	v2 =	vld [tilespmem:$0x1FB20]  }
0x430: {  	v39 =	vld [tilespmem:$0xD010];
	v3 =	vadd.f32 v18, v3  }
0x431: {  	v32 =	vld [tilespmem:$0xCF10]  }
0x432: {  	v11 =	vld [tilespmem:$0x1FAA0];
	v3 =	vadd.f32 v17, v3  }
0x433: {  	v34 =	vld [tilespmem:$0xCF90]  }
0x434: {  	v7 =	vadd.f32 v2, v3;
	v3 =	vld [tilespmem:$0x1FB40]  }
0x435: {  	v5 =	vadd.f32 v59, v5;
	v14 =	vld [tilespmem:$0x1FAC0]  }
0x436: {  	v30 =	vadd.f32 v26, v30;
	v26 =	vld [tilespmem:$0xDDC0]  }
0x437: {  	v5 =	vadd.f32 v11, v5;
	v11 =	vld [tilespmem:$0x1FAF0]  }
0x438: {  	v18 =	vld [tilespmem:$0x1FB10]  }
0x439: {  	v10 =	vadd.f32 v3, v10;
	v3 =	vld [tilespmem:$0x1FB50]  }
0x43a: {  	v42 =	vld [tilespmem:$0xD090];
	v5 =	vadd.f32 v14, v5  }
0x43b: {  	v2 =	vld [tilespmem:$0x1FB30]  }
0x43c: {  	v45 =	vld [tilespmem:$0xD110];
	v5 =	vadd.f32 v11, v5  }
0x43d: {  	v50 =	vld [tilespmem:$0xDE10]  }
0x43e: {  	v49 =	vld [tilespmem:$0xDD90];
	v5 =	vadd.f32 v18, v5;
	v3 =	vadd.f32 v3, v7  }
0x43f: {  	v53 =	vld [tilespmem:$0xDF10]  }
0x440: {  	v2 =	vadd.f32 v2, v5;
	[tilespmem:$0x1FFC0] =	vst v3;
	v3 =	vld [tilespmem:$0x1FB60]  }
0x441: {  	v59 =	vld [tilespmem:$0xE010];
	v4 =	vadd.f32 v16, v4  }
0x442: {  	v60 =	vld [tilespmem:$0xE090];
	v2 =	vadd.f32 v22, v2  }
0x443: {  	v13 =	vld [tilespmem:$0xCE20];
	v6 =	vadd.f32 v19, v4  }
0x444: {  	v12 =	vld [tilespmem:$0xD120];
	[tilespmem:$0x1FFD0] =	vst v2;
	v2 =	vadd.f32 v20, v10  }
0x445: {  	v17 =	vld [tilespmem:$0xCFA0];
	v7 =	vadd.f32 v3, v6  }
0x446: {  	v22 =	vld [tilespmem:$0x1FB80];
	v2 =	vadd.f32 v8, v2  }
0x447: {  	v10 =	vld [tilespmem:$0x1FBB0];
	v3 =	vadd.f32 v21, v7  }
0x448: {  	[tilespmem:$0x1FFF0] =	vst v2;
	v2 =	vld [tilespmem:$0x1FBA0]  }
0x449: {  	[tilespmem:$0x1FFE0] =	vst v3;
	v3 =	vld [tilespmem:$0x1FB70]  }
0x44a: {  	v14 =	vld [tilespmem:$0xCDA0]  }
0x44b: {  	v11 =	vld [tilespmem:$0x1FBC0]  }
0x44c: {  	v16 =	vld [tilespmem:$0xCF20]  }
0x44d: {  	v8 =	vld [tilespmem:$0x1FBD0]  }
0x44e: {  	v19 =	vld [tilespmem:$0xD0A0];
	v2 =	vadd.f32 v10, v2;
	v3 =	vadd.f32 v22, v3  }
0x44f: {  	v10 =	vld [tilespmem:$0x1FBF0]  }
0x450: {  	v2 =	vadd.f32 v25, v2;
	v3 =	vadd.f32 v11, v3;
	v11 =	vld [tilespmem:$0x1FC00]  }
0x451: {  	v4 =	vld [tilespmem:$0xD130]  }
0x452: {  	v2 =	vadd.f32 v9, v2;
	v9 =	vld [tilespmem:$0x1FC20];
	v3 =	vadd.f32 v8, v3  }
0x453: {  	v8 =	vld [tilespmem:$0x1FC10]  }
0x454: {  	v3 =	vadd.f32 v10, v3;
	v10 =	vld [tilespmem:$0x1FC30]  }
0x455: {  	v2 =	vadd.f32 v11, v2;
	v11 =	vld [tilespmem:$0x1FC40]  }
0x456: {  	v18 =	vld [tilespmem:$0xD020]  }
0x457: {  	v2 =	vadd.f32 v9, v2;
	v9 =	vld [tilespmem:$0x1FC60]  }
0x458: {  	v13 =	vadd.f32 v13, v14;
	v3 =	vadd.f32 v8, v3;
	v8 =	vld [tilespmem:$0x1FC50]  }
0x459: {  	v14 =	vadd.f32 v28, v30;
	v28 =	vadd.f32 v62, v24;
	v24 =	vld [tilespmem:$0xDEC0]  }
0x45a: {  	v3 =	vadd.f32 v10, v3;
	v10 =	vld [tilespmem:$0x1FC70];
	v2 =	vadd.f32 v11, v2  }
0x45b: {  	v62 =	vld [tilespmem:$0x1FE10]  }
0x45c: {  	v13 =	vadd.f32 v15, v13;
	v2 =	vadd.f32 v9, v2;
	v9 =	vld [tilespmem:$0x1FCA0]  }
0x45d: {  	v15 =	vadd.f32 v27, v28;
	v27 =	vld [tilespmem:$0xDFC0];
	v3 =	vadd.f32 v8, v3  }
0x45e: {  	v14 =	vadd.f32 v32, v14;
	v32 =	vld [tilespmem:$0x1FE20]  }
0x45f: {  	v11 =	vld [tilespmem:$0x1FC80];
	v3 =	vadd.f32 v10, v3  }
0x460: {  	v5 =	vld [tilespmem:$0xDE30]  }
0x461: {  	v3 =	vadd.f32 v9, v3;
	v9 =	vld [tilespmem:$0x1FCD0]  }
0x462: {  	v16 =	vadd.f32 v16, v13;
	v8 =	vld [tilespmem:$0x1FC90]  }
0x463: {  	v13 =	vld [tilespmem:$0xE040]  }
0x464: {  	v16 =	vadd.f32 v17, v16;
	v57 =	vadd.f32 v11, v57;
	v11 =	vld [tilespmem:$0x1FCC0]  }
0x465: {  	v20 =	vld [tilespmem:$0xDDA0]  }
0x466: {  	v16 =	vadd.f32 v18, v16;
	v3 =	vadd.f32 v9, v3;
	v9 =	vld [tilespmem:$0x1FD00]  }
0x467: {  	v18 =	vld [tilespmem:$0xCE50];
	v2 =	vadd.f32 v8, v2  }
0x468: {  	v16 =	vadd.f32 v19, v16;
	v19 =	vld [tilespmem:$0xCF50]  }
0x469: {  	v2 =	vadd.f32 v11, v2;
	v11 =	vld [tilespmem:$0x1FCF0]  }
0x46a: {  	v12 =	vadd.f32 v12, v16;
	v16 =	vld [tilespmem:$0xD050]  }
0x46b: {  	v3 =	vadd.f32 v9, v3;
	v9 =	vld [tilespmem:$0x1FD30]  }
0x46c: {  	v10 =	vld [tilespmem:$0x1FCB0]  }
0x46d: {  	v12 =	vadd.f32 v20, v12;
	v20 =	vld [tilespmem:$0xD150]  }
0x46e: {  	v2 =	vadd.f32 v11, v2;
	v11 =	vld [tilespmem:$0x1FD20]  }
0x46f: {  	v6 =	vld [tilespmem:$0xDF30]  }
0x470: {  	v3 =	vadd.f32 v9, v3;
	v9 =	vld [tilespmem:$0x1FD60]  }
0x471: {  	v57 =	vadd.f32 v10, v57;
	v10 =	vld [tilespmem:$0x1FCE0]  }
0x472: {  	v21 =	vld [tilespmem:$0xDE20]  }
0x473: {  	v2 =	vadd.f32 v11, v2;
	v11 =	vld [tilespmem:$0x1FD50]  }
0x474: {  	v7 =	vld [tilespmem:$0xCE40]  }
0x475: {  	v3 =	vadd.f32 v9, v3;
	v9 =	vld [tilespmem:$0x1FD80]  }
0x476: {  	v57 =	vadd.f32 v10, v57;
	v10 =	vld [tilespmem:$0x1FD10]  }
0x477: {  	v25 =	vld [tilespmem:$0xDFA0]  }
0x478: {  	v12 =	vadd.f32 v21, v12;
	v21 =	vld [tilespmem:$0xDE50];
	v2 =	vadd.f32 v11, v2  }
0x479: {  	v22 =	vld [tilespmem:$0xDEA0]  }
0x47a: {  	v2 =	vadd.f32 v9, v2;
	v9 =	vld [tilespmem:$0x1FD90]  }
0x47b: {  	v57 =	vadd.f32 v10, v57;
	v10 =	vld [tilespmem:$0x1FD40]  }
0x47c: {  	v7 =	vadd.f32 v7, v44;
	v44 =	vld [tilespmem:$0xD060]  }
0x47d: {  	v11 =	vld [tilespmem:$0x1FD70]  }
0x47e: {  	v7 =	vadd.f32 v46, v7;
	v46 =	vld [tilespmem:$0xD070]  }
0x47f: {  	v3 =	vadd.f32 v9, v3;
	v9 =	vld [tilespmem:$0x1FDA0]  }
0x480: {  	v12 =	vadd.f32 v22, v12;
	v22 =	vld [tilespmem:$0xDF50];
	v57 =	vadd.f32 v10, v57  }
0x481: {  	v52 =	vadd.f32 v47, v3;
	v3 =	vld [tilespmem:$0x1FDC0]  }
0x482: {  	v12 =	vadd.f32 v43, v12;
	v57 =	vadd.f32 v11, v57;
	v11 =	vld [tilespmem:$0x1FDB0]  }
0x483: {  	v43 =	vld [tilespmem:$0x1FEC0]  }
0x484: {  	v12 =	vadd.f32 v25, v12;
	v25 =	vld [tilespmem:$0xE150];
	v57 =	vadd.f32 v9, v57  }
0x485: {  	v9 =	vld [tilespmem:$0xCF40]  }
0x486: {  	v47 =	vld [tilespmem:$0x1FDD0];
	v3 =	vadd.f32 v3, v57  }
0x487: {  	v12 =	vadd.f32 v41, v12;
	v2 =	vadd.f32 v11, v2;
	v11 =	vld [tilespmem:$0xCFC0]  }
0x488: {  	v56 =	vadd.f32 v56, v3;
	v3 =	vadd.f32 v48, v55;
	v55 =	vld [tilespmem:$0x1FDF0]  }
0x489: {  	v57 =	vld [tilespmem:$0xD040]  }
0x48a: {  	v12 =	vadd.f32 v40, v12;
	v40 =	vld [tilespmem:$0x1FFA0];
	v7 =	vadd.f32 v9, v7  }
0x48b: {  	v47 =	vadd.f32 v47, v2;
	v2 =	vld [tilespmem:$0xD0C0]  }
0x48c: {  	v48 =	vld [tilespmem:$0xD140];
	v7 =	vadd.f32 v11, v7  }
0x48d: {  	v55 =	vadd.f32 v55, v23;
	v23 =	vld [tilespmem:$0x1FE00]  }
0x48e: {  	v12 =	vadd.f32 v38, v12;
	v38 =	vld [tilespmem:$0x1FF90];
	v7 =	vadd.f32 v57, v7  }
0x48f: {  	v8 =	vld [tilespmem:$0xE030]  }
0x490: {  	v10 =	vld [tilespmem:$0xE130];
	v2 =	vadd.f32 v2, v7  }
0x491: {  	v57 =	vld [tilespmem:$0xD160]  }
0x492: {  	v2 =	vadd.f32 v48, v2;
	v48 =	vld [tilespmem:$0xDFE0];
	v3 =	vadd.f32 v23, v3  }
0x493: {  	v23 =	vld [tilespmem:$0xDE40]  }
0x494: {  	v30 =	vadd.f32 v62, v3;
	v3 =	vld [tilespmem:$0xDF40]  }
0x495: {  	v62 =	vadd.f32 v34, v14;
	v14 =	vld [tilespmem:$0xE140]  }
0x496: {  	v34 =	vld [tilespmem:$0xDFD0]  }
0x497: {  	v28 =	vadd.f32 v32, v30;
	v32 =	vadd.f32 v58, v15;
	v15 =	vld [tilespmem:$0xE0C0]  }
0x498: {  	v58 =	vld [tilespmem:$0x1FE30]  }
0x499: {  	v30 =	vld [tilespmem:$0xCDD0]  }
0x49a: {  	v62 =	vadd.f32 v39, v62;
	v39 =	vld [tilespmem:$0x1FE40]  }
0x49b: {  	v29 =	vadd.f32 v29, v32;
	v32 =	vld [tilespmem:$0xCED0]  }
0x49c: {  	v17 =	vadd.f32 v42, v62;
	v42 =	vld [tilespmem:$0x1FE50]  }
0x49d: {  	v62 =	vld [tilespmem:$0x1FEB0]  }
0x49e: {  	v17 =	vadd.f32 v45, v17;
	v45 =	vld [tilespmem:$0x1FE60]  }
0x49f: {  	v29 =	vadd.f32 v63, v29;
	v63 =	vld [tilespmem:$0xCDE0]  }
0x4a0: {  	v28 =	vadd.f32 v58, v28;
	v58 =	vld [tilespmem:$0x1FEA0]  }
0x4a1: {  	v29 =	vadd.f32 v31, v29;
	v31 =	vld [tilespmem:$0xCFD0]  }
0x4a2: {  	v17 =	vadd.f32 v49, v17;
	v49 =	vld [tilespmem:$0x1FE70]  }
0x4a3: {  	v28 =	vadd.f32 v39, v28;
	v39 =	vld [tilespmem:$0xDEE0]  }
0x4a4: {  	v4 =	vadd.f32 v4, v29;
	v29 =	vld [tilespmem:$0xD0D0]  }
0x4a5: {  	v17 =	vadd.f32 v50, v17;
	v50 =	vld [tilespmem:$0x1FE80]  }
0x4a6: {  	v28 =	vadd.f32 v42, v28;
	v42 =	vld [tilespmem:$0xCFF0]  }
0x4a7: {  	v4 =	vadd.f32 v33, v4;
	v33 =	vld [tilespmem:$0xDDD0]  }
0x4a8: {  	v17 =	vadd.f32 v51, v17;
	v51 =	vld [tilespmem:$0x1FE90]  }
0x4a9: {  	v28 =	vadd.f32 v45, v28;
	v45 =	vld [tilespmem:$0xCE60]  }
0x4aa: {  	v4 =	vadd.f32 v5, v4;
	v5 =	vld [tilespmem:$0xDED0]  }
0x4ab: {  	v17 =	vadd.f32 v53, v17;
	v53 =	vld [tilespmem:$0xCEE0]  }
0x4ac: {  	v28 =	vadd.f32 v49, v28;
	v49 =	vld [tilespmem:$0xCDF0]  }
0x4ad: {  	v4 =	vadd.f32 v35, v4;
	v35 =	vld [tilespmem:$0xE050]  }
0x4ae: {  	v17 =	vadd.f32 v54, v17;
	v54 =	vld [tilespmem:$0xCEF0]  }
0x4af: {  	v28 =	vadd.f32 v50, v28;
	v50 =	vld [tilespmem:$0x1FED0]  }
0x4b0: {  	v4 =	vadd.f32 v6, v4;
	v6 =	vld [tilespmem:$0xE0D0]  }
0x4b1: {  	v17 =	vadd.f32 v59, v17;
	v59 =	vld [tilespmem:$0xCF60]  }
0x4b2: {  	v2 =	vadd.f32 v26, v2;
	v28 =	vadd.f32 v51, v28;
	v51 =	vld [tilespmem:$0xCE70]  }
0x4b3: {  	v17 =	vadd.f32 v60, v17;
	v60 =	vadd.f32 v45, v63;
	v63 =	vld [tilespmem:$0x1FEE0]  }
0x4b4: {  	v45 =	vld [tilespmem:$0x1FF00]  }
0x4b5: {  	v2 =	vadd.f32 v23, v2;
	v4 =	vadd.f32 v36, v4;
	v36 =	vld [tilespmem:$0x1FF80]  }
0x4b6: {  	v28 =	vadd.f32 v58, v28;
	v58 =	vadd.f32 v18, v30;
	v30 =	vld [tilespmem:$0x1FF70]  }
0x4b7: {  	v17 =	vadd.f32 v61, v17;
	v61 =	vld [tilespmem:$0xCF70]  }
0x4b8: {  	v2 =	vadd.f32 v24, v2;
	v41 =	vadd.f32 v53, v60;
	v53 =	vld [tilespmem:$0xD0F0]  }
0x4b9: {  	v60 =	vld [tilespmem:$0xD170]  }
0x4ba: {  	v2 =	vadd.f32 v3, v2;
	v28 =	vadd.f32 v62, v28;
	v62 =	vld [tilespmem:$0xCFE0]  }
0x4bb: {  	v4 =	vadd.f32 v8, v4;
	v8 =	vadd.f32 v51, v49;
	v49 =	vld [tilespmem:$0x1FF10]  }
0x4bc: {  	v51 =	vld [tilespmem:$0x1FF20]  }
0x4bd: {  	v2 =	vadd.f32 v27, v2;
	v4 =	vadd.f32 v37, v4;
	v37 =	vld [tilespmem:$0xDE70]  }
0x4be: {  	v9 =	vadd.f32 v59, v41;
	v41 =	vld [tilespmem:$0xDEF0];
	v28 =	vadd.f32 v43, v28  }
0x4bf: {  	[tilespmem:$0xE320] =	vst v12;
	v43 =	vld [tilespmem:$0x1FEF0];
	v4 =	vadd.f32 v10, v4;
	v10 =	vadd.f32 v32, v58  }
0x4c0: {  	v2 =	vadd.f32 v13, v2;
	[tilespmem:$0xE1A0] =	vst v63;
	v63 =	vld [tilespmem:$0x1FF60];
	v8 =	vadd.f32 v54, v8  }
0x4c1: {  	[tilespmem:$0xE260] =	vst v40;
	v28 =	vadd.f32 v50, v28;
	v50 =	vld [tilespmem:$0xD0E0];
	v10 =	vadd.f32 v19, v10  }
0x4c2: {  	[tilespmem:$0xE1C0] =	vst v45;
	v45 =	vld [tilespmem:$0xDF70];
	v8 =	vadd.f32 v61, v8;
	v9 =	vadd.f32 v62, v9  }
0x4c3: {  	[tilespmem:$0xE250] =	vst v38;
	v2 =	vadd.f32 v15, v2;
	v54 =	vld [tilespmem:$0x1FF30];
	v10 =	vadd.f32 v31, v10  }
0x4c4: {  	[tilespmem:$0xE2C0] =	vst v52;
	v58 =	vld [tilespmem:$0x1FF40];
	v8 =	vadd.f32 v42, v8;
	v59 =	vadd.f32 v44, v9  }
0x4c5: {  	[tilespmem:$0xE2D0] =	vst v47;
	v2 =	vadd.f32 v14, v2;
	v62 =	vld [tilespmem:$0xDDE0];
	v10 =	vadd.f32 v16, v10  }
0x4c6: {  	[tilespmem:$0xE2E0] =	vst v56;
	v32 =	vld [tilespmem:$0xDE60];
	v8 =	vadd.f32 v46, v8;
	v7 =	vadd.f32 v50, v59  }
0x4c7: {  	[tilespmem:$0xE2F0] =	vst v55;
	v10 =	vadd.f32 v29, v10;
	v29 =	vld [tilespmem:$0xDDF0]  }
0x4c8: {  	[tilespmem:$0xE340] =	vst v2;
	v61 =	vld [tilespmem:$0x1FF50];
	v8 =	vadd.f32 v53, v8;
	v7 =	vadd.f32 v57, v7  }
0x4c9: {  	[tilespmem:$0xE1D0] =	vst v49;
	v49 =	vld [tilespmem:$0x1FFE0];
	v10 =	vadd.f32 v20, v10  }
0x4ca: {  	[tilespmem:$0xE1E0] =	vst v51;
	v51 =	vld [tilespmem:$0x1FFF0];
	v8 =	vadd.f32 v60, v8;
	v7 =	vadd.f32 v62, v7  }
0x4cb: {  	[tilespmem:$0xE1B0] =	vst v43;
	v43 =	vld [tilespmem:$0xDF60];
	v10 =	vadd.f32 v33, v10  }
0x4cc: {  	[tilespmem:$0xE310] =	vst v17;
	v42 =	vld [tilespmem:$0x1FFB0];
	v7 =	vadd.f32 v32, v7;
	v8 =	vadd.f32 v29, v8  }
0x4cd: {  	[tilespmem:$0xE240] =	vst v36;
	v44 =	vld [tilespmem:$0x1FFC0];
	v10 =	vadd.f32 v21, v10  }
0x4ce: {  	[tilespmem:$0xE230] =	vst v30;
	v50 =	vld [tilespmem:$0xDFF0];
	v3 =	vadd.f32 v39, v7;
	v8 =	vadd.f32 v37, v8  }
0x4cf: {  	[tilespmem:$0xE330] =	vst v4;
	v53 =	vld [tilespmem:$0xE060];
	v5 =	vadd.f32 v5, v10  }
0x4d0: {  	[tilespmem:$0xE1F0] =	vst v54;
	v54 =	vld [tilespmem:$0xE070];
	v3 =	vadd.f32 v43, v3;
	v8 =	vadd.f32 v41, v8  }
0x4d1: {  	[tilespmem:$0xE300] =	vst v28;
	v57 =	vld [tilespmem:$0xE0E0];
	v5 =	vadd.f32 v22, v5  }
0x4d2: {  	[tilespmem:$0xE200] =	vst v58;
	v58 =	vld [tilespmem:$0xE0F0];
	v3 =	vadd.f32 v48, v3;
	v8 =	vadd.f32 v45, v8  }
0x4d3: {  	[tilespmem:$0xE220] =	vst v63;
	v59 =	vld [tilespmem:$0xE160];
	v5 =	vadd.f32 v34, v5  }
0x4d4: {  	v46 =	vld [tilespmem:$0x1FFD0];
	[tilespmem:$0xE210] =	vst v61;
	v3 =	vadd.f32 v53, v3;
	v7 =	vadd.f32 v50, v8  }
0x4d5: {  	[tilespmem:$0xE2A0] =	vst v49;
	v60 =	vld [tilespmem:$0xE170];
	v5 =	vadd.f32 v35, v5  }
0x4d6: {  	[tilespmem:$0xE2B0] =	vst v51;
	v3 =	vadd.f32 v57, v3;
	v61 =	vadd.f32 v54, v7  }
0x4d7: {  	[tilespmem:$0xE270] =	vst v42;
	v5 =	vadd.f32 v6, v5  }
0x4d8: {  	[tilespmem:$0xE280] =	vst v44;
	v2 =	vadd.f32 v59, v3;
	v63 =	vadd.f32 v58, v61  }
0x4d9: {  	[tilespmem:$0xE290] =	vst v46;
	v62 =	vadd.f32 v25, v5  }
0x4da: {  	s29 =	sadd.s32 $0x1, s29;
	[tilespmem:$0xE360] =	vst v2;
	v3 =	vadd.f32 v60, v63  }
0x4db: {  	p1 =	sne.s32 s29, s15;
	[tilespmem:$0xE350] =	vst v62  }
.Ltmp2:
0x4dc: {  	[tilespmem:$0xE370] =	vst v3;
	(pc) =	sbr.rel @p1 .LBB2_1-.Ltmp2, $4  }
0x4dd: {  	[hbm4b:s14+s3] =	stream.linear.scatter [tilespmem:s28], [sflag:$0x3], $0x200, $0x38;
	[tilespmem:$0x11380] =	vst v63  }
0x4de: {  	_ =	swait.ge [sflag:s20], $0x200  }
0x4df: {  	[sflag:s20] =	ssyncset.done $0x0  }
0x4e0: {  	[sflag:s20] =	ssyncadd.s32 $0xFFFFFE00  }
0x4e1: {  	_ =	sfence.sel $0x180000  }
0x4e2: {  	[bflag:$0x0] =	sbarrier.arrive $0xFFFF  }
0x4e3: {  	_ =	strace $0x90000047  }
0x4e4: {  	[bflag:$0x2] =	sbarrier.arrive $0xFFFF  }
0x4e5: {  	p0 =	sne.s32 s0, $0x0;
	s0 =	rddreg [dreg:$0x5]  }
0x4e6: {  	s0 =	sadd.s32 @!p0 $0x100000, s0  }
0x4e7: {  	[sflag:s0] =	ssyncadd.tile.s32 @!p0 $0x1;
	_ =	shalt  }
.Lfunc_end2:
_tile_overlayer_lowered:
.L_overlay_start_2:
0x4e8: {  	(tag) =	ssettag $0x2  }
0x4e9: {  	s0 =	rddreg [dreg:$0x0];
	s2 =	stileid.u32  }
0x4ea: {  	s1 =	rddreg [dreg:$0x1];
	p0 =	sne.s32 s2, $0x0  }
0x4eb: {  	s3 =	rddreg [dreg:$0x2];
	[bflag:$0x3] =	sbarrier.arrive $0xFFFF;
	s2 =	simm.s32 @!p0 $0x1C03  }
0x4ec: {  	[timem:s3], [sflag:s2] =	dma.local @!p0 [hbm:s0], s1  }
0x4ed: {  	s0 =	simm.s32 @!p0 $0x3  }
0x4ee: {  	_ =	swait.ge @!p0 [sflag:s0], s1  }
0x4ef: {  	s1 =	ssub.s32 @!p0 $0x0, s1;
	[sflag:s0] =	ssyncset.done @!p0 $0x0  }
0x4f0: {  	[sflag:s0] =	ssyncadd.s32 @!p0 s1  }
0x4f1: {  	[bflag:$0x3] =	sbarrier.arrive $0xFFFF  }
0x4f2: {  	_ =	shalt  }

</sc_bundles>
